<compile_context>
chip_gen: v7x
topology: tpu7x:2x2x1
jax: 0.10.2.dev20260603
libtpu: 0.0.44.dev20260713+nightly
codegen_flags: <defaults>
</compile_context>

<pallas_src>
import functools
import math

import jax
import jax.numpy as jnp
from jax import lax
from jax.experimental import pallas as pl
from jax.experimental.pallas import tpu as pltpu
from jax.experimental.pallas import tpu_sc as plsc

N_NODES = 10000
N_EDGES = 320000
D_IN = 128
HID = 64
N_CLASSES = 2
N_GRAPHS = 100
EPS = 1e-5

_SELU_ALPHA = 1.6732632423543772
_SELU_SCALE = 1.0507009873554805

_INTERPRET = False


def _selu(x):
    return _SELU_SCALE * jnp.where(x > 0, x, _SELU_ALPHA * (jnp.exp(x) - 1.0))




def _stats_body(x_ref, b_ref, s1_ref, s2_ref, cnt_ref):
    i = pl.program_id(0)
    x = x_ref[...]
    batch = b_ref[0, 0]
    onehot = (batch[:, None] == jax.lax.broadcasted_iota(jnp.int32, (1, N_GRAPHS), 1)).astype(jnp.float32)

    @pl.when(i == 0)
    def _init():
        s1_ref[...] = jnp.zeros_like(s1_ref)
        s2_ref[...] = jnp.zeros_like(s2_ref)
        cnt_ref[...] = jnp.zeros_like(cnt_ref)

    s1_ref[...] += jnp.dot(onehot.T, x, preferred_element_type=jnp.float32)
    s2_ref[...] += jnp.dot(onehot.T, x * x, preferred_element_type=jnp.float32)
    cnt_ref[...] += jnp.sum(onehot, axis=0)[:, None]


def _graph_stats(x, batch_3d, blk):
    n, d = x.shape
    grid = n // blk
    return pl.pallas_call(
        _stats_body,
        grid=(grid,),
        in_specs=[
            pl.BlockSpec((blk, d), lambda i: (i, 0)),
            pl.BlockSpec((1, 1, blk), lambda i: (i, 0, 0)),
        ],
        out_specs=[
            pl.BlockSpec((N_GRAPHS, d), lambda i: (0, 0)),
            pl.BlockSpec((N_GRAPHS, d), lambda i: (0, 0)),
            pl.BlockSpec((N_GRAPHS, 128), lambda i: (0, 0)),
        ],
        out_shape=[
            jax.ShapeDtypeStruct((N_GRAPHS, d), jnp.float32),
            jax.ShapeDtypeStruct((N_GRAPHS, d), jnp.float32),
            jax.ShapeDtypeStruct((N_GRAPHS, 128), jnp.float32),
        ],
        interpret=_INTERPRET,
    )(x, batch_3d)




def _norm_proj_body(x_ref, b_ref, mean_ref, var_ref, gw_ref, gb_ref, gms_ref,
                    wcat_ref, bcat_ref, t_ref):
    x = x_ref[...]
    batch = b_ref[0, 0]
    onehot = (batch[:, None] == jax.lax.broadcasted_iota(jnp.int32, (1, N_GRAPHS), 1)).astype(jnp.float32)
    mean = jnp.dot(onehot, mean_ref[...], preferred_element_type=jnp.float32)
    var = jnp.dot(onehot, var_ref[...], preferred_element_type=jnp.float32)
    out = x - gms_ref[...] * mean
    nrm = gw_ref[...] * (out * jax.lax.rsqrt(var + EPS)) + gb_ref[...]
    t_ref[...] = jnp.dot(nrm, wcat_ref[...], preferred_element_type=jnp.float32) + bcat_ref[...]


def _norm_proj(x, batch_3d, mean, var, gn, wcat, bcat, blk):
    n, d = x.shape
    grid = n // blk
    gw = gn['weight'].reshape(1, d)
    gb = gn['bias'].reshape(1, d)
    gms = gn['mean_scale'].reshape(1, d)
    return pl.pallas_call(
        _norm_proj_body,
        grid=(grid,),
        in_specs=[
            pl.BlockSpec((blk, d), lambda i: (i, 0)),
            pl.BlockSpec((1, 1, blk), lambda i: (i, 0, 0)),
            pl.BlockSpec((N_GRAPHS, d), lambda i: (0, 0)),
            pl.BlockSpec((N_GRAPHS, d), lambda i: (0, 0)),
            pl.BlockSpec((1, d), lambda i: (0, 0)),
            pl.BlockSpec((1, d), lambda i: (0, 0)),
            pl.BlockSpec((1, d), lambda i: (0, 0)),
            pl.BlockSpec((d, 2 * HID), lambda i: (0, 0)),
            pl.BlockSpec((1, 2 * HID), lambda i: (0, 0)),
        ],
        out_specs=pl.BlockSpec((blk, 2 * HID), lambda i: (i, 0)),
        out_shape=jax.ShapeDtypeStruct((n, 2 * HID), jnp.float32),
        interpret=_INTERPRET,
    )(x, batch_3d, mean, var, gw, gb, gms, wcat, bcat)




def _edge_mlp_body(gd1_ref, gs1_ref, gd2_ref, gs2_ref,
                   w2_ref, b2_ref, w3_ref, b3_ref, out_ref):
    e1 = gd1_ref[...][:, :HID] + gs1_ref[...][:, HID:]
    e2 = gd2_ref[...][:, :HID] + gs2_ref[...][:, HID:]
    m = _selu(jnp.concatenate([e1, e2], axis=1))
    m = _selu(jnp.dot(m, w2_ref[...], preferred_element_type=jnp.float32) + b2_ref[...])
    out_ref[...] = jnp.dot(m, w3_ref[...], preferred_element_type=jnp.float32) + b3_ref[...]


def _edge_mlp(gd, gs, w2d, b2d, w3d, b3d, blk):
    h2 = 2 * HID
    half_blocks = (N_EDGES // 2) // blk
    grid = half_blocks
    return pl.pallas_call(
        _edge_mlp_body,
        grid=(grid,),
        in_specs=[
            pl.BlockSpec((blk, h2), lambda i: (i, 0)),
            pl.BlockSpec((blk, h2), lambda i: (i, 0)),
            pl.BlockSpec((blk, h2), lambda i: (i + half_blocks, 0)),
            pl.BlockSpec((blk, h2), lambda i: (i + half_blocks, 0)),
            pl.BlockSpec((h2, h2), lambda i: (0, 0)),
            pl.BlockSpec((1, h2), lambda i: (0, 0)),
            pl.BlockSpec((h2, h2), lambda i: (0, 0)),
            pl.BlockSpec((1, h2), lambda i: (0, 0)),
        ],
        out_specs=pl.BlockSpec((blk, h2), lambda i: (i, 0)),
        out_shape=jax.ShapeDtypeStruct((N_EDGES // 2, h2), jnp.float32),
        interpret=_INTERPRET,
    )(gd, gs, gd, gs, w2d, b2d, w3d, b3d)




def _head_body(s1_ref, cnt_ref, wd_ref, bd_ref, wo_ref, bo_ref, out_ref):
    cnt = jnp.maximum(cnt_ref[...][:, :1], 1.0)
    pooled = s1_ref[...] / cnt
    h = jnp.maximum(jnp.dot(pooled, wd_ref[...], preferred_element_type=jnp.float32) + bd_ref[...], 0.0)
    logits = jnp.dot(h, wo_ref[...], preferred_element_type=jnp.float32) + bo_ref[...]
    mx = jnp.max(logits, axis=1, keepdims=True)
    ex = jnp.exp(logits - mx)
    out_ref[...] = ex / jnp.sum(ex, axis=1, keepdims=True)


def _head(s1, cnt, dense, output):
    wd_t = dense['W'].T
    wo_t = output['W'].T
    return pl.pallas_call(
        _head_body,
        out_shape=jax.ShapeDtypeStruct((N_GRAPHS, N_CLASSES), jnp.float32),
        interpret=_INTERPRET,
    )(s1, cnt, wd_t, dense['b'].reshape(1, HID), wo_t, output['b'].reshape(1, N_CLASSES))



_SC_NC = 2
_SC_NS = 16
_NW = _SC_NC * _SC_NS
_EPW = N_EDGES // _NW
_ECHUNK = 400
_L = 16


def _sc_gather_body(t_hbm, src_hbm, dst_hbm, gd_hbm, gs_hbm,
                    dstv, srcv, rowsd, rowss, sem):
    wid = lax.axis_index("s") * _SC_NC + lax.axis_index("c")
    base0 = pl.multiple_of(wid * _EPW, 8)
    ci = pltpu.async_copy(dst_hbm.at[pl.ds(base0, _EPW)], dstv, sem)
    cj = pltpu.async_copy(src_hbm.at[pl.ds(base0, _EPW)], srcv, sem)
    ci.wait()
    cj.wait()

    def body(i, carry):
        off = i * _ECHUNK
        base = pl.multiple_of(base0 + off, 8)
        cd = pltpu.async_copy(t_hbm.at[dstv.at[pl.ds(off, _ECHUNK)]], rowsd, sem)
        cs = pltpu.async_copy(t_hbm.at[srcv.at[pl.ds(off, _ECHUNK)]], rowss, sem)
        cd.wait()
        cs.wait()
        co = pltpu.async_copy(rowsd, gd_hbm.at[pl.ds(base, _ECHUNK)], sem)
        cp = pltpu.async_copy(rowss, gs_hbm.at[pl.ds(base, _ECHUNK)], sem)
        co.wait()
        cp.wait()
        return carry

    lax.fori_loop(0, _EPW // _ECHUNK, body, 0)


_sc_gather = functools.partial(
    pl.kernel,
    mesh=plsc.VectorSubcoreMesh(core_axis_name="c", subcore_axis_name="s"),
    out_type=[
        jax.ShapeDtypeStruct((N_EDGES, 2 * HID), jnp.float32),
        jax.ShapeDtypeStruct((N_EDGES, 2 * HID), jnp.float32),
    ],
    scratch_types=[
        pltpu.VMEM((_EPW,), jnp.int32),
        pltpu.VMEM((_EPW,), jnp.int32),
        pltpu.VMEM((_ECHUNK, 2 * HID), jnp.float32),
        pltpu.VMEM((_ECHUNK, 2 * HID), jnp.float32),
        pltpu.SemaphoreType.DMA,
    ],
)(_sc_gather_body)



_NPT = 320
_PCAP = N_EDGES + 2048
_PBLK = 2048
_DCH = 2048
_SCH = 512


def _iota16():
    return lax.iota(jnp.int32, 16)


def _sc_pack_body(dst_hbm, p_hbm, c_hbm, dv, buf, cv, sem):
    wid = lax.axis_index("s") * _SC_NC + lax.axis_index("c")
    lo = wid * _NPT
    pbase = wid * _PCAP
    iota = _iota16()

    def chunk_body(ci, carry):
        pos, fl, tot_vec = carry
        cb = ci * _DCH
        pltpu.sync_copy(dst_hbm.at[pl.ds(cb, _DCH)], dv)

        def sub_body(s, c2):
            posv, totv = c2
            for u in range(4):
                d = dv[pl.ds((s * 4 + u) * 16, 16)]
                dl = d - lo
                mask = (dl >= 0) & (dl < _NPT)
                eid = cb + (s * 4 + u) * 16 + iota
                packed = (eid << 9) | jnp.where(mask, dl, 0)
                _, sortedv, _ = plsc.sort_key_val(iota, packed, mask=mask)
                plsc.store_scatter(buf, [posv + iota], sortedv)
                c16 = plsc.all_reduce_population_count(mask)
                posv = posv + c16
                totv = totv + c16
            return posv, totv

        posv0 = jnp.full((16,), pos, jnp.int32)
        posv, tot_vec = lax.fori_loop(0, _DCH // 64, sub_body, (posv0, tot_vec))
        pos = posv[0]

        def flush(args):
            pos3, fl3 = args
            dst_off = pl.multiple_of(pbase + fl3 * _PBLK, 8)
            pltpu.sync_copy(buf.at[pl.ds(0, _PBLK)], p_hbm.at[pl.ds(dst_off, _PBLK)])

            def mv(r, c4):
                buf[pl.ds(r * 16, 16)] = buf[pl.ds(_PBLK + r * 16, 16)]
                return c4

            lax.fori_loop(0, _PBLK // 16, mv, 0)
            return pos3 - _PBLK, fl3 + 1

        pos, fl = lax.cond(pos >= _PBLK, flush, lambda a: a, (pos, fl))
        return pos, fl, tot_vec

    zero = jnp.zeros((), jnp.int32)
    pos, fl, tot_vec = lax.fori_loop(
        0, N_EDGES // _DCH, chunk_body, (zero, zero, jnp.zeros((16,), jnp.int32)))
    dst_off = pl.multiple_of(pbase + fl * _PBLK, 8)
    pltpu.sync_copy(buf.at[pl.ds(0, _PBLK)], p_hbm.at[pl.ds(dst_off, _PBLK)])
    cv[...] = tot_vec
    pltpu.sync_copy(cv, c_hbm.at[pl.ds(wid * 16, 16)])


_sc_pack = functools.partial(
    pl.kernel,
    mesh=plsc.VectorSubcoreMesh(core_axis_name="c", subcore_axis_name="s"),
    compiler_params=pltpu.CompilerParams(needs_layout_passes=False),
    out_type=[
        jax.ShapeDtypeStruct((_NW * _PCAP,), jnp.int32),
        jax.ShapeDtypeStruct((_NW * 16,), jnp.int32),
    ],
    scratch_types=[
        pltpu.VMEM((_DCH,), jnp.int32),
        pltpu.VMEM((2 * _PBLK + 16,), jnp.int32),
        pltpu.VMEM((16,), jnp.int32),
        pltpu.SemaphoreType.DMA,
    ],
)(_sc_pack_body)


def _sc_scatter_body(p_hbm, c_hbm, m_hbm, agg_hbm,
                     packed_v, ridx, rows_v, cv, acc, sem):
    wid = lax.axis_index("s") * _SC_NC + lax.axis_index("c")
    iota = _iota16()

    def zero(r, c):
        for j in range(8):
            acc[r, pl.ds(16 * j, 16)] = jnp.zeros((16,), jnp.float32)
        return c

    lax.fori_loop(0, _NPT // 2, zero, 0)

    pltpu.sync_copy(c_hbm.at[pl.ds(wid * 16, 16)], cv)
    cnt = cv[...][0]
    nchunks = (cnt + _SCH - 1) // _SCH

    def chunk(k, carry):
        base = pl.multiple_of(wid * _PCAP + k * _SCH, 8)
        pltpu.sync_copy(p_hbm.at[pl.ds(base, _SCH)], packed_v)

        def mkidx(s, c2):
            pk = packed_v[pl.ds(s * 16, 16)]
            valid = (k * _SCH + s * 16 + iota) < cnt
            eidv = pk >> 9
            rowv = eidv - jnp.where(eidv >= N_EDGES // 2, N_EDGES // 2, 0)
            ridx[pl.ds(s * 16, 16)] = jnp.where(valid, rowv, 0)
            return c2

        lax.fori_loop(0, _SCH // 16, mkidx, 0)
        pltpu.async_copy(m_hbm.at[ridx], rows_v, sem).wait()
        nedge = jnp.minimum(_SCH, cnt - k * _SCH)

        def edge(i, c3):
            isp = jnp.full((16,), i, jnp.int32)
            pk = plsc.load_gather(packed_v, [isp])
            dl = pk & 511
            eid = pk >> 9
            arow = dl >> 1
            acol0 = (dl & 1) * 64
            mcol0 = jnp.where(eid >= N_EDGES // 2, 64, 0)
            for j in range(4):
                mcol = mcol0 + 16 * j + iota
                acol = acol0 + 16 * j + iota
                mv = plsc.load_gather(rows_v, [isp, mcol])
                av = plsc.load_gather(acc, [arow, acol])
                plsc.store_scatter(acc, [arow, acol], jnp.maximum(av, mv))
            return c3

        lax.fori_loop(0, nedge, edge, 0)
        return carry

    lax.fori_loop(0, nchunks, chunk, 0)
    obase = pl.multiple_of(wid * (_NPT // 2), 8)
    pltpu.sync_copy(acc, agg_hbm.at[pl.ds(obase, _NPT // 2)])


_sc_scatter = functools.partial(
    pl.kernel,
    mesh=plsc.VectorSubcoreMesh(core_axis_name="c", subcore_axis_name="s"),
    compiler_params=pltpu.CompilerParams(needs_layout_passes=False),
    out_type=jax.ShapeDtypeStruct((_NW * _NPT // 2, 2 * HID), jnp.float32),
    scratch_types=[
        pltpu.VMEM((_SCH,), jnp.int32),
        pltpu.VMEM((_SCH,), jnp.int32),
        pltpu.VMEM((_SCH, 2 * HID), jnp.float32),
        pltpu.VMEM((16,), jnp.int32),
        pltpu.VMEM((_NPT // 2, 2 * HID), jnp.float32),
        pltpu.SemaphoreType.DMA,
    ],
)(_sc_scatter_body)




def _conv_block(h, batch_3d, src, dst, p_arr, c_arr, gn, mlp, blk):
    d = h.shape[1]
    s1, s2, cnt = _graph_stats(h, batch_3d, blk)
    cnt1 = jnp.maximum(cnt[:, :1], 1.0)
    mean = s1 / cnt1
    ms = gn['mean_scale'][None, :]
    var = s2 / cnt1 - (2.0 * ms - ms * ms) * mean * mean
    w1 = mlp['W1']
    w1a = w1[:, :d]
    w1b = w1[:, d:]
    wcat = jnp.concatenate([(w1a - w1b).T, w1b.T], axis=1)
    bcat = jnp.concatenate([mlp['b1'], jnp.zeros((HID,), jnp.float32)]).reshape(1, 2 * HID)
    t = _norm_proj(h, batch_3d, mean, var, gn, wcat, bcat, blk)
    gd, gs = _sc_gather(t, src, dst)
    z = jnp.zeros((HID, HID), jnp.float32)
    w2d = jnp.block([[mlp['W2'].T, z], [z, mlp['W2'].T]])
    w3d = jnp.block([[mlp['W3'].T, z], [z, mlp['W3'].T]])
    b2d = jnp.tile(mlp['b2'], 2).reshape(1, 2 * HID)
    b3d = jnp.tile(mlp['b3'], 2).reshape(1, 2 * HID)
    m = _edge_mlp(gd, gs, w2d, b2d, w3d, b3d, 1280)
    agg = _sc_scatter(p_arr, c_arr, m)
    return agg.reshape(_NW * _NPT, HID)[:N_NODES]


def kernel(x, params, edge_index, batch):
    src = edge_index[0]
    dst = edge_index[1]
    batch_3d = batch.reshape(N_NODES // 2000, 1, 2000)
    p_arr, c_arr = _sc_pack(dst)

    h = _conv_block(x, batch_3d, src, dst, p_arr, c_arr, params['gn0'], params['conv1'], 2000)
    h = _conv_block(h, batch_3d, src, dst, p_arr, c_arr, params['gn1'], params['conv2'], 2000)
    h = _conv_block(h, batch_3d, src, dst, p_arr, c_arr, params['gn2'], params['conv3'], 2000)

    s1, _, cnt = _graph_stats(h, batch_3d, 2000)
    return _head(s1, cnt, params['dense'], params['output'])

# --- scband reference (transcript-rebuilt; emitter-appended) ---
"""Pipeline reference for scband-particle-net-21844203668002 (READ-ONLY COPY).

The authoritative reference and input builder live on the scoring server;
editing this copy changes nothing except your own understanding.
"""

import jax, jax.numpy as jnp
import numpy as np

N_NODES = 10000
N_EDGES = 320000
D_IN = 128
HID = 64
N_CLASSES = 2
N_GRAPHS = 100
EPS = 1e-5


def _lin(key, out_d, in_d):
    k1, k2 = jax.random.split(key)
    W = jax.random.normal(k1, (out_d, in_d), dtype=jnp.float32) * 0.05
    b = jax.random.normal(k2, (out_d,), dtype=jnp.float32) * 0.05
    return W, b


def setup_inputs(seed: int = 0) -> dict:
    key = jax.random.key(seed)
    ks = jax.random.split(key, 24)
    x = jax.random.normal(ks[0], (N_NODES, D_IN), dtype=jnp.float32)
    edge_index = jax.random.randint(ks[1], (2, N_EDGES), 0, N_NODES, dtype=jnp.int32)
    batch = jnp.sort(jax.random.randint(ks[2], (N_NODES,), 0, N_GRAPHS, dtype=jnp.int32))

    def gn(i, d):
        return {
            'weight': 1.0 + 0.05 * jax.random.normal(ks[i], (d,), dtype=jnp.float32),
            'bias': 0.05 * jax.random.normal(ks[i + 1], (d,), dtype=jnp.float32),
            'mean_scale': 1.0 + 0.05 * jax.random.normal(ks[i + 2], (d,), dtype=jnp.float32),
        }

    def mlp(i, in_d):
        W1, b1 = _lin(ks[i], HID, 2 * in_d)
        W2, b2 = _lin(ks[i + 1], HID, HID)
        W3, b3 = _lin(ks[i + 2], HID, HID)
        return {'W1': W1, 'b1': b1, 'W2': W2, 'b2': b2, 'W3': W3, 'b3': b3}

    params = {
        'gn0': gn(3, D_IN),
        'gn1': gn(6, HID),
        'gn2': gn(9, HID),
        'conv1': mlp(12, D_IN),
        'conv2': mlp(15, HID),
        'conv3': mlp(18, HID),
    }
    Wd, bd = _lin(ks[21], HID, HID)
    params['dense'] = {'W': Wd, 'b': bd}
    Wo, bo = _lin(ks[22], N_CLASSES, HID)
    params['output'] = {'W': Wo, 'b': bo}
    return {'x': x, 'params': params, 'edge_index': edge_index, 'batch': batch}


def _graph_norm(x, batch, p):
    cnt = jax.ops.segment_sum(jnp.ones((x.shape[0],), x.dtype), batch, num_segments=N_GRAPHS)
    cnt = jnp.maximum(cnt, 1.0)
    mean = jax.ops.segment_sum(x, batch, num_segments=N_GRAPHS) / cnt[:, None]
    out = x - p['mean_scale'] * mean[batch]
    var = jax.ops.segment_sum(out * out, batch, num_segments=N_GRAPHS) / cnt[:, None]
    std = jnp.sqrt(var + EPS)
    return p['weight'] * (out / std[batch]) + p['bias']


def _edge_conv(x, edge_index, p):
    src = edge_index[0]
    dst = edge_index[1]
    x_i = jnp.take(x, dst, axis=0)
    x_j = jnp.take(x, src, axis=0)
    tmp = jnp.concatenate([x_i, x_j - x_i], axis=1)
    m = jax.nn.selu(tmp @ p['W1'].T + p['b1'])
    m = jax.nn.selu(m @ p['W2'].T + p['b2'])
    m = m @ p['W3'].T + p['b3']
    agg = jax.ops.segment_max(m, dst, num_segments=N_NODES)
    agg = jnp.where(jnp.isneginf(agg), 0.0, agg)
    return agg


def _forward(x, params, edge_index, batch):
    x = _graph_norm(x, batch, params['gn0'])
    x = jax.nn.relu(_edge_conv(x, edge_index, params['conv1']))
    x = _graph_norm(x, batch, params['gn1'])
    x = jax.nn.relu(_edge_conv(x, edge_index, params['conv2']))
    x = _graph_norm(x, batch, params['gn2'])
    x = jax.nn.relu(_edge_conv(x, edge_index, params['conv3']))
    cnt = jax.ops.segment_sum(jnp.ones((x.shape[0],), x.dtype), batch, num_segments=N_GRAPHS)
    cnt = jnp.maximum(cnt, 1.0)
    pooled = jax.ops.segment_sum(x, batch, num_segments=N_GRAPHS) / cnt[:, None]
    # dropout p=0.5 is identity in eval mode
    h = jax.nn.relu(pooled @ params['dense']['W'].T + params['dense']['b'])
    logits = h @ params['output']['W'].T + params['output']['b']
    return jax.nn.softmax(logits, axis=1)


def reference(x, params, edge_index, batch):
    return _forward(x, params, edge_index, batch)

if __name__ == "__main__":
    import jax
    _d = setup_inputs()
    print(jax.jit(kernel)(*tuple(_d.values())))

</pallas_src>

<mosaic_0001>
#map = affine_map<(d0, d1) -> (0, 0)>
#map1 = affine_map<(d0, d1) -> (0)>
module attributes {stable_mosaic.version = 14 : i64} {
  func.func @_sc_gather_body(%arg0: i32, %arg1: i32, %arg2: memref<10000x128xf32, #tpu.memory_space<hbm>>, %arg3: memref<320000xi32, #tpu.memory_space<hbm>>, %arg4: memref<320000xi32, #tpu.memory_space<hbm>>, %arg5: memref<320000x128xf32, #tpu.memory_space<hbm>>, %arg6: memref<320000x128xf32, #tpu.memory_space<hbm>>, %arg7: memref<10000xi32, #tpu.memory_space<vmem>>, %arg8: memref<10000xi32, #tpu.memory_space<vmem>>, %arg9: memref<400x128xf32, #tpu.memory_space<vmem>>, %arg10: memref<400x128xf32, #tpu.memory_space<vmem>>, %arg11: memref<!tpu.dma_semaphore, #tpu.memory_space<semaphore_mem>>) attributes {dimension_semantics = [#tpu.dimension_semantics<core_parallel>, #tpu.dimension_semantics<subcore_parallel>], iteration_bounds = array<i64: 2, 16>, scalar_prefetch = 0 : i64, scratch_operands = 5 : i64, tpu.core_type = #tpu.core_type<sc_vector_subcore>, window_params = [{transform_indices = #map}, {transform_indices = #map1}, {transform_indices = #map1}, {transform_indices = #map}, {transform_indices = #map}]} {
    %mul3A = arith.constant 2 : i32
    %mul3A_0 = arith.muli %arg1, %mul3A : i32
    %add3A = arith.addi %mul3A_0, %arg0 : i32
    %mul3A_1 = arith.constant 10000 : i32
    %mul3A_2 = arith.muli %add3A, %mul3A_1 : i32
    %multiple_of3A = tpu.assume_multiple %mul3A_2, 8 : i32
    %dma_start3A = tpu.memref_slice %arg4[%multiple_of3A] : memref<320000xi32, #tpu.memory_space<hbm>> -> memref<10000xi32, #tpu.memory_space<hbm>>
    %dma_start3A_3 = tpu.memref_slice %arg4[%multiple_of3A] : memref<320000xi32, #tpu.memory_space<hbm>> -> memref<10000xi32, #tpu.memory_space<hbm>>
    tpu.enqueue_dma source(%dma_start3A_3 : memref<10000xi32, #tpu.memory_space<hbm>>) target(%arg7 : memref<10000xi32, #tpu.memory_space<vmem>>) target_semaphore(%arg11 : memref<!tpu.dma_semaphore, #tpu.memory_space<semaphore_mem>>)
    %dma_start3A_4 = tpu.memref_slice %arg3[%multiple_of3A] : memref<320000xi32, #tpu.memory_space<hbm>> -> memref<10000xi32, #tpu.memory_space<hbm>>
    %dma_start3A_5 = tpu.memref_slice %arg3[%multiple_of3A] : memref<320000xi32, #tpu.memory_space<hbm>> -> memref<10000xi32, #tpu.memory_space<hbm>>
    tpu.enqueue_dma source(%dma_start3A_5 : memref<10000xi32, #tpu.memory_space<hbm>>) target(%arg8 : memref<10000xi32, #tpu.memory_space<vmem>>) target_semaphore(%arg11 : memref<!tpu.dma_semaphore, #tpu.memory_space<semaphore_mem>>)
    %dma_wait3A = tpu.memref_slice %arg4[%multiple_of3A] : memref<320000xi32, #tpu.memory_space<hbm>> -> memref<10000xi32, #tpu.memory_space<hbm>>
    %dma_wait3A_6 = tpu.memref_slice %arg4[%multiple_of3A] : memref<320000xi32, #tpu.memory_space<hbm>> -> memref<10000xi32, #tpu.memory_space<hbm>>
    tpu.wait_dma2 semaphore(%arg11 : memref<!tpu.dma_semaphore, #tpu.memory_space<semaphore_mem>>) src(%dma_wait3A_6 : memref<10000xi32, #tpu.memory_space<hbm>>) dst(%arg7 : memref<10000xi32, #tpu.memory_space<vmem>>)
    %dma_wait3A_7 = tpu.memref_slice %arg3[%multiple_of3A] : memref<320000xi32, #tpu.memory_space<hbm>> -> memref<10000xi32, #tpu.memory_space<hbm>>
    %dma_wait3A_8 = tpu.memref_slice %arg3[%multiple_of3A] : memref<320000xi32, #tpu.memory_space<hbm>> -> memref<10000xi32, #tpu.memory_space<hbm>>
    tpu.wait_dma2 semaphore(%arg11 : memref<!tpu.dma_semaphore, #tpu.memory_space<semaphore_mem>>) src(%dma_wait3A_8 : memref<10000xi32, #tpu.memory_space<hbm>>) dst(%arg8 : memref<10000xi32, #tpu.memory_space<vmem>>)
    %scan3A = arith.constant 0 : i32
    %scan3A_9 = arith.constant 0 : i32
    %scan3A_10 = arith.constant 25 : i32
    %scan3A_11 = arith.addi %scan3A_9, %scan3A_10 : i32
    %scan3A_12 = arith.constant 1 : i32
    scf.for %scan3A_14 = %scan3A_9 to %scan3A_11 step %scan3A_12  : i32 {
      %mul3A_15 = arith.constant 400 : i32
      %mul3A_16 = arith.muli %scan3A_14, %mul3A_15 : i32
      %add3A_17 = arith.addi %multiple_of3A, %mul3A_16 : i32
      %multiple_of3A_18 = tpu.assume_multiple %add3A_17, 8 : i32
      %dma_start3A_19 = tpu.memref_slice %arg7[%mul3A_16] : memref<10000xi32, #tpu.memory_space<vmem>> -> memref<400xi32, #tpu.memory_space<vmem>>
      %dma_start3A_20 = arith.constant 0 : i32
      %dma_start3A_21 = arith.constant 0 : i32
      %dma_start3A_22 = tpu.memref_slice %arg2[%dma_start3A_20, %dma_start3A_21] : memref<10000x128xf32, #tpu.memory_space<hbm>> -> memref<10000x128xf32, #tpu.memory_space<hbm>>
      tpu.enqueue_indirect_dma source(%dma_start3A_22 : memref<10000x128xf32, #tpu.memory_space<hbm>>) target(%arg9 : memref<400x128xf32, #tpu.memory_space<vmem>>) offsets(%dma_start3A_19 : memref<400xi32, #tpu.memory_space<vmem>>) semaphore(%arg11 : memref<!tpu.dma_semaphore, #tpu.memory_space<semaphore_mem>>)
      %dma_start3A_23 = tpu.memref_slice %arg8[%mul3A_16] : memref<10000xi32, #tpu.memory_space<vmem>> -> memref<400xi32, #tpu.memory_space<vmem>>
      %dma_start3A_24 = arith.constant 0 : i32
      %dma_start3A_25 = arith.constant 0 : i32
      %dma_start3A_26 = tpu.memref_slice %arg2[%dma_start3A_24, %dma_start3A_25] : memref<10000x128xf32, #tpu.memory_space<hbm>> -> memref<10000x128xf32, #tpu.memory_space<hbm>>
      tpu.enqueue_indirect_dma source(%dma_start3A_26 : memref<10000x128xf32, #tpu.memory_space<hbm>>) target(%arg10 : memref<400x128xf32, #tpu.memory_space<vmem>>) offsets(%dma_start3A_23 : memref<400xi32, #tpu.memory_space<vmem>>) semaphore(%arg11 : memref<!tpu.dma_semaphore, #tpu.memory_space<semaphore_mem>>)
      %dma_wait3A_27 = tpu.memref_slice %arg7[%mul3A_16] : memref<10000xi32, #tpu.memory_space<vmem>> -> memref<400xi32, #tpu.memory_space<vmem>>
      %dma_wait3A_28 = arith.constant 0 : i32
      %dma_wait3A_29 = arith.constant 0 : i32
      %dma_wait3A_30 = tpu.memref_slice %arg2[%dma_wait3A_28, %dma_wait3A_29] : memref<10000x128xf32, #tpu.memory_space<hbm>> -> memref<10000x128xf32, #tpu.memory_space<hbm>>
      tpu.wait_indirect_dma semaphore(%arg11 : memref<!tpu.dma_semaphore, #tpu.memory_space<semaphore_mem>>) src(%dma_wait3A_30 : memref<10000x128xf32, #tpu.memory_space<hbm>>) dst(%arg9 : memref<400x128xf32, #tpu.memory_space<vmem>>)
      %dma_wait3A_31 = tpu.memref_slice %arg8[%mul3A_16] : memref<10000xi32, #tpu.memory_space<vmem>> -> memref<400xi32, #tpu.memory_space<vmem>>
      %dma_wait3A_32 = arith.constant 0 : i32
      %dma_wait3A_33 = arith.constant 0 : i32
      %dma_wait3A_34 = tpu.memref_slice %arg2[%dma_wait3A_32, %dma_wait3A_33] : memref<10000x128xf32, #tpu.memory_space<hbm>> -> memref<10000x128xf32, #tpu.memory_space<hbm>>
      tpu.wait_indirect_dma semaphore(%arg11 : memref<!tpu.dma_semaphore, #tpu.memory_space<semaphore_mem>>) src(%dma_wait3A_34 : memref<10000x128xf32, #tpu.memory_space<hbm>>) dst(%arg10 : memref<400x128xf32, #tpu.memory_space<vmem>>)
      %dma_start3A_35 = arith.constant 0 : i32
      %dma_start3A_36 = tpu.memref_slice %arg5[%multiple_of3A_18, %dma_start3A_35] : memref<320000x128xf32, #tpu.memory_space<hbm>> -> memref<400x128xf32, #tpu.memory_space<hbm>>
      %dma_start3A_37 = arith.constant 0 : i32
      %dma_start3A_38 = tpu.memref_slice %arg5[%multiple_of3A_18, %dma_start3A_37] : memref<320000x128xf32, #tpu.memory_space<hbm>> -> memref<400x128xf32, #tpu.memory_space<hbm>>
      tpu.enqueue_dma source(%arg9 : memref<400x128xf32, #tpu.memory_space<vmem>>) target(%dma_start3A_38 : memref<400x128xf32, #tpu.memory_space<hbm>>) target_semaphore(%arg11 : memref<!tpu.dma_semaphore, #tpu.memory_space<semaphore_mem>>)
      %dma_start3A_39 = arith.constant 0 : i32
      %dma_start3A_40 = tpu.memref_slice %arg6[%multiple_of3A_18, %dma_start3A_39] : memref<320000x128xf32, #tpu.memory_space<hbm>> -> memref<400x128xf32, #tpu.memory_space<hbm>>
      %dma_start3A_41 = arith.constant 0 : i32
      %dma_start3A_42 = tpu.memref_slice %arg6[%multiple_of3A_18, %dma_start3A_41] : memref<320000x128xf32, #tpu.memory_space<hbm>> -> memref<400x128xf32, #tpu.memory_space<hbm>>
      tpu.enqueue_dma source(%arg10 : memref<400x128xf32, #tpu.memory_space<vmem>>) target(%dma_start3A_42 : memref<400x128xf32, #tpu.memory_space<hbm>>) target_semaphore(%arg11 : memref<!tpu.dma_semaphore, #tpu.memory_space<semaphore_mem>>)
      %dma_wait3A_43 = arith.constant 0 : i32
      %dma_wait3A_44 = tpu.memref_slice %arg5[%multiple_of3A_18, %dma_wait3A_43] : memref<320000x128xf32, #tpu.memory_space<hbm>> -> memref<400x128xf32, #tpu.memory_space<hbm>>
      %dma_wait3A_45 = arith.constant 0 : i32
      %dma_wait3A_46 = tpu.memref_slice %arg5[%multiple_of3A_18, %dma_wait3A_45] : memref<320000x128xf32, #tpu.memory_space<hbm>> -> memref<400x128xf32, #tpu.memory_space<hbm>>
      tpu.wait_dma2 semaphore(%arg11 : memref<!tpu.dma_semaphore, #tpu.memory_space<semaphore_mem>>) src(%arg9 : memref<400x128xf32, #tpu.memory_space<vmem>>) dst(%dma_wait3A_46 : memref<400x128xf32, #tpu.memory_space<hbm>>)
      %dma_wait3A_47 = arith.constant 0 : i32
      %dma_wait3A_48 = tpu.memref_slice %arg6[%multiple_of3A_18, %dma_wait3A_47] : memref<320000x128xf32, #tpu.memory_space<hbm>> -> memref<400x128xf32, #tpu.memory_space<hbm>>
      %dma_wait3A_49 = arith.constant 0 : i32
      %dma_wait3A_50 = tpu.memref_slice %arg6[%multiple_of3A_18, %dma_wait3A_49] : memref<320000x128xf32, #tpu.memory_space<hbm>> -> memref<400x128xf32, #tpu.memory_space<hbm>>
      tpu.wait_dma2 semaphore(%arg11 : memref<!tpu.dma_semaphore, #tpu.memory_space<semaphore_mem>>) src(%arg10 : memref<400x128xf32, #tpu.memory_space<vmem>>) dst(%dma_wait3A_50 : memref<400x128xf32, #tpu.memory_space<hbm>>)
    }
    %scan3A_13 = arith.constant 25 : i32
    return
  }
}

#map = affine_map<(d0, d1) -> (0, 0)>
#map1 = affine_map<(d0, d1) -> (0)>
module attributes {stable_mosaic.version = 14 : i64} {
  func.func @_sc_gather_body(%arg0: i32, %arg1: i32, %arg2: memref<10000x128xf32, #tpu.memory_space<hbm>>, %arg3: memref<320000xi32, #tpu.memory_space<hbm>>, %arg4: memref<320000xi32, #tpu.memory_space<hbm>>, %arg5: memref<320000x128xf32, #tpu.memory_space<hbm>>, %arg6: memref<320000x128xf32, #tpu.memory_space<hbm>>, %arg7: memref<10000xi32, #tpu.memory_space<vmem>>, %arg8: memref<10000xi32, #tpu.memory_space<vmem>>, %arg9: memref<400x128xf32, #tpu.memory_space<vmem>>, %arg10: memref<400x128xf32, #tpu.memory_space<vmem>>, %arg11: memref<!tpu.dma_semaphore, #tpu.memory_space<semaphore_mem>>) attributes {dimension_semantics = [#tpu.dimension_semantics<core_parallel>, #tpu.dimension_semantics<subcore_parallel>], iteration_bounds = array<i64: 2, 16>, scalar_prefetch = 0 : i64, scratch_operands = 5 : i64, tpu.core_type = #tpu.core_type<sc_vector_subcore>, window_params = [{transform_indices = #map}, {transform_indices = #map1}, {transform_indices = #map1}, {transform_indices = #map}, {transform_indices = #map}]} {
    %mul3A = arith.constant 2 : i32
    %mul3A_0 = arith.muli %arg1, %mul3A : i32
    %add3A = arith.addi %mul3A_0, %arg0 : i32
    %mul3A_1 = arith.constant 10000 : i32
    %mul3A_2 = arith.muli %add3A, %mul3A_1 : i32
    %multiple_of3A = tpu.assume_multiple %mul3A_2, 8 : i32
    %dma_start3A = tpu.memref_slice %arg4[%multiple_of3A] : memref<320000xi32, #tpu.memory_space<hbm>> -> memref<10000xi32, #tpu.memory_space<hbm>>
    %dma_start3A_3 = tpu.memref_slice %arg4[%multiple_of3A] : memref<320000xi32, #tpu.memory_space<hbm>> -> memref<10000xi32, #tpu.memory_space<hbm>>
    tpu.enqueue_dma source(%dma_start3A_3 : memref<10000xi32, #tpu.memory_space<hbm>>) target(%arg7 : memref<10000xi32, #tpu.memory_space<vmem>>) target_semaphore(%arg11 : memref<!tpu.dma_semaphore, #tpu.memory_space<semaphore_mem>>)
    %dma_start3A_4 = tpu.memref_slice %arg3[%multiple_of3A] : memref<320000xi32, #tpu.memory_space<hbm>> -> memref<10000xi32, #tpu.memory_space<hbm>>
    %dma_start3A_5 = tpu.memref_slice %arg3[%multiple_of3A] : memref<320000xi32, #tpu.memory_space<hbm>> -> memref<10000xi32, #tpu.memory_space<hbm>>
    tpu.enqueue_dma source(%dma_start3A_5 : memref<10000xi32, #tpu.memory_space<hbm>>) target(%arg8 : memref<10000xi32, #tpu.memory_space<vmem>>) target_semaphore(%arg11 : memref<!tpu.dma_semaphore, #tpu.memory_space<semaphore_mem>>)
    %dma_wait3A = tpu.memref_slice %arg4[%multiple_of3A] : memref<320000xi32, #tpu.memory_space<hbm>> -> memref<10000xi32, #tpu.memory_space<hbm>>
    %dma_wait3A_6 = tpu.memref_slice %arg4[%multiple_of3A] : memref<320000xi32, #tpu.memory_space<hbm>> -> memref<10000xi32, #tpu.memory_space<hbm>>
    tpu.wait_dma2 semaphore(%arg11 : memref<!tpu.dma_semaphore, #tpu.memory_space<semaphore_mem>>) src(%dma_wait3A_6 : memref<10000xi32, #tpu.memory_space<hbm>>) dst(%arg7 : memref<10000xi32, #tpu.memory_space<vmem>>)
    %dma_wait3A_7 = tpu.memref_slice %arg3[%multiple_of3A] : memref<320000xi32, #tpu.memory_space<hbm>> -> memref<10000xi32, #tpu.memory_space<hbm>>
    %dma_wait3A_8 = tpu.memref_slice %arg3[%multiple_of3A] : memref<320000xi32, #tpu.memory_space<hbm>> -> memref<10000xi32, #tpu.memory_space<hbm>>
    tpu.wait_dma2 semaphore(%arg11 : memref<!tpu.dma_semaphore, #tpu.memory_space<semaphore_mem>>) src(%dma_wait3A_8 : memref<10000xi32, #tpu.memory_space<hbm>>) dst(%arg8 : memref<10000xi32, #tpu.memory_space<vmem>>)
    %scan3A = arith.constant 0 : i32
    %scan3A_9 = arith.constant 0 : i32
    %scan3A_10 = arith.constant 25 : i32
    %scan3A_11 = arith.addi %scan3A_9, %scan3A_10 : i32
    %scan3A_12 = arith.constant 1 : i32
    scf.for %scan3A_14 = %scan3A_9 to %scan3A_11 step %scan3A_12  : i32 {
      %mul3A_15 = arith.constant 400 : i32
      %mul3A_16 = arith.muli %scan3A_14, %mul3A_15 : i32
      %add3A_17 = arith.addi %multiple_of3A, %mul3A_16 : i32
      %multiple_of3A_18 = tpu.assume_multiple %add3A_17, 8 : i32
      %dma_start3A_19 = tpu.memref_slice %arg7[%mul3A_16] : memref<10000xi32, #tpu.memory_space<vmem>> -> memref<400xi32, #tpu.memory_space<vmem>>
      %dma_start3A_20 = arith.constant 0 : i32
      %dma_start3A_21 = arith.constant 0 : i32
      %dma_start3A_22 = tpu.memref_slice %arg2[%dma_start3A_20, %dma_start3A_21] : memref<10000x128xf32, #tpu.memory_space<hbm>> -> memref<10000x128xf32, #tpu.memory_space<hbm>>
      tpu.enqueue_indirect_dma source(%dma_start3A_22 : memref<10000x128xf32, #tpu.memory_space<hbm>>) target(%arg9 : memref<400x128xf32, #tpu.memory_space<vmem>>) offsets(%dma_start3A_19 : memref<400xi32, #tpu.memory_space<vmem>>) semaphore(%arg11 : memref<!tpu.dma_semaphore, #tpu.memory_space<semaphore_mem>>)
      %dma_start3A_23 = tpu.memref_slice %arg8[%mul3A_16] : memref<10000xi32, #tpu.memory_space<vmem>> -> memref<400xi32, #tpu.memory_space<vmem>>
      %dma_start3A_24 = arith.constant 0 : i32
      %dma_start3A_25 = arith.constant 0 : i32
      %dma_start3A_26 = tpu.memref_slice %arg2[%dma_start3A_24, %dma_start3A_25] : memref<10000x128xf32, #tpu.memory_space<hbm>> -> memref<10000x128xf32, #tpu.memory_space<hbm>>
      tpu.enqueue_indirect_dma source(%dma_start3A_26 : memref<10000x128xf32, #tpu.memory_space<hbm>>) target(%arg10 : memref<400x128xf32, #tpu.memory_space<vmem>>) offsets(%dma_start3A_23 : memref<400xi32, #tpu.memory_space<vmem>>) semaphore(%arg11 : memref<!tpu.dma_semaphore, #tpu.memory_space<semaphore_mem>>)
      %dma_wait3A_27 = tpu.memref_slice %arg7[%mul3A_16] : memref<10000xi32, #tpu.memory_space<vmem>> -> memref<400xi32, #tpu.memory_space<vmem>>
      %dma_wait3A_28 = arith.constant 0 : i32
      %dma_wait3A_29 = arith.constant 0 : i32
      %dma_wait3A_30 = tpu.memref_slice %arg2[%dma_wait3A_28, %dma_wait3A_29] : memref<10000x128xf32, #tpu.memory_space<hbm>> -> memref<10000x128xf32, #tpu.memory_space<hbm>>
      tpu.wait_indirect_dma semaphore(%arg11 : memref<!tpu.dma_semaphore, #tpu.memory_space<semaphore_mem>>) src(%dma_wait3A_30 : memref<10000x128xf32, #tpu.memory_space<hbm>>) dst(%arg9 : memref<400x128xf32, #tpu.memory_space<vmem>>)
      %dma_wait3A_31 = tpu.memref_slice %arg8[%mul3A_16] : memref<10000xi32, #tpu.memory_space<vmem>> -> memref<400xi32, #tpu.memory_space<vmem>>
      %dma_wait3A_32 = arith.constant 0 : i32
      %dma_wait3A_33 = arith.constant 0 : i32
      %dma_wait3A_34 = tpu.memref_slice %arg2[%dma_wait3A_32, %dma_wait3A_33] : memref<10000x128xf32, #tpu.memory_space<hbm>> -> memref<10000x128xf32, #tpu.memory_space<hbm>>
      tpu.wait_indirect_dma semaphore(%arg11 : memref<!tpu.dma_semaphore, #tpu.memory_space<semaphore_mem>>) src(%dma_wait3A_34 : memref<10000x128xf32, #tpu.memory_space<hbm>>) dst(%arg10 : memref<400x128xf32, #tpu.memory_space<vmem>>)
      %dma_start3A_35 = arith.constant 0 : i32
      %dma_start3A_36 = tpu.memref_slice %arg5[%multiple_of3A_18, %dma_start3A_35] : memref<320000x128xf32, #tpu.memory_space<hbm>> -> memref<400x128xf32, #tpu.memory_space<hbm>>
      %dma_start3A_37 = arith.constant 0 : i32
      %dma_start3A_38 = tpu.memref_slice %arg5[%multiple_of3A_18, %dma_start3A_37] : memref<320000x128xf32, #tpu.memory_space<hbm>> -> memref<400x128xf32, #tpu.memory_space<hbm>>
      tpu.enqueue_dma source(%arg9 : memref<400x128xf32, #tpu.memory_space<vmem>>) target(%dma_start3A_38 : memref<400x128xf32, #tpu.memory_space<hbm>>) target_semaphore(%arg11 : memref<!tpu.dma_semaphore, #tpu.memory_space<semaphore_mem>>)
      %dma_start3A_39 = arith.constant 0 : i32
      %dma_start3A_40 = tpu.memref_slice %arg6[%multiple_of3A_18, %dma_start3A_39] : memref<320000x128xf32, #tpu.memory_space<hbm>> -> memref<400x128xf32, #tpu.memory_space<hbm>>
      %dma_start3A_41 = arith.constant 0 : i32
      %dma_start3A_42 = tpu.memref_slice %arg6[%multiple_of3A_18, %dma_start3A_41] : memref<320000x128xf32, #tpu.memory_space<hbm>> -> memref<400x128xf32, #tpu.memory_space<hbm>>
      tpu.enqueue_dma source(%arg10 : memref<400x128xf32, #tpu.memory_space<vmem>>) target(%dma_start3A_42 : memref<400x128xf32, #tpu.memory_space<hbm>>) target_semaphore(%arg11 : memref<!tpu.dma_semaphore, #tpu.memory_space<semaphore_mem>>)
      %dma_wait3A_43 = arith.constant 0 : i32
      %dma_wait3A_44 = tpu.memref_slice %arg5[%multiple_of3A_18, %dma_wait3A_43] : memref<320000x128xf32, #tpu.memory_space<hbm>> -> memref<400x128xf32, #tpu.memory_space<hbm>>
      %dma_wait3A_45 = arith.constant 0 : i32
      %dma_wait3A_46 = tpu.memref_slice %arg5[%multiple_of3A_18, %dma_wait3A_45] : memref<320000x128xf32, #tpu.memory_space<hbm>> -> memref<400x128xf32, #tpu.memory_space<hbm>>
      tpu.wait_dma2 semaphore(%arg11 : memref<!tpu.dma_semaphore, #tpu.memory_space<semaphore_mem>>) src(%arg9 : memref<400x128xf32, #tpu.memory_space<vmem>>) dst(%dma_wait3A_46 : memref<400x128xf32, #tpu.memory_space<hbm>>)
      %dma_wait3A_47 = arith.constant 0 : i32
      %dma_wait3A_48 = tpu.memref_slice %arg6[%multiple_of3A_18, %dma_wait3A_47] : memref<320000x128xf32, #tpu.memory_space<hbm>> -> memref<400x128xf32, #tpu.memory_space<hbm>>
      %dma_wait3A_49 = arith.constant 0 : i32
      %dma_wait3A_50 = tpu.memref_slice %arg6[%multiple_of3A_18, %dma_wait3A_49] : memref<320000x128xf32, #tpu.memory_space<hbm>> -> memref<400x128xf32, #tpu.memory_space<hbm>>
      tpu.wait_dma2 semaphore(%arg11 : memref<!tpu.dma_semaphore, #tpu.memory_space<semaphore_mem>>) src(%arg10 : memref<400x128xf32, #tpu.memory_space<vmem>>) dst(%dma_wait3A_50 : memref<400x128xf32, #tpu.memory_space<hbm>>)
    }
    %scan3A_13 = arith.constant 25 : i32
    return
  }
}

#map = affine_map<(d0, d1) -> (0)>
#map1 = affine_map<(d0, d1) -> (0, 0)>
module attributes {stable_mosaic.version = 14 : i64} {
  func.func @_sc_scatter_body(%arg0: i32, %arg1: i32, %arg2: memref<10305536xi32, #tpu.memory_space<hbm>>, %arg3: memref<512xi32, #tpu.memory_space<hbm>>, %arg4: memref<160000x128xf32, #tpu.memory_space<hbm>>, %arg5: memref<5120x128xf32, #tpu.memory_space<hbm>>, %arg6: memref<512xi32, #tpu.memory_space<vmem>>, %arg7: memref<512xi32, #tpu.memory_space<vmem>>, %arg8: memref<512x128xf32, #tpu.memory_space<vmem>>, %arg9: memref<16xi32, #tpu.memory_space<vmem>>, %arg10: memref<160x128xf32, #tpu.memory_space<vmem>>, %arg11: memref<!tpu.dma_semaphore, #tpu.memory_space<semaphore_mem>>) attributes {dimension_semantics = [#tpu.dimension_semantics<core_parallel>, #tpu.dimension_semantics<subcore_parallel>], iteration_bounds = array<i64: 2, 16>, scalar_prefetch = 0 : i64, scratch_operands = 6 : i64, tpu.core_type = #tpu.core_type<sc_vector_subcore>, window_params = [{transform_indices = #map}, {transform_indices = #map}, {transform_indices = #map1}, {transform_indices = #map1}]} {
    %mul3A = arith.constant 2 : i32
    %mul3A_0 = arith.muli %arg1, %mul3A : i32
    %add3A = arith.addi %mul3A_0, %arg0 : i32
    %iota3A = tpu.iota {dimensions = array<i32: 0>} : vector<16xi32>
    %scan3A = arith.constant 0 : i32
    %scan3A_1 = arith.constant 0 : i32
    %scan3A_2 = arith.constant 160 : i32
    %scan3A_3 = arith.addi %scan3A_1, %scan3A_2 : i32
    %scan3A_4 = arith.constant 1 : i32
    scf.for %scan3A_40 = %scan3A_1 to %scan3A_3 step %scan3A_4  : i32 {
      %broadcast_in_dim3A = arith.constant 0.000000e+00 : f32
      %broadcast_in_dim3A_41 = vector.broadcast %broadcast_in_dim3A : f32 to vector<16xf32>
      %swap3A = arith.index_cast %scan3A_40 : i32 to index
      %swap3A_42 = arith.constant 0 : index
      %swap3A_43 = tpu.vector_load %arg10[%swap3A, %swap3A_42] {strides = array<i32>} : memref<160x128xf32, #tpu.memory_space<vmem>>, vector<16xf32>,
      tpu.vector_store %arg10[%swap3A, %swap3A_42], %broadcast_in_dim3A_41 {strides = array<i32>} : memref<160x128xf32, #tpu.memory_space<vmem>>, vector<16xf32>,
      %broadcast_in_dim3A_44 = arith.constant 0.000000e+00 : f32
      %broadcast_in_dim3A_45 = vector.broadcast %broadcast_in_dim3A_44 : f32 to vector<16xf32>
      %swap3A_46 = arith.index_cast %scan3A_40 : i32 to index
      %swap3A_47 = arith.constant 16 : index
      %swap3A_48 = tpu.vector_load %arg10[%swap3A_46, %swap3A_47] {strides = array<i32>} : memref<160x128xf32, #tpu.memory_space<vmem>>, vector<16xf32>,
      tpu.vector_store %arg10[%swap3A_46, %swap3A_47], %broadcast_in_dim3A_45 {strides = array<i32>} : memref<160x128xf32, #tpu.memory_space<vmem>>, vector<16xf32>,
      %broadcast_in_dim3A_49 = arith.constant 0.000000e+00 : f32
      %broadcast_in_dim3A_50 = vector.broadcast %broadcast_in_dim3A_49 : f32 to vector<16xf32>
      %swap3A_51 = arith.index_cast %scan3A_40 : i32 to index
      %swap3A_52 = arith.constant 32 : index
      %swap3A_53 = tpu.vector_load %arg10[%swap3A_51, %swap3A_52] {strides = array<i32>} : memref<160x128xf32, #tpu.memory_space<vmem>>, vector<16xf32>,
      tpu.vector_store %arg10[%swap3A_51, %swap3A_52], %broadcast_in_dim3A_50 {strides = array<i32>} : memref<160x128xf32, #tpu.memory_space<vmem>>, vector<16xf32>,
      %broadcast_in_dim3A_54 = arith.constant 0.000000e+00 : f32
      %broadcast_in_dim3A_55 = vector.broadcast %broadcast_in_dim3A_54 : f32 to vector<16xf32>
      %swap3A_56 = arith.index_cast %scan3A_40 : i32 to index
      %swap3A_57 = arith.constant 48 : index
      %swap3A_58 = tpu.vector_load %arg10[%swap3A_56, %swap3A_57] {strides = array<i32>} : memref<160x128xf32, #tpu.memory_space<vmem>>, vector<16xf32>,
      tpu.vector_store %arg10[%swap3A_56, %swap3A_57], %broadcast_in_dim3A_55 {strides = array<i32>} : memref<160x128xf32, #tpu.memory_space<vmem>>, vector<16xf32>,
      %broadcast_in_dim3A_59 = arith.constant 0.000000e+00 : f32
      %broadcast_in_dim3A_60 = vector.broadcast %broadcast_in_dim3A_59 : f32 to vector<16xf32>
      %swap3A_61 = arith.index_cast %scan3A_40 : i32 to index
      %swap3A_62 = arith.constant 64 : index
      %swap3A_63 = tpu.vector_load %arg10[%swap3A_61, %swap3A_62] {strides = array<i32>} : memref<160x128xf32, #tpu.memory_space<vmem>>, vector<16xf32>,
      tpu.vector_store %arg10[%swap3A_61, %swap3A_62], %broadcast_in_dim3A_60 {strides = array<i32>} : memref<160x128xf32, #tpu.memory_space<vmem>>, vector<16xf32>,
      %broadcast_in_dim3A_64 = arith.constant 0.000000e+00 : f32
      %broadcast_in_dim3A_65 = vector.broadcast %broadcast_in_dim3A_64 : f32 to vector<16xf32>
      %swap3A_66 = arith.index_cast %scan3A_40 : i32 to index
      %swap3A_67 = arith.constant 80 : index
      %swap3A_68 = tpu.vector_load %arg10[%swap3A_66, %swap3A_67] {strides = array<i32>} : memref<160x128xf32, #tpu.memory_space<vmem>>, vector<16xf32>,
      tpu.vector_store %arg10[%swap3A_66, %swap3A_67], %broadcast_in_dim3A_65 {strides = array<i32>} : memref<160x128xf32, #tpu.memory_space<vmem>>, vector<16xf32>,
      %broadcast_in_dim3A_69 = arith.constant 0.000000e+00 : f32
      %broadcast_in_dim3A_70 = vector.broadcast %broadcast_in_dim3A_69 : f32 to vector<16xf32>
      %swap3A_71 = arith.index_cast %scan3A_40 : i32 to index
      %swap3A_72 = arith.constant 96 : index
      %swap3A_73 = tpu.vector_load %arg10[%swap3A_71, %swap3A_72] {strides = array<i32>} : memref<160x128xf32, #tpu.memory_space<vmem>>, vector<16xf32>,
      tpu.vector_store %arg10[%swap3A_71, %swap3A_72], %broadcast_in_dim3A_70 {strides = array<i32>} : memref<160x128xf32, #tpu.memory_space<vmem>>, vector<16xf32>,
      %broadcast_in_dim3A_74 = arith.constant 0.000000e+00 : f32
      %broadcast_in_dim3A_75 = vector.broadcast %broadcast_in_dim3A_74 : f32 to vector<16xf32>
      %swap3A_76 = arith.index_cast %scan3A_40 : i32 to index
      %swap3A_77 = arith.constant 112 : index
      %swap3A_78 = tpu.vector_load %arg10[%swap3A_76, %swap3A_77] {strides = array<i32>} : memref<160x128xf32, #tpu.memory_space<vmem>>, vector<16xf32>,
      tpu.vector_store %arg10[%swap3A_76, %swap3A_77], %broadcast_in_dim3A_75 {strides = array<i32>} : memref<160x128xf32, #tpu.memory_space<vmem>>, vector<16xf32>,
    }
    %scan3A_5 = arith.constant 160 : i32
    %mul3A_6 = arith.constant 16 : i32
    %mul3A_7 = arith.muli %add3A, %mul3A_6 : i32
    "tpu.region"() ({
      %run_scoped3A = tpu.sem_alloc : memref<!tpu.dma_semaphore, #tpu.memory_space<semaphore_mem>>
      %dma_start3A = tpu.memref_slice %arg3[%mul3A_7] : memref<512xi32, #tpu.memory_space<hbm>> -> memref<16xi32, #tpu.memory_space<hbm>>
      %dma_start3A_40 = tpu.memref_slice %arg3[%mul3A_7] : memref<512xi32, #tpu.memory_space<hbm>> -> memref<16xi32, #tpu.memory_space<hbm>>
      tpu.enqueue_dma source(%dma_start3A_40 : memref<16xi32, #tpu.memory_space<hbm>>) target(%arg9 : memref<16xi32, #tpu.memory_space<vmem>>) target_semaphore(%run_scoped3A : memref<!tpu.dma_semaphore, #tpu.memory_space<semaphore_mem>>)
      %dma_wait3A = tpu.memref_slice %arg3[%mul3A_7] : memref<512xi32, #tpu.memory_space<hbm>> -> memref<16xi32, #tpu.memory_space<hbm>>
      %dma_wait3A_41 = tpu.memref_slice %arg3[%mul3A_7] : memref<512xi32, #tpu.memory_space<hbm>> -> memref<16xi32, #tpu.memory_space<hbm>>
      tpu.wait_dma2 semaphore(%run_scoped3A : memref<!tpu.dma_semaphore, #tpu.memory_space<semaphore_mem>>) src(%dma_wait3A_41 : memref<16xi32, #tpu.memory_space<hbm>>) dst(%arg9 : memref<16xi32, #tpu.memory_space<vmem>>)
      tpu.yield
    }) : () -> ()
    %get3A = arith.constant 0 : index
    %get3A_8 = tpu.vector_load %arg9[%get3A] {strides = array<i32>} : memref<16xi32, #tpu.memory_space<vmem>>, vector<16xi32>,
    %slice3A = vector.extract_strided_slice %get3A_8 {offsets = [0], sizes = [1], strides = [1]} : vector<16xi32> to vector<1xi32>
    %squeeze3A = vector.extract %slice3A[0] : i32 from vector<1xi32>
    %add3A_9 = arith.constant 512 : i32
    %add3A_10 = arith.addi %squeeze3A, %add3A_9 : i32
    %sub3A = arith.constant 1 : i32
    %sub3A_11 = arith.subi %add3A_10, %sub3A : i32
    %jit3A = arith.constant 512 : i32
    %div3A = arith.divsi %sub3A_11, %jit3A : i32
    %sign3A = arith.constant 0 : i32
    %sign3A_12 = arith.cmpi sgt, %sub3A_11, %sign3A : i32
    %sign3A_13 = arith.extui %sign3A_12 : i1 to i32
    %sign3A_14 = arith.constant 0 : i32
    %sign3A_15 = arith.cmpi slt, %sub3A_11, %sign3A_14 : i32
    %sign3A_16 = arith.extui %sign3A_15 : i1 to i32
    %sign3A_17 = arith.subi %sign3A_13, %sign3A_16 : i32
    %sign3A_18 = arith.constant 0 : i32
    %sign3A_19 = arith.cmpi sgt, %jit3A, %sign3A_18 : i32
    %sign3A_20 = arith.extui %sign3A_19 : i1 to i32
    %sign3A_21 = arith.constant 0 : i32
    %sign3A_22 = arith.cmpi slt, %jit3A, %sign3A_21 : i32
    %sign3A_23 = arith.extui %sign3A_22 : i1 to i32
    %sign3A_24 = arith.subi %sign3A_20, %sign3A_23 : i32
    %ne3A = arith.cmpi ne, %sign3A_17, %sign3A_24 : i32
    %rem3A = arith.remsi %sub3A_11, %jit3A : i32
    %ne3A_25 = arith.constant 0 : i32
    %ne3A_26 = arith.cmpi ne, %rem3A, %ne3A_25 : i32
    %and3A = arith.andi %ne3A, %ne3A_26 : i1
    %sub3A_27 = arith.constant 1 : i32
    %sub3A_28 = arith.subi %div3A, %sub3A_27 : i32
    %select_n3A = arith.select %and3A, %sub3A_28, %div3A : i32
    %while3A = arith.constant 0 : i32
    %while3A_29 = arith.constant 0 : i32
    %while3A_30 = arith.subi %select_n3A, %while3A_29 : i32
    %while3A_31 = arith.addi %while3A_29, %while3A_30 : i32
    %while3A_32 = arith.constant 1 : i32
    %while3A_33 = arith.divsi %while3A_30, %while3A_32 : i32
    %while3A_34 = arith.muli %while3A_33, %while3A_32 : i32
    %while3A_35 = arith.addi %while3A_29, %while3A_34 : i32
    %while3A_36 = arith.constant 1 : i32
    scf.for %while3A_40 = %while3A_29 to %while3A_35 step %while3A_36  : i32 {
      %mul3A_41 = arith.constant 322048 : i32
      %mul3A_42 = arith.muli %add3A, %mul3A_41 : i32
      %mul3A_43 = arith.constant 512 : i32
      %mul3A_44 = arith.muli %while3A_40, %mul3A_43 : i32
      %add3A_45 = arith.addi %mul3A_42, %mul3A_44 : i32
      %multiple_of3A_46 = tpu.assume_multiple %add3A_45, 8 : i32
      "tpu.region"() ({
        %run_scoped3A = tpu.sem_alloc : memref<!tpu.dma_semaphore, #tpu.memory_space<semaphore_mem>>
        %dma_start3A_71 = tpu.memref_slice %arg2[%multiple_of3A_46] : memref<10305536xi32, #tpu.memory_space<hbm>> -> memref<512xi32, #tpu.memory_space<hbm>>
        %dma_start3A_72 = tpu.memref_slice %arg2[%multiple_of3A_46] : memref<10305536xi32, #tpu.memory_space<hbm>> -> memref<512xi32, #tpu.memory_space<hbm>>
        tpu.enqueue_dma source(%dma_start3A_72 : memref<512xi32, #tpu.memory_space<hbm>>) target(%arg6 : memref<512xi32, #tpu.memory_space<vmem>>) target_semaphore(%run_scoped3A : memref<!tpu.dma_semaphore, #tpu.memory_space<semaphore_mem>>)
        %dma_wait3A_73 = tpu.memref_slice %arg2[%multiple_of3A_46] : memref<10305536xi32, #tpu.memory_space<hbm>> -> memref<512xi32, #tpu.memory_space<hbm>>
        %dma_wait3A_74 = tpu.memref_slice %arg2[%multiple_of3A_46] : memref<10305536xi32, #tpu.memory_space<hbm>> -> memref<512xi32, #tpu.memory_space<hbm>>
        tpu.wait_dma2 semaphore(%run_scoped3A : memref<!tpu.dma_semaphore, #tpu.memory_space<semaphore_mem>>) src(%dma_wait3A_74 : memref<512xi32, #tpu.memory_space<hbm>>) dst(%arg6 : memref<512xi32, #tpu.memory_space<vmem>>)
        tpu.yield
      }) : () -> ()
      %scan3A_47 = arith.constant 0 : i32
      %scan3A_48 = arith.constant 0 : i32
      %scan3A_49 = arith.constant 32 : i32
      %scan3A_50 = arith.addi %scan3A_48, %scan3A_49 : i32
      %scan3A_51 = arith.constant 1 : i32
      scf.for %scan3A_71 = %scan3A_48 to %scan3A_50 step %scan3A_51  : i32 {
        %mul3A_72 = arith.constant 16 : i32
        %mul3A_73 = arith.muli %scan3A_71, %mul3A_72 : i32
        %get3A_74 = arith.index_cast %mul3A_73 : i32 to index
        %get3A_75 = tpu.vector_load %arg6[%get3A_74] {strides = array<i32>} : memref<512xi32, #tpu.memory_space<vmem>>, vector<16xi32>,
        %mul3A_76 = arith.constant 512 : i32
        %mul3A_77 = arith.muli %while3A_40, %mul3A_76 : i32
        %mul3A_78 = arith.constant 16 : i32
        %mul3A_79 = arith.muli %scan3A_71, %mul3A_78 : i32
        %add3A_80 = arith.addi %mul3A_77, %mul3A_79 : i32
        %add3A_81 = vector.broadcast %add3A_80 : i32 to vector<16xi32>
        %add3A_82 = arith.addi %add3A_81, %iota3A : vector<16xi32>
        %lt3A = vector.broadcast %squeeze3A : i32 to vector<16xi32>
        %lt3A_83 = arith.cmpi slt, %add3A_82, %lt3A : vector<16xi32>
        %shift_right_arithmetic3A = arith.constant 9 : i32
        %shift_right_arithmetic3A_84 = vector.broadcast %shift_right_arithmetic3A : i32 to vector<16xi32>
        %shift_right_arithmetic3A_85 = arith.shrsi %get3A_75, %shift_right_arithmetic3A_84 : vector<16xi32>
        %ge3A = arith.constant 160000 : i32
        %ge3A_86 = vector.broadcast %ge3A : i32 to vector<16xi32>
        %ge3A_87 = arith.cmpi sge, %shift_right_arithmetic3A_85, %ge3A_86 : vector<16xi32>
        %jit3A_88 = arith.constant 160000 : i32
        %jit3A_89 = arith.constant 0 : i32
        %broadcast_in_dim3A = vector.broadcast %jit3A_88 : i32 to vector<16xi32>
        %broadcast_in_dim3A_90 = vector.broadcast %jit3A_89 : i32 to vector<16xi32>
        %select_n3A_91 = arith.select %ge3A_87, %broadcast_in_dim3A, %broadcast_in_dim3A_90 : vector<16xi1>, vector<16xi32>
        %sub3A_92 = arith.subi %shift_right_arithmetic3A_85, %select_n3A_91 : vector<16xi32>
        %jit3A_93 = arith.constant 0 : i32
        %broadcast_in_dim3A_94 = vector.broadcast %jit3A_93 : i32 to vector<16xi32>
        %select_n3A_95 = arith.select %lt3A_83, %sub3A_92, %broadcast_in_dim3A_94 : vector<16xi1>, vector<16xi32>
        %mul3A_96 = arith.constant 16 : i32
        %mul3A_97 = arith.muli %scan3A_71, %mul3A_96 : i32
        %swap3A = arith.index_cast %mul3A_97 : i32 to index
        %swap3A_98 = tpu.vector_load %arg7[%swap3A] {strides = array<i32>} : memref<512xi32, #tpu.memory_space<vmem>>, vector<16xi32>,
        tpu.vector_store %arg7[%swap3A], %select_n3A_95 {strides = array<i32>} : memref<512xi32, #tpu.memory_space<vmem>>, vector<16xi32>,
      }
      %scan3A_52 = arith.constant 32 : i32
      %dma_start3A = arith.constant 0 : i32
      %dma_start3A_53 = arith.constant 0 : i32
      %dma_start3A_54 = tpu.memref_slice %arg4[%dma_start3A, %dma_start3A_53] : memref<160000x128xf32, #tpu.memory_space<hbm>> -> memref<160000x128xf32, #tpu.memory_space<hbm>>
      tpu.enqueue_indirect_dma source(%dma_start3A_54 : memref<160000x128xf32, #tpu.memory_space<hbm>>) target(%arg8 : memref<512x128xf32, #tpu.memory_space<vmem>>) offsets(%arg7 : memref<512xi32, #tpu.memory_space<vmem>>) semaphore(%arg11 : memref<!tpu.dma_semaphore, #tpu.memory_space<semaphore_mem>>)
      %dma_wait3A = arith.constant 0 : i32
      %dma_wait3A_55 = arith.constant 0 : i32
      %dma_wait3A_56 = tpu.memref_slice %arg4[%dma_wait3A, %dma_wait3A_55] : memref<160000x128xf32, #tpu.memory_space<hbm>> -> memref<160000x128xf32, #tpu.memory_space<hbm>>
      tpu.wait_indirect_dma semaphore(%arg11 : memref<!tpu.dma_semaphore, #tpu.memory_space<semaphore_mem>>) src(%dma_wait3A_56 : memref<160000x128xf32, #tpu.memory_space<hbm>>) dst(%arg8 : memref<512x128xf32, #tpu.memory_space<vmem>>)
      %mul3A_57 = arith.constant 512 : i32
      %mul3A_58 = arith.muli %while3A_40, %mul3A_57 : i32
      %sub3A_59 = arith.subi %squeeze3A, %mul3A_58 : i32
      %min3A = arith.constant 512 : i32
      %min3A_60 = arith.minsi %min3A, %sub3A_59 : i32
      %while3A_61 = arith.constant 0 : i32
      %while3A_62 = arith.constant 0 : i32
      %while3A_63 = arith.subi %min3A_60, %while3A_62 : i32
      %while3A_64 = arith.addi %while3A_62, %while3A_63 : i32
      %while3A_65 = arith.constant 1 : i32
      %while3A_66 = arith.divsi %while3A_63, %while3A_65 : i32
      %while3A_67 = arith.muli %while3A_66, %while3A_65 : i32
      %while3A_68 = arith.addi %while3A_62, %while3A_67 : i32
      %while3A_69 = arith.constant 1 : i32
      scf.for %while3A_71 = %while3A_62 to %while3A_68 step %while3A_69  : i32 {
        %broadcast_in_dim3A = vector.broadcast %while3A_71 : i32 to vector<16xi32>
        %gather3A = tpu.vector_load_idx %arg6[%broadcast_in_dim3A] : memref<512xi32, #tpu.memory_space<vmem>>[vector<16xi32>], vector<16xi32>,
        %and3A_72 = arith.constant 511 : i32
        %and3A_73 = vector.broadcast %and3A_72 : i32 to vector<16xi32>
        %and3A_74 = arith.andi %gather3A, %and3A_73 : vector<16xi32>
        %shift_right_arithmetic3A = arith.constant 9 : i32
        %shift_right_arithmetic3A_75 = vector.broadcast %shift_right_arithmetic3A : i32 to vector<16xi32>
        %shift_right_arithmetic3A_76 = arith.shrsi %gather3A, %shift_right_arithmetic3A_75 : vector<16xi32>
        %shift_right_arithmetic3A_77 = arith.constant 1 : i32
        %shift_right_arithmetic3A_78 = vector.broadcast %shift_right_arithmetic3A_77 : i32 to vector<16xi32>
        %shift_right_arithmetic3A_79 = arith.shrsi %and3A_74, %shift_right_arithmetic3A_78 : vector<16xi32>
        %and3A_80 = arith.constant 1 : i32
        %and3A_81 = vector.broadcast %and3A_80 : i32 to vector<16xi32>
        %and3A_82 = arith.andi %and3A_74, %and3A_81 : vector<16xi32>
        %mul3A_83 = arith.constant 64 : i32
        %mul3A_84 = vector.broadcast %mul3A_83 : i32 to vector<16xi32>
        %mul3A_85 = arith.muli %and3A_82, %mul3A_84 : vector<16xi32>
        %ge3A = arith.constant 160000 : i32
        %ge3A_86 = vector.broadcast %ge3A : i32 to vector<16xi32>
        %ge3A_87 = arith.cmpi sge, %shift_right_arithmetic3A_76, %ge3A_86 : vector<16xi32>
        %jit3A_88 = arith.constant 64 : i32
        %jit3A_89 = arith.constant 0 : i32
        %broadcast_in_dim3A_90 = vector.broadcast %jit3A_88 : i32 to vector<16xi32>
        %broadcast_in_dim3A_91 = vector.broadcast %jit3A_89 : i32 to vector<16xi32>
        %select_n3A_92 = arith.select %ge3A_87, %broadcast_in_dim3A_90, %broadcast_in_dim3A_91 : vector<16xi1>, vector<16xi32>
        %add3A_93 = arith.constant 0 : i32
        %add3A_94 = vector.broadcast %add3A_93 : i32 to vector<16xi32>
        %add3A_95 = arith.addi %select_n3A_92, %add3A_94 : vector<16xi32>
        %add3A_96 = arith.addi %add3A_95, %iota3A : vector<16xi32>
        %add3A_97 = arith.constant 0 : i32
        %add3A_98 = vector.broadcast %add3A_97 : i32 to vector<16xi32>
        %add3A_99 = arith.addi %mul3A_85, %add3A_98 : vector<16xi32>
        %add3A_100 = arith.addi %add3A_99, %iota3A : vector<16xi32>
        %gather3A_101 = tpu.vector_load_idx %arg8[%broadcast_in_dim3A, %add3A_96] : memref<512x128xf32, #tpu.memory_space<vmem>>[vector<16xi32>, vector<16xi32>], vector<16xf32>,
        %gather3A_102 = tpu.vector_load_idx %arg10[%shift_right_arithmetic3A_79, %add3A_100] : memref<160x128xf32, #tpu.memory_space<vmem>>[vector<16xi32>, vector<16xi32>], vector<16xf32>,
        %max3A = arith.maximumf %gather3A_102, %gather3A_101 : vector<16xf32>
        tpu.vector_store_idx %arg10[%shift_right_arithmetic3A_79, %add3A_100], %max3A : memref<160x128xf32, #tpu.memory_space<vmem>>[vector<16xi32>, vector<16xi32>], vector<16xf32>,
        %add3A_103 = arith.constant 16 : i32
        %add3A_104 = vector.broadcast %add3A_103 : i32 to vector<16xi32>
        %add3A_105 = arith.addi %select_n3A_92, %add3A_104 : vector<16xi32>
        %add3A_106 = arith.addi %add3A_105, %iota3A : vector<16xi32>
        %add3A_107 = arith.constant 16 : i32
        %add3A_108 = vector.broadcast %add3A_107 : i32 to vector<16xi32>
        %add3A_109 = arith.addi %mul3A_85, %add3A_108 : vector<16xi32>
        %add3A_110 = arith.addi %add3A_109, %iota3A : vector<16xi32>
        %gather3A_111 = tpu.vector_load_idx %arg8[%broadcast_in_dim3A, %add3A_106] : memref<512x128xf32, #tpu.memory_space<vmem>>[vector<16xi32>, vector<16xi32>], vector<16xf32>,
        %gather3A_112 = tpu.vector_load_idx %arg10[%shift_right_arithmetic3A_79, %add3A_110] : memref<160x128xf32, #tpu.memory_space<vmem>>[vector<16xi32>, vector<16xi32>], vector<16xf32>,
        %max3A_113 = arith.maximumf %gather3A_112, %gather3A_111 : vector<16xf32>
        tpu.vector_store_idx %arg10[%shift_right_arithmetic3A_79, %add3A_110], %max3A_113 : memref<160x128xf32, #tpu.memory_space<vmem>>[vector<16xi32>, vector<16xi32>], vector<16xf32>,
        %add3A_114 = arith.constant 32 : i32
        %add3A_115 = vector.broadcast %add3A_114 : i32 to vector<16xi32>
        %add3A_116 = arith.addi %select_n3A_92, %add3A_115 : vector<16xi32>
        %add3A_117 = arith.addi %add3A_116, %iota3A : vector<16xi32>
        %add3A_118 = arith.constant 32 : i32
        %add3A_119 = vector.broadcast %add3A_118 : i32 to vector<16xi32>
        %add3A_120 = arith.addi %mul3A_85, %add3A_119 : vector<16xi32>
        %add3A_121 = arith.addi %add3A_120, %iota3A : vector<16xi32>
        %gather3A_122 = tpu.vector_load_idx %arg8[%broadcast_in_dim3A, %add3A_117] : memref<512x128xf32, #tpu.memory_space<vmem>>[vector<16xi32>, vector<16xi32>], vector<16xf32>,
        %gather3A_123 = tpu.vector_load_idx %arg10[%shift_right_arithmetic3A_79, %add3A_121] : memref<160x128xf32, #tpu.memory_space<vmem>>[vector<16xi32>, vector<16xi32>], vector<16xf32>,
        %max3A_124 = arith.maximumf %gather3A_123, %gather3A_122 : vector<16xf32>
        tpu.vector_store_idx %arg10[%shift_right_arithmetic3A_79, %add3A_121], %max3A_124 : memref<160x128xf32, #tpu.memory_space<vmem>>[vector<16xi32>, vector<16xi32>], vector<16xf32>,
        %add3A_125 = arith.constant 48 : i32
        %add3A_126 = vector.broadcast %add3A_125 : i32 to vector<16xi32>
        %add3A_127 = arith.addi %select_n3A_92, %add3A_126 : vector<16xi32>
        %add3A_128 = arith.addi %add3A_127, %iota3A : vector<16xi32>
        %add3A_129 = arith.constant 48 : i32
        %add3A_130 = vector.broadcast %add3A_129 : i32 to vector<16xi32>
        %add3A_131 = arith.addi %mul3A_85, %add3A_130 : vector<16xi32>
        %add3A_132 = arith.addi %add3A_131, %iota3A : vector<16xi32>
        %gather3A_133 = tpu.vector_load_idx %arg8[%broadcast_in_dim3A, %add3A_128] : memref<512x128xf32, #tpu.memory_space<vmem>>[vector<16xi32>, vector<16xi32>], vector<16xf32>,
        %gather3A_134 = tpu.vector_load_idx %arg10[%shift_right_arithmetic3A_79, %add3A_132] : memref<160x128xf32, #tpu.memory_space<vmem>>[vector<16xi32>, vector<16xi32>], vector<16xf32>,
        %max3A_135 = arith.maximumf %gather3A_134, %gather3A_133 : vector<16xf32>
        tpu.vector_store_idx %arg10[%shift_right_arithmetic3A_79, %add3A_132], %max3A_135 : memref<160x128xf32, #tpu.memory_space<vmem>>[vector<16xi32>, vector<16xi32>], vector<16xf32>,
      }
      %while3A_70 = arith.constant 1 : i32
      scf.for %while3A_71 = %while3A_68 to %while3A_64 step %while3A_70  : i32 {
        %broadcast_in_dim3A = vector.broadcast %while3A_71 : i32 to vector<16xi32>
        %gather3A = tpu.vector_load_idx %arg6[%broadcast_in_dim3A] : memref<512xi32, #tpu.memory_space<vmem>>[vector<16xi32>], vector<16xi32>,
        %and3A_72 = arith.constant 511 : i32
        %and3A_73 = vector.broadcast %and3A_72 : i32 to vector<16xi32>
        %and3A_74 = arith.andi %gather3A, %and3A_73 : vector<16xi32>
        %shift_right_arithmetic3A = arith.constant 9 : i32
        %shift_right_arithmetic3A_75 = vector.broadcast %shift_right_arithmetic3A : i32 to vector<16xi32>
        %shift_right_arithmetic3A_76 = arith.shrsi %gather3A, %shift_right_arithmetic3A_75 : vector<16xi32>
        %shift_right_arithmetic3A_77 = arith.constant 1 : i32
        %shift_right_arithmetic3A_78 = vector.broadcast %shift_right_arithmetic3A_77 : i32 to vector<16xi32>
        %shift_right_arithmetic3A_79 = arith.shrsi %and3A_74, %shift_right_arithmetic3A_78 : vector<16xi32>
        %and3A_80 = arith.constant 1 : i32
        %and3A_81 = vector.broadcast %and3A_80 : i32 to vector<16xi32>
        %and3A_82 = arith.andi %and3A_74, %and3A_81 : vector<16xi32>
        %mul3A_83 = arith.constant 64 : i32
        %mul3A_84 = vector.broadcast %mul3A_83 : i32 to vector<16xi32>
        %mul3A_85 = arith.muli %and3A_82, %mul3A_84 : vector<16xi32>
        %ge3A = arith.constant 160000 : i32
        %ge3A_86 = vector.broadcast %ge3A : i32 to vector<16xi32>
        %ge3A_87 = arith.cmpi sge, %shift_right_arithmetic3A_76, %ge3A_86 : vector<16xi32>
        %jit3A_88 = arith.constant 64 : i32
        %jit3A_89 = arith.constant 0 : i32
        %broadcast_in_dim3A_90 = vector.broadcast %jit3A_88 : i32 to vector<16xi32>
        %broadcast_in_dim3A_91 = vector.broadcast %jit3A_89 : i32 to vector<16xi32>
        %select_n3A_92 = arith.select %ge3A_87, %broadcast_in_dim3A_90, %broadcast_in_dim3A_91 : vector<16xi1>, vector<16xi32>
        %add3A_93 = arith.constant 0 : i32
        %add3A_94 = vector.broadcast %add3A_93 : i32 to vector<16xi32>
        %add3A_95 = arith.addi %select_n3A_92, %add3A_94 : vector<16xi32>
        %add3A_96 = arith.addi %add3A_95, %iota3A : vector<16xi32>
        %add3A_97 = arith.constant 0 : i32
        %add3A_98 = vector.broadcast %add3A_97 : i32 to vector<16xi32>
        %add3A_99 = arith.addi %mul3A_85, %add3A_98 : vector<16xi32>
        %add3A_100 = arith.addi %add3A_99, %iota3A : vector<16xi32>
        %gather3A_101 = tpu.vector_load_idx %arg8[%broadcast_in_dim3A, %add3A_96] : memref<512x128xf32, #tpu.memory_space<vmem>>[vector<16xi32>, vector<16xi32>], vector<16xf32>,
        %gather3A_102 = tpu.vector_load_idx %arg10[%shift_right_arithmetic3A_79, %add3A_100] : memref<160x128xf32, #tpu.memory_space<vmem>>[vector<16xi32>, vector<16xi32>], vector<16xf32>,
        %max3A = arith.maximumf %gather3A_102, %gather3A_101 : vector<16xf32>
        tpu.vector_store_idx %arg10[%shift_right_arithmetic3A_79, %add3A_100], %max3A : memref<160x128xf32, #tpu.memory_space<vmem>>[vector<16xi32>, vector<16xi32>], vector<16xf32>,
        %add3A_103 = arith.constant 16 : i32
        %add3A_104 = vector.broadcast %add3A_103 : i32 to vector<16xi32>
        %add3A_105 = arith.addi %select_n3A_92, %add3A_104 : vector<16xi32>
        %add3A_106 = arith.addi %add3A_105, %iota3A : vector<16xi32>
        %add3A_107 = arith.constant 16 : i32
        %add3A_108 = vector.broadcast %add3A_107 : i32 to vector<16xi32>
        %add3A_109 = arith.addi %mul3A_85, %add3A_108 : vector<16xi32>
        %add3A_110 = arith.addi %add3A_109, %iota3A : vector<16xi32>
        %gather3A_111 = tpu.vector_load_idx %arg8[%broadcast_in_dim3A, %add3A_106] : memref<512x128xf32, #tpu.memory_space<vmem>>[vector<16xi32>, vector<16xi32>], vector<16xf32>,
        %gather3A_112 = tpu.vector_load_idx %arg10[%shift_right_arithmetic3A_79, %add3A_110] : memref<160x128xf32, #tpu.memory_space<vmem>>[vector<16xi32>, vector<16xi32>], vector<16xf32>,
        %max3A_113 = arith.maximumf %gather3A_112, %gather3A_111 : vector<16xf32>
        tpu.vector_store_idx %arg10[%shift_right_arithmetic3A_79, %add3A_110], %max3A_113 : memref<160x128xf32, #tpu.memory_space<vmem>>[vector<16xi32>, vector<16xi32>], vector<16xf32>,
        %add3A_114 = arith.constant 32 : i32
        %add3A_115 = vector.broadcast %add3A_114 : i32 to vector<16xi32>
        %add3A_116 = arith.addi %select_n3A_92, %add3A_115 : vector<16xi32>
        %add3A_117 = arith.addi %add3A_116, %iota3A : vector<16xi32>
        %add3A_118 = arith.constant 32 : i32
        %add3A_119 = vector.broadcast %add3A_118 : i32 to vector<16xi32>
        %add3A_120 = arith.addi %mul3A_85, %add3A_119 : vector<16xi32>
        %add3A_121 = arith.addi %add3A_120, %iota3A : vector<16xi32>
        %gather3A_122 = tpu.vector_load_idx %arg8[%broadcast_in_dim3A, %add3A_117] : memref<512x128xf32, #tpu.memory_space<vmem>>[vector<16xi32>, vector<16xi32>], vector<16xf32>,
        %gather3A_123 = tpu.vector_load_idx %arg10[%shift_right_arithmetic3A_79, %add3A_121] : memref<160x128xf32, #tpu.memory_space<vmem>>[vector<16xi32>, vector<16xi32>], vector<16xf32>,
        %max3A_124 = arith.maximumf %gather3A_123, %gather3A_122 : vector<16xf32>
        tpu.vector_store_idx %arg10[%shift_right_arithmetic3A_79, %add3A_121], %max3A_124 : memref<160x128xf32, #tpu.memory_space<vmem>>[vector<16xi32>, vector<16xi32>], vector<16xf32>,
        %add3A_125 = arith.constant 48 : i32
        %add3A_126 = vector.broadcast %add3A_125 : i32 to vector<16xi32>
        %add3A_127 = arith.addi %select_n3A_92, %add3A_126 : vector<16xi32>
        %add3A_128 = arith.addi %add3A_127, %iota3A : vector<16xi32>
        %add3A_129 = arith.constant 48 : i32
        %add3A_130 = vector.broadcast %add3A_129 : i32 to vector<16xi32>
        %add3A_131 = arith.addi %mul3A_85, %add3A_130 : vector<16xi32>
        %add3A_132 = arith.addi %add3A_131, %iota3A : vector<16xi32>
        %gather3A_133 = tpu.vector_load_idx %arg8[%broadcast_in_dim3A, %add3A_128] : memref<512x128xf32, #tpu.memory_space<vmem>>[vector<16xi32>, vector<16xi32>], vector<16xf32>,
        %gather3A_134 = tpu.vector_load_idx %arg10[%shift_right_arithmetic3A_79, %add3A_132] : memref<160x128xf32, #tpu.memory_space<vmem>>[vector<16xi32>, vector<16xi32>], vector<16xf32>,
        %max3A_135 = arith.maximumf %gather3A_134, %gather3A_133 : vector<16xf32>
        tpu.vector_store_idx %arg10[%shift_right_arithmetic3A_79, %add3A_132], %max3A_135 : memref<160x128xf32, #tpu.memory_space<vmem>>[vector<16xi32>, vector<16xi32>], vector<16xf32>,
      }
    }
    %while3A_37 = arith.constant 1 : i32
    scf.for %while3A_40 = %while3A_35 to %while3A_31 step %while3A_37  : i32 {
      %mul3A_41 = arith.constant 322048 : i32
      %mul3A_42 = arith.muli %add3A, %mul3A_41 : i32
      %mul3A_43 = arith.constant 512 : i32
      %mul3A_44 = arith.muli %while3A_40, %mul3A_43 : i32
      %add3A_45 = arith.addi %mul3A_42, %mul3A_44 : i32
      %multiple_of3A_46 = tpu.assume_multiple %add3A_45, 8 : i32
      "tpu.region"() ({
        %run_scoped3A = tpu.sem_alloc : memref<!tpu.dma_semaphore, #tpu.memory_space<semaphore_mem>>
        %dma_start3A_71 = tpu.memref_slice %arg2[%multiple_of3A_46] : memref<10305536xi32, #tpu.memory_space<hbm>> -> memref<512xi32, #tpu.memory_space<hbm>>
        %dma_start3A_72 = tpu.memref_slice %arg2[%multiple_of3A_46] : memref<10305536xi32, #tpu.memory_space<hbm>> -> memref<512xi32, #tpu.memory_space<hbm>>
        tpu.enqueue_dma source(%dma_start3A_72 : memref<512xi32, #tpu.memory_space<hbm>>) target(%arg6 : memref<512xi32, #tpu.memory_space<vmem>>) target_semaphore(%run_scoped3A : memref<!tpu.dma_semaphore, #tpu.memory_space<semaphore_mem>>)
        %dma_wait3A_73 = tpu.memref_slice %arg2[%multiple_of3A_46] : memref<10305536xi32, #tpu.memory_space<hbm>> -> memref<512xi32, #tpu.memory_space<hbm>>
        %dma_wait3A_74 = tpu.memref_slice %arg2[%multiple_of3A_46] : memref<10305536xi32, #tpu.memory_space<hbm>> -> memref<512xi32, #tpu.memory_space<hbm>>
        tpu.wait_dma2 semaphore(%run_scoped3A : memref<!tpu.dma_semaphore, #tpu.memory_space<semaphore_mem>>) src(%dma_wait3A_74 : memref<512xi32, #tpu.memory_space<hbm>>) dst(%arg6 : memref<512xi32, #tpu.memory_space<vmem>>)
        tpu.yield
      }) : () -> ()
      %scan3A_47 = arith.constant 0 : i32
      %scan3A_48 = arith.constant 0 : i32
      %scan3A_49 = arith.constant 32 : i32
      %scan3A_50 = arith.addi %scan3A_48, %scan3A_49 : i32
      %scan3A_51 = arith.constant 1 : i32
      scf.for %scan3A_71 = %scan3A_48 to %scan3A_50 step %scan3A_51  : i32 {
        %mul3A_72 = arith.constant 16 : i32
        %mul3A_73 = arith.muli %scan3A_71, %mul3A_72 : i32
        %get3A_74 = arith.index_cast %mul3A_73 : i32 to index
        %get3A_75 = tpu.vector_load %arg6[%get3A_74] {strides = array<i32>} : memref<512xi32, #tpu.memory_space<vmem>>, vector<16xi32>,
        %mul3A_76 = arith.constant 512 : i32
        %mul3A_77 = arith.muli %while3A_40, %mul3A_76 : i32
        %mul3A_78 = arith.constant 16 : i32
        %mul3A_79 = arith.muli %scan3A_71, %mul3A_78 : i32
        %add3A_80 = arith.addi %mul3A_77, %mul3A_79 : i32
        %add3A_81 = vector.broadcast %add3A_80 : i32 to vector<16xi32>
        %add3A_82 = arith.addi %add3A_81, %iota3A : vector<16xi32>
        %lt3A = vector.broadcast %squeeze3A : i32 to vector<16xi32>
        %lt3A_83 = arith.cmpi slt, %add3A_82, %lt3A : vector<16xi32>
        %shift_right_arithmetic3A = arith.constant 9 : i32
        %shift_right_arithmetic3A_84 = vector.broadcast %shift_right_arithmetic3A : i32 to vector<16xi32>
        %shift_right_arithmetic3A_85 = arith.shrsi %get3A_75, %shift_right_arithmetic3A_84 : vector<16xi32>
        %ge3A = arith.constant 160000 : i32
        %ge3A_86 = vector.broadcast %ge3A : i32 to vector<16xi32>
        %ge3A_87 = arith.cmpi sge, %shift_right_arithmetic3A_85, %ge3A_86 : vector<16xi32>
        %jit3A_88 = arith.constant 160000 : i32
        %jit3A_89 = arith.constant 0 : i32
        %broadcast_in_dim3A = vector.broadcast %jit3A_88 : i32 to vector<16xi32>
        %broadcast_in_dim3A_90 = vector.broadcast %jit3A_89 : i32 to vector<16xi32>
        %select_n3A_91 = arith.select %ge3A_87, %broadcast_in_dim3A, %broadcast_in_dim3A_90 : vector<16xi1>, vector<16xi32>
        %sub3A_92 = arith.subi %shift_right_arithmetic3A_85, %select_n3A_91 : vector<16xi32>
        %jit3A_93 = arith.constant 0 : i32
        %broadcast_in_dim3A_94 = vector.broadcast %jit3A_93 : i32 to vector<16xi32>
        %select_n3A_95 = arith.select %lt3A_83, %sub3A_92, %broadcast_in_dim3A_94 : vector<16xi1>, vector<16xi32>
        %mul3A_96 = arith.constant 16 : i32
        %mul3A_97 = arith.muli %scan3A_71, %mul3A_96 : i32
        %swap3A = arith.index_cast %mul3A_97 : i32 to index
        %swap3A_98 = tpu.vector_load %arg7[%swap3A] {strides = array<i32>} : memref<512xi32, #tpu.memory_space<vmem>>, vector<16xi32>,
        tpu.vector_store %arg7[%swap3A], %select_n3A_95 {strides = array<i32>} : memref<512xi32, #tpu.memory_space<vmem>>, vector<16xi32>,
      }
      %scan3A_52 = arith.constant 32 : i32
      %dma_start3A = arith.constant 0 : i32
      %dma_start3A_53 = arith.constant 0 : i32
      %dma_start3A_54 = tpu.memref_slice %arg4[%dma_start3A, %dma_start3A_53] : memref<160000x128xf32, #tpu.memory_space<hbm>> -> memref<160000x128xf32, #tpu.memory_space<hbm>>
      tpu.enqueue_indirect_dma source(%dma_start3A_54 : memref<160000x128xf32, #tpu.memory_space<hbm>>) target(%arg8 : memref<512x128xf32, #tpu.memory_space<vmem>>) offsets(%arg7 : memref<512xi32, #tpu.memory_space<vmem>>) semaphore(%arg11 : memref<!tpu.dma_semaphore, #tpu.memory_space<semaphore_mem>>)
      %dma_wait3A = arith.constant 0 : i32
      %dma_wait3A_55 = arith.constant 0 : i32
      %dma_wait3A_56 = tpu.memref_slice %arg4[%dma_wait3A, %dma_wait3A_55] : memref<160000x128xf32, #tpu.memory_space<hbm>> -> memref<160000x128xf32, #tpu.memory_space<hbm>>
      tpu.wait_indirect_dma semaphore(%arg11 : memref<!tpu.dma_semaphore, #tpu.memory_space<semaphore_mem>>) src(%dma_wait3A_56 : memref<160000x128xf32, #tpu.memory_space<hbm>>) dst(%arg8 : memref<512x128xf32, #tpu.memory_space<vmem>>)
      %mul3A_57 = arith.constant 512 : i32
      %mul3A_58 = arith.muli %while3A_40, %mul3A_57 : i32
      %sub3A_59 = arith.subi %squeeze3A, %mul3A_58 : i32
      %min3A = arith.constant 512 : i32
      %min3A_60 = arith.minsi %min3A, %sub3A_59 : i32
      %while3A_61 = arith.constant 0 : i32
      %while3A_62 = arith.constant 0 : i32
      %while3A_63 = arith.subi %min3A_60, %while3A_62 : i32
      %while3A_64 = arith.addi %while3A_62, %while3A_63 : i32
      %while3A_65 = arith.constant 1 : i32
      %while3A_66 = arith.divsi %while3A_63, %while3A_65 : i32
      %while3A_67 = arith.muli %while3A_66, %while3A_65 : i32
      %while3A_68 = arith.addi %while3A_62, %while3A_67 : i32
      %while3A_69 = arith.constant 1 : i32
      scf.for %while3A_71 = %while3A_62 to %while3A_68 step %while3A_69  : i32 {
        %broadcast_in_dim3A = vector.broadcast %while3A_71 : i32 to vector<16xi32>
        %gather3A = tpu.vector_load_idx %arg6[%broadcast_in_dim3A] : memref<512xi32, #tpu.memory_space<vmem>>[vector<16xi32>], vector<16xi32>,
        %and3A_72 = arith.constant 511 : i32
        %and3A_73 = vector.broadcast %and3A_72 : i32 to vector<16xi32>
        %and3A_74 = arith.andi %gather3A, %and3A_73 : vector<16xi32>
        %shift_right_arithmetic3A = arith.constant 9 : i32
        %shift_right_arithmetic3A_75 = vector.broadcast %shift_right_arithmetic3A : i32 to vector<16xi32>
        %shift_right_arithmetic3A_76 = arith.shrsi %gather3A, %shift_right_arithmetic3A_75 : vector<16xi32>
        %shift_right_arithmetic3A_77 = arith.constant 1 : i32
        %shift_right_arithmetic3A_78 = vector.broadcast %shift_right_arithmetic3A_77 : i32 to vector<16xi32>
        %shift_right_arithmetic3A_79 = arith.shrsi %and3A_74, %shift_right_arithmetic3A_78 : vector<16xi32>
        %and3A_80 = arith.constant 1 : i32
        %and3A_81 = vector.broadcast %and3A_80 : i32 to vector<16xi32>
        %and3A_82 = arith.andi %and3A_74, %and3A_81 : vector<16xi32>
        %mul3A_83 = arith.constant 64 : i32
        %mul3A_84 = vector.broadcast %mul3A_83 : i32 to vector<16xi32>
        %mul3A_85 = arith.muli %and3A_82, %mul3A_84 : vector<16xi32>
        %ge3A = arith.constant 160000 : i32
        %ge3A_86 = vector.broadcast %ge3A : i32 to vector<16xi32>
        %ge3A_87 = arith.cmpi sge, %shift_right_arithmetic3A_76, %ge3A_86 : vector<16xi32>
        %jit3A_88 = arith.constant 64 : i32
        %jit3A_89 = arith.constant 0 : i32
        %broadcast_in_dim3A_90 = vector.broadcast %jit3A_88 : i32 to vector<16xi32>
        %broadcast_in_dim3A_91 = vector.broadcast %jit3A_89 : i32 to vector<16xi32>
        %select_n3A_92 = arith.select %ge3A_87, %broadcast_in_dim3A_90, %broadcast_in_dim3A_91 : vector<16xi1>, vector<16xi32>
        %add3A_93 = arith.constant 0 : i32
        %add3A_94 = vector.broadcast %add3A_93 : i32 to vector<16xi32>
        %add3A_95 = arith.addi %select_n3A_92, %add3A_94 : vector<16xi32>
        %add3A_96 = arith.addi %add3A_95, %iota3A : vector<16xi32>
        %add3A_97 = arith.constant 0 : i32
        %add3A_98 = vector.broadcast %add3A_97 : i32 to vector<16xi32>
        %add3A_99 = arith.addi %mul3A_85, %add3A_98 : vector<16xi32>
        %add3A_100 = arith.addi %add3A_99, %iota3A : vector<16xi32>
        %gather3A_101 = tpu.vector_load_idx %arg8[%broadcast_in_dim3A, %add3A_96] : memref<512x128xf32, #tpu.memory_space<vmem>>[vector<16xi32>, vector<16xi32>], vector<16xf32>,
        %gather3A_102 = tpu.vector_load_idx %arg10[%shift_right_arithmetic3A_79, %add3A_100] : memref<160x128xf32, #tpu.memory_space<vmem>>[vector<16xi32>, vector<16xi32>], vector<16xf32>,
        %max3A = arith.maximumf %gather3A_102, %gather3A_101 : vector<16xf32>
        tpu.vector_store_idx %arg10[%shift_right_arithmetic3A_79, %add3A_100], %max3A : memref<160x128xf32, #tpu.memory_space<vmem>>[vector<16xi32>, vector<16xi32>], vector<16xf32>,
        %add3A_103 = arith.constant 16 : i32
        %add3A_104 = vector.broadcast %add3A_103 : i32 to vector<16xi32>
        %add3A_105 = arith.addi %select_n3A_92, %add3A_104 : vector<16xi32>
        %add3A_106 = arith.addi %add3A_105, %iota3A : vector<16xi32>
        %add3A_107 = arith.constant 16 : i32
        %add3A_108 = vector.broadcast %add3A_107 : i32 to vector<16xi32>
        %add3A_109 = arith.addi %mul3A_85, %add3A_108 : vector<16xi32>
        %add3A_110 = arith.addi %add3A_109, %iota3A : vector<16xi32>
        %gather3A_111 = tpu.vector_load_idx %arg8[%broadcast_in_dim3A, %add3A_106] : memref<512x128xf32, #tpu.memory_space<vmem>>[vector<16xi32>, vector<16xi32>], vector<16xf32>,
        %gather3A_112 = tpu.vector_load_idx %arg10[%shift_right_arithmetic3A_79, %add3A_110] : memref<160x128xf32, #tpu.memory_space<vmem>>[vector<16xi32>, vector<16xi32>], vector<16xf32>,
        %max3A_113 = arith.maximumf %gather3A_112, %gather3A_111 : vector<16xf32>
        tpu.vector_store_idx %arg10[%shift_right_arithmetic3A_79, %add3A_110], %max3A_113 : memref<160x128xf32, #tpu.memory_space<vmem>>[vector<16xi32>, vector<16xi32>], vector<16xf32>,
        %add3A_114 = arith.constant 32 : i32
        %add3A_115 = vector.broadcast %add3A_114 : i32 to vector<16xi32>
        %add3A_116 = arith.addi %select_n3A_92, %add3A_115 : vector<16xi32>
        %add3A_117 = arith.addi %add3A_116, %iota3A : vector<16xi32>
        %add3A_118 = arith.constant 32 : i32
        %add3A_119 = vector.broadcast %add3A_118 : i32 to vector<16xi32>
        %add3A_120 = arith.addi %mul3A_85, %add3A_119 : vector<16xi32>
        %add3A_121 = arith.addi %add3A_120, %iota3A : vector<16xi32>
        %gather3A_122 = tpu.vector_load_idx %arg8[%broadcast_in_dim3A, %add3A_117] : memref<512x128xf32, #tpu.memory_space<vmem>>[vector<16xi32>, vector<16xi32>], vector<16xf32>,
        %gather3A_123 = tpu.vector_load_idx %arg10[%shift_right_arithmetic3A_79, %add3A_121] : memref<160x128xf32, #tpu.memory_space<vmem>>[vector<16xi32>, vector<16xi32>], vector<16xf32>,
        %max3A_124 = arith.maximumf %gather3A_123, %gather3A_122 : vector<16xf32>
        tpu.vector_store_idx %arg10[%shift_right_arithmetic3A_79, %add3A_121], %max3A_124 : memref<160x128xf32, #tpu.memory_space<vmem>>[vector<16xi32>, vector<16xi32>], vector<16xf32>,
        %add3A_125 = arith.constant 48 : i32
        %add3A_126 = vector.broadcast %add3A_125 : i32 to vector<16xi32>
        %add3A_127 = arith.addi %select_n3A_92, %add3A_126 : vector<16xi32>
        %add3A_128 = arith.addi %add3A_127, %iota3A : vector<16xi32>
        %add3A_129 = arith.constant 48 : i32
        %add3A_130 = vector.broadcast %add3A_129 : i32 to vector<16xi32>
        %add3A_131 = arith.addi %mul3A_85, %add3A_130 : vector<16xi32>
        %add3A_132 = arith.addi %add3A_131, %iota3A : vector<16xi32>
        %gather3A_133 = tpu.vector_load_idx %arg8[%broadcast_in_dim3A, %add3A_128] : memref<512x128xf32, #tpu.memory_space<vmem>>[vector<16xi32>, vector<16xi32>], vector<16xf32>,
        %gather3A_134 = tpu.vector_load_idx %arg10[%shift_right_arithmetic3A_79, %add3A_132] : memref<160x128xf32, #tpu.memory_space<vmem>>[vector<16xi32>, vector<16xi32>], vector<16xf32>,
        %max3A_135 = arith.maximumf %gather3A_134, %gather3A_133 : vector<16xf32>
        tpu.vector_store_idx %arg10[%shift_right_arithmetic3A_79, %add3A_132], %max3A_135 : memref<160x128xf32, #tpu.memory_space<vmem>>[vector<16xi32>, vector<16xi32>], vector<16xf32>,
      }
      %while3A_70 = arith.constant 1 : i32
      scf.for %while3A_71 = %while3A_68 to %while3A_64 step %while3A_70  : i32 {
        %broadcast_in_dim3A = vector.broadcast %while3A_71 : i32 to vector<16xi32>
        %gather3A = tpu.vector_load_idx %arg6[%broadcast_in_dim3A] : memref<512xi32, #tpu.memory_space<vmem>>[vector<16xi32>], vector<16xi32>,
        %and3A_72 = arith.constant 511 : i32
        %and3A_73 = vector.broadcast %and3A_72 : i32 to vector<16xi32>
        %and3A_74 = arith.andi %gather3A, %and3A_73 : vector<16xi32>
        %shift_right_arithmetic3A = arith.constant 9 : i32
        %shift_right_arithmetic3A_75 = vector.broadcast %shift_right_arithmetic3A : i32 to vector<16xi32>
        %shift_right_arithmetic3A_76 = arith.shrsi %gather3A, %shift_right_arithmetic3A_75 : vector<16xi32>
        %shift_right_arithmetic3A_77 = arith.constant 1 : i32
        %shift_right_arithmetic3A_78 = vector.broadcast %shift_right_arithmetic3A_77 : i32 to vector<16xi32>
        %shift_right_arithmetic3A_79 = arith.shrsi %and3A_74, %shift_right_arithmetic3A_78 : vector<16xi32>
        %and3A_80 = arith.constant 1 : i32
        %and3A_81 = vector.broadcast %and3A_80 : i32 to vector<16xi32>
        %and3A_82 = arith.andi %and3A_74, %and3A_81 : vector<16xi32>
        %mul3A_83 = arith.constant 64 : i32
        %mul3A_84 = vector.broadcast %mul3A_83 : i32 to vector<16xi32>
        %mul3A_85 = arith.muli %and3A_82, %mul3A_84 : vector<16xi32>
        %ge3A = arith.constant 160000 : i32
        %ge3A_86 = vector.broadcast %ge3A : i32 to vector<16xi32>
        %ge3A_87 = arith.cmpi sge, %shift_right_arithmetic3A_76, %ge3A_86 : vector<16xi32>
        %jit3A_88 = arith.constant 64 : i32
        %jit3A_89 = arith.constant 0 : i32
        %broadcast_in_dim3A_90 = vector.broadcast %jit3A_88 : i32 to vector<16xi32>
        %broadcast_in_dim3A_91 = vector.broadcast %jit3A_89 : i32 to vector<16xi32>
        %select_n3A_92 = arith.select %ge3A_87, %broadcast_in_dim3A_90, %broadcast_in_dim3A_91 : vector<16xi1>, vector<16xi32>
        %add3A_93 = arith.constant 0 : i32
        %add3A_94 = vector.broadcast %add3A_93 : i32 to vector<16xi32>
        %add3A_95 = arith.addi %select_n3A_92, %add3A_94 : vector<16xi32>
        %add3A_96 = arith.addi %add3A_95, %iota3A : vector<16xi32>
        %add3A_97 = arith.constant 0 : i32
        %add3A_98 = vector.broadcast %add3A_97 : i32 to vector<16xi32>
        %add3A_99 = arith.addi %mul3A_85, %add3A_98 : vector<16xi32>
        %add3A_100 = arith.addi %add3A_99, %iota3A : vector<16xi32>
        %gather3A_101 = tpu.vector_load_idx %arg8[%broadcast_in_dim3A, %add3A_96] : memref<512x128xf32, #tpu.memory_space<vmem>>[vector<16xi32>, vector<16xi32>], vector<16xf32>,
        %gather3A_102 = tpu.vector_load_idx %arg10[%shift_right_arithmetic3A_79, %add3A_100] : memref<160x128xf32, #tpu.memory_space<vmem>>[vector<16xi32>, vector<16xi32>], vector<16xf32>,
        %max3A = arith.maximumf %gather3A_102, %gather3A_101 : vector<16xf32>
        tpu.vector_store_idx %arg10[%shift_right_arithmetic3A_79, %add3A_100], %max3A : memref<160x128xf32, #tpu.memory_space<vmem>>[vector<16xi32>, vector<16xi32>], vector<16xf32>,
        %add3A_103 = arith.constant 16 : i32
        %add3A_104 = vector.broadcast %add3A_103 : i32 to vector<16xi32>
        %add3A_105 = arith.addi %select_n3A_92, %add3A_104 : vector<16xi32>
        %add3A_106 = arith.addi %add3A_105, %iota3A : vector<16xi32>
        %add3A_107 = arith.constant 16 : i32
        %add3A_108 = vector.broadcast %add3A_107 : i32 to vector<16xi32>
        %add3A_109 = arith.addi %mul3A_85, %add3A_108 : vector<16xi32>
        %add3A_110 = arith.addi %add3A_109, %iota3A : vector<16xi32>
        %gather3A_111 = tpu.vector_load_idx %arg8[%broadcast_in_dim3A, %add3A_106] : memref<512x128xf32, #tpu.memory_space<vmem>>[vector<16xi32>, vector<16xi32>], vector<16xf32>,
        %gather3A_112 = tpu.vector_load_idx %arg10[%shift_right_arithmetic3A_79, %add3A_110] : memref<160x128xf32, #tpu.memory_space<vmem>>[vector<16xi32>, vector<16xi32>], vector<16xf32>,
        %max3A_113 = arith.maximumf %gather3A_112, %gather3A_111 : vector<16xf32>
        tpu.vector_store_idx %arg10[%shift_right_arithmetic3A_79, %add3A_110], %max3A_113 : memref<160x128xf32, #tpu.memory_space<vmem>>[vector<16xi32>, vector<16xi32>], vector<16xf32>,
        %add3A_114 = arith.constant 32 : i32
        %add3A_115 = vector.broadcast %add3A_114 : i32 to vector<16xi32>
        %add3A_116 = arith.addi %select_n3A_92, %add3A_115 : vector<16xi32>
        %add3A_117 = arith.addi %add3A_116, %iota3A : vector<16xi32>
        %add3A_118 = arith.constant 32 : i32
        %add3A_119 = vector.broadcast %add3A_118 : i32 to vector<16xi32>
        %add3A_120 = arith.addi %mul3A_85, %add3A_119 : vector<16xi32>
        %add3A_121 = arith.addi %add3A_120, %iota3A : vector<16xi32>
        %gather3A_122 = tpu.vector_load_idx %arg8[%broadcast_in_dim3A, %add3A_117] : memref<512x128xf32, #tpu.memory_space<vmem>>[vector<16xi32>, vector<16xi32>], vector<16xf32>,
        %gather3A_123 = tpu.vector_load_idx %arg10[%shift_right_arithmetic3A_79, %add3A_121] : memref<160x128xf32, #tpu.memory_space<vmem>>[vector<16xi32>, vector<16xi32>], vector<16xf32>,
        %max3A_124 = arith.maximumf %gather3A_123, %gather3A_122 : vector<16xf32>
        tpu.vector_store_idx %arg10[%shift_right_arithmetic3A_79, %add3A_121], %max3A_124 : memref<160x128xf32, #tpu.memory_space<vmem>>[vector<16xi32>, vector<16xi32>], vector<16xf32>,
        %add3A_125 = arith.constant 48 : i32
        %add3A_126 = vector.broadcast %add3A_125 : i32 to vector<16xi32>
        %add3A_127 = arith.addi %select_n3A_92, %add3A_126 : vector<16xi32>
        %add3A_128 = arith.addi %add3A_127, %iota3A : vector<16xi32>
        %add3A_129 = arith.constant 48 : i32
        %add3A_130 = vector.broadcast %add3A_129 : i32 to vector<16xi32>
        %add3A_131 = arith.addi %mul3A_85, %add3A_130 : vector<16xi32>
        %add3A_132 = arith.addi %add3A_131, %iota3A : vector<16xi32>
        %gather3A_133 = tpu.vector_load_idx %arg8[%broadcast_in_dim3A, %add3A_128] : memref<512x128xf32, #tpu.memory_space<vmem>>[vector<16xi32>, vector<16xi32>], vector<16xf32>,
        %gather3A_134 = tpu.vector_load_idx %arg10[%shift_right_arithmetic3A_79, %add3A_132] : memref<160x128xf32, #tpu.memory_space<vmem>>[vector<16xi32>, vector<16xi32>], vector<16xf32>,
        %max3A_135 = arith.maximumf %gather3A_134, %gather3A_133 : vector<16xf32>
        tpu.vector_store_idx %arg10[%shift_right_arithmetic3A_79, %add3A_132], %max3A_135 : memref<160x128xf32, #tpu.memory_space<vmem>>[vector<16xi32>, vector<16xi32>], vector<16xf32>,
      }
    }
    %mul3A_38 = arith.constant 160 : i32
    %mul3A_39 = arith.muli %add3A, %mul3A_38 : i32
    %multiple_of3A = tpu.assume_multiple %mul3A_39, 8 : i32
    "tpu.region"() ({
      %run_scoped3A = tpu.sem_alloc : memref<!tpu.dma_semaphore, #tpu.memory_space<semaphore_mem>>
      %dma_start3A = arith.constant 0 : i32
      %dma_start3A_40 = tpu.memref_slice %arg5[%multiple_of3A, %dma_start3A] : memref<5120x128xf32, #tpu.memory_space<hbm>> -> memref<160x128xf32, #tpu.memory_space<hbm>>
      %dma_start3A_41 = arith.constant 0 : i32
      %dma_start3A_42 = tpu.memref_slice %arg5[%multiple_of3A, %dma_start3A_41] : memref<5120x128xf32, #tpu.memory_space<hbm>> -> memref<160x128xf32, #tpu.memory_space<hbm>>
      tpu.enqueue_dma source(%arg10 : memref<160x128xf32, #tpu.memory_space<vmem>>) target(%dma_start3A_42 : memref<160x128xf32, #tpu.memory_space<hbm>>) target_semaphore(%run_scoped3A : memref<!tpu.dma_semaphore, #tpu.memory_space<semaphore_mem>>)
      %dma_wait3A = arith.constant 0 : i32
      %dma_wait3A_43 = tpu.memref_slice %arg5[%multiple_of3A, %dma_wait3A] : memref<5120x128xf32, #tpu.memory_space<hbm>> -> memref<160x128xf32, #tpu.memory_space<hbm>>
      %dma_wait3A_44 = arith.constant 0 : i32
      %dma_wait3A_45 = tpu.memref_slice %arg5[%multiple_of3A, %dma_wait3A_44] : memref<5120x128xf32, #tpu.memory_space<hbm>> -> memref<160x128xf32, #tpu.memory_space<hbm>>
      tpu.wait_dma2 semaphore(%run_scoped3A : memref<!tpu.dma_semaphore, #tpu.memory_space<semaphore_mem>>) src(%arg10 : memref<160x128xf32, #tpu.memory_space<vmem>>) dst(%dma_wait3A_45 : memref<160x128xf32, #tpu.memory_space<hbm>>)
      tpu.yield
    }) : () -> ()
    return
  }
}

#map = affine_map<(d0, d1) -> (0)>
module attributes {stable_mosaic.version = 14 : i64} {
  func.func @_sc_pack_body(%arg0: i32, %arg1: i32, %arg2: memref<320000xi32, #tpu.memory_space<hbm>>, %arg3: memref<10305536xi32, #tpu.memory_space<hbm>>, %arg4: memref<512xi32, #tpu.memory_space<hbm>>, %arg5: memref<2048xi32, #tpu.memory_space<vmem>>, %arg6: memref<4112xi32, #tpu.memory_space<vmem>>, %arg7: memref<16xi32, #tpu.memory_space<vmem>>, %arg8: memref<!tpu.dma_semaphore, #tpu.memory_space<semaphore_mem>>) attributes {dimension_semantics = [#tpu.dimension_semantics<core_parallel>, #tpu.dimension_semantics<subcore_parallel>], iteration_bounds = array<i64: 2, 16>, scalar_prefetch = 0 : i64, scratch_operands = 4 : i64, tpu.core_type = #tpu.core_type<sc_vector_subcore>, window_params = [{transform_indices = #map}, {transform_indices = #map}, {transform_indices = #map}]} {
    %mul3A = arith.constant 2 : i32
    %mul3A_0 = arith.muli %arg1, %mul3A : i32
    %add3A = arith.addi %mul3A_0, %arg0 : i32
    %mul3A_1 = arith.constant 320 : i32
    %mul3A_2 = arith.muli %add3A, %mul3A_1 : i32
    %mul3A_3 = arith.constant 322048 : i32
    %mul3A_4 = arith.muli %add3A, %mul3A_3 : i32
    %iota3A = tpu.iota {dimensions = array<i32: 0>} : vector<16xi32>
    %broadcast_in_dim3A = arith.constant 0 : i32
    %broadcast_in_dim3A_5 = vector.broadcast %broadcast_in_dim3A : i32 to vector<16xi32>
    %scan3A = arith.constant 0 : i32
    %scan3A_6 = arith.constant 0 : i32
    %scan3A_7 = arith.constant 0 : i32
    %scan3A_8 = arith.constant 156 : i32
    %scan3A_9 = arith.addi %scan3A_7, %scan3A_8 : i32
    %scan3A_10 = arith.constant 1 : i32
    %scan3A_11:3 = scf.for %scan3A_19 = %scan3A_7 to %scan3A_9 step %scan3A_10 iter_args(%scan3A_20 = %scan3A, %scan3A_21 = %scan3A_6, %scan3A_22 = %broadcast_in_dim3A_5) -> (i32, i32, vector<16xi32>)  : i32 {
      %mul3A_23 = arith.constant 2048 : i32
      %mul3A_24 = arith.muli %scan3A_19, %mul3A_23 : i32
      "tpu.region"() ({
        %run_scoped3A = tpu.sem_alloc : memref<!tpu.dma_semaphore, #tpu.memory_space<semaphore_mem>>
        %dma_start3A = tpu.memref_slice %arg2[%mul3A_24] : memref<320000xi32, #tpu.memory_space<hbm>> -> memref<2048xi32, #tpu.memory_space<hbm>>
        %dma_start3A_35 = tpu.memref_slice %arg2[%mul3A_24] : memref<320000xi32, #tpu.memory_space<hbm>> -> memref<2048xi32, #tpu.memory_space<hbm>>
        tpu.enqueue_dma source(%dma_start3A_35 : memref<2048xi32, #tpu.memory_space<hbm>>) target(%arg5 : memref<2048xi32, #tpu.memory_space<vmem>>) target_semaphore(%run_scoped3A : memref<!tpu.dma_semaphore, #tpu.memory_space<semaphore_mem>>)
        %dma_wait3A = tpu.memref_slice %arg2[%mul3A_24] : memref<320000xi32, #tpu.memory_space<hbm>> -> memref<2048xi32, #tpu.memory_space<hbm>>
        %dma_wait3A_36 = tpu.memref_slice %arg2[%mul3A_24] : memref<320000xi32, #tpu.memory_space<hbm>> -> memref<2048xi32, #tpu.memory_space<hbm>>
        tpu.wait_dma2 semaphore(%run_scoped3A : memref<!tpu.dma_semaphore, #tpu.memory_space<semaphore_mem>>) src(%dma_wait3A_36 : memref<2048xi32, #tpu.memory_space<hbm>>) dst(%arg5 : memref<2048xi32, #tpu.memory_space<vmem>>)
        tpu.yield
      }) : () -> ()
      %broadcast_in_dim3A_25 = vector.broadcast %scan3A_20 : i32 to vector<16xi32>
      %scan3A_26 = arith.constant 0 : i32
      %scan3A_27 = arith.constant 32 : i32
      %scan3A_28 = arith.addi %scan3A_26, %scan3A_27 : i32
      %scan3A_29 = arith.constant 1 : i32
      %scan3A_30:2 = scf.for %scan3A_35 = %scan3A_26 to %scan3A_28 step %scan3A_29 iter_args(%scan3A_36 = %broadcast_in_dim3A_25, %scan3A_37 = %scan3A_22) -> (vector<16xi32>, vector<16xi32>)  : i32 {
        %mul3A_38 = arith.constant 4 : i32
        %mul3A_39 = arith.muli %scan3A_35, %mul3A_38 : i32
        %add3A_40 = arith.constant 0 : i32
        %add3A_41 = arith.addi %mul3A_39, %add3A_40 : i32
        %mul3A_42 = arith.constant 16 : i32
        %mul3A_43 = arith.muli %add3A_41, %mul3A_42 : i32
        %get3A = arith.index_cast %mul3A_43 : i32 to index
        %get3A_44 = tpu.vector_load %arg5[%get3A] {strides = array<i32>} : memref<2048xi32, #tpu.memory_space<vmem>>, vector<16xi32>,
        %sub3A = vector.broadcast %mul3A_2 : i32 to vector<16xi32>
        %sub3A_45 = arith.subi %get3A_44, %sub3A : vector<16xi32>
        %ge3A_46 = arith.constant 0 : i32
        %ge3A_47 = vector.broadcast %ge3A_46 : i32 to vector<16xi32>
        %ge3A_48 = arith.cmpi sge, %sub3A_45, %ge3A_47 : vector<16xi32>
        %lt3A = arith.constant 320 : i32
        %lt3A_49 = vector.broadcast %lt3A : i32 to vector<16xi32>
        %lt3A_50 = arith.cmpi slt, %sub3A_45, %lt3A_49 : vector<16xi32>
        %and3A = arith.andi %ge3A_48, %lt3A_50 : vector<16xi1>
        %mul3A_51 = arith.constant 4 : i32
        %mul3A_52 = arith.muli %scan3A_35, %mul3A_51 : i32
        %add3A_53 = arith.constant 0 : i32
        %add3A_54 = arith.addi %mul3A_52, %add3A_53 : i32
        %mul3A_55 = arith.constant 16 : i32
        %mul3A_56 = arith.muli %add3A_54, %mul3A_55 : i32
        %add3A_57 = arith.addi %mul3A_24, %mul3A_56 : i32
        %add3A_58 = vector.broadcast %add3A_57 : i32 to vector<16xi32>
        %add3A_59 = arith.addi %add3A_58, %iota3A : vector<16xi32>
        %shift_left3A = arith.constant 9 : i32
        %shift_left3A_60 = vector.broadcast %shift_left3A : i32 to vector<16xi32>
        %shift_left3A_61 = arith.shli %add3A_59, %shift_left3A_60 : vector<16xi32>
        %jit3A = arith.constant 0 : i32
        %broadcast_in_dim3A_62 = vector.broadcast %jit3A : i32 to vector<16xi32>
        %select_n3A = arith.select %and3A, %sub3A_45, %broadcast_in_dim3A_62 : vector<16xi1>, vector<16xi32>
        %or3A = arith.ori %shift_left3A_61, %select_n3A : vector<16xi32>
        %masked_sort3A = arith.constant -2147483648 : i32
        %masked_sort3A_63 = vector.broadcast %masked_sort3A : i32 to vector<16xi32>
        %masked_sort3A_64 = arith.xori %iota3A, %masked_sort3A_63 : vector<16xi32>
        %masked_sort3A_65, %masked_sort3A_66, %masked_sort3A_67 = tpu.sort %masked_sort3A_64, %or3A masked %and3A : (vector<16xi32>, vector<16xi32>, vector<16xi1>) -> (vector<16xi1>, vector<16xi32>, vector<16xi32>)
        %masked_sort3A_68 = arith.xori %masked_sort3A_66, %masked_sort3A_63 : vector<16xi32>
        %add3A_69 = arith.addi %scan3A_36, %iota3A : vector<16xi32>
        tpu.vector_store_idx %arg6[%add3A_69], %masked_sort3A_67 : memref<4112xi32, #tpu.memory_space<vmem>>[vector<16xi32>], vector<16xi32>,
        %all_reduce_population_count3A = tpu.all_reduce %and3A {dim = 0 : i64, kind = #tpu.reduction_kind<sum>} : vector<16xi1> -> vector<16xi32>
        %add3A_70 = arith.addi %scan3A_36, %all_reduce_population_count3A : vector<16xi32>
        %add3A_71 = arith.addi %scan3A_37, %all_reduce_population_count3A : vector<16xi32>
        %mul3A_72 = arith.constant 4 : i32
        %mul3A_73 = arith.muli %scan3A_35, %mul3A_72 : i32
        %add3A_74 = arith.constant 1 : i32
        %add3A_75 = arith.addi %mul3A_73, %add3A_74 : i32
        %mul3A_76 = arith.constant 16 : i32
        %mul3A_77 = arith.muli %add3A_75, %mul3A_76 : i32
        %get3A_78 = arith.index_cast %mul3A_77 : i32 to index
        %get3A_79 = tpu.vector_load %arg5[%get3A_78] {strides = array<i32>} : memref<2048xi32, #tpu.memory_space<vmem>>, vector<16xi32>,
        %sub3A_80 = vector.broadcast %mul3A_2 : i32 to vector<16xi32>
        %sub3A_81 = arith.subi %get3A_79, %sub3A_80 : vector<16xi32>
        %ge3A_82 = arith.constant 0 : i32
        %ge3A_83 = vector.broadcast %ge3A_82 : i32 to vector<16xi32>
        %ge3A_84 = arith.cmpi sge, %sub3A_81, %ge3A_83 : vector<16xi32>
        %lt3A_85 = arith.constant 320 : i32
        %lt3A_86 = vector.broadcast %lt3A_85 : i32 to vector<16xi32>
        %lt3A_87 = arith.cmpi slt, %sub3A_81, %lt3A_86 : vector<16xi32>
        %and3A_88 = arith.andi %ge3A_84, %lt3A_87 : vector<16xi1>
        %mul3A_89 = arith.constant 4 : i32
        %mul3A_90 = arith.muli %scan3A_35, %mul3A_89 : i32
        %add3A_91 = arith.constant 1 : i32
        %add3A_92 = arith.addi %mul3A_90, %add3A_91 : i32
        %mul3A_93 = arith.constant 16 : i32
        %mul3A_94 = arith.muli %add3A_92, %mul3A_93 : i32
        %add3A_95 = arith.addi %mul3A_24, %mul3A_94 : i32
        %add3A_96 = vector.broadcast %add3A_95 : i32 to vector<16xi32>
        %add3A_97 = arith.addi %add3A_96, %iota3A : vector<16xi32>
        %shift_left3A_98 = arith.constant 9 : i32
        %shift_left3A_99 = vector.broadcast %shift_left3A_98 : i32 to vector<16xi32>
        %shift_left3A_100 = arith.shli %add3A_97, %shift_left3A_99 : vector<16xi32>
        %jit3A_101 = arith.constant 0 : i32
        %broadcast_in_dim3A_102 = vector.broadcast %jit3A_101 : i32 to vector<16xi32>
        %select_n3A_103 = arith.select %and3A_88, %sub3A_81, %broadcast_in_dim3A_102 : vector<16xi1>, vector<16xi32>
        %or3A_104 = arith.ori %shift_left3A_100, %select_n3A_103 : vector<16xi32>
        %masked_sort3A_105 = arith.constant -2147483648 : i32
        %masked_sort3A_106 = vector.broadcast %masked_sort3A_105 : i32 to vector<16xi32>
        %masked_sort3A_107 = arith.xori %iota3A, %masked_sort3A_106 : vector<16xi32>
        %masked_sort3A_108, %masked_sort3A_109, %masked_sort3A_110 = tpu.sort %masked_sort3A_107, %or3A_104 masked %and3A_88 : (vector<16xi32>, vector<16xi32>, vector<16xi1>) -> (vector<16xi1>, vector<16xi32>, vector<16xi32>)
        %masked_sort3A_111 = arith.xori %masked_sort3A_109, %masked_sort3A_106 : vector<16xi32>
        %add3A_112 = arith.addi %add3A_70, %iota3A : vector<16xi32>
        tpu.vector_store_idx %arg6[%add3A_112], %masked_sort3A_110 : memref<4112xi32, #tpu.memory_space<vmem>>[vector<16xi32>], vector<16xi32>,
        %all_reduce_population_count3A_113 = tpu.all_reduce %and3A_88 {dim = 0 : i64, kind = #tpu.reduction_kind<sum>} : vector<16xi1> -> vector<16xi32>
        %add3A_114 = arith.addi %add3A_70, %all_reduce_population_count3A_113 : vector<16xi32>
        %add3A_115 = arith.addi %add3A_71, %all_reduce_population_count3A_113 : vector<16xi32>
        %mul3A_116 = arith.constant 4 : i32
        %mul3A_117 = arith.muli %scan3A_35, %mul3A_116 : i32
        %add3A_118 = arith.constant 2 : i32
        %add3A_119 = arith.addi %mul3A_117, %add3A_118 : i32
        %mul3A_120 = arith.constant 16 : i32
        %mul3A_121 = arith.muli %add3A_119, %mul3A_120 : i32
        %get3A_122 = arith.index_cast %mul3A_121 : i32 to index
        %get3A_123 = tpu.vector_load %arg5[%get3A_122] {strides = array<i32>} : memref<2048xi32, #tpu.memory_space<vmem>>, vector<16xi32>,
        %sub3A_124 = vector.broadcast %mul3A_2 : i32 to vector<16xi32>
        %sub3A_125 = arith.subi %get3A_123, %sub3A_124 : vector<16xi32>
        %ge3A_126 = arith.constant 0 : i32
        %ge3A_127 = vector.broadcast %ge3A_126 : i32 to vector<16xi32>
        %ge3A_128 = arith.cmpi sge, %sub3A_125, %ge3A_127 : vector<16xi32>
        %lt3A_129 = arith.constant 320 : i32
        %lt3A_130 = vector.broadcast %lt3A_129 : i32 to vector<16xi32>
        %lt3A_131 = arith.cmpi slt, %sub3A_125, %lt3A_130 : vector<16xi32>
        %and3A_132 = arith.andi %ge3A_128, %lt3A_131 : vector<16xi1>
        %mul3A_133 = arith.constant 4 : i32
        %mul3A_134 = arith.muli %scan3A_35, %mul3A_133 : i32
        %add3A_135 = arith.constant 2 : i32
        %add3A_136 = arith.addi %mul3A_134, %add3A_135 : i32
        %mul3A_137 = arith.constant 16 : i32
        %mul3A_138 = arith.muli %add3A_136, %mul3A_137 : i32
        %add3A_139 = arith.addi %mul3A_24, %mul3A_138 : i32
        %add3A_140 = vector.broadcast %add3A_139 : i32 to vector<16xi32>
        %add3A_141 = arith.addi %add3A_140, %iota3A : vector<16xi32>
        %shift_left3A_142 = arith.constant 9 : i32
        %shift_left3A_143 = vector.broadcast %shift_left3A_142 : i32 to vector<16xi32>
        %shift_left3A_144 = arith.shli %add3A_141, %shift_left3A_143 : vector<16xi32>
        %jit3A_145 = arith.constant 0 : i32
        %broadcast_in_dim3A_146 = vector.broadcast %jit3A_145 : i32 to vector<16xi32>
        %select_n3A_147 = arith.select %and3A_132, %sub3A_125, %broadcast_in_dim3A_146 : vector<16xi1>, vector<16xi32>
        %or3A_148 = arith.ori %shift_left3A_144, %select_n3A_147 : vector<16xi32>
        %masked_sort3A_149 = arith.constant -2147483648 : i32
        %masked_sort3A_150 = vector.broadcast %masked_sort3A_149 : i32 to vector<16xi32>
        %masked_sort3A_151 = arith.xori %iota3A, %masked_sort3A_150 : vector<16xi32>
        %masked_sort3A_152, %masked_sort3A_153, %masked_sort3A_154 = tpu.sort %masked_sort3A_151, %or3A_148 masked %and3A_132 : (vector<16xi32>, vector<16xi32>, vector<16xi1>) -> (vector<16xi1>, vector<16xi32>, vector<16xi32>)
        %masked_sort3A_155 = arith.xori %masked_sort3A_153, %masked_sort3A_150 : vector<16xi32>
        %add3A_156 = arith.addi %add3A_114, %iota3A : vector<16xi32>
        tpu.vector_store_idx %arg6[%add3A_156], %masked_sort3A_154 : memref<4112xi32, #tpu.memory_space<vmem>>[vector<16xi32>], vector<16xi32>,
        %all_reduce_population_count3A_157 = tpu.all_reduce %and3A_132 {dim = 0 : i64, kind = #tpu.reduction_kind<sum>} : vector<16xi1> -> vector<16xi32>
        %add3A_158 = arith.addi %add3A_114, %all_reduce_population_count3A_157 : vector<16xi32>
        %add3A_159 = arith.addi %add3A_115, %all_reduce_population_count3A_157 : vector<16xi32>
        %mul3A_160 = arith.constant 4 : i32
        %mul3A_161 = arith.muli %scan3A_35, %mul3A_160 : i32
        %add3A_162 = arith.constant 3 : i32
        %add3A_163 = arith.addi %mul3A_161, %add3A_162 : i32
        %mul3A_164 = arith.constant 16 : i32
        %mul3A_165 = arith.muli %add3A_163, %mul3A_164 : i32
        %get3A_166 = arith.index_cast %mul3A_165 : i32 to index
        %get3A_167 = tpu.vector_load %arg5[%get3A_166] {strides = array<i32>} : memref<2048xi32, #tpu.memory_space<vmem>>, vector<16xi32>,
        %sub3A_168 = vector.broadcast %mul3A_2 : i32 to vector<16xi32>
        %sub3A_169 = arith.subi %get3A_167, %sub3A_168 : vector<16xi32>
        %ge3A_170 = arith.constant 0 : i32
        %ge3A_171 = vector.broadcast %ge3A_170 : i32 to vector<16xi32>
        %ge3A_172 = arith.cmpi sge, %sub3A_169, %ge3A_171 : vector<16xi32>
        %lt3A_173 = arith.constant 320 : i32
        %lt3A_174 = vector.broadcast %lt3A_173 : i32 to vector<16xi32>
        %lt3A_175 = arith.cmpi slt, %sub3A_169, %lt3A_174 : vector<16xi32>
        %and3A_176 = arith.andi %ge3A_172, %lt3A_175 : vector<16xi1>
        %mul3A_177 = arith.constant 4 : i32
        %mul3A_178 = arith.muli %scan3A_35, %mul3A_177 : i32
        %add3A_179 = arith.constant 3 : i32
        %add3A_180 = arith.addi %mul3A_178, %add3A_179 : i32
        %mul3A_181 = arith.constant 16 : i32
        %mul3A_182 = arith.muli %add3A_180, %mul3A_181 : i32
        %add3A_183 = arith.addi %mul3A_24, %mul3A_182 : i32
        %add3A_184 = vector.broadcast %add3A_183 : i32 to vector<16xi32>
        %add3A_185 = arith.addi %add3A_184, %iota3A : vector<16xi32>
        %shift_left3A_186 = arith.constant 9 : i32
        %shift_left3A_187 = vector.broadcast %shift_left3A_186 : i32 to vector<16xi32>
        %shift_left3A_188 = arith.shli %add3A_185, %shift_left3A_187 : vector<16xi32>
        %jit3A_189 = arith.constant 0 : i32
        %broadcast_in_dim3A_190 = vector.broadcast %jit3A_189 : i32 to vector<16xi32>
        %select_n3A_191 = arith.select %and3A_176, %sub3A_169, %broadcast_in_dim3A_190 : vector<16xi1>, vector<16xi32>
        %or3A_192 = arith.ori %shift_left3A_188, %select_n3A_191 : vector<16xi32>
        %masked_sort3A_193 = arith.constant -2147483648 : i32
        %masked_sort3A_194 = vector.broadcast %masked_sort3A_193 : i32 to vector<16xi32>
        %masked_sort3A_195 = arith.xori %iota3A, %masked_sort3A_194 : vector<16xi32>
        %masked_sort3A_196, %masked_sort3A_197, %masked_sort3A_198 = tpu.sort %masked_sort3A_195, %or3A_192 masked %and3A_176 : (vector<16xi32>, vector<16xi32>, vector<16xi1>) -> (vector<16xi1>, vector<16xi32>, vector<16xi32>)
        %masked_sort3A_199 = arith.xori %masked_sort3A_197, %masked_sort3A_194 : vector<16xi32>
        %add3A_200 = arith.addi %add3A_158, %iota3A : vector<16xi32>
        tpu.vector_store_idx %arg6[%add3A_200], %masked_sort3A_198 : memref<4112xi32, #tpu.memory_space<vmem>>[vector<16xi32>], vector<16xi32>,
        %all_reduce_population_count3A_201 = tpu.all_reduce %and3A_176 {dim = 0 : i64, kind = #tpu.reduction_kind<sum>} : vector<16xi1> -> vector<16xi32>
        %add3A_202 = arith.addi %add3A_158, %all_reduce_population_count3A_201 : vector<16xi32>
        %add3A_203 = arith.addi %add3A_159, %all_reduce_population_count3A_201 : vector<16xi32>
        scf.yield %add3A_202, %add3A_203 : vector<16xi32>, vector<16xi32>
      }
      %scan3A_31 = arith.constant 32 : i32
      %slice3A = vector.extract_strided_slice %scan3A_30#0 {offsets = [0], sizes = [1], strides = [1]} : vector<16xi32> to vector<1xi32>
      %squeeze3A = vector.extract %slice3A[0] : i32 from vector<1xi32>
      %ge3A = arith.constant 2048 : i32
      %ge3A_32 = arith.cmpi sge, %squeeze3A, %ge3A : i32
      %convert_element_type3A = arith.extui %ge3A_32 : i1 to i32
      %cond3A = arith.constant 0 : i32
      %cond3A_33 = arith.cmpi ne, %convert_element_type3A, %cond3A : i32
      %cond3A_34:2 = scf.if %cond3A_33 -> (i32, i32) {
        %mul3A_35 = arith.constant 2048 : i32
        %mul3A_36 = arith.muli %scan3A_21, %mul3A_35 : i32
        %add3A_37 = arith.addi %mul3A_4, %mul3A_36 : i32
        %multiple_of3A_38 = tpu.assume_multiple %add3A_37, 8 : i32
        "tpu.region"() ({
          %run_scoped3A = tpu.sem_alloc : memref<!tpu.dma_semaphore, #tpu.memory_space<semaphore_mem>>
          %dma_start3A = arith.constant 0 : i32
          %dma_start3A_48 = tpu.memref_slice %arg6[%dma_start3A] : memref<4112xi32, #tpu.memory_space<vmem>> -> memref<2048xi32, #tpu.memory_space<vmem>>
          %dma_start3A_49 = tpu.memref_slice %arg3[%multiple_of3A_38] : memref<10305536xi32, #tpu.memory_space<hbm>> -> memref<2048xi32, #tpu.memory_space<hbm>>
          %dma_start3A_50 = tpu.memref_slice %arg3[%multiple_of3A_38] : memref<10305536xi32, #tpu.memory_space<hbm>> -> memref<2048xi32, #tpu.memory_space<hbm>>
          %dma_start3A_51 = arith.constant 0 : i32
          %dma_start3A_52 = tpu.memref_slice %arg6[%dma_start3A_51] : memref<4112xi32, #tpu.memory_space<vmem>> -> memref<2048xi32, #tpu.memory_space<vmem>>
          tpu.enqueue_dma source(%dma_start3A_52 : memref<2048xi32, #tpu.memory_space<vmem>>) target(%dma_start3A_50 : memref<2048xi32, #tpu.memory_space<hbm>>) target_semaphore(%run_scoped3A : memref<!tpu.dma_semaphore, #tpu.memory_space<semaphore_mem>>)
          %dma_wait3A = arith.constant 0 : i32
          %dma_wait3A_53 = tpu.memref_slice %arg6[%dma_wait3A] : memref<4112xi32, #tpu.memory_space<vmem>> -> memref<2048xi32, #tpu.memory_space<vmem>>
          %dma_wait3A_54 = tpu.memref_slice %arg3[%multiple_of3A_38] : memref<10305536xi32, #tpu.memory_space<hbm>> -> memref<2048xi32, #tpu.memory_space<hbm>>
          %dma_wait3A_55 = tpu.memref_slice %arg3[%multiple_of3A_38] : memref<10305536xi32, #tpu.memory_space<hbm>> -> memref<2048xi32, #tpu.memory_space<hbm>>
          %dma_wait3A_56 = arith.constant 0 : i32
          %dma_wait3A_57 = tpu.memref_slice %arg6[%dma_wait3A_56] : memref<4112xi32, #tpu.memory_space<vmem>> -> memref<2048xi32, #tpu.memory_space<vmem>>
          tpu.wait_dma2 semaphore(%run_scoped3A : memref<!tpu.dma_semaphore, #tpu.memory_space<semaphore_mem>>) src(%dma_wait3A_57 : memref<2048xi32, #tpu.memory_space<vmem>>) dst(%dma_wait3A_55 : memref<2048xi32, #tpu.memory_space<hbm>>)
          tpu.yield
        }) : () -> ()
        %scan3A_39 = arith.constant 0 : i32
        %scan3A_40 = arith.constant 0 : i32
        %scan3A_41 = arith.constant 128 : i32
        %scan3A_42 = arith.addi %scan3A_40, %scan3A_41 : i32
        %scan3A_43 = arith.constant 1 : i32
        scf.for %scan3A_48 = %scan3A_40 to %scan3A_42 step %scan3A_43  : i32 {
          %mul3A_49 = arith.constant 16 : i32
          %mul3A_50 = arith.muli %scan3A_48, %mul3A_49 : i32
          %add3A_51 = arith.constant 2048 : i32
          %add3A_52 = arith.addi %add3A_51, %mul3A_50 : i32
          %get3A = arith.index_cast %add3A_52 : i32 to index
          %get3A_53 = tpu.vector_load %arg6[%get3A] {strides = array<i32>} : memref<4112xi32, #tpu.memory_space<vmem>>, vector<16xi32>,
          %mul3A_54 = arith.constant 16 : i32
          %mul3A_55 = arith.muli %scan3A_48, %mul3A_54 : i32
          %swap3A_56 = arith.index_cast %mul3A_55 : i32 to index
          %swap3A_57 = tpu.vector_load %arg6[%swap3A_56] {strides = array<i32>} : memref<4112xi32, #tpu.memory_space<vmem>>, vector<16xi32>,
          tpu.vector_store %arg6[%swap3A_56], %get3A_53 {strides = array<i32>} : memref<4112xi32, #tpu.memory_space<vmem>>, vector<16xi32>,
        }
        %scan3A_44 = arith.constant 128 : i32
        %sub3A = arith.constant 2048 : i32
        %sub3A_45 = arith.subi %squeeze3A, %sub3A : i32
        %add3A_46 = arith.constant 1 : i32
        %add3A_47 = arith.addi %scan3A_21, %add3A_46 : i32
        scf.yield %sub3A_45, %add3A_47 : i32, i32
      } else {
        scf.yield %squeeze3A, %scan3A_21 : i32, i32
      }
      scf.yield %cond3A_34#0, %cond3A_34#1, %scan3A_30#1 : i32, i32, vector<16xi32>
    }
    %scan3A_12 = arith.constant 156 : i32
    %mul3A_13 = arith.constant 2048 : i32
    %mul3A_14 = arith.muli %scan3A_11#1, %mul3A_13 : i32
    %add3A_15 = arith.addi %mul3A_4, %mul3A_14 : i32
    %multiple_of3A = tpu.assume_multiple %add3A_15, 8 : i32
    "tpu.region"() ({
      %run_scoped3A = tpu.sem_alloc : memref<!tpu.dma_semaphore, #tpu.memory_space<semaphore_mem>>
      %dma_start3A = arith.constant 0 : i32
      %dma_start3A_19 = tpu.memref_slice %arg6[%dma_start3A] : memref<4112xi32, #tpu.memory_space<vmem>> -> memref<2048xi32, #tpu.memory_space<vmem>>
      %dma_start3A_20 = tpu.memref_slice %arg3[%multiple_of3A] : memref<10305536xi32, #tpu.memory_space<hbm>> -> memref<2048xi32, #tpu.memory_space<hbm>>
      %dma_start3A_21 = tpu.memref_slice %arg3[%multiple_of3A] : memref<10305536xi32, #tpu.memory_space<hbm>> -> memref<2048xi32, #tpu.memory_space<hbm>>
      %dma_start3A_22 = arith.constant 0 : i32
      %dma_start3A_23 = tpu.memref_slice %arg6[%dma_start3A_22] : memref<4112xi32, #tpu.memory_space<vmem>> -> memref<2048xi32, #tpu.memory_space<vmem>>
      tpu.enqueue_dma source(%dma_start3A_23 : memref<2048xi32, #tpu.memory_space<vmem>>) target(%dma_start3A_21 : memref<2048xi32, #tpu.memory_space<hbm>>) target_semaphore(%run_scoped3A : memref<!tpu.dma_semaphore, #tpu.memory_space<semaphore_mem>>)
      %dma_wait3A = arith.constant 0 : i32
      %dma_wait3A_24 = tpu.memref_slice %arg6[%dma_wait3A] : memref<4112xi32, #tpu.memory_space<vmem>> -> memref<2048xi32, #tpu.memory_space<vmem>>
      %dma_wait3A_25 = tpu.memref_slice %arg3[%multiple_of3A] : memref<10305536xi32, #tpu.memory_space<hbm>> -> memref<2048xi32, #tpu.memory_space<hbm>>
      %dma_wait3A_26 = tpu.memref_slice %arg3[%multiple_of3A] : memref<10305536xi32, #tpu.memory_space<hbm>> -> memref<2048xi32, #tpu.memory_space<hbm>>
      %dma_wait3A_27 = arith.constant 0 : i32
      %dma_wait3A_28 = tpu.memref_slice %arg6[%dma_wait3A_27] : memref<4112xi32, #tpu.memory_space<vmem>> -> memref<2048xi32, #tpu.memory_space<vmem>>
      tpu.wait_dma2 semaphore(%run_scoped3A : memref<!tpu.dma_semaphore, #tpu.memory_space<semaphore_mem>>) src(%dma_wait3A_28 : memref<2048xi32, #tpu.memory_space<vmem>>) dst(%dma_wait3A_26 : memref<2048xi32, #tpu.memory_space<hbm>>)
      tpu.yield
    }) : () -> ()
    %swap3A = arith.constant 0 : index
    %swap3A_16 = tpu.vector_load %arg7[%swap3A] {strides = array<i32>} : memref<16xi32, #tpu.memory_space<vmem>>, vector<16xi32>,
    tpu.vector_store %arg7[%swap3A], %scan3A_11#2 {strides = array<i32>} : memref<16xi32, #tpu.memory_space<vmem>>, vector<16xi32>,
    %mul3A_17 = arith.constant 16 : i32
    %mul3A_18 = arith.muli %add3A, %mul3A_17 : i32
    "tpu.region"() ({
      %run_scoped3A = tpu.sem_alloc : memref<!tpu.dma_semaphore, #tpu.memory_space<semaphore_mem>>
      %dma_start3A = tpu.memref_slice %arg4[%mul3A_18] : memref<512xi32, #tpu.memory_space<hbm>> -> memref<16xi32, #tpu.memory_space<hbm>>
      %dma_start3A_19 = tpu.memref_slice %arg4[%mul3A_18] : memref<512xi32, #tpu.memory_space<hbm>> -> memref<16xi32, #tpu.memory_space<hbm>>
      tpu.enqueue_dma source(%arg7 : memref<16xi32, #tpu.memory_space<vmem>>) target(%dma_start3A_19 : memref<16xi32, #tpu.memory_space<hbm>>) target_semaphore(%run_scoped3A : memref<!tpu.dma_semaphore, #tpu.memory_space<semaphore_mem>>)
      %dma_wait3A = tpu.memref_slice %arg4[%mul3A_18] : memref<512xi32, #tpu.memory_space<hbm>> -> memref<16xi32, #tpu.memory_space<hbm>>
      %dma_wait3A_20 = tpu.memref_slice %arg4[%mul3A_18] : memref<512xi32, #tpu.memory_space<hbm>> -> memref<16xi32, #tpu.memory_space<hbm>>
      tpu.wait_dma2 semaphore(%run_scoped3A : memref<!tpu.dma_semaphore, #tpu.memory_space<semaphore_mem>>) src(%arg7 : memref<16xi32, #tpu.memory_space<vmem>>) dst(%dma_wait3A_20 : memref<16xi32, #tpu.memory_space<hbm>>)
      tpu.yield
    }) : () -> ()
    return
  }
}

#map = affine_map<(d0, d1) -> (0)>
#map1 = affine_map<(d0, d1) -> (0, 0)>
module attributes {stable_mosaic.version = 14 : i64} {
  func.func @_sc_scatter_body(%arg0: i32, %arg1: i32, %arg2: memref<10305536xi32, #tpu.memory_space<hbm>>, %arg3: memref<512xi32, #tpu.memory_space<hbm>>, %arg4: memref<160000x128xf32, #tpu.memory_space<hbm>>, %arg5: memref<5120x128xf32, #tpu.memory_space<hbm>>, %arg6: memref<512xi32, #tpu.memory_space<vmem>>, %arg7: memref<512xi32, #tpu.memory_space<vmem>>, %arg8: memref<512x128xf32, #tpu.memory_space<vmem>>, %arg9: memref<16xi32, #tpu.memory_space<vmem>>, %arg10: memref<160x128xf32, #tpu.memory_space<vmem>>, %arg11: memref<!tpu.dma_semaphore, #tpu.memory_space<semaphore_mem>>) attributes {dimension_semantics = [#tpu.dimension_semantics<core_parallel>, #tpu.dimension_semantics<subcore_parallel>], iteration_bounds = array<i64: 2, 16>, scalar_prefetch = 0 : i64, scratch_operands = 6 : i64, tpu.core_type = #tpu.core_type<sc_vector_subcore>, window_params = [{transform_indices = #map}, {transform_indices = #map}, {transform_indices = #map1}, {transform_indices = #map1}]} {
    %mul3A = arith.constant 2 : i32
    %mul3A_0 = arith.muli %arg1, %mul3A : i32
    %add3A = arith.addi %mul3A_0, %arg0 : i32
    %iota3A = tpu.iota {dimensions = array<i32: 0>} : vector<16xi32>
    %scan3A = arith.constant 0 : i32
    %scan3A_1 = arith.constant 0 : i32
    %scan3A_2 = arith.constant 160 : i32
    %scan3A_3 = arith.addi %scan3A_1, %scan3A_2 : i32
    %scan3A_4 = arith.constant 1 : i32
    scf.for %scan3A_40 = %scan3A_1 to %scan3A_3 step %scan3A_4  : i32 {
      %broadcast_in_dim3A = arith.constant 0.000000e+00 : f32
      %broadcast_in_dim3A_41 = vector.broadcast %broadcast_in_dim3A : f32 to vector<16xf32>
      %swap3A = arith.index_cast %scan3A_40 : i32 to index
      %swap3A_42 = arith.constant 0 : index
      %swap3A_43 = tpu.vector_load %arg10[%swap3A, %swap3A_42] {strides = array<i32>} : memref<160x128xf32, #tpu.memory_space<vmem>>, vector<16xf32>,
      tpu.vector_store %arg10[%swap3A, %swap3A_42], %broadcast_in_dim3A_41 {strides = array<i32>} : memref<160x128xf32, #tpu.memory_space<vmem>>, vector<16xf32>,
      %broadcast_in_dim3A_44 = arith.constant 0.000000e+00 : f32
      %broadcast_in_dim3A_45 = vector.broadcast %broadcast_in_dim3A_44 : f32 to vector<16xf32>
      %swap3A_46 = arith.index_cast %scan3A_40 : i32 to index
      %swap3A_47 = arith.constant 16 : index
      %swap3A_48 = tpu.vector_load %arg10[%swap3A_46, %swap3A_47] {strides = array<i32>} : memref<160x128xf32, #tpu.memory_space<vmem>>, vector<16xf32>,
      tpu.vector_store %arg10[%swap3A_46, %swap3A_47], %broadcast_in_dim3A_45 {strides = array<i32>} : memref<160x128xf32, #tpu.memory_space<vmem>>, vector<16xf32>,
      %broadcast_in_dim3A_49 = arith.constant 0.000000e+00 : f32
      %broadcast_in_dim3A_50 = vector.broadcast %broadcast_in_dim3A_49 : f32 to vector<16xf32>
      %swap3A_51 = arith.index_cast %scan3A_40 : i32 to index
      %swap3A_52 = arith.constant 32 : index
      %swap3A_53 = tpu.vector_load %arg10[%swap3A_51, %swap3A_52] {strides = array<i32>} : memref<160x128xf32, #tpu.memory_space<vmem>>, vector<16xf32>,
      tpu.vector_store %arg10[%swap3A_51, %swap3A_52], %broadcast_in_dim3A_50 {strides = array<i32>} : memref<160x128xf32, #tpu.memory_space<vmem>>, vector<16xf32>,
      %broadcast_in_dim3A_54 = arith.constant 0.000000e+00 : f32
      %broadcast_in_dim3A_55 = vector.broadcast %broadcast_in_dim3A_54 : f32 to vector<16xf32>
      %swap3A_56 = arith.index_cast %scan3A_40 : i32 to index
      %swap3A_57 = arith.constant 48 : index
      %swap3A_58 = tpu.vector_load %arg10[%swap3A_56, %swap3A_57] {strides = array<i32>} : memref<160x128xf32, #tpu.memory_space<vmem>>, vector<16xf32>,
      tpu.vector_store %arg10[%swap3A_56, %swap3A_57], %broadcast_in_dim3A_55 {strides = array<i32>} : memref<160x128xf32, #tpu.memory_space<vmem>>, vector<16xf32>,
      %broadcast_in_dim3A_59 = arith.constant 0.000000e+00 : f32
      %broadcast_in_dim3A_60 = vector.broadcast %broadcast_in_dim3A_59 : f32 to vector<16xf32>
      %swap3A_61 = arith.index_cast %scan3A_40 : i32 to index
      %swap3A_62 = arith.constant 64 : index
      %swap3A_63 = tpu.vector_load %arg10[%swap3A_61, %swap3A_62] {strides = array<i32>} : memref<160x128xf32, #tpu.memory_space<vmem>>, vector<16xf32>,
      tpu.vector_store %arg10[%swap3A_61, %swap3A_62], %broadcast_in_dim3A_60 {strides = array<i32>} : memref<160x128xf32, #tpu.memory_space<vmem>>, vector<16xf32>,
      %broadcast_in_dim3A_64 = arith.constant 0.000000e+00 : f32
      %broadcast_in_dim3A_65 = vector.broadcast %broadcast_in_dim3A_64 : f32 to vector<16xf32>
      %swap3A_66 = arith.index_cast %scan3A_40 : i32 to index
      %swap3A_67 = arith.constant 80 : index
      %swap3A_68 = tpu.vector_load %arg10[%swap3A_66, %swap3A_67] {strides = array<i32>} : memref<160x128xf32, #tpu.memory_space<vmem>>, vector<16xf32>,
      tpu.vector_store %arg10[%swap3A_66, %swap3A_67], %broadcast_in_dim3A_65 {strides = array<i32>} : memref<160x128xf32, #tpu.memory_space<vmem>>, vector<16xf32>,
      %broadcast_in_dim3A_69 = arith.constant 0.000000e+00 : f32
      %broadcast_in_dim3A_70 = vector.broadcast %broadcast_in_dim3A_69 : f32 to vector<16xf32>
      %swap3A_71 = arith.index_cast %scan3A_40 : i32 to index
      %swap3A_72 = arith.constant 96 : index
      %swap3A_73 = tpu.vector_load %arg10[%swap3A_71, %swap3A_72] {strides = array<i32>} : memref<160x128xf32, #tpu.memory_space<vmem>>, vector<16xf32>,
      tpu.vector_store %arg10[%swap3A_71, %swap3A_72], %broadcast_in_dim3A_70 {strides = array<i32>} : memref<160x128xf32, #tpu.memory_space<vmem>>, vector<16xf32>,
      %broadcast_in_dim3A_74 = arith.constant 0.000000e+00 : f32
      %broadcast_in_dim3A_75 = vector.broadcast %broadcast_in_dim3A_74 : f32 to vector<16xf32>
      %swap3A_76 = arith.index_cast %scan3A_40 : i32 to index
      %swap3A_77 = arith.constant 112 : index
      %swap3A_78 = tpu.vector_load %arg10[%swap3A_76, %swap3A_77] {strides = array<i32>} : memref<160x128xf32, #tpu.memory_space<vmem>>, vector<16xf32>,
      tpu.vector_store %arg10[%swap3A_76, %swap3A_77], %broadcast_in_dim3A_75 {strides = array<i32>} : memref<160x128xf32, #tpu.memory_space<vmem>>, vector<16xf32>,
    }
    %scan3A_5 = arith.constant 160 : i32
    %mul3A_6 = arith.constant 16 : i32
    %mul3A_7 = arith.muli %add3A, %mul3A_6 : i32
    "tpu.region"() ({
      %run_scoped3A = tpu.sem_alloc : memref<!tpu.dma_semaphore, #tpu.memory_space<semaphore_mem>>
      %dma_start3A = tpu.memref_slice %arg3[%mul3A_7] : memref<512xi32, #tpu.memory_space<hbm>> -> memref<16xi32, #tpu.memory_space<hbm>>
      %dma_start3A_40 = tpu.memref_slice %arg3[%mul3A_7] : memref<512xi32, #tpu.memory_space<hbm>> -> memref<16xi32, #tpu.memory_space<hbm>>
      tpu.enqueue_dma source(%dma_start3A_40 : memref<16xi32, #tpu.memory_space<hbm>>) target(%arg9 : memref<16xi32, #tpu.memory_space<vmem>>) target_semaphore(%run_scoped3A : memref<!tpu.dma_semaphore, #tpu.memory_space<semaphore_mem>>)
      %dma_wait3A = tpu.memref_slice %arg3[%mul3A_7] : memref<512xi32, #tpu.memory_space<hbm>> -> memref<16xi32, #tpu.memory_space<hbm>>
      %dma_wait3A_41 = tpu.memref_slice %arg3[%mul3A_7] : memref<512xi32, #tpu.memory_space<hbm>> -> memref<16xi32, #tpu.memory_space<hbm>>
      tpu.wait_dma2 semaphore(%run_scoped3A : memref<!tpu.dma_semaphore, #tpu.memory_space<semaphore_mem>>) src(%dma_wait3A_41 : memref<16xi32, #tpu.memory_space<hbm>>) dst(%arg9 : memref<16xi32, #tpu.memory_space<vmem>>)
      tpu.yield
    }) : () -> ()
    %get3A = arith.constant 0 : index
    %get3A_8 = tpu.vector_load %arg9[%get3A] {strides = array<i32>} : memref<16xi32, #tpu.memory_space<vmem>>, vector<16xi32>,
    %slice3A = vector.extract_strided_slice %get3A_8 {offsets = [0], sizes = [1], strides = [1]} : vector<16xi32> to vector<1xi32>
    %squeeze3A = vector.extract %slice3A[0] : i32 from vector<1xi32>
    %add3A_9 = arith.constant 512 : i32
    %add3A_10 = arith.addi %squeeze3A, %add3A_9 : i32
    %sub3A = arith.constant 1 : i32
    %sub3A_11 = arith.subi %add3A_10, %sub3A : i32
    %jit3A = arith.constant 512 : i32
    %div3A = arith.divsi %sub3A_11, %jit3A : i32
    %sign3A = arith.constant 0 : i32
    %sign3A_12 = arith.cmpi sgt, %sub3A_11, %sign3A : i32
    %sign3A_13 = arith.extui %sign3A_12 : i1 to i32
    %sign3A_14 = arith.constant 0 : i32
    %sign3A_15 = arith.cmpi slt, %sub3A_11, %sign3A_14 : i32
    %sign3A_16 = arith.extui %sign3A_15 : i1 to i32
    %sign3A_17 = arith.subi %sign3A_13, %sign3A_16 : i32
    %sign3A_18 = arith.constant 0 : i32
    %sign3A_19 = arith.cmpi sgt, %jit3A, %sign3A_18 : i32
    %sign3A_20 = arith.extui %sign3A_19 : i1 to i32
    %sign3A_21 = arith.constant 0 : i32
    %sign3A_22 = arith.cmpi slt, %jit3A, %sign3A_21 : i32
    %sign3A_23 = arith.extui %sign3A_22 : i1 to i32
    %sign3A_24 = arith.subi %sign3A_20, %sign3A_23 : i32
    %ne3A = arith.cmpi ne, %sign3A_17, %sign3A_24 : i32
    %rem3A = arith.remsi %sub3A_11, %jit3A : i32
    %ne3A_25 = arith.constant 0 : i32
    %ne3A_26 = arith.cmpi ne, %rem3A, %ne3A_25 : i32
    %and3A = arith.andi %ne3A, %ne3A_26 : i1
    %sub3A_27 = arith.constant 1 : i32
    %sub3A_28 = arith.subi %div3A, %sub3A_27 : i32
    %select_n3A = arith.select %and3A, %sub3A_28, %div3A : i32
    %while3A = arith.constant 0 : i32
    %while3A_29 = arith.constant 0 : i32
    %while3A_30 = arith.subi %select_n3A, %while3A_29 : i32
    %while3A_31 = arith.addi %while3A_29, %while3A_30 : i32
    %while3A_32 = arith.constant 1 : i32
    %while3A_33 = arith.divsi %while3A_30, %while3A_32 : i32
    %while3A_34 = arith.muli %while3A_33, %while3A_32 : i32
    %while3A_35 = arith.addi %while3A_29, %while3A_34 : i32
    %while3A_36 = arith.constant 1 : i32
    scf.for %while3A_40 = %while3A_29 to %while3A_35 step %while3A_36  : i32 {
      %mul3A_41 = arith.constant 322048 : i32
      %mul3A_42 = arith.muli %add3A, %mul3A_41 : i32
      %mul3A_43 = arith.constant 512 : i32
      %mul3A_44 = arith.muli %while3A_40, %mul3A_43 : i32
      %add3A_45 = arith.addi %mul3A_42, %mul3A_44 : i32
      %multiple_of3A_46 = tpu.assume_multiple %add3A_45, 8 : i32
      "tpu.region"() ({
        %run_scoped3A = tpu.sem_alloc : memref<!tpu.dma_semaphore, #tpu.memory_space<semaphore_mem>>
        %dma_start3A_71 = tpu.memref_slice %arg2[%multiple_of3A_46] : memref<10305536xi32, #tpu.memory_space<hbm>> -> memref<512xi32, #tpu.memory_space<hbm>>
        %dma_start3A_72 = tpu.memref_slice %arg2[%multiple_of3A_46] : memref<10305536xi32, #tpu.memory_space<hbm>> -> memref<512xi32, #tpu.memory_space<hbm>>
        tpu.enqueue_dma source(%dma_start3A_72 : memref<512xi32, #tpu.memory_space<hbm>>) target(%arg6 : memref<512xi32, #tpu.memory_space<vmem>>) target_semaphore(%run_scoped3A : memref<!tpu.dma_semaphore, #tpu.memory_space<semaphore_mem>>)
        %dma_wait3A_73 = tpu.memref_slice %arg2[%multiple_of3A_46] : memref<10305536xi32, #tpu.memory_space<hbm>> -> memref<512xi32, #tpu.memory_space<hbm>>
        %dma_wait3A_74 = tpu.memref_slice %arg2[%multiple_of3A_46] : memref<10305536xi32, #tpu.memory_space<hbm>> -> memref<512xi32, #tpu.memory_space<hbm>>
        tpu.wait_dma2 semaphore(%run_scoped3A : memref<!tpu.dma_semaphore, #tpu.memory_space<semaphore_mem>>) src(%dma_wait3A_74 : memref<512xi32, #tpu.memory_space<hbm>>) dst(%arg6 : memref<512xi32, #tpu.memory_space<vmem>>)
        tpu.yield
      }) : () -> ()
      %scan3A_47 = arith.constant 0 : i32
      %scan3A_48 = arith.constant 0 : i32
      %scan3A_49 = arith.constant 32 : i32
      %scan3A_50 = arith.addi %scan3A_48, %scan3A_49 : i32
      %scan3A_51 = arith.constant 1 : i32
      scf.for %scan3A_71 = %scan3A_48 to %scan3A_50 step %scan3A_51  : i32 {
        %mul3A_72 = arith.constant 16 : i32
        %mul3A_73 = arith.muli %scan3A_71, %mul3A_72 : i32
        %get3A_74 = arith.index_cast %mul3A_73 : i32 to index
        %get3A_75 = tpu.vector_load %arg6[%get3A_74] {strides = array<i32>} : memref<512xi32, #tpu.memory_space<vmem>>, vector<16xi32>,
        %mul3A_76 = arith.constant 512 : i32
        %mul3A_77 = arith.muli %while3A_40, %mul3A_76 : i32
        %mul3A_78 = arith.constant 16 : i32
        %mul3A_79 = arith.muli %scan3A_71, %mul3A_78 : i32
        %add3A_80 = arith.addi %mul3A_77, %mul3A_79 : i32
        %add3A_81 = vector.broadcast %add3A_80 : i32 to vector<16xi32>
        %add3A_82 = arith.addi %add3A_81, %iota3A : vector<16xi32>
        %lt3A = vector.broadcast %squeeze3A : i32 to vector<16xi32>
        %lt3A_83 = arith.cmpi slt, %add3A_82, %lt3A : vector<16xi32>
        %shift_right_arithmetic3A = arith.constant 9 : i32
        %shift_right_arithmetic3A_84 = vector.broadcast %shift_right_arithmetic3A : i32 to vector<16xi32>
        %shift_right_arithmetic3A_85 = arith.shrsi %get3A_75, %shift_right_arithmetic3A_84 : vector<16xi32>
        %ge3A = arith.constant 160000 : i32
        %ge3A_86 = vector.broadcast %ge3A : i32 to vector<16xi32>
        %ge3A_87 = arith.cmpi sge, %shift_right_arithmetic3A_85, %ge3A_86 : vector<16xi32>
        %jit3A_88 = arith.constant 160000 : i32
        %jit3A_89 = arith.constant 0 : i32
        %broadcast_in_dim3A = vector.broadcast %jit3A_88 : i32 to vector<16xi32>
        %broadcast_in_dim3A_90 = vector.broadcast %jit3A_89 : i32 to vector<16xi32>
        %select_n3A_91 = arith.select %ge3A_87, %broadcast_in_dim3A, %broadcast_in_dim3A_90 : vector<16xi1>, vector<16xi32>
        %sub3A_92 = arith.subi %shift_right_arithmetic3A_85, %select_n3A_91 : vector<16xi32>
        %jit3A_93 = arith.constant 0 : i32
        %broadcast_in_dim3A_94 = vector.broadcast %jit3A_93 : i32 to vector<16xi32>
        %select_n3A_95 = arith.select %lt3A_83, %sub3A_92, %broadcast_in_dim3A_94 : vector<16xi1>, vector<16xi32>
        %mul3A_96 = arith.constant 16 : i32
        %mul3A_97 = arith.muli %scan3A_71, %mul3A_96 : i32
        %swap3A = arith.index_cast %mul3A_97 : i32 to index
        %swap3A_98 = tpu.vector_load %arg7[%swap3A] {strides = array<i32>} : memref<512xi32, #tpu.memory_space<vmem>>, vector<16xi32>,
        tpu.vector_store %arg7[%swap3A], %select_n3A_95 {strides = array<i32>} : memref<512xi32, #tpu.memory_space<vmem>>, vector<16xi32>,
      }
      %scan3A_52 = arith.constant 32 : i32
      %dma_start3A = arith.constant 0 : i32
      %dma_start3A_53 = arith.constant 0 : i32
      %dma_start3A_54 = tpu.memref_slice %arg4[%dma_start3A, %dma_start3A_53] : memref<160000x128xf32, #tpu.memory_space<hbm>> -> memref<160000x128xf32, #tpu.memory_space<hbm>>
      tpu.enqueue_indirect_dma source(%dma_start3A_54 : memref<160000x128xf32, #tpu.memory_space<hbm>>) target(%arg8 : memref<512x128xf32, #tpu.memory_space<vmem>>) offsets(%arg7 : memref<512xi32, #tpu.memory_space<vmem>>) semaphore(%arg11 : memref<!tpu.dma_semaphore, #tpu.memory_space<semaphore_mem>>)
      %dma_wait3A = arith.constant 0 : i32
      %dma_wait3A_55 = arith.constant 0 : i32
      %dma_wait3A_56 = tpu.memref_slice %arg4[%dma_wait3A, %dma_wait3A_55] : memref<160000x128xf32, #tpu.memory_space<hbm>> -> memref<160000x128xf32, #tpu.memory_space<hbm>>
      tpu.wait_indirect_dma semaphore(%arg11 : memref<!tpu.dma_semaphore, #tpu.memory_space<semaphore_mem>>) src(%dma_wait3A_56 : memref<160000x128xf32, #tpu.memory_space<hbm>>) dst(%arg8 : memref<512x128xf32, #tpu.memory_space<vmem>>)
      %mul3A_57 = arith.constant 512 : i32
      %mul3A_58 = arith.muli %while3A_40, %mul3A_57 : i32
      %sub3A_59 = arith.subi %squeeze3A, %mul3A_58 : i32
      %min3A = arith.constant 512 : i32
      %min3A_60 = arith.minsi %min3A, %sub3A_59 : i32
      %while3A_61 = arith.constant 0 : i32
      %while3A_62 = arith.constant 0 : i32
      %while3A_63 = arith.subi %min3A_60, %while3A_62 : i32
      %while3A_64 = arith.addi %while3A_62, %while3A_63 : i32
      %while3A_65 = arith.constant 1 : i32
      %while3A_66 = arith.divsi %while3A_63, %while3A_65 : i32
      %while3A_67 = arith.muli %while3A_66, %while3A_65 : i32
      %while3A_68 = arith.addi %while3A_62, %while3A_67 : i32
      %while3A_69 = arith.constant 1 : i32
      scf.for %while3A_71 = %while3A_62 to %while3A_68 step %while3A_69  : i32 {
        %broadcast_in_dim3A = vector.broadcast %while3A_71 : i32 to vector<16xi32>
        %gather3A = tpu.vector_load_idx %arg6[%broadcast_in_dim3A] : memref<512xi32, #tpu.memory_space<vmem>>[vector<16xi32>], vector<16xi32>,
        %and3A_72 = arith.constant 511 : i32
        %and3A_73 = vector.broadcast %and3A_72 : i32 to vector<16xi32>
        %and3A_74 = arith.andi %gather3A, %and3A_73 : vector<16xi32>
        %shift_right_arithmetic3A = arith.constant 9 : i32
        %shift_right_arithmetic3A_75 = vector.broadcast %shift_right_arithmetic3A : i32 to vector<16xi32>
        %shift_right_arithmetic3A_76 = arith.shrsi %gather3A, %shift_right_arithmetic3A_75 : vector<16xi32>
        %shift_right_arithmetic3A_77 = arith.constant 1 : i32
        %shift_right_arithmetic3A_78 = vector.broadcast %shift_right_arithmetic3A_77 : i32 to vector<16xi32>
        %shift_right_arithmetic3A_79 = arith.shrsi %and3A_74, %shift_right_arithmetic3A_78 : vector<16xi32>
        %and3A_80 = arith.constant 1 : i32
        %and3A_81 = vector.broadcast %and3A_80 : i32 to vector<16xi32>
        %and3A_82 = arith.andi %and3A_74, %and3A_81 : vector<16xi32>
        %mul3A_83 = arith.constant 64 : i32
        %mul3A_84 = vector.broadcast %mul3A_83 : i32 to vector<16xi32>
        %mul3A_85 = arith.muli %and3A_82, %mul3A_84 : vector<16xi32>
        %ge3A = arith.constant 160000 : i32
        %ge3A_86 = vector.broadcast %ge3A : i32 to vector<16xi32>
        %ge3A_87 = arith.cmpi sge, %shift_right_arithmetic3A_76, %ge3A_86 : vector<16xi32>
        %jit3A_88 = arith.constant 64 : i32
        %jit3A_89 = arith.constant 0 : i32
        %broadcast_in_dim3A_90 = vector.broadcast %jit3A_88 : i32 to vector<16xi32>
        %broadcast_in_dim3A_91 = vector.broadcast %jit3A_89 : i32 to vector<16xi32>
        %select_n3A_92 = arith.select %ge3A_87, %broadcast_in_dim3A_90, %broadcast_in_dim3A_91 : vector<16xi1>, vector<16xi32>
        %add3A_93 = arith.constant 0 : i32
        %add3A_94 = vector.broadcast %add3A_93 : i32 to vector<16xi32>
        %add3A_95 = arith.addi %select_n3A_92, %add3A_94 : vector<16xi32>
        %add3A_96 = arith.addi %add3A_95, %iota3A : vector<16xi32>
        %add3A_97 = arith.constant 0 : i32
        %add3A_98 = vector.broadcast %add3A_97 : i32 to vector<16xi32>
        %add3A_99 = arith.addi %mul3A_85, %add3A_98 : vector<16xi32>
        %add3A_100 = arith.addi %add3A_99, %iota3A : vector<16xi32>
        %gather3A_101 = tpu.vector_load_idx %arg8[%broadcast_in_dim3A, %add3A_96] : memref<512x128xf32, #tpu.memory_space<vmem>>[vector<16xi32>, vector<16xi32>], vector<16xf32>,
        %gather3A_102 = tpu.vector_load_idx %arg10[%shift_right_arithmetic3A_79, %add3A_100] : memref<160x128xf32, #tpu.memory_space<vmem>>[vector<16xi32>, vector<16xi32>], vector<16xf32>,
        %max3A = arith.maximumf %gather3A_102, %gather3A_101 : vector<16xf32>
        tpu.vector_store_idx %arg10[%shift_right_arithmetic3A_79, %add3A_100], %max3A : memref<160x128xf32, #tpu.memory_space<vmem>>[vector<16xi32>, vector<16xi32>], vector<16xf32>,
        %add3A_103 = arith.constant 16 : i32
        %add3A_104 = vector.broadcast %add3A_103 : i32 to vector<16xi32>
        %add3A_105 = arith.addi %select_n3A_92, %add3A_104 : vector<16xi32>
        %add3A_106 = arith.addi %add3A_105, %iota3A : vector<16xi32>
        %add3A_107 = arith.constant 16 : i32
        %add3A_108 = vector.broadcast %add3A_107 : i32 to vector<16xi32>
        %add3A_109 = arith.addi %mul3A_85, %add3A_108 : vector<16xi32>
        %add3A_110 = arith.addi %add3A_109, %iota3A : vector<16xi32>
        %gather3A_111 = tpu.vector_load_idx %arg8[%broadcast_in_dim3A, %add3A_106] : memref<512x128xf32, #tpu.memory_space<vmem>>[vector<16xi32>, vector<16xi32>], vector<16xf32>,
        %gather3A_112 = tpu.vector_load_idx %arg10[%shift_right_arithmetic3A_79, %add3A_110] : memref<160x128xf32, #tpu.memory_space<vmem>>[vector<16xi32>, vector<16xi32>], vector<16xf32>,
        %max3A_113 = arith.maximumf %gather3A_112, %gather3A_111 : vector<16xf32>
        tpu.vector_store_idx %arg10[%shift_right_arithmetic3A_79, %add3A_110], %max3A_113 : memref<160x128xf32, #tpu.memory_space<vmem>>[vector<16xi32>, vector<16xi32>], vector<16xf32>,
        %add3A_114 = arith.constant 32 : i32
        %add3A_115 = vector.broadcast %add3A_114 : i32 to vector<16xi32>
        %add3A_116 = arith.addi %select_n3A_92, %add3A_115 : vector<16xi32>
        %add3A_117 = arith.addi %add3A_116, %iota3A : vector<16xi32>
        %add3A_118 = arith.constant 32 : i32
        %add3A_119 = vector.broadcast %add3A_118 : i32 to vector<16xi32>
        %add3A_120 = arith.addi %mul3A_85, %add3A_119 : vector<16xi32>
        %add3A_121 = arith.addi %add3A_120, %iota3A : vector<16xi32>
        %gather3A_122 = tpu.vector_load_idx %arg8[%broadcast_in_dim3A, %add3A_117] : memref<512x128xf32, #tpu.memory_space<vmem>>[vector<16xi32>, vector<16xi32>], vector<16xf32>,
        %gather3A_123 = tpu.vector_load_idx %arg10[%shift_right_arithmetic3A_79, %add3A_121] : memref<160x128xf32, #tpu.memory_space<vmem>>[vector<16xi32>, vector<16xi32>], vector<16xf32>,
        %max3A_124 = arith.maximumf %gather3A_123, %gather3A_122 : vector<16xf32>
        tpu.vector_store_idx %arg10[%shift_right_arithmetic3A_79, %add3A_121], %max3A_124 : memref<160x128xf32, #tpu.memory_space<vmem>>[vector<16xi32>, vector<16xi32>], vector<16xf32>,
        %add3A_125 = arith.constant 48 : i32
        %add3A_126 = vector.broadcast %add3A_125 : i32 to vector<16xi32>
        %add3A_127 = arith.addi %select_n3A_92, %add3A_126 : vector<16xi32>
        %add3A_128 = arith.addi %add3A_127, %iota3A : vector<16xi32>
        %add3A_129 = arith.constant 48 : i32
        %add3A_130 = vector.broadcast %add3A_129 : i32 to vector<16xi32>
        %add3A_131 = arith.addi %mul3A_85, %add3A_130 : vector<16xi32>
        %add3A_132 = arith.addi %add3A_131, %iota3A : vector<16xi32>
        %gather3A_133 = tpu.vector_load_idx %arg8[%broadcast_in_dim3A, %add3A_128] : memref<512x128xf32, #tpu.memory_space<vmem>>[vector<16xi32>, vector<16xi32>], vector<16xf32>,
        %gather3A_134 = tpu.vector_load_idx %arg10[%shift_right_arithmetic3A_79, %add3A_132] : memref<160x128xf32, #tpu.memory_space<vmem>>[vector<16xi32>, vector<16xi32>], vector<16xf32>,
        %max3A_135 = arith.maximumf %gather3A_134, %gather3A_133 : vector<16xf32>
        tpu.vector_store_idx %arg10[%shift_right_arithmetic3A_79, %add3A_132], %max3A_135 : memref<160x128xf32, #tpu.memory_space<vmem>>[vector<16xi32>, vector<16xi32>], vector<16xf32>,
      }
      %while3A_70 = arith.constant 1 : i32
      scf.for %while3A_71 = %while3A_68 to %while3A_64 step %while3A_70  : i32 {
        %broadcast_in_dim3A = vector.broadcast %while3A_71 : i32 to vector<16xi32>
        %gather3A = tpu.vector_load_idx %arg6[%broadcast_in_dim3A] : memref<512xi32, #tpu.memory_space<vmem>>[vector<16xi32>], vector<16xi32>,
        %and3A_72 = arith.constant 511 : i32
        %and3A_73 = vector.broadcast %and3A_72 : i32 to vector<16xi32>
        %and3A_74 = arith.andi %gather3A, %and3A_73 : vector<16xi32>
        %shift_right_arithmetic3A = arith.constant 9 : i32
        %shift_right_arithmetic3A_75 = vector.broadcast %shift_right_arithmetic3A : i32 to vector<16xi32>
        %shift_right_arithmetic3A_76 = arith.shrsi %gather3A, %shift_right_arithmetic3A_75 : vector<16xi32>
        %shift_right_arithmetic3A_77 = arith.constant 1 : i32
        %shift_right_arithmetic3A_78 = vector.broadcast %shift_right_arithmetic3A_77 : i32 to vector<16xi32>
        %shift_right_arithmetic3A_79 = arith.shrsi %and3A_74, %shift_right_arithmetic3A_78 : vector<16xi32>
        %and3A_80 = arith.constant 1 : i32
        %and3A_81 = vector.broadcast %and3A_80 : i32 to vector<16xi32>
        %and3A_82 = arith.andi %and3A_74, %and3A_81 : vector<16xi32>
        %mul3A_83 = arith.constant 64 : i32
        %mul3A_84 = vector.broadcast %mul3A_83 : i32 to vector<16xi32>
        %mul3A_85 = arith.muli %and3A_82, %mul3A_84 : vector<16xi32>
        %ge3A = arith.constant 160000 : i32
        %ge3A_86 = vector.broadcast %ge3A : i32 to vector<16xi32>
        %ge3A_87 = arith.cmpi sge, %shift_right_arithmetic3A_76, %ge3A_86 : vector<16xi32>
        %jit3A_88 = arith.constant 64 : i32
        %jit3A_89 = arith.constant 0 : i32
        %broadcast_in_dim3A_90 = vector.broadcast %jit3A_88 : i32 to vector<16xi32>
        %broadcast_in_dim3A_91 = vector.broadcast %jit3A_89 : i32 to vector<16xi32>
        %select_n3A_92 = arith.select %ge3A_87, %broadcast_in_dim3A_90, %broadcast_in_dim3A_91 : vector<16xi1>, vector<16xi32>
        %add3A_93 = arith.constant 0 : i32
        %add3A_94 = vector.broadcast %add3A_93 : i32 to vector<16xi32>
        %add3A_95 = arith.addi %select_n3A_92, %add3A_94 : vector<16xi32>
        %add3A_96 = arith.addi %add3A_95, %iota3A : vector<16xi32>
        %add3A_97 = arith.constant 0 : i32
        %add3A_98 = vector.broadcast %add3A_97 : i32 to vector<16xi32>
        %add3A_99 = arith.addi %mul3A_85, %add3A_98 : vector<16xi32>
        %add3A_100 = arith.addi %add3A_99, %iota3A : vector<16xi32>
        %gather3A_101 = tpu.vector_load_idx %arg8[%broadcast_in_dim3A, %add3A_96] : memref<512x128xf32, #tpu.memory_space<vmem>>[vector<16xi32>, vector<16xi32>], vector<16xf32>,
        %gather3A_102 = tpu.vector_load_idx %arg10[%shift_right_arithmetic3A_79, %add3A_100] : memref<160x128xf32, #tpu.memory_space<vmem>>[vector<16xi32>, vector<16xi32>], vector<16xf32>,
        %max3A = arith.maximumf %gather3A_102, %gather3A_101 : vector<16xf32>
        tpu.vector_store_idx %arg10[%shift_right_arithmetic3A_79, %add3A_100], %max3A : memref<160x128xf32, #tpu.memory_space<vmem>>[vector<16xi32>, vector<16xi32>], vector<16xf32>,
        %add3A_103 = arith.constant 16 : i32
        %add3A_104 = vector.broadcast %add3A_103 : i32 to vector<16xi32>
        %add3A_105 = arith.addi %select_n3A_92, %add3A_104 : vector<16xi32>
        %add3A_106 = arith.addi %add3A_105, %iota3A : vector<16xi32>
        %add3A_107 = arith.constant 16 : i32
        %add3A_108 = vector.broadcast %add3A_107 : i32 to vector<16xi32>
        %add3A_109 = arith.addi %mul3A_85, %add3A_108 : vector<16xi32>
        %add3A_110 = arith.addi %add3A_109, %iota3A : vector<16xi32>
        %gather3A_111 = tpu.vector_load_idx %arg8[%broadcast_in_dim3A, %add3A_106] : memref<512x128xf32, #tpu.memory_space<vmem>>[vector<16xi32>, vector<16xi32>], vector<16xf32>,
        %gather3A_112 = tpu.vector_load_idx %arg10[%shift_right_arithmetic3A_79, %add3A_110] : memref<160x128xf32, #tpu.memory_space<vmem>>[vector<16xi32>, vector<16xi32>], vector<16xf32>,
        %max3A_113 = arith.maximumf %gather3A_112, %gather3A_111 : vector<16xf32>
        tpu.vector_store_idx %arg10[%shift_right_arithmetic3A_79, %add3A_110], %max3A_113 : memref<160x128xf32, #tpu.memory_space<vmem>>[vector<16xi32>, vector<16xi32>], vector<16xf32>,
        %add3A_114 = arith.constant 32 : i32
        %add3A_115 = vector.broadcast %add3A_114 : i32 to vector<16xi32>
        %add3A_116 = arith.addi %select_n3A_92, %add3A_115 : vector<16xi32>
        %add3A_117 = arith.addi %add3A_116, %iota3A : vector<16xi32>
        %add3A_118 = arith.constant 32 : i32
        %add3A_119 = vector.broadcast %add3A_118 : i32 to vector<16xi32>
        %add3A_120 = arith.addi %mul3A_85, %add3A_119 : vector<16xi32>
        %add3A_121 = arith.addi %add3A_120, %iota3A : vector<16xi32>
        %gather3A_122 = tpu.vector_load_idx %arg8[%broadcast_in_dim3A, %add3A_117] : memref<512x128xf32, #tpu.memory_space<vmem>>[vector<16xi32>, vector<16xi32>], vector<16xf32>,
        %gather3A_123 = tpu.vector_load_idx %arg10[%shift_right_arithmetic3A_79, %add3A_121] : memref<160x128xf32, #tpu.memory_space<vmem>>[vector<16xi32>, vector<16xi32>], vector<16xf32>,
        %max3A_124 = arith.maximumf %gather3A_123, %gather3A_122 : vector<16xf32>
        tpu.vector_store_idx %arg10[%shift_right_arithmetic3A_79, %add3A_121], %max3A_124 : memref<160x128xf32, #tpu.memory_space<vmem>>[vector<16xi32>, vector<16xi32>], vector<16xf32>,
        %add3A_125 = arith.constant 48 : i32
        %add3A_126 = vector.broadcast %add3A_125 : i32 to vector<16xi32>
        %add3A_127 = arith.addi %select_n3A_92, %add3A_126 : vector<16xi32>
        %add3A_128 = arith.addi %add3A_127, %iota3A : vector<16xi32>
        %add3A_129 = arith.constant 48 : i32
        %add3A_130 = vector.broadcast %add3A_129 : i32 to vector<16xi32>
        %add3A_131 = arith.addi %mul3A_85, %add3A_130 : vector<16xi32>
        %add3A_132 = arith.addi %add3A_131, %iota3A : vector<16xi32>
        %gather3A_133 = tpu.vector_load_idx %arg8[%broadcast_in_dim3A, %add3A_128] : memref<512x128xf32, #tpu.memory_space<vmem>>[vector<16xi32>, vector<16xi32>], vector<16xf32>,
        %gather3A_134 = tpu.vector_load_idx %arg10[%shift_right_arithmetic3A_79, %add3A_132] : memref<160x128xf32, #tpu.memory_space<vmem>>[vector<16xi32>, vector<16xi32>], vector<16xf32>,
        %max3A_135 = arith.maximumf %gather3A_134, %gather3A_133 : vector<16xf32>
        tpu.vector_store_idx %arg10[%shift_right_arithmetic3A_79, %add3A_132], %max3A_135 : memref<160x128xf32, #tpu.memory_space<vmem>>[vector<16xi32>, vector<16xi32>], vector<16xf32>,
      }
    }
    %while3A_37 = arith.constant 1 : i32
    scf.for %while3A_40 = %while3A_35 to %while3A_31 step %while3A_37  : i32 {
      %mul3A_41 = arith.constant 322048 : i32
      %mul3A_42 = arith.muli %add3A, %mul3A_41 : i32
      %mul3A_43 = arith.constant 512 : i32
      %mul3A_44 = arith.muli %while3A_40, %mul3A_43 : i32
      %add3A_45 = arith.addi %mul3A_42, %mul3A_44 : i32
      %multiple_of3A_46 = tpu.assume_multiple %add3A_45, 8 : i32
      "tpu.region"() ({
        %run_scoped3A = tpu.sem_alloc : memref<!tpu.dma_semaphore, #tpu.memory_space<semaphore_mem>>
        %dma_start3A_71 = tpu.memref_slice %arg2[%multiple_of3A_46] : memref<10305536xi32, #tpu.memory_space<hbm>> -> memref<512xi32, #tpu.memory_space<hbm>>
        %dma_start3A_72 = tpu.memref_slice %arg2[%multiple_of3A_46] : memref<10305536xi32, #tpu.memory_space<hbm>> -> memref<512xi32, #tpu.memory_space<hbm>>
        tpu.enqueue_dma source(%dma_start3A_72 : memref<512xi32, #tpu.memory_space<hbm>>) target(%arg6 : memref<512xi32, #tpu.memory_space<vmem>>) target_semaphore(%run_scoped3A : memref<!tpu.dma_semaphore, #tpu.memory_space<semaphore_mem>>)
        %dma_wait3A_73 = tpu.memref_slice %arg2[%multiple_of3A_46] : memref<10305536xi32, #tpu.memory_space<hbm>> -> memref<512xi32, #tpu.memory_space<hbm>>
        %dma_wait3A_74 = tpu.memref_slice %arg2[%multiple_of3A_46] : memref<10305536xi32, #tpu.memory_space<hbm>> -> memref<512xi32, #tpu.memory_space<hbm>>
        tpu.wait_dma2 semaphore(%run_scoped3A : memref<!tpu.dma_semaphore, #tpu.memory_space<semaphore_mem>>) src(%dma_wait3A_74 : memref<512xi32, #tpu.memory_space<hbm>>) dst(%arg6 : memref<512xi32, #tpu.memory_space<vmem>>)
        tpu.yield
      }) : () -> ()
      %scan3A_47 = arith.constant 0 : i32
      %scan3A_48 = arith.constant 0 : i32
      %scan3A_49 = arith.constant 32 : i32
      %scan3A_50 = arith.addi %scan3A_48, %scan3A_49 : i32
      %scan3A_51 = arith.constant 1 : i32
      scf.for %scan3A_71 = %scan3A_48 to %scan3A_50 step %scan3A_51  : i32 {
        %mul3A_72 = arith.constant 16 : i32
        %mul3A_73 = arith.muli %scan3A_71, %mul3A_72 : i32
        %get3A_74 = arith.index_cast %mul3A_73 : i32 to index
        %get3A_75 = tpu.vector_load %arg6[%get3A_74] {strides = array<i32>} : memref<512xi32, #tpu.memory_space<vmem>>, vector<16xi32>,
        %mul3A_76 = arith.constant 512 : i32
        %mul3A_77 = arith.muli %while3A_40, %mul3A_76 : i32
        %mul3A_78 = arith.constant 16 : i32
        %mul3A_79 = arith.muli %scan3A_71, %mul3A_78 : i32
        %add3A_80 = arith.addi %mul3A_77, %mul3A_79 : i32
        %add3A_81 = vector.broadcast %add3A_80 : i32 to vector<16xi32>
        %add3A_82 = arith.addi %add3A_81, %iota3A : vector<16xi32>
        %lt3A = vector.broadcast %squeeze3A : i32 to vector<16xi32>
        %lt3A_83 = arith.cmpi slt, %add3A_82, %lt3A : vector<16xi32>
        %shift_right_arithmetic3A = arith.constant 9 : i32
        %shift_right_arithmetic3A_84 = vector.broadcast %shift_right_arithmetic3A : i32 to vector<16xi32>
        %shift_right_arithmetic3A_85 = arith.shrsi %get3A_75, %shift_right_arithmetic3A_84 : vector<16xi32>
        %ge3A = arith.constant 160000 : i32
        %ge3A_86 = vector.broadcast %ge3A : i32 to vector<16xi32>
        %ge3A_87 = arith.cmpi sge, %shift_right_arithmetic3A_85, %ge3A_86 : vector<16xi32>
        %jit3A_88 = arith.constant 160000 : i32
        %jit3A_89 = arith.constant 0 : i32
        %broadcast_in_dim3A = vector.broadcast %jit3A_88 : i32 to vector<16xi32>
        %broadcast_in_dim3A_90 = vector.broadcast %jit3A_89 : i32 to vector<16xi32>
        %select_n3A_91 = arith.select %ge3A_87, %broadcast_in_dim3A, %broadcast_in_dim3A_90 : vector<16xi1>, vector<16xi32>
        %sub3A_92 = arith.subi %shift_right_arithmetic3A_85, %select_n3A_91 : vector<16xi32>
        %jit3A_93 = arith.constant 0 : i32
        %broadcast_in_dim3A_94 = vector.broadcast %jit3A_93 : i32 to vector<16xi32>
        %select_n3A_95 = arith.select %lt3A_83, %sub3A_92, %broadcast_in_dim3A_94 : vector<16xi1>, vector<16xi32>
        %mul3A_96 = arith.constant 16 : i32
        %mul3A_97 = arith.muli %scan3A_71, %mul3A_96 : i32
        %swap3A = arith.index_cast %mul3A_97 : i32 to index
        %swap3A_98 = tpu.vector_load %arg7[%swap3A] {strides = array<i32>} : memref<512xi32, #tpu.memory_space<vmem>>, vector<16xi32>,
        tpu.vector_store %arg7[%swap3A], %select_n3A_95 {strides = array<i32>} : memref<512xi32, #tpu.memory_space<vmem>>, vector<16xi32>,
      }
      %scan3A_52 = arith.constant 32 : i32
      %dma_start3A = arith.constant 0 : i32
      %dma_start3A_53 = arith.constant 0 : i32
      %dma_start3A_54 = tpu.memref_slice %arg4[%dma_start3A, %dma_start3A_53] : memref<160000x128xf32, #tpu.memory_space<hbm>> -> memref<160000x128xf32, #tpu.memory_space<hbm>>
      tpu.enqueue_indirect_dma source(%dma_start3A_54 : memref<160000x128xf32, #tpu.memory_space<hbm>>) target(%arg8 : memref<512x128xf32, #tpu.memory_space<vmem>>) offsets(%arg7 : memref<512xi32, #tpu.memory_space<vmem>>) semaphore(%arg11 : memref<!tpu.dma_semaphore, #tpu.memory_space<semaphore_mem>>)
      %dma_wait3A = arith.constant 0 : i32
      %dma_wait3A_55 = arith.constant 0 : i32
      %dma_wait3A_56 = tpu.memref_slice %arg4[%dma_wait3A, %dma_wait3A_55] : memref<160000x128xf32, #tpu.memory_space<hbm>> -> memref<160000x128xf32, #tpu.memory_space<hbm>>
      tpu.wait_indirect_dma semaphore(%arg11 : memref<!tpu.dma_semaphore, #tpu.memory_space<semaphore_mem>>) src(%dma_wait3A_56 : memref<160000x128xf32, #tpu.memory_space<hbm>>) dst(%arg8 : memref<512x128xf32, #tpu.memory_space<vmem>>)
      %mul3A_57 = arith.constant 512 : i32
      %mul3A_58 = arith.muli %while3A_40, %mul3A_57 : i32
      %sub3A_59 = arith.subi %squeeze3A, %mul3A_58 : i32
      %min3A = arith.constant 512 : i32
      %min3A_60 = arith.minsi %min3A, %sub3A_59 : i32
      %while3A_61 = arith.constant 0 : i32
      %while3A_62 = arith.constant 0 : i32
      %while3A_63 = arith.subi %min3A_60, %while3A_62 : i32
      %while3A_64 = arith.addi %while3A_62, %while3A_63 : i32
      %while3A_65 = arith.constant 1 : i32
      %while3A_66 = arith.divsi %while3A_63, %while3A_65 : i32
      %while3A_67 = arith.muli %while3A_66, %while3A_65 : i32
      %while3A_68 = arith.addi %while3A_62, %while3A_67 : i32
      %while3A_69 = arith.constant 1 : i32
      scf.for %while3A_71 = %while3A_62 to %while3A_68 step %while3A_69  : i32 {
        %broadcast_in_dim3A = vector.broadcast %while3A_71 : i32 to vector<16xi32>
        %gather3A = tpu.vector_load_idx %arg6[%broadcast_in_dim3A] : memref<512xi32, #tpu.memory_space<vmem>>[vector<16xi32>], vector<16xi32>,
        %and3A_72 = arith.constant 511 : i32
        %and3A_73 = vector.broadcast %and3A_72 : i32 to vector<16xi32>
        %and3A_74 = arith.andi %gather3A, %and3A_73 : vector<16xi32>
        %shift_right_arithmetic3A = arith.constant 9 : i32
        %shift_right_arithmetic3A_75 = vector.broadcast %shift_right_arithmetic3A : i32 to vector<16xi32>
        %shift_right_arithmetic3A_76 = arith.shrsi %gather3A, %shift_right_arithmetic3A_75 : vector<16xi32>
        %shift_right_arithmetic3A_77 = arith.constant 1 : i32
        %shift_right_arithmetic3A_78 = vector.broadcast %shift_right_arithmetic3A_77 : i32 to vector<16xi32>
        %shift_right_arithmetic3A_79 = arith.shrsi %and3A_74, %shift_right_arithmetic3A_78 : vector<16xi32>
        %and3A_80 = arith.constant 1 : i32
        %and3A_81 = vector.broadcast %and3A_80 : i32 to vector<16xi32>
        %and3A_82 = arith.andi %and3A_74, %and3A_81 : vector<16xi32>
        %mul3A_83 = arith.constant 64 : i32
        %mul3A_84 = vector.broadcast %mul3A_83 : i32 to vector<16xi32>
        %mul3A_85 = arith.muli %and3A_82, %mul3A_84 : vector<16xi32>
        %ge3A = arith.constant 160000 : i32
        %ge3A_86 = vector.broadcast %ge3A : i32 to vector<16xi32>
        %ge3A_87 = arith.cmpi sge, %shift_right_arithmetic3A_76, %ge3A_86 : vector<16xi32>
        %jit3A_88 = arith.constant 64 : i32
        %jit3A_89 = arith.constant 0 : i32
        %broadcast_in_dim3A_90 = vector.broadcast %jit3A_88 : i32 to vector<16xi32>
        %broadcast_in_dim3A_91 = vector.broadcast %jit3A_89 : i32 to vector<16xi32>
        %select_n3A_92 = arith.select %ge3A_87, %broadcast_in_dim3A_90, %broadcast_in_dim3A_91 : vector<16xi1>, vector<16xi32>
        %add3A_93 = arith.constant 0 : i32
        %add3A_94 = vector.broadcast %add3A_93 : i32 to vector<16xi32>
        %add3A_95 = arith.addi %select_n3A_92, %add3A_94 : vector<16xi32>
        %add3A_96 = arith.addi %add3A_95, %iota3A : vector<16xi32>
        %add3A_97 = arith.constant 0 : i32
        %add3A_98 = vector.broadcast %add3A_97 : i32 to vector<16xi32>
        %add3A_99 = arith.addi %mul3A_85, %add3A_98 : vector<16xi32>
        %add3A_100 = arith.addi %add3A_99, %iota3A : vector<16xi32>
        %gather3A_101 = tpu.vector_load_idx %arg8[%broadcast_in_dim3A, %add3A_96] : memref<512x128xf32, #tpu.memory_space<vmem>>[vector<16xi32>, vector<16xi32>], vector<16xf32>,
        %gather3A_102 = tpu.vector_load_idx %arg10[%shift_right_arithmetic3A_79, %add3A_100] : memref<160x128xf32, #tpu.memory_space<vmem>>[vector<16xi32>, vector<16xi32>], vector<16xf32>,
        %max3A = arith.maximumf %gather3A_102, %gather3A_101 : vector<16xf32>
        tpu.vector_store_idx %arg10[%shift_right_arithmetic3A_79, %add3A_100], %max3A : memref<160x128xf32, #tpu.memory_space<vmem>>[vector<16xi32>, vector<16xi32>], vector<16xf32>,
        %add3A_103 = arith.constant 16 : i32
        %add3A_104 = vector.broadcast %add3A_103 : i32 to vector<16xi32>
        %add3A_105 = arith.addi %select_n3A_92, %add3A_104 : vector<16xi32>
        %add3A_106 = arith.addi %add3A_105, %iota3A : vector<16xi32>
        %add3A_107 = arith.constant 16 : i32
        %add3A_108 = vector.broadcast %add3A_107 : i32 to vector<16xi32>
        %add3A_109 = arith.addi %mul3A_85, %add3A_108 : vector<16xi32>
        %add3A_110 = arith.addi %add3A_109, %iota3A : vector<16xi32>
        %gather3A_111 = tpu.vector_load_idx %arg8[%broadcast_in_dim3A, %add3A_106] : memref<512x128xf32, #tpu.memory_space<vmem>>[vector<16xi32>, vector<16xi32>], vector<16xf32>,
        %gather3A_112 = tpu.vector_load_idx %arg10[%shift_right_arithmetic3A_79, %add3A_110] : memref<160x128xf32, #tpu.memory_space<vmem>>[vector<16xi32>, vector<16xi32>], vector<16xf32>,
        %max3A_113 = arith.maximumf %gather3A_112, %gather3A_111 : vector<16xf32>
        tpu.vector_store_idx %arg10[%shift_right_arithmetic3A_79, %add3A_110], %max3A_113 : memref<160x128xf32, #tpu.memory_space<vmem>>[vector<16xi32>, vector<16xi32>], vector<16xf32>,
        %add3A_114 = arith.constant 32 : i32
        %add3A_115 = vector.broadcast %add3A_114 : i32 to vector<16xi32>
        %add3A_116 = arith.addi %select_n3A_92, %add3A_115 : vector<16xi32>
        %add3A_117 = arith.addi %add3A_116, %iota3A : vector<16xi32>
        %add3A_118 = arith.constant 32 : i32
        %add3A_119 = vector.broadcast %add3A_118 : i32 to vector<16xi32>
        %add3A_120 = arith.addi %mul3A_85, %add3A_119 : vector<16xi32>
        %add3A_121 = arith.addi %add3A_120, %iota3A : vector<16xi32>
        %gather3A_122 = tpu.vector_load_idx %arg8[%broadcast_in_dim3A, %add3A_117] : memref<512x128xf32, #tpu.memory_space<vmem>>[vector<16xi32>, vector<16xi32>], vector<16xf32>,
        %gather3A_123 = tpu.vector_load_idx %arg10[%shift_right_arithmetic3A_79, %add3A_121] : memref<160x128xf32, #tpu.memory_space<vmem>>[vector<16xi32>, vector<16xi32>], vector<16xf32>,
        %max3A_124 = arith.maximumf %gather3A_123, %gather3A_122 : vector<16xf32>
        tpu.vector_store_idx %arg10[%shift_right_arithmetic3A_79, %add3A_121], %max3A_124 : memref<160x128xf32, #tpu.memory_space<vmem>>[vector<16xi32>, vector<16xi32>], vector<16xf32>,
        %add3A_125 = arith.constant 48 : i32
        %add3A_126 = vector.broadcast %add3A_125 : i32 to vector<16xi32>
        %add3A_127 = arith.addi %select_n3A_92, %add3A_126 : vector<16xi32>
        %add3A_128 = arith.addi %add3A_127, %iota3A : vector<16xi32>
        %add3A_129 = arith.constant 48 : i32
        %add3A_130 = vector.broadcast %add3A_129 : i32 to vector<16xi32>
        %add3A_131 = arith.addi %mul3A_85, %add3A_130 : vector<16xi32>
        %add3A_132 = arith.addi %add3A_131, %iota3A : vector<16xi32>
        %gather3A_133 = tpu.vector_load_idx %arg8[%broadcast_in_dim3A, %add3A_128] : memref<512x128xf32, #tpu.memory_space<vmem>>[vector<16xi32>, vector<16xi32>], vector<16xf32>,
        %gather3A_134 = tpu.vector_load_idx %arg10[%shift_right_arithmetic3A_79, %add3A_132] : memref<160x128xf32, #tpu.memory_space<vmem>>[vector<16xi32>, vector<16xi32>], vector<16xf32>,
        %max3A_135 = arith.maximumf %gather3A_134, %gather3A_133 : vector<16xf32>
        tpu.vector_store_idx %arg10[%shift_right_arithmetic3A_79, %add3A_132], %max3A_135 : memref<160x128xf32, #tpu.memory_space<vmem>>[vector<16xi32>, vector<16xi32>], vector<16xf32>,
      }
      %while3A_70 = arith.constant 1 : i32
      scf.for %while3A_71 = %while3A_68 to %while3A_64 step %while3A_70  : i32 {
        %broadcast_in_dim3A = vector.broadcast %while3A_71 : i32 to vector<16xi32>
        %gather3A = tpu.vector_load_idx %arg6[%broadcast_in_dim3A] : memref<512xi32, #tpu.memory_space<vmem>>[vector<16xi32>], vector<16xi32>,
        %and3A_72 = arith.constant 511 : i32
        %and3A_73 = vector.broadcast %and3A_72 : i32 to vector<16xi32>
        %and3A_74 = arith.andi %gather3A, %and3A_73 : vector<16xi32>
        %shift_right_arithmetic3A = arith.constant 9 : i32
        %shift_right_arithmetic3A_75 = vector.broadcast %shift_right_arithmetic3A : i32 to vector<16xi32>
        %shift_right_arithmetic3A_76 = arith.shrsi %gather3A, %shift_right_arithmetic3A_75 : vector<16xi32>
        %shift_right_arithmetic3A_77 = arith.constant 1 : i32
        %shift_right_arithmetic3A_78 = vector.broadcast %shift_right_arithmetic3A_77 : i32 to vector<16xi32>
        %shift_right_arithmetic3A_79 = arith.shrsi %and3A_74, %shift_right_arithmetic3A_78 : vector<16xi32>
        %and3A_80 = arith.constant 1 : i32
        %and3A_81 = vector.broadcast %and3A_80 : i32 to vector<16xi32>
        %and3A_82 = arith.andi %and3A_74, %and3A_81 : vector<16xi32>
        %mul3A_83 = arith.constant 64 : i32
        %mul3A_84 = vector.broadcast %mul3A_83 : i32 to vector<16xi32>
        %mul3A_85 = arith.muli %and3A_82, %mul3A_84 : vector<16xi32>
        %ge3A = arith.constant 160000 : i32
        %ge3A_86 = vector.broadcast %ge3A : i32 to vector<16xi32>
        %ge3A_87 = arith.cmpi sge, %shift_right_arithmetic3A_76, %ge3A_86 : vector<16xi32>
        %jit3A_88 = arith.constant 64 : i32
        %jit3A_89 = arith.constant 0 : i32
        %broadcast_in_dim3A_90 = vector.broadcast %jit3A_88 : i32 to vector<16xi32>
        %broadcast_in_dim3A_91 = vector.broadcast %jit3A_89 : i32 to vector<16xi32>
        %select_n3A_92 = arith.select %ge3A_87, %broadcast_in_dim3A_90, %broadcast_in_dim3A_91 : vector<16xi1>, vector<16xi32>
        %add3A_93 = arith.constant 0 : i32
        %add3A_94 = vector.broadcast %add3A_93 : i32 to vector<16xi32>
        %add3A_95 = arith.addi %select_n3A_92, %add3A_94 : vector<16xi32>
        %add3A_96 = arith.addi %add3A_95, %iota3A : vector<16xi32>
        %add3A_97 = arith.constant 0 : i32
        %add3A_98 = vector.broadcast %add3A_97 : i32 to vector<16xi32>
        %add3A_99 = arith.addi %mul3A_85, %add3A_98 : vector<16xi32>
        %add3A_100 = arith.addi %add3A_99, %iota3A : vector<16xi32>
        %gather3A_101 = tpu.vector_load_idx %arg8[%broadcast_in_dim3A, %add3A_96] : memref<512x128xf32, #tpu.memory_space<vmem>>[vector<16xi32>, vector<16xi32>], vector<16xf32>,
        %gather3A_102 = tpu.vector_load_idx %arg10[%shift_right_arithmetic3A_79, %add3A_100] : memref<160x128xf32, #tpu.memory_space<vmem>>[vector<16xi32>, vector<16xi32>], vector<16xf32>,
        %max3A = arith.maximumf %gather3A_102, %gather3A_101 : vector<16xf32>
        tpu.vector_store_idx %arg10[%shift_right_arithmetic3A_79, %add3A_100], %max3A : memref<160x128xf32, #tpu.memory_space<vmem>>[vector<16xi32>, vector<16xi32>], vector<16xf32>,
        %add3A_103 = arith.constant 16 : i32
        %add3A_104 = vector.broadcast %add3A_103 : i32 to vector<16xi32>
        %add3A_105 = arith.addi %select_n3A_92, %add3A_104 : vector<16xi32>
        %add3A_106 = arith.addi %add3A_105, %iota3A : vector<16xi32>
        %add3A_107 = arith.constant 16 : i32
        %add3A_108 = vector.broadcast %add3A_107 : i32 to vector<16xi32>
        %add3A_109 = arith.addi %mul3A_85, %add3A_108 : vector<16xi32>
        %add3A_110 = arith.addi %add3A_109, %iota3A : vector<16xi32>
        %gather3A_111 = tpu.vector_load_idx %arg8[%broadcast_in_dim3A, %add3A_106] : memref<512x128xf32, #tpu.memory_space<vmem>>[vector<16xi32>, vector<16xi32>], vector<16xf32>,
        %gather3A_112 = tpu.vector_load_idx %arg10[%shift_right_arithmetic3A_79, %add3A_110] : memref<160x128xf32, #tpu.memory_space<vmem>>[vector<16xi32>, vector<16xi32>], vector<16xf32>,
        %max3A_113 = arith.maximumf %gather3A_112, %gather3A_111 : vector<16xf32>
        tpu.vector_store_idx %arg10[%shift_right_arithmetic3A_79, %add3A_110], %max3A_113 : memref<160x128xf32, #tpu.memory_space<vmem>>[vector<16xi32>, vector<16xi32>], vector<16xf32>,
        %add3A_114 = arith.constant 32 : i32
        %add3A_115 = vector.broadcast %add3A_114 : i32 to vector<16xi32>
        %add3A_116 = arith.addi %select_n3A_92, %add3A_115 : vector<16xi32>
        %add3A_117 = arith.addi %add3A_116, %iota3A : vector<16xi32>
        %add3A_118 = arith.constant 32 : i32
        %add3A_119 = vector.broadcast %add3A_118 : i32 to vector<16xi32>
        %add3A_120 = arith.addi %mul3A_85, %add3A_119 : vector<16xi32>
        %add3A_121 = arith.addi %add3A_120, %iota3A : vector<16xi32>
        %gather3A_122 = tpu.vector_load_idx %arg8[%broadcast_in_dim3A, %add3A_117] : memref<512x128xf32, #tpu.memory_space<vmem>>[vector<16xi32>, vector<16xi32>], vector<16xf32>,
        %gather3A_123 = tpu.vector_load_idx %arg10[%shift_right_arithmetic3A_79, %add3A_121] : memref<160x128xf32, #tpu.memory_space<vmem>>[vector<16xi32>, vector<16xi32>], vector<16xf32>,
        %max3A_124 = arith.maximumf %gather3A_123, %gather3A_122 : vector<16xf32>
        tpu.vector_store_idx %arg10[%shift_right_arithmetic3A_79, %add3A_121], %max3A_124 : memref<160x128xf32, #tpu.memory_space<vmem>>[vector<16xi32>, vector<16xi32>], vector<16xf32>,
        %add3A_125 = arith.constant 48 : i32
        %add3A_126 = vector.broadcast %add3A_125 : i32 to vector<16xi32>
        %add3A_127 = arith.addi %select_n3A_92, %add3A_126 : vector<16xi32>
        %add3A_128 = arith.addi %add3A_127, %iota3A : vector<16xi32>
        %add3A_129 = arith.constant 48 : i32
        %add3A_130 = vector.broadcast %add3A_129 : i32 to vector<16xi32>
        %add3A_131 = arith.addi %mul3A_85, %add3A_130 : vector<16xi32>
        %add3A_132 = arith.addi %add3A_131, %iota3A : vector<16xi32>
        %gather3A_133 = tpu.vector_load_idx %arg8[%broadcast_in_dim3A, %add3A_128] : memref<512x128xf32, #tpu.memory_space<vmem>>[vector<16xi32>, vector<16xi32>], vector<16xf32>,
        %gather3A_134 = tpu.vector_load_idx %arg10[%shift_right_arithmetic3A_79, %add3A_132] : memref<160x128xf32, #tpu.memory_space<vmem>>[vector<16xi32>, vector<16xi32>], vector<16xf32>,
        %max3A_135 = arith.maximumf %gather3A_134, %gather3A_133 : vector<16xf32>
        tpu.vector_store_idx %arg10[%shift_right_arithmetic3A_79, %add3A_132], %max3A_135 : memref<160x128xf32, #tpu.memory_space<vmem>>[vector<16xi32>, vector<16xi32>], vector<16xf32>,
      }
    }
    %mul3A_38 = arith.constant 160 : i32
    %mul3A_39 = arith.muli %add3A, %mul3A_38 : i32
    %multiple_of3A = tpu.assume_multiple %mul3A_39, 8 : i32
    "tpu.region"() ({
      %run_scoped3A = tpu.sem_alloc : memref<!tpu.dma_semaphore, #tpu.memory_space<semaphore_mem>>
      %dma_start3A = arith.constant 0 : i32
      %dma_start3A_40 = tpu.memref_slice %arg5[%multiple_of3A, %dma_start3A] : memref<5120x128xf32, #tpu.memory_space<hbm>> -> memref<160x128xf32, #tpu.memory_space<hbm>>
      %dma_start3A_41 = arith.constant 0 : i32
      %dma_start3A_42 = tpu.memref_slice %arg5[%multiple_of3A, %dma_start3A_41] : memref<5120x128xf32, #tpu.memory_space<hbm>> -> memref<160x128xf32, #tpu.memory_space<hbm>>
      tpu.enqueue_dma source(%arg10 : memref<160x128xf32, #tpu.memory_space<vmem>>) target(%dma_start3A_42 : memref<160x128xf32, #tpu.memory_space<hbm>>) target_semaphore(%run_scoped3A : memref<!tpu.dma_semaphore, #tpu.memory_space<semaphore_mem>>)
      %dma_wait3A = arith.constant 0 : i32
      %dma_wait3A_43 = tpu.memref_slice %arg5[%multiple_of3A, %dma_wait3A] : memref<5120x128xf32, #tpu.memory_space<hbm>> -> memref<160x128xf32, #tpu.memory_space<hbm>>
      %dma_wait3A_44 = arith.constant 0 : i32
      %dma_wait3A_45 = tpu.memref_slice %arg5[%multiple_of3A, %dma_wait3A_44] : memref<5120x128xf32, #tpu.memory_space<hbm>> -> memref<160x128xf32, #tpu.memory_space<hbm>>
      tpu.wait_dma2 semaphore(%run_scoped3A : memref<!tpu.dma_semaphore, #tpu.memory_space<semaphore_mem>>) src(%arg10 : memref<160x128xf32, #tpu.memory_space<vmem>>) dst(%dma_wait3A_45 : memref<160x128xf32, #tpu.memory_space<hbm>>)
      tpu.yield
    }) : () -> ()
    return
  }
}

#map = affine_map<(d0, d1) -> (0, 0)>
#map1 = affine_map<(d0, d1) -> (0)>
module attributes {stable_mosaic.version = 14 : i64} {
  func.func @_sc_gather_body(%arg0: i32, %arg1: i32, %arg2: memref<10000x128xf32, #tpu.memory_space<hbm>>, %arg3: memref<320000xi32, #tpu.memory_space<hbm>>, %arg4: memref<320000xi32, #tpu.memory_space<hbm>>, %arg5: memref<320000x128xf32, #tpu.memory_space<hbm>>, %arg6: memref<320000x128xf32, #tpu.memory_space<hbm>>, %arg7: memref<10000xi32, #tpu.memory_space<vmem>>, %arg8: memref<10000xi32, #tpu.memory_space<vmem>>, %arg9: memref<400x128xf32, #tpu.memory_space<vmem>>, %arg10: memref<400x128xf32, #tpu.memory_space<vmem>>, %arg11: memref<!tpu.dma_semaphore, #tpu.memory_space<semaphore_mem>>) attributes {dimension_semantics = [#tpu.dimension_semantics<core_parallel>, #tpu.dimension_semantics<subcore_parallel>], iteration_bounds = array<i64: 2, 16>, scalar_prefetch = 0 : i64, scratch_operands = 5 : i64, tpu.core_type = #tpu.core_type<sc_vector_subcore>, window_params = [{transform_indices = #map}, {transform_indices = #map1}, {transform_indices = #map1}, {transform_indices = #map}, {transform_indices = #map}]} {
    %mul3A = arith.constant 2 : i32
    %mul3A_0 = arith.muli %arg1, %mul3A : i32
    %add3A = arith.addi %mul3A_0, %arg0 : i32
    %mul3A_1 = arith.constant 10000 : i32
    %mul3A_2 = arith.muli %add3A, %mul3A_1 : i32
    %multiple_of3A = tpu.assume_multiple %mul3A_2, 8 : i32
    %dma_start3A = tpu.memref_slice %arg4[%multiple_of3A] : memref<320000xi32, #tpu.memory_space<hbm>> -> memref<10000xi32, #tpu.memory_space<hbm>>
    %dma_start3A_3 = tpu.memref_slice %arg4[%multiple_of3A] : memref<320000xi32, #tpu.memory_space<hbm>> -> memref<10000xi32, #tpu.memory_space<hbm>>
    tpu.enqueue_dma source(%dma_start3A_3 : memref<10000xi32, #tpu.memory_space<hbm>>) target(%arg7 : memref<10000xi32, #tpu.memory_space<vmem>>) target_semaphore(%arg11 : memref<!tpu.dma_semaphore, #tpu.memory_space<semaphore_mem>>)
    %dma_start3A_4 = tpu.memref_slice %arg3[%multiple_of3A] : memref<320000xi32, #tpu.memory_space<hbm>> -> memref<10000xi32, #tpu.memory_space<hbm>>
    %dma_start3A_5 = tpu.memref_slice %arg3[%multiple_of3A] : memref<320000xi32, #tpu.memory_space<hbm>> -> memref<10000xi32, #tpu.memory_space<hbm>>
    tpu.enqueue_dma source(%dma_start3A_5 : memref<10000xi32, #tpu.memory_space<hbm>>) target(%arg8 : memref<10000xi32, #tpu.memory_space<vmem>>) target_semaphore(%arg11 : memref<!tpu.dma_semaphore, #tpu.memory_space<semaphore_mem>>)
    %dma_wait3A = tpu.memref_slice %arg4[%multiple_of3A] : memref<320000xi32, #tpu.memory_space<hbm>> -> memref<10000xi32, #tpu.memory_space<hbm>>
    %dma_wait3A_6 = tpu.memref_slice %arg4[%multiple_of3A] : memref<320000xi32, #tpu.memory_space<hbm>> -> memref<10000xi32, #tpu.memory_space<hbm>>
    tpu.wait_dma2 semaphore(%arg11 : memref<!tpu.dma_semaphore, #tpu.memory_space<semaphore_mem>>) src(%dma_wait3A_6 : memref<10000xi32, #tpu.memory_space<hbm>>) dst(%arg7 : memref<10000xi32, #tpu.memory_space<vmem>>)
    %dma_wait3A_7 = tpu.memref_slice %arg3[%multiple_of3A] : memref<320000xi32, #tpu.memory_space<hbm>> -> memref<10000xi32, #tpu.memory_space<hbm>>
    %dma_wait3A_8 = tpu.memref_slice %arg3[%multiple_of3A] : memref<320000xi32, #tpu.memory_space<hbm>> -> memref<10000xi32, #tpu.memory_space<hbm>>
    tpu.wait_dma2 semaphore(%arg11 : memref<!tpu.dma_semaphore, #tpu.memory_space<semaphore_mem>>) src(%dma_wait3A_8 : memref<10000xi32, #tpu.memory_space<hbm>>) dst(%arg8 : memref<10000xi32, #tpu.memory_space<vmem>>)
    %scan3A = arith.constant 0 : i32
    %scan3A_9 = arith.constant 0 : i32
    %scan3A_10 = arith.constant 25 : i32
    %scan3A_11 = arith.addi %scan3A_9, %scan3A_10 : i32
    %scan3A_12 = arith.constant 1 : i32
    scf.for %scan3A_14 = %scan3A_9 to %scan3A_11 step %scan3A_12  : i32 {
      %mul3A_15 = arith.constant 400 : i32
      %mul3A_16 = arith.muli %scan3A_14, %mul3A_15 : i32
      %add3A_17 = arith.addi %multiple_of3A, %mul3A_16 : i32
      %multiple_of3A_18 = tpu.assume_multiple %add3A_17, 8 : i32
      %dma_start3A_19 = tpu.memref_slice %arg7[%mul3A_16] : memref<10000xi32, #tpu.memory_space<vmem>> -> memref<400xi32, #tpu.memory_space<vmem>>
      %dma_start3A_20 = arith.constant 0 : i32
      %dma_start3A_21 = arith.constant 0 : i32
      %dma_start3A_22 = tpu.memref_slice %arg2[%dma_start3A_20, %dma_start3A_21] : memref<10000x128xf32, #tpu.memory_space<hbm>> -> memref<10000x128xf32, #tpu.memory_space<hbm>>
      tpu.enqueue_indirect_dma source(%dma_start3A_22 : memref<10000x128xf32, #tpu.memory_space<hbm>>) target(%arg9 : memref<400x128xf32, #tpu.memory_space<vmem>>) offsets(%dma_start3A_19 : memref<400xi32, #tpu.memory_space<vmem>>) semaphore(%arg11 : memref<!tpu.dma_semaphore, #tpu.memory_space<semaphore_mem>>)
      %dma_start3A_23 = tpu.memref_slice %arg8[%mul3A_16] : memref<10000xi32, #tpu.memory_space<vmem>> -> memref<400xi32, #tpu.memory_space<vmem>>
      %dma_start3A_24 = arith.constant 0 : i32
      %dma_start3A_25 = arith.constant 0 : i32
      %dma_start3A_26 = tpu.memref_slice %arg2[%dma_start3A_24, %dma_start3A_25] : memref<10000x128xf32, #tpu.memory_space<hbm>> -> memref<10000x128xf32, #tpu.memory_space<hbm>>
      tpu.enqueue_indirect_dma source(%dma_start3A_26 : memref<10000x128xf32, #tpu.memory_space<hbm>>) target(%arg10 : memref<400x128xf32, #tpu.memory_space<vmem>>) offsets(%dma_start3A_23 : memref<400xi32, #tpu.memory_space<vmem>>) semaphore(%arg11 : memref<!tpu.dma_semaphore, #tpu.memory_space<semaphore_mem>>)
      %dma_wait3A_27 = tpu.memref_slice %arg7[%mul3A_16] : memref<10000xi32, #tpu.memory_space<vmem>> -> memref<400xi32, #tpu.memory_space<vmem>>
      %dma_wait3A_28 = arith.constant 0 : i32
      %dma_wait3A_29 = arith.constant 0 : i32
      %dma_wait3A_30 = tpu.memref_slice %arg2[%dma_wait3A_28, %dma_wait3A_29] : memref<10000x128xf32, #tpu.memory_space<hbm>> -> memref<10000x128xf32, #tpu.memory_space<hbm>>
      tpu.wait_indirect_dma semaphore(%arg11 : memref<!tpu.dma_semaphore, #tpu.memory_space<semaphore_mem>>) src(%dma_wait3A_30 : memref<10000x128xf32, #tpu.memory_space<hbm>>) dst(%arg9 : memref<400x128xf32, #tpu.memory_space<vmem>>)
      %dma_wait3A_31 = tpu.memref_slice %arg8[%mul3A_16] : memref<10000xi32, #tpu.memory_space<vmem>> -> memref<400xi32, #tpu.memory_space<vmem>>
      %dma_wait3A_32 = arith.constant 0 : i32
      %dma_wait3A_33 = arith.constant 0 : i32
      %dma_wait3A_34 = tpu.memref_slice %arg2[%dma_wait3A_32, %dma_wait3A_33] : memref<10000x128xf32, #tpu.memory_space<hbm>> -> memref<10000x128xf32, #tpu.memory_space<hbm>>
      tpu.wait_indirect_dma semaphore(%arg11 : memref<!tpu.dma_semaphore, #tpu.memory_space<semaphore_mem>>) src(%dma_wait3A_34 : memref<10000x128xf32, #tpu.memory_space<hbm>>) dst(%arg10 : memref<400x128xf32, #tpu.memory_space<vmem>>)
      %dma_start3A_35 = arith.constant 0 : i32
      %dma_start3A_36 = tpu.memref_slice %arg5[%multiple_of3A_18, %dma_start3A_35] : memref<320000x128xf32, #tpu.memory_space<hbm>> -> memref<400x128xf32, #tpu.memory_space<hbm>>
      %dma_start3A_37 = arith.constant 0 : i32
      %dma_start3A_38 = tpu.memref_slice %arg5[%multiple_of3A_18, %dma_start3A_37] : memref<320000x128xf32, #tpu.memory_space<hbm>> -> memref<400x128xf32, #tpu.memory_space<hbm>>
      tpu.enqueue_dma source(%arg9 : memref<400x128xf32, #tpu.memory_space<vmem>>) target(%dma_start3A_38 : memref<400x128xf32, #tpu.memory_space<hbm>>) target_semaphore(%arg11 : memref<!tpu.dma_semaphore, #tpu.memory_space<semaphore_mem>>)
      %dma_start3A_39 = arith.constant 0 : i32
      %dma_start3A_40 = tpu.memref_slice %arg6[%multiple_of3A_18, %dma_start3A_39] : memref<320000x128xf32, #tpu.memory_space<hbm>> -> memref<400x128xf32, #tpu.memory_space<hbm>>
      %dma_start3A_41 = arith.constant 0 : i32
      %dma_start3A_42 = tpu.memref_slice %arg6[%multiple_of3A_18, %dma_start3A_41] : memref<320000x128xf32, #tpu.memory_space<hbm>> -> memref<400x128xf32, #tpu.memory_space<hbm>>
      tpu.enqueue_dma source(%arg10 : memref<400x128xf32, #tpu.memory_space<vmem>>) target(%dma_start3A_42 : memref<400x128xf32, #tpu.memory_space<hbm>>) target_semaphore(%arg11 : memref<!tpu.dma_semaphore, #tpu.memory_space<semaphore_mem>>)
      %dma_wait3A_43 = arith.constant 0 : i32
      %dma_wait3A_44 = tpu.memref_slice %arg5[%multiple_of3A_18, %dma_wait3A_43] : memref<320000x128xf32, #tpu.memory_space<hbm>> -> memref<400x128xf32, #tpu.memory_space<hbm>>
      %dma_wait3A_45 = arith.constant 0 : i32
      %dma_wait3A_46 = tpu.memref_slice %arg5[%multiple_of3A_18, %dma_wait3A_45] : memref<320000x128xf32, #tpu.memory_space<hbm>> -> memref<400x128xf32, #tpu.memory_space<hbm>>
      tpu.wait_dma2 semaphore(%arg11 : memref<!tpu.dma_semaphore, #tpu.memory_space<semaphore_mem>>) src(%arg9 : memref<400x128xf32, #tpu.memory_space<vmem>>) dst(%dma_wait3A_46 : memref<400x128xf32, #tpu.memory_space<hbm>>)
      %dma_wait3A_47 = arith.constant 0 : i32
      %dma_wait3A_48 = tpu.memref_slice %arg6[%multiple_of3A_18, %dma_wait3A_47] : memref<320000x128xf32, #tpu.memory_space<hbm>> -> memref<400x128xf32, #tpu.memory_space<hbm>>
      %dma_wait3A_49 = arith.constant 0 : i32
      %dma_wait3A_50 = tpu.memref_slice %arg6[%multiple_of3A_18, %dma_wait3A_49] : memref<320000x128xf32, #tpu.memory_space<hbm>> -> memref<400x128xf32, #tpu.memory_space<hbm>>
      tpu.wait_dma2 semaphore(%arg11 : memref<!tpu.dma_semaphore, #tpu.memory_space<semaphore_mem>>) src(%arg10 : memref<400x128xf32, #tpu.memory_space<vmem>>) dst(%dma_wait3A_50 : memref<400x128xf32, #tpu.memory_space<hbm>>)
    }
    %scan3A_13 = arith.constant 25 : i32
    return
  }
}

#map = affine_map<(d0, d1) -> (0)>
#map1 = affine_map<(d0, d1) -> (0, 0)>
module attributes {stable_mosaic.version = 14 : i64} {
  func.func @_sc_scatter_body(%arg0: i32, %arg1: i32, %arg2: memref<10305536xi32, #tpu.memory_space<hbm>>, %arg3: memref<512xi32, #tpu.memory_space<hbm>>, %arg4: memref<160000x128xf32, #tpu.memory_space<hbm>>, %arg5: memref<5120x128xf32, #tpu.memory_space<hbm>>, %arg6: memref<512xi32, #tpu.memory_space<vmem>>, %arg7: memref<512xi32, #tpu.memory_space<vmem>>, %arg8: memref<512x128xf32, #tpu.memory_space<vmem>>, %arg9: memref<16xi32, #tpu.memory_space<vmem>>, %arg10: memref<160x128xf32, #tpu.memory_space<vmem>>, %arg11: memref<!tpu.dma_semaphore, #tpu.memory_space<semaphore_mem>>) attributes {dimension_semantics = [#tpu.dimension_semantics<core_parallel>, #tpu.dimension_semantics<subcore_parallel>], iteration_bounds = array<i64: 2, 16>, scalar_prefetch = 0 : i64, scratch_operands = 6 : i64, tpu.core_type = #tpu.core_type<sc_vector_subcore>, window_params = [{transform_indices = #map}, {transform_indices = #map}, {transform_indices = #map1}, {transform_indices = #map1}]} {
    %mul3A = arith.constant 2 : i32
    %mul3A_0 = arith.muli %arg1, %mul3A : i32
    %add3A = arith.addi %mul3A_0, %arg0 : i32
    %iota3A = tpu.iota {dimensions = array<i32: 0>} : vector<16xi32>
    %scan3A = arith.constant 0 : i32
    %scan3A_1 = arith.constant 0 : i32
    %scan3A_2 = arith.constant 160 : i32
    %scan3A_3 = arith.addi %scan3A_1, %scan3A_2 : i32
    %scan3A_4 = arith.constant 1 : i32
    scf.for %scan3A_40 = %scan3A_1 to %scan3A_3 step %scan3A_4  : i32 {
      %broadcast_in_dim3A = arith.constant 0.000000e+00 : f32
      %broadcast_in_dim3A_41 = vector.broadcast %broadcast_in_dim3A : f32 to vector<16xf32>
      %swap3A = arith.index_cast %scan3A_40 : i32 to index
      %swap3A_42 = arith.constant 0 : index
      %swap3A_43 = tpu.vector_load %arg10[%swap3A, %swap3A_42] {strides = array<i32>} : memref<160x128xf32, #tpu.memory_space<vmem>>, vector<16xf32>,
      tpu.vector_store %arg10[%swap3A, %swap3A_42], %broadcast_in_dim3A_41 {strides = array<i32>} : memref<160x128xf32, #tpu.memory_space<vmem>>, vector<16xf32>,
      %broadcast_in_dim3A_44 = arith.constant 0.000000e+00 : f32
      %broadcast_in_dim3A_45 = vector.broadcast %broadcast_in_dim3A_44 : f32 to vector<16xf32>
      %swap3A_46 = arith.index_cast %scan3A_40 : i32 to index
      %swap3A_47 = arith.constant 16 : index
      %swap3A_48 = tpu.vector_load %arg10[%swap3A_46, %swap3A_47] {strides = array<i32>} : memref<160x128xf32, #tpu.memory_space<vmem>>, vector<16xf32>,
      tpu.vector_store %arg10[%swap3A_46, %swap3A_47], %broadcast_in_dim3A_45 {strides = array<i32>} : memref<160x128xf32, #tpu.memory_space<vmem>>, vector<16xf32>,
      %broadcast_in_dim3A_49 = arith.constant 0.000000e+00 : f32
      %broadcast_in_dim3A_50 = vector.broadcast %broadcast_in_dim3A_49 : f32 to vector<16xf32>
      %swap3A_51 = arith.index_cast %scan3A_40 : i32 to index
      %swap3A_52 = arith.constant 32 : index
      %swap3A_53 = tpu.vector_load %arg10[%swap3A_51, %swap3A_52] {strides = array<i32>} : memref<160x128xf32, #tpu.memory_space<vmem>>, vector<16xf32>,
      tpu.vector_store %arg10[%swap3A_51, %swap3A_52], %broadcast_in_dim3A_50 {strides = array<i32>} : memref<160x128xf32, #tpu.memory_space<vmem>>, vector<16xf32>,
      %broadcast_in_dim3A_54 = arith.constant 0.000000e+00 : f32
      %broadcast_in_dim3A_55 = vector.broadcast %broadcast_in_dim3A_54 : f32 to vector<16xf32>
      %swap3A_56 = arith.index_cast %scan3A_40 : i32 to index
      %swap3A_57 = arith.constant 48 : index
      %swap3A_58 = tpu.vector_load %arg10[%swap3A_56, %swap3A_57] {strides = array<i32>} : memref<160x128xf32, #tpu.memory_space<vmem>>, vector<16xf32>,
      tpu.vector_store %arg10[%swap3A_56, %swap3A_57], %broadcast_in_dim3A_55 {strides = array<i32>} : memref<160x128xf32, #tpu.memory_space<vmem>>, vector<16xf32>,
      %broadcast_in_dim3A_59 = arith.constant 0.000000e+00 : f32
      %broadcast_in_dim3A_60 = vector.broadcast %broadcast_in_dim3A_59 : f32 to vector<16xf32>
      %swap3A_61 = arith.index_cast %scan3A_40 : i32 to index
      %swap3A_62 = arith.constant 64 : index
      %swap3A_63 = tpu.vector_load %arg10[%swap3A_61, %swap3A_62] {strides = array<i32>} : memref<160x128xf32, #tpu.memory_space<vmem>>, vector<16xf32>,
      tpu.vector_store %arg10[%swap3A_61, %swap3A_62], %broadcast_in_dim3A_60 {strides = array<i32>} : memref<160x128xf32, #tpu.memory_space<vmem>>, vector<16xf32>,
      %broadcast_in_dim3A_64 = arith.constant 0.000000e+00 : f32
      %broadcast_in_dim3A_65 = vector.broadcast %broadcast_in_dim3A_64 : f32 to vector<16xf32>
      %swap3A_66 = arith.index_cast %scan3A_40 : i32 to index
      %swap3A_67 = arith.constant 80 : index
      %swap3A_68 = tpu.vector_load %arg10[%swap3A_66, %swap3A_67] {strides = array<i32>} : memref<160x128xf32, #tpu.memory_space<vmem>>, vector<16xf32>,
      tpu.vector_store %arg10[%swap3A_66, %swap3A_67], %broadcast_in_dim3A_65 {strides = array<i32>} : memref<160x128xf32, #tpu.memory_space<vmem>>, vector<16xf32>,
      %broadcast_in_dim3A_69 = arith.constant 0.000000e+00 : f32
      %broadcast_in_dim3A_70 = vector.broadcast %broadcast_in_dim3A_69 : f32 to vector<16xf32>
      %swap3A_71 = arith.index_cast %scan3A_40 : i32 to index
      %swap3A_72 = arith.constant 96 : index
      %swap3A_73 = tpu.vector_load %arg10[%swap3A_71, %swap3A_72] {strides = array<i32>} : memref<160x128xf32, #tpu.memory_space<vmem>>, vector<16xf32>,
      tpu.vector_store %arg10[%swap3A_71, %swap3A_72], %broadcast_in_dim3A_70 {strides = array<i32>} : memref<160x128xf32, #tpu.memory_space<vmem>>, vector<16xf32>,
      %broadcast_in_dim3A_74 = arith.constant 0.000000e+00 : f32
      %broadcast_in_dim3A_75 = vector.broadcast %broadcast_in_dim3A_74 : f32 to vector<16xf32>
      %swap3A_76 = arith.index_cast %scan3A_40 : i32 to index
      %swap3A_77 = arith.constant 112 : index
      %swap3A_78 = tpu.vector_load %arg10[%swap3A_76, %swap3A_77] {strides = array<i32>} : memref<160x128xf32, #tpu.memory_space<vmem>>, vector<16xf32>,
      tpu.vector_store %arg10[%swap3A_76, %swap3A_77], %broadcast_in_dim3A_75 {strides = array<i32>} : memref<160x128xf32, #tpu.memory_space<vmem>>, vector<16xf32>,
    }
    %scan3A_5 = arith.constant 160 : i32
    %mul3A_6 = arith.constant 16 : i32
    %mul3A_7 = arith.muli %add3A, %mul3A_6 : i32
    "tpu.region"() ({
      %run_scoped3A = tpu.sem_alloc : memref<!tpu.dma_semaphore, #tpu.memory_space<semaphore_mem>>
      %dma_start3A = tpu.memref_slice %arg3[%mul3A_7] : memref<512xi32, #tpu.memory_space<hbm>> -> memref<16xi32, #tpu.memory_space<hbm>>
      %dma_start3A_40 = tpu.memref_slice %arg3[%mul3A_7] : memref<512xi32, #tpu.memory_space<hbm>> -> memref<16xi32, #tpu.memory_space<hbm>>
      tpu.enqueue_dma source(%dma_start3A_40 : memref<16xi32, #tpu.memory_space<hbm>>) target(%arg9 : memref<16xi32, #tpu.memory_space<vmem>>) target_semaphore(%run_scoped3A : memref<!tpu.dma_semaphore, #tpu.memory_space<semaphore_mem>>)
      %dma_wait3A = tpu.memref_slice %arg3[%mul3A_7] : memref<512xi32, #tpu.memory_space<hbm>> -> memref<16xi32, #tpu.memory_space<hbm>>
      %dma_wait3A_41 = tpu.memref_slice %arg3[%mul3A_7] : memref<512xi32, #tpu.memory_space<hbm>> -> memref<16xi32, #tpu.memory_space<hbm>>
      tpu.wait_dma2 semaphore(%run_scoped3A : memref<!tpu.dma_semaphore, #tpu.memory_space<semaphore_mem>>) src(%dma_wait3A_41 : memref<16xi32, #tpu.memory_space<hbm>>) dst(%arg9 : memref<16xi32, #tpu.memory_space<vmem>>)
      tpu.yield
    }) : () -> ()
    %get3A = arith.constant 0 : index
    %get3A_8 = tpu.vector_load %arg9[%get3A] {strides = array<i32>} : memref<16xi32, #tpu.memory_space<vmem>>, vector<16xi32>,
    %slice3A = vector.extract_strided_slice %get3A_8 {offsets = [0], sizes = [1], strides = [1]} : vector<16xi32> to vector<1xi32>
    %squeeze3A = vector.extract %slice3A[0] : i32 from vector<1xi32>
    %add3A_9 = arith.constant 512 : i32
    %add3A_10 = arith.addi %squeeze3A, %add3A_9 : i32
    %sub3A = arith.constant 1 : i32
    %sub3A_11 = arith.subi %add3A_10, %sub3A : i32
    %jit3A = arith.constant 512 : i32
    %div3A = arith.divsi %sub3A_11, %jit3A : i32
    %sign3A = arith.constant 0 : i32
    %sign3A_12 = arith.cmpi sgt, %sub3A_11, %sign3A : i32
    %sign3A_13 = arith.extui %sign3A_12 : i1 to i32
    %sign3A_14 = arith.constant 0 : i32
    %sign3A_15 = arith.cmpi slt, %sub3A_11, %sign3A_14 : i32
    %sign3A_16 = arith.extui %sign3A_15 : i1 to i32
    %sign3A_17 = arith.subi %sign3A_13, %sign3A_16 : i32
    %sign3A_18 = arith.constant 0 : i32
    %sign3A_19 = arith.cmpi sgt, %jit3A, %sign3A_18 : i32
    %sign3A_20 = arith.extui %sign3A_19 : i1 to i32
    %sign3A_21 = arith.constant 0 : i32
    %sign3A_22 = arith.cmpi slt, %jit3A, %sign3A_21 : i32
    %sign3A_23 = arith.extui %sign3A_22 : i1 to i32
    %sign3A_24 = arith.subi %sign3A_20, %sign3A_23 : i32
    %ne3A = arith.cmpi ne, %sign3A_17, %sign3A_24 : i32
    %rem3A = arith.remsi %sub3A_11, %jit3A : i32
    %ne3A_25 = arith.constant 0 : i32
    %ne3A_26 = arith.cmpi ne, %rem3A, %ne3A_25 : i32
    %and3A = arith.andi %ne3A, %ne3A_26 : i1
    %sub3A_27 = arith.constant 1 : i32
    %sub3A_28 = arith.subi %div3A, %sub3A_27 : i32
    %select_n3A = arith.select %and3A, %sub3A_28, %div3A : i32
    %while3A = arith.constant 0 : i32
    %while3A_29 = arith.constant 0 : i32
    %while3A_30 = arith.subi %select_n3A, %while3A_29 : i32
    %while3A_31 = arith.addi %while3A_29, %while3A_30 : i32
    %while3A_32 = arith.constant 1 : i32
    %while3A_33 = arith.divsi %while3A_30, %while3A_32 : i32
    %while3A_34 = arith.muli %while3A_33, %while3A_32 : i32
    %while3A_35 = arith.addi %while3A_29, %while3A_34 : i32
    %while3A_36 = arith.constant 1 : i32
    scf.for %while3A_40 = %while3A_29 to %while3A_35 step %while3A_36  : i32 {
      %mul3A_41 = arith.constant 322048 : i32
      %mul3A_42 = arith.muli %add3A, %mul3A_41 : i32
      %mul3A_43 = arith.constant 512 : i32
      %mul3A_44 = arith.muli %while3A_40, %mul3A_43 : i32
      %add3A_45 = arith.addi %mul3A_42, %mul3A_44 : i32
      %multiple_of3A_46 = tpu.assume_multiple %add3A_45, 8 : i32
      "tpu.region"() ({
        %run_scoped3A = tpu.sem_alloc : memref<!tpu.dma_semaphore, #tpu.memory_space<semaphore_mem>>
        %dma_start3A_71 = tpu.memref_slice %arg2[%multiple_of3A_46] : memref<10305536xi32, #tpu.memory_space<hbm>> -> memref<512xi32, #tpu.memory_space<hbm>>
        %dma_start3A_72 = tpu.memref_slice %arg2[%multiple_of3A_46] : memref<10305536xi32, #tpu.memory_space<hbm>> -> memref<512xi32, #tpu.memory_space<hbm>>
        tpu.enqueue_dma source(%dma_start3A_72 : memref<512xi32, #tpu.memory_space<hbm>>) target(%arg6 : memref<512xi32, #tpu.memory_space<vmem>>) target_semaphore(%run_scoped3A : memref<!tpu.dma_semaphore, #tpu.memory_space<semaphore_mem>>)
        %dma_wait3A_73 = tpu.memref_slice %arg2[%multiple_of3A_46] : memref<10305536xi32, #tpu.memory_space<hbm>> -> memref<512xi32, #tpu.memory_space<hbm>>
        %dma_wait3A_74 = tpu.memref_slice %arg2[%multiple_of3A_46] : memref<10305536xi32, #tpu.memory_space<hbm>> -> memref<512xi32, #tpu.memory_space<hbm>>
        tpu.wait_dma2 semaphore(%run_scoped3A : memref<!tpu.dma_semaphore, #tpu.memory_space<semaphore_mem>>) src(%dma_wait3A_74 : memref<512xi32, #tpu.memory_space<hbm>>) dst(%arg6 : memref<512xi32, #tpu.memory_space<vmem>>)
        tpu.yield
      }) : () -> ()
      %scan3A_47 = arith.constant 0 : i32
      %scan3A_48 = arith.constant 0 : i32
      %scan3A_49 = arith.constant 32 : i32
      %scan3A_50 = arith.addi %scan3A_48, %scan3A_49 : i32
      %scan3A_51 = arith.constant 1 : i32
      scf.for %scan3A_71 = %scan3A_48 to %scan3A_50 step %scan3A_51  : i32 {
        %mul3A_72 = arith.constant 16 : i32
        %mul3A_73 = arith.muli %scan3A_71, %mul3A_72 : i32
        %get3A_74 = arith.index_cast %mul3A_73 : i32 to index
        %get3A_75 = tpu.vector_load %arg6[%get3A_74] {strides = array<i32>} : memref<512xi32, #tpu.memory_space<vmem>>, vector<16xi32>,
        %mul3A_76 = arith.constant 512 : i32
        %mul3A_77 = arith.muli %while3A_40, %mul3A_76 : i32
        %mul3A_78 = arith.constant 16 : i32
        %mul3A_79 = arith.muli %scan3A_71, %mul3A_78 : i32
        %add3A_80 = arith.addi %mul3A_77, %mul3A_79 : i32
        %add3A_81 = vector.broadcast %add3A_80 : i32 to vector<16xi32>
        %add3A_82 = arith.addi %add3A_81, %iota3A : vector<16xi32>
        %lt3A = vector.broadcast %squeeze3A : i32 to vector<16xi32>
        %lt3A_83 = arith.cmpi slt, %add3A_82, %lt3A : vector<16xi32>
        %shift_right_arithmetic3A = arith.constant 9 : i32
        %shift_right_arithmetic3A_84 = vector.broadcast %shift_right_arithmetic3A : i32 to vector<16xi32>
        %shift_right_arithmetic3A_85 = arith.shrsi %get3A_75, %shift_right_arithmetic3A_84 : vector<16xi32>
        %ge3A = arith.constant 160000 : i32
        %ge3A_86 = vector.broadcast %ge3A : i32 to vector<16xi32>
        %ge3A_87 = arith.cmpi sge, %shift_right_arithmetic3A_85, %ge3A_86 : vector<16xi32>
        %jit3A_88 = arith.constant 160000 : i32
        %jit3A_89 = arith.constant 0 : i32
        %broadcast_in_dim3A = vector.broadcast %jit3A_88 : i32 to vector<16xi32>
        %broadcast_in_dim3A_90 = vector.broadcast %jit3A_89 : i32 to vector<16xi32>
        %select_n3A_91 = arith.select %ge3A_87, %broadcast_in_dim3A, %broadcast_in_dim3A_90 : vector<16xi1>, vector<16xi32>
        %sub3A_92 = arith.subi %shift_right_arithmetic3A_85, %select_n3A_91 : vector<16xi32>
        %jit3A_93 = arith.constant 0 : i32
        %broadcast_in_dim3A_94 = vector.broadcast %jit3A_93 : i32 to vector<16xi32>
        %select_n3A_95 = arith.select %lt3A_83, %sub3A_92, %broadcast_in_dim3A_94 : vector<16xi1>, vector<16xi32>
        %mul3A_96 = arith.constant 16 : i32
        %mul3A_97 = arith.muli %scan3A_71, %mul3A_96 : i32
        %swap3A = arith.index_cast %mul3A_97 : i32 to index
        %swap3A_98 = tpu.vector_load %arg7[%swap3A] {strides = array<i32>} : memref<512xi32, #tpu.memory_space<vmem>>, vector<16xi32>,
        tpu.vector_store %arg7[%swap3A], %select_n3A_95 {strides = array<i32>} : memref<512xi32, #tpu.memory_space<vmem>>, vector<16xi32>,
      }
      %scan3A_52 = arith.constant 32 : i32
      %dma_start3A = arith.constant 0 : i32
      %dma_start3A_53 = arith.constant 0 : i32
      %dma_start3A_54 = tpu.memref_slice %arg4[%dma_start3A, %dma_start3A_53] : memref<160000x128xf32, #tpu.memory_space<hbm>> -> memref<160000x128xf32, #tpu.memory_space<hbm>>
      tpu.enqueue_indirect_dma source(%dma_start3A_54 : memref<160000x128xf32, #tpu.memory_space<hbm>>) target(%arg8 : memref<512x128xf32, #tpu.memory_space<vmem>>) offsets(%arg7 : memref<512xi32, #tpu.memory_space<vmem>>) semaphore(%arg11 : memref<!tpu.dma_semaphore, #tpu.memory_space<semaphore_mem>>)
      %dma_wait3A = arith.constant 0 : i32
      %dma_wait3A_55 = arith.constant 0 : i32
      %dma_wait3A_56 = tpu.memref_slice %arg4[%dma_wait3A, %dma_wait3A_55] : memref<160000x128xf32, #tpu.memory_space<hbm>> -> memref<160000x128xf32, #tpu.memory_space<hbm>>
      tpu.wait_indirect_dma semaphore(%arg11 : memref<!tpu.dma_semaphore, #tpu.memory_space<semaphore_mem>>) src(%dma_wait3A_56 : memref<160000x128xf32, #tpu.memory_space<hbm>>) dst(%arg8 : memref<512x128xf32, #tpu.memory_space<vmem>>)
      %mul3A_57 = arith.constant 512 : i32
      %mul3A_58 = arith.muli %while3A_40, %mul3A_57 : i32
      %sub3A_59 = arith.subi %squeeze3A, %mul3A_58 : i32
      %min3A = arith.constant 512 : i32
      %min3A_60 = arith.minsi %min3A, %sub3A_59 : i32
      %while3A_61 = arith.constant 0 : i32
      %while3A_62 = arith.constant 0 : i32
      %while3A_63 = arith.subi %min3A_60, %while3A_62 : i32
      %while3A_64 = arith.addi %while3A_62, %while3A_63 : i32
      %while3A_65 = arith.constant 1 : i32
      %while3A_66 = arith.divsi %while3A_63, %while3A_65 : i32
      %while3A_67 = arith.muli %while3A_66, %while3A_65 : i32
      %while3A_68 = arith.addi %while3A_62, %while3A_67 : i32
      %while3A_69 = arith.constant 1 : i32
      scf.for %while3A_71 = %while3A_62 to %while3A_68 step %while3A_69  : i32 {
        %broadcast_in_dim3A = vector.broadcast %while3A_71 : i32 to vector<16xi32>
        %gather3A = tpu.vector_load_idx %arg6[%broadcast_in_dim3A] : memref<512xi32, #tpu.memory_space<vmem>>[vector<16xi32>], vector<16xi32>,
        %and3A_72 = arith.constant 511 : i32
        %and3A_73 = vector.broadcast %and3A_72 : i32 to vector<16xi32>
        %and3A_74 = arith.andi %gather3A, %and3A_73 : vector<16xi32>
        %shift_right_arithmetic3A = arith.constant 9 : i32
        %shift_right_arithmetic3A_75 = vector.broadcast %shift_right_arithmetic3A : i32 to vector<16xi32>
        %shift_right_arithmetic3A_76 = arith.shrsi %gather3A, %shift_right_arithmetic3A_75 : vector<16xi32>
        %shift_right_arithmetic3A_77 = arith.constant 1 : i32
        %shift_right_arithmetic3A_78 = vector.broadcast %shift_right_arithmetic3A_77 : i32 to vector<16xi32>
        %shift_right_arithmetic3A_79 = arith.shrsi %and3A_74, %shift_right_arithmetic3A_78 : vector<16xi32>
        %and3A_80 = arith.constant 1 : i32
        %and3A_81 = vector.broadcast %and3A_80 : i32 to vector<16xi32>
        %and3A_82 = arith.andi %and3A_74, %and3A_81 : vector<16xi32>
        %mul3A_83 = arith.constant 64 : i32
        %mul3A_84 = vector.broadcast %mul3A_83 : i32 to vector<16xi32>
        %mul3A_85 = arith.muli %and3A_82, %mul3A_84 : vector<16xi32>
        %ge3A = arith.constant 160000 : i32
        %ge3A_86 = vector.broadcast %ge3A : i32 to vector<16xi32>
        %ge3A_87 = arith.cmpi sge, %shift_right_arithmetic3A_76, %ge3A_86 : vector<16xi32>
        %jit3A_88 = arith.constant 64 : i32
        %jit3A_89 = arith.constant 0 : i32
        %broadcast_in_dim3A_90 = vector.broadcast %jit3A_88 : i32 to vector<16xi32>
        %broadcast_in_dim3A_91 = vector.broadcast %jit3A_89 : i32 to vector<16xi32>
        %select_n3A_92 = arith.select %ge3A_87, %broadcast_in_dim3A_90, %broadcast_in_dim3A_91 : vector<16xi1>, vector<16xi32>
        %add3A_93 = arith.constant 0 : i32
        %add3A_94 = vector.broadcast %add3A_93 : i32 to vector<16xi32>
        %add3A_95 = arith.addi %select_n3A_92, %add3A_94 : vector<16xi32>
        %add3A_96 = arith.addi %add3A_95, %iota3A : vector<16xi32>
        %add3A_97 = arith.constant 0 : i32
        %add3A_98 = vector.broadcast %add3A_97 : i32 to vector<16xi32>
        %add3A_99 = arith.addi %mul3A_85, %add3A_98 : vector<16xi32>
        %add3A_100 = arith.addi %add3A_99, %iota3A : vector<16xi32>
        %gather3A_101 = tpu.vector_load_idx %arg8[%broadcast_in_dim3A, %add3A_96] : memref<512x128xf32, #tpu.memory_space<vmem>>[vector<16xi32>, vector<16xi32>], vector<16xf32>,
        %gather3A_102 = tpu.vector_load_idx %arg10[%shift_right_arithmetic3A_79, %add3A_100] : memref<160x128xf32, #tpu.memory_space<vmem>>[vector<16xi32>, vector<16xi32>], vector<16xf32>,
        %max3A = arith.maximumf %gather3A_102, %gather3A_101 : vector<16xf32>
        tpu.vector_store_idx %arg10[%shift_right_arithmetic3A_79, %add3A_100], %max3A : memref<160x128xf32, #tpu.memory_space<vmem>>[vector<16xi32>, vector<16xi32>], vector<16xf32>,
        %add3A_103 = arith.constant 16 : i32
        %add3A_104 = vector.broadcast %add3A_103 : i32 to vector<16xi32>
        %add3A_105 = arith.addi %select_n3A_92, %add3A_104 : vector<16xi32>
        %add3A_106 = arith.addi %add3A_105, %iota3A : vector<16xi32>
        %add3A_107 = arith.constant 16 : i32
        %add3A_108 = vector.broadcast %add3A_107 : i32 to vector<16xi32>
        %add3A_109 = arith.addi %mul3A_85, %add3A_108 : vector<16xi32>
        %add3A_110 = arith.addi %add3A_109, %iota3A : vector<16xi32>
        %gather3A_111 = tpu.vector_load_idx %arg8[%broadcast_in_dim3A, %add3A_106] : memref<512x128xf32, #tpu.memory_space<vmem>>[vector<16xi32>, vector<16xi32>], vector<16xf32>,
        %gather3A_112 = tpu.vector_load_idx %arg10[%shift_right_arithmetic3A_79, %add3A_110] : memref<160x128xf32, #tpu.memory_space<vmem>>[vector<16xi32>, vector<16xi32>], vector<16xf32>,
        %max3A_113 = arith.maximumf %gather3A_112, %gather3A_111 : vector<16xf32>
        tpu.vector_store_idx %arg10[%shift_right_arithmetic3A_79, %add3A_110], %max3A_113 : memref<160x128xf32, #tpu.memory_space<vmem>>[vector<16xi32>, vector<16xi32>], vector<16xf32>,
        %add3A_114 = arith.constant 32 : i32
        %add3A_115 = vector.broadcast %add3A_114 : i32 to vector<16xi32>
        %add3A_116 = arith.addi %select_n3A_92, %add3A_115 : vector<16xi32>
        %add3A_117 = arith.addi %add3A_116, %iota3A : vector<16xi32>
        %add3A_118 = arith.constant 32 : i32
        %add3A_119 = vector.broadcast %add3A_118 : i32 to vector<16xi32>
        %add3A_120 = arith.addi %mul3A_85, %add3A_119 : vector<16xi32>
        %add3A_121 = arith.addi %add3A_120, %iota3A : vector<16xi32>
        %gather3A_122 = tpu.vector_load_idx %arg8[%broadcast_in_dim3A, %add3A_117] : memref<512x128xf32, #tpu.memory_space<vmem>>[vector<16xi32>, vector<16xi32>], vector<16xf32>,
        %gather3A_123 = tpu.vector_load_idx %arg10[%shift_right_arithmetic3A_79, %add3A_121] : memref<160x128xf32, #tpu.memory_space<vmem>>[vector<16xi32>, vector<16xi32>], vector<16xf32>,
        %max3A_124 = arith.maximumf %gather3A_123, %gather3A_122 : vector<16xf32>
        tpu.vector_store_idx %arg10[%shift_right_arithmetic3A_79, %add3A_121], %max3A_124 : memref<160x128xf32, #tpu.memory_space<vmem>>[vector<16xi32>, vector<16xi32>], vector<16xf32>,
        %add3A_125 = arith.constant 48 : i32
        %add3A_126 = vector.broadcast %add3A_125 : i32 to vector<16xi32>
        %add3A_127 = arith.addi %select_n3A_92, %add3A_126 : vector<16xi32>
        %add3A_128 = arith.addi %add3A_127, %iota3A : vector<16xi32>
        %add3A_129 = arith.constant 48 : i32
        %add3A_130 = vector.broadcast %add3A_129 : i32 to vector<16xi32>
        %add3A_131 = arith.addi %mul3A_85, %add3A_130 : vector<16xi32>
        %add3A_132 = arith.addi %add3A_131, %iota3A : vector<16xi32>
        %gather3A_133 = tpu.vector_load_idx %arg8[%broadcast_in_dim3A, %add3A_128] : memref<512x128xf32, #tpu.memory_space<vmem>>[vector<16xi32>, vector<16xi32>], vector<16xf32>,
        %gather3A_134 = tpu.vector_load_idx %arg10[%shift_right_arithmetic3A_79, %add3A_132] : memref<160x128xf32, #tpu.memory_space<vmem>>[vector<16xi32>, vector<16xi32>], vector<16xf32>,
        %max3A_135 = arith.maximumf %gather3A_134, %gather3A_133 : vector<16xf32>
        tpu.vector_store_idx %arg10[%shift_right_arithmetic3A_79, %add3A_132], %max3A_135 : memref<160x128xf32, #tpu.memory_space<vmem>>[vector<16xi32>, vector<16xi32>], vector<16xf32>,
      }
      %while3A_70 = arith.constant 1 : i32
      scf.for %while3A_71 = %while3A_68 to %while3A_64 step %while3A_70  : i32 {
        %broadcast_in_dim3A = vector.broadcast %while3A_71 : i32 to vector<16xi32>
        %gather3A = tpu.vector_load_idx %arg6[%broadcast_in_dim3A] : memref<512xi32, #tpu.memory_space<vmem>>[vector<16xi32>], vector<16xi32>,
        %and3A_72 = arith.constant 511 : i32
        %and3A_73 = vector.broadcast %and3A_72 : i32 to vector<16xi32>
        %and3A_74 = arith.andi %gather3A, %and3A_73 : vector<16xi32>
        %shift_right_arithmetic3A = arith.constant 9 : i32
        %shift_right_arithmetic3A_75 = vector.broadcast %shift_right_arithmetic3A : i32 to vector<16xi32>
        %shift_right_arithmetic3A_76 = arith.shrsi %gather3A, %shift_right_arithmetic3A_75 : vector<16xi32>
        %shift_right_arithmetic3A_77 = arith.constant 1 : i32
        %shift_right_arithmetic3A_78 = vector.broadcast %shift_right_arithmetic3A_77 : i32 to vector<16xi32>
        %shift_right_arithmetic3A_79 = arith.shrsi %and3A_74, %shift_right_arithmetic3A_78 : vector<16xi32>
        %and3A_80 = arith.constant 1 : i32
        %and3A_81 = vector.broadcast %and3A_80 : i32 to vector<16xi32>
        %and3A_82 = arith.andi %and3A_74, %and3A_81 : vector<16xi32>
        %mul3A_83 = arith.constant 64 : i32
        %mul3A_84 = vector.broadcast %mul3A_83 : i32 to vector<16xi32>
        %mul3A_85 = arith.muli %and3A_82, %mul3A_84 : vector<16xi32>
        %ge3A = arith.constant 160000 : i32
        %ge3A_86 = vector.broadcast %ge3A : i32 to vector<16xi32>
        %ge3A_87 = arith.cmpi sge, %shift_right_arithmetic3A_76, %ge3A_86 : vector<16xi32>
        %jit3A_88 = arith.constant 64 : i32
        %jit3A_89 = arith.constant 0 : i32
        %broadcast_in_dim3A_90 = vector.broadcast %jit3A_88 : i32 to vector<16xi32>
        %broadcast_in_dim3A_91 = vector.broadcast %jit3A_89 : i32 to vector<16xi32>
        %select_n3A_92 = arith.select %ge3A_87, %broadcast_in_dim3A_90, %broadcast_in_dim3A_91 : vector<16xi1>, vector<16xi32>
        %add3A_93 = arith.constant 0 : i32
        %add3A_94 = vector.broadcast %add3A_93 : i32 to vector<16xi32>
        %add3A_95 = arith.addi %select_n3A_92, %add3A_94 : vector<16xi32>
        %add3A_96 = arith.addi %add3A_95, %iota3A : vector<16xi32>
        %add3A_97 = arith.constant 0 : i32
        %add3A_98 = vector.broadcast %add3A_97 : i32 to vector<16xi32>
        %add3A_99 = arith.addi %mul3A_85, %add3A_98 : vector<16xi32>
        %add3A_100 = arith.addi %add3A_99, %iota3A : vector<16xi32>
        %gather3A_101 = tpu.vector_load_idx %arg8[%broadcast_in_dim3A, %add3A_96] : memref<512x128xf32, #tpu.memory_space<vmem>>[vector<16xi32>, vector<16xi32>], vector<16xf32>,
        %gather3A_102 = tpu.vector_load_idx %arg10[%shift_right_arithmetic3A_79, %add3A_100] : memref<160x128xf32, #tpu.memory_space<vmem>>[vector<16xi32>, vector<16xi32>], vector<16xf32>,
        %max3A = arith.maximumf %gather3A_102, %gather3A_101 : vector<16xf32>
        tpu.vector_store_idx %arg10[%shift_right_arithmetic3A_79, %add3A_100], %max3A : memref<160x128xf32, #tpu.memory_space<vmem>>[vector<16xi32>, vector<16xi32>], vector<16xf32>,
        %add3A_103 = arith.constant 16 : i32
        %add3A_104 = vector.broadcast %add3A_103 : i32 to vector<16xi32>
        %add3A_105 = arith.addi %select_n3A_92, %add3A_104 : vector<16xi32>
        %add3A_106 = arith.addi %add3A_105, %iota3A : vector<16xi32>
        %add3A_107 = arith.constant 16 : i32
        %add3A_108 = vector.broadcast %add3A_107 : i32 to vector<16xi32>
        %add3A_109 = arith.addi %mul3A_85, %add3A_108 : vector<16xi32>
        %add3A_110 = arith.addi %add3A_109, %iota3A : vector<16xi32>
        %gather3A_111 = tpu.vector_load_idx %arg8[%broadcast_in_dim3A, %add3A_106] : memref<512x128xf32, #tpu.memory_space<vmem>>[vector<16xi32>, vector<16xi32>], vector<16xf32>,
        %gather3A_112 = tpu.vector_load_idx %arg10[%shift_right_arithmetic3A_79, %add3A_110] : memref<160x128xf32, #tpu.memory_space<vmem>>[vector<16xi32>, vector<16xi32>], vector<16xf32>,
        %max3A_113 = arith.maximumf %gather3A_112, %gather3A_111 : vector<16xf32>
        tpu.vector_store_idx %arg10[%shift_right_arithmetic3A_79, %add3A_110], %max3A_113 : memref<160x128xf32, #tpu.memory_space<vmem>>[vector<16xi32>, vector<16xi32>], vector<16xf32>,
        %add3A_114 = arith.constant 32 : i32
        %add3A_115 = vector.broadcast %add3A_114 : i32 to vector<16xi32>
        %add3A_116 = arith.addi %select_n3A_92, %add3A_115 : vector<16xi32>
        %add3A_117 = arith.addi %add3A_116, %iota3A : vector<16xi32>
        %add3A_118 = arith.constant 32 : i32
        %add3A_119 = vector.broadcast %add3A_118 : i32 to vector<16xi32>
        %add3A_120 = arith.addi %mul3A_85, %add3A_119 : vector<16xi32>
        %add3A_121 = arith.addi %add3A_120, %iota3A : vector<16xi32>
        %gather3A_122 = tpu.vector_load_idx %arg8[%broadcast_in_dim3A, %add3A_117] : memref<512x128xf32, #tpu.memory_space<vmem>>[vector<16xi32>, vector<16xi32>], vector<16xf32>,
        %gather3A_123 = tpu.vector_load_idx %arg10[%shift_right_arithmetic3A_79, %add3A_121] : memref<160x128xf32, #tpu.memory_space<vmem>>[vector<16xi32>, vector<16xi32>], vector<16xf32>,
        %max3A_124 = arith.maximumf %gather3A_123, %gather3A_122 : vector<16xf32>
        tpu.vector_store_idx %arg10[%shift_right_arithmetic3A_79, %add3A_121], %max3A_124 : memref<160x128xf32, #tpu.memory_space<vmem>>[vector<16xi32>, vector<16xi32>], vector<16xf32>,
        %add3A_125 = arith.constant 48 : i32
        %add3A_126 = vector.broadcast %add3A_125 : i32 to vector<16xi32>
        %add3A_127 = arith.addi %select_n3A_92, %add3A_126 : vector<16xi32>
        %add3A_128 = arith.addi %add3A_127, %iota3A : vector<16xi32>
        %add3A_129 = arith.constant 48 : i32
        %add3A_130 = vector.broadcast %add3A_129 : i32 to vector<16xi32>
        %add3A_131 = arith.addi %mul3A_85, %add3A_130 : vector<16xi32>
        %add3A_132 = arith.addi %add3A_131, %iota3A : vector<16xi32>
        %gather3A_133 = tpu.vector_load_idx %arg8[%broadcast_in_dim3A, %add3A_128] : memref<512x128xf32, #tpu.memory_space<vmem>>[vector<16xi32>, vector<16xi32>], vector<16xf32>,
        %gather3A_134 = tpu.vector_load_idx %arg10[%shift_right_arithmetic3A_79, %add3A_132] : memref<160x128xf32, #tpu.memory_space<vmem>>[vector<16xi32>, vector<16xi32>], vector<16xf32>,
        %max3A_135 = arith.maximumf %gather3A_134, %gather3A_133 : vector<16xf32>
        tpu.vector_store_idx %arg10[%shift_right_arithmetic3A_79, %add3A_132], %max3A_135 : memref<160x128xf32, #tpu.memory_space<vmem>>[vector<16xi32>, vector<16xi32>], vector<16xf32>,
      }
    }
    %while3A_37 = arith.constant 1 : i32
    scf.for %while3A_40 = %while3A_35 to %while3A_31 step %while3A_37  : i32 {
      %mul3A_41 = arith.constant 322048 : i32
      %mul3A_42 = arith.muli %add3A, %mul3A_41 : i32
      %mul3A_43 = arith.constant 512 : i32
      %mul3A_44 = arith.muli %while3A_40, %mul3A_43 : i32
      %add3A_45 = arith.addi %mul3A_42, %mul3A_44 : i32
      %multiple_of3A_46 = tpu.assume_multiple %add3A_45, 8 : i32
      "tpu.region"() ({
        %run_scoped3A = tpu.sem_alloc : memref<!tpu.dma_semaphore, #tpu.memory_space<semaphore_mem>>
        %dma_start3A_71 = tpu.memref_slice %arg2[%multiple_of3A_46] : memref<10305536xi32, #tpu.memory_space<hbm>> -> memref<512xi32, #tpu.memory_space<hbm>>
        %dma_start3A_72 = tpu.memref_slice %arg2[%multiple_of3A_46] : memref<10305536xi32, #tpu.memory_space<hbm>> -> memref<512xi32, #tpu.memory_space<hbm>>
        tpu.enqueue_dma source(%dma_start3A_72 : memref<512xi32, #tpu.memory_space<hbm>>) target(%arg6 : memref<512xi32, #tpu.memory_space<vmem>>) target_semaphore(%run_scoped3A : memref<!tpu.dma_semaphore, #tpu.memory_space<semaphore_mem>>)
        %dma_wait3A_73 = tpu.memref_slice %arg2[%multiple_of3A_46] : memref<10305536xi32, #tpu.memory_space<hbm>> -> memref<512xi32, #tpu.memory_space<hbm>>
        %dma_wait3A_74 = tpu.memref_slice %arg2[%multiple_of3A_46] : memref<10305536xi32, #tpu.memory_space<hbm>> -> memref<512xi32, #tpu.memory_space<hbm>>
        tpu.wait_dma2 semaphore(%run_scoped3A : memref<!tpu.dma_semaphore, #tpu.memory_space<semaphore_mem>>) src(%dma_wait3A_74 : memref<512xi32, #tpu.memory_space<hbm>>) dst(%arg6 : memref<512xi32, #tpu.memory_space<vmem>>)
        tpu.yield
      }) : () -> ()
      %scan3A_47 = arith.constant 0 : i32
      %scan3A_48 = arith.constant 0 : i32
      %scan3A_49 = arith.constant 32 : i32
      %scan3A_50 = arith.addi %scan3A_48, %scan3A_49 : i32
      %scan3A_51 = arith.constant 1 : i32
      scf.for %scan3A_71 = %scan3A_48 to %scan3A_50 step %scan3A_51  : i32 {
        %mul3A_72 = arith.constant 16 : i32
        %mul3A_73 = arith.muli %scan3A_71, %mul3A_72 : i32
        %get3A_74 = arith.index_cast %mul3A_73 : i32 to index
        %get3A_75 = tpu.vector_load %arg6[%get3A_74] {strides = array<i32>} : memref<512xi32, #tpu.memory_space<vmem>>, vector<16xi32>,
        %mul3A_76 = arith.constant 512 : i32
        %mul3A_77 = arith.muli %while3A_40, %mul3A_76 : i32
        %mul3A_78 = arith.constant 16 : i32
        %mul3A_79 = arith.muli %scan3A_71, %mul3A_78 : i32
        %add3A_80 = arith.addi %mul3A_77, %mul3A_79 : i32
        %add3A_81 = vector.broadcast %add3A_80 : i32 to vector<16xi32>
        %add3A_82 = arith.addi %add3A_81, %iota3A : vector<16xi32>
        %lt3A = vector.broadcast %squeeze3A : i32 to vector<16xi32>
        %lt3A_83 = arith.cmpi slt, %add3A_82, %lt3A : vector<16xi32>
        %shift_right_arithmetic3A = arith.constant 9 : i32
        %shift_right_arithmetic3A_84 = vector.broadcast %shift_right_arithmetic3A : i32 to vector<16xi32>
        %shift_right_arithmetic3A_85 = arith.shrsi %get3A_75, %shift_right_arithmetic3A_84 : vector<16xi32>
        %ge3A = arith.constant 160000 : i32
        %ge3A_86 = vector.broadcast %ge3A : i32 to vector<16xi32>
        %ge3A_87 = arith.cmpi sge, %shift_right_arithmetic3A_85, %ge3A_86 : vector<16xi32>
        %jit3A_88 = arith.constant 160000 : i32
        %jit3A_89 = arith.constant 0 : i32
        %broadcast_in_dim3A = vector.broadcast %jit3A_88 : i32 to vector<16xi32>
        %broadcast_in_dim3A_90 = vector.broadcast %jit3A_89 : i32 to vector<16xi32>
        %select_n3A_91 = arith.select %ge3A_87, %broadcast_in_dim3A, %broadcast_in_dim3A_90 : vector<16xi1>, vector<16xi32>
        %sub3A_92 = arith.subi %shift_right_arithmetic3A_85, %select_n3A_91 : vector<16xi32>
        %jit3A_93 = arith.constant 0 : i32
        %broadcast_in_dim3A_94 = vector.broadcast %jit3A_93 : i32 to vector<16xi32>
        %select_n3A_95 = arith.select %lt3A_83, %sub3A_92, %broadcast_in_dim3A_94 : vector<16xi1>, vector<16xi32>
        %mul3A_96 = arith.constant 16 : i32
        %mul3A_97 = arith.muli %scan3A_71, %mul3A_96 : i32
        %swap3A = arith.index_cast %mul3A_97 : i32 to index
        %swap3A_98 = tpu.vector_load %arg7[%swap3A] {strides = array<i32>} : memref<512xi32, #tpu.memory_space<vmem>>, vector<16xi32>,
        tpu.vector_store %arg7[%swap3A], %select_n3A_95 {strides = array<i32>} : memref<512xi32, #tpu.memory_space<vmem>>, vector<16xi32>,
      }
      %scan3A_52 = arith.constant 32 : i32
      %dma_start3A = arith.constant 0 : i32
      %dma_start3A_53 = arith.constant 0 : i32
      %dma_start3A_54 = tpu.memref_slice %arg4[%dma_start3A, %dma_start3A_53] : memref<160000x128xf32, #tpu.memory_space<hbm>> -> memref<160000x128xf32, #tpu.memory_space<hbm>>
      tpu.enqueue_indirect_dma source(%dma_start3A_54 : memref<160000x128xf32, #tpu.memory_space<hbm>>) target(%arg8 : memref<512x128xf32, #tpu.memory_space<vmem>>) offsets(%arg7 : memref<512xi32, #tpu.memory_space<vmem>>) semaphore(%arg11 : memref<!tpu.dma_semaphore, #tpu.memory_space<semaphore_mem>>)
      %dma_wait3A = arith.constant 0 : i32
      %dma_wait3A_55 = arith.constant 0 : i32
      %dma_wait3A_56 = tpu.memref_slice %arg4[%dma_wait3A, %dma_wait3A_55] : memref<160000x128xf32, #tpu.memory_space<hbm>> -> memref<160000x128xf32, #tpu.memory_space<hbm>>
      tpu.wait_indirect_dma semaphore(%arg11 : memref<!tpu.dma_semaphore, #tpu.memory_space<semaphore_mem>>) src(%dma_wait3A_56 : memref<160000x128xf32, #tpu.memory_space<hbm>>) dst(%arg8 : memref<512x128xf32, #tpu.memory_space<vmem>>)
      %mul3A_57 = arith.constant 512 : i32
      %mul3A_58 = arith.muli %while3A_40, %mul3A_57 : i32
      %sub3A_59 = arith.subi %squeeze3A, %mul3A_58 : i32
      %min3A = arith.constant 512 : i32
      %min3A_60 = arith.minsi %min3A, %sub3A_59 : i32
      %while3A_61 = arith.constant 0 : i32
      %while3A_62 = arith.constant 0 : i32
      %while3A_63 = arith.subi %min3A_60, %while3A_62 : i32
      %while3A_64 = arith.addi %while3A_62, %while3A_63 : i32
      %while3A_65 = arith.constant 1 : i32
      %while3A_66 = arith.divsi %while3A_63, %while3A_65 : i32
      %while3A_67 = arith.muli %while3A_66, %while3A_65 : i32
      %while3A_68 = arith.addi %while3A_62, %while3A_67 : i32
      %while3A_69 = arith.constant 1 : i32
      scf.for %while3A_71 = %while3A_62 to %while3A_68 step %while3A_69  : i32 {
        %broadcast_in_dim3A = vector.broadcast %while3A_71 : i32 to vector<16xi32>
        %gather3A = tpu.vector_load_idx %arg6[%broadcast_in_dim3A] : memref<512xi32, #tpu.memory_space<vmem>>[vector<16xi32>], vector<16xi32>,
        %and3A_72 = arith.constant 511 : i32
        %and3A_73 = vector.broadcast %and3A_72 : i32 to vector<16xi32>
        %and3A_74 = arith.andi %gather3A, %and3A_73 : vector<16xi32>
        %shift_right_arithmetic3A = arith.constant 9 : i32
        %shift_right_arithmetic3A_75 = vector.broadcast %shift_right_arithmetic3A : i32 to vector<16xi32>
        %shift_right_arithmetic3A_76 = arith.shrsi %gather3A, %shift_right_arithmetic3A_75 : vector<16xi32>
        %shift_right_arithmetic3A_77 = arith.constant 1 : i32
        %shift_right_arithmetic3A_78 = vector.broadcast %shift_right_arithmetic3A_77 : i32 to vector<16xi32>
        %shift_right_arithmetic3A_79 = arith.shrsi %and3A_74, %shift_right_arithmetic3A_78 : vector<16xi32>
        %and3A_80 = arith.constant 1 : i32
        %and3A_81 = vector.broadcast %and3A_80 : i32 to vector<16xi32>
        %and3A_82 = arith.andi %and3A_74, %and3A_81 : vector<16xi32>
        %mul3A_83 = arith.constant 64 : i32
        %mul3A_84 = vector.broadcast %mul3A_83 : i32 to vector<16xi32>
        %mul3A_85 = arith.muli %and3A_82, %mul3A_84 : vector<16xi32>
        %ge3A = arith.constant 160000 : i32
        %ge3A_86 = vector.broadcast %ge3A : i32 to vector<16xi32>
        %ge3A_87 = arith.cmpi sge, %shift_right_arithmetic3A_76, %ge3A_86 : vector<16xi32>
        %jit3A_88 = arith.constant 64 : i32
        %jit3A_89 = arith.constant 0 : i32
        %broadcast_in_dim3A_90 = vector.broadcast %jit3A_88 : i32 to vector<16xi32>
        %broadcast_in_dim3A_91 = vector.broadcast %jit3A_89 : i32 to vector<16xi32>
        %select_n3A_92 = arith.select %ge3A_87, %broadcast_in_dim3A_90, %broadcast_in_dim3A_91 : vector<16xi1>, vector<16xi32>
        %add3A_93 = arith.constant 0 : i32
        %add3A_94 = vector.broadcast %add3A_93 : i32 to vector<16xi32>
        %add3A_95 = arith.addi %select_n3A_92, %add3A_94 : vector<16xi32>
        %add3A_96 = arith.addi %add3A_95, %iota3A : vector<16xi32>
        %add3A_97 = arith.constant 0 : i32
        %add3A_98 = vector.broadcast %add3A_97 : i32 to vector<16xi32>
        %add3A_99 = arith.addi %mul3A_85, %add3A_98 : vector<16xi32>
        %add3A_100 = arith.addi %add3A_99, %iota3A : vector<16xi32>
        %gather3A_101 = tpu.vector_load_idx %arg8[%broadcast_in_dim3A, %add3A_96] : memref<512x128xf32, #tpu.memory_space<vmem>>[vector<16xi32>, vector<16xi32>], vector<16xf32>,
        %gather3A_102 = tpu.vector_load_idx %arg10[%shift_right_arithmetic3A_79, %add3A_100] : memref<160x128xf32, #tpu.memory_space<vmem>>[vector<16xi32>, vector<16xi32>], vector<16xf32>,
        %max3A = arith.maximumf %gather3A_102, %gather3A_101 : vector<16xf32>
        tpu.vector_store_idx %arg10[%shift_right_arithmetic3A_79, %add3A_100], %max3A : memref<160x128xf32, #tpu.memory_space<vmem>>[vector<16xi32>, vector<16xi32>], vector<16xf32>,
        %add3A_103 = arith.constant 16 : i32
        %add3A_104 = vector.broadcast %add3A_103 : i32 to vector<16xi32>
        %add3A_105 = arith.addi %select_n3A_92, %add3A_104 : vector<16xi32>
        %add3A_106 = arith.addi %add3A_105, %iota3A : vector<16xi32>
        %add3A_107 = arith.constant 16 : i32
        %add3A_108 = vector.broadcast %add3A_107 : i32 to vector<16xi32>
        %add3A_109 = arith.addi %mul3A_85, %add3A_108 : vector<16xi32>
        %add3A_110 = arith.addi %add3A_109, %iota3A : vector<16xi32>
        %gather3A_111 = tpu.vector_load_idx %arg8[%broadcast_in_dim3A, %add3A_106] : memref<512x128xf32, #tpu.memory_space<vmem>>[vector<16xi32>, vector<16xi32>], vector<16xf32>,
        %gather3A_112 = tpu.vector_load_idx %arg10[%shift_right_arithmetic3A_79, %add3A_110] : memref<160x128xf32, #tpu.memory_space<vmem>>[vector<16xi32>, vector<16xi32>], vector<16xf32>,
        %max3A_113 = arith.maximumf %gather3A_112, %gather3A_111 : vector<16xf32>
        tpu.vector_store_idx %arg10[%shift_right_arithmetic3A_79, %add3A_110], %max3A_113 : memref<160x128xf32, #tpu.memory_space<vmem>>[vector<16xi32>, vector<16xi32>], vector<16xf32>,
        %add3A_114 = arith.constant 32 : i32
        %add3A_115 = vector.broadcast %add3A_114 : i32 to vector<16xi32>
        %add3A_116 = arith.addi %select_n3A_92, %add3A_115 : vector<16xi32>
        %add3A_117 = arith.addi %add3A_116, %iota3A : vector<16xi32>
        %add3A_118 = arith.constant 32 : i32
        %add3A_119 = vector.broadcast %add3A_118 : i32 to vector<16xi32>
        %add3A_120 = arith.addi %mul3A_85, %add3A_119 : vector<16xi32>
        %add3A_121 = arith.addi %add3A_120, %iota3A : vector<16xi32>
        %gather3A_122 = tpu.vector_load_idx %arg8[%broadcast_in_dim3A, %add3A_117] : memref<512x128xf32, #tpu.memory_space<vmem>>[vector<16xi32>, vector<16xi32>], vector<16xf32>,
        %gather3A_123 = tpu.vector_load_idx %arg10[%shift_right_arithmetic3A_79, %add3A_121] : memref<160x128xf32, #tpu.memory_space<vmem>>[vector<16xi32>, vector<16xi32>], vector<16xf32>,
        %max3A_124 = arith.maximumf %gather3A_123, %gather3A_122 : vector<16xf32>
        tpu.vector_store_idx %arg10[%shift_right_arithmetic3A_79, %add3A_121], %max3A_124 : memref<160x128xf32, #tpu.memory_space<vmem>>[vector<16xi32>, vector<16xi32>], vector<16xf32>,
        %add3A_125 = arith.constant 48 : i32
        %add3A_126 = vector.broadcast %add3A_125 : i32 to vector<16xi32>
        %add3A_127 = arith.addi %select_n3A_92, %add3A_126 : vector<16xi32>
        %add3A_128 = arith.addi %add3A_127, %iota3A : vector<16xi32>
        %add3A_129 = arith.constant 48 : i32
        %add3A_130 = vector.broadcast %add3A_129 : i32 to vector<16xi32>
        %add3A_131 = arith.addi %mul3A_85, %add3A_130 : vector<16xi32>
        %add3A_132 = arith.addi %add3A_131, %iota3A : vector<16xi32>
        %gather3A_133 = tpu.vector_load_idx %arg8[%broadcast_in_dim3A, %add3A_128] : memref<512x128xf32, #tpu.memory_space<vmem>>[vector<16xi32>, vector<16xi32>], vector<16xf32>,
        %gather3A_134 = tpu.vector_load_idx %arg10[%shift_right_arithmetic3A_79, %add3A_132] : memref<160x128xf32, #tpu.memory_space<vmem>>[vector<16xi32>, vector<16xi32>], vector<16xf32>,
        %max3A_135 = arith.maximumf %gather3A_134, %gather3A_133 : vector<16xf32>
        tpu.vector_store_idx %arg10[%shift_right_arithmetic3A_79, %add3A_132], %max3A_135 : memref<160x128xf32, #tpu.memory_space<vmem>>[vector<16xi32>, vector<16xi32>], vector<16xf32>,
      }
      %while3A_70 = arith.constant 1 : i32
      scf.for %while3A_71 = %while3A_68 to %while3A_64 step %while3A_70  : i32 {
        %broadcast_in_dim3A = vector.broadcast %while3A_71 : i32 to vector<16xi32>
        %gather3A = tpu.vector_load_idx %arg6[%broadcast_in_dim3A] : memref<512xi32, #tpu.memory_space<vmem>>[vector<16xi32>], vector<16xi32>,
        %and3A_72 = arith.constant 511 : i32
        %and3A_73 = vector.broadcast %and3A_72 : i32 to vector<16xi32>
        %and3A_74 = arith.andi %gather3A, %and3A_73 : vector<16xi32>
        %shift_right_arithmetic3A = arith.constant 9 : i32
        %shift_right_arithmetic3A_75 = vector.broadcast %shift_right_arithmetic3A : i32 to vector<16xi32>
        %shift_right_arithmetic3A_76 = arith.shrsi %gather3A, %shift_right_arithmetic3A_75 : vector<16xi32>
        %shift_right_arithmetic3A_77 = arith.constant 1 : i32
        %shift_right_arithmetic3A_78 = vector.broadcast %shift_right_arithmetic3A_77 : i32 to vector<16xi32>
        %shift_right_arithmetic3A_79 = arith.shrsi %and3A_74, %shift_right_arithmetic3A_78 : vector<16xi32>
        %and3A_80 = arith.constant 1 : i32
        %and3A_81 = vector.broadcast %and3A_80 : i32 to vector<16xi32>
        %and3A_82 = arith.andi %and3A_74, %and3A_81 : vector<16xi32>
        %mul3A_83 = arith.constant 64 : i32
        %mul3A_84 = vector.broadcast %mul3A_83 : i32 to vector<16xi32>
        %mul3A_85 = arith.muli %and3A_82, %mul3A_84 : vector<16xi32>
        %ge3A = arith.constant 160000 : i32
        %ge3A_86 = vector.broadcast %ge3A : i32 to vector<16xi32>
        %ge3A_87 = arith.cmpi sge, %shift_right_arithmetic3A_76, %ge3A_86 : vector<16xi32>
        %jit3A_88 = arith.constant 64 : i32
        %jit3A_89 = arith.constant 0 : i32
        %broadcast_in_dim3A_90 = vector.broadcast %jit3A_88 : i32 to vector<16xi32>
        %broadcast_in_dim3A_91 = vector.broadcast %jit3A_89 : i32 to vector<16xi32>
        %select_n3A_92 = arith.select %ge3A_87, %broadcast_in_dim3A_90, %broadcast_in_dim3A_91 : vector<16xi1>, vector<16xi32>
        %add3A_93 = arith.constant 0 : i32
        %add3A_94 = vector.broadcast %add3A_93 : i32 to vector<16xi32>
        %add3A_95 = arith.addi %select_n3A_92, %add3A_94 : vector<16xi32>
        %add3A_96 = arith.addi %add3A_95, %iota3A : vector<16xi32>
        %add3A_97 = arith.constant 0 : i32
        %add3A_98 = vector.broadcast %add3A_97 : i32 to vector<16xi32>
        %add3A_99 = arith.addi %mul3A_85, %add3A_98 : vector<16xi32>
        %add3A_100 = arith.addi %add3A_99, %iota3A : vector<16xi32>
        %gather3A_101 = tpu.vector_load_idx %arg8[%broadcast_in_dim3A, %add3A_96] : memref<512x128xf32, #tpu.memory_space<vmem>>[vector<16xi32>, vector<16xi32>], vector<16xf32>,
        %gather3A_102 = tpu.vector_load_idx %arg10[%shift_right_arithmetic3A_79, %add3A_100] : memref<160x128xf32, #tpu.memory_space<vmem>>[vector<16xi32>, vector<16xi32>], vector<16xf32>,
        %max3A = arith.maximumf %gather3A_102, %gather3A_101 : vector<16xf32>
        tpu.vector_store_idx %arg10[%shift_right_arithmetic3A_79, %add3A_100], %max3A : memref<160x128xf32, #tpu.memory_space<vmem>>[vector<16xi32>, vector<16xi32>], vector<16xf32>,
        %add3A_103 = arith.constant 16 : i32
        %add3A_104 = vector.broadcast %add3A_103 : i32 to vector<16xi32>
        %add3A_105 = arith.addi %select_n3A_92, %add3A_104 : vector<16xi32>
        %add3A_106 = arith.addi %add3A_105, %iota3A : vector<16xi32>
        %add3A_107 = arith.constant 16 : i32
        %add3A_108 = vector.broadcast %add3A_107 : i32 to vector<16xi32>
        %add3A_109 = arith.addi %mul3A_85, %add3A_108 : vector<16xi32>
        %add3A_110 = arith.addi %add3A_109, %iota3A : vector<16xi32>
        %gather3A_111 = tpu.vector_load_idx %arg8[%broadcast_in_dim3A, %add3A_106] : memref<512x128xf32, #tpu.memory_space<vmem>>[vector<16xi32>, vector<16xi32>], vector<16xf32>,
        %gather3A_112 = tpu.vector_load_idx %arg10[%shift_right_arithmetic3A_79, %add3A_110] : memref<160x128xf32, #tpu.memory_space<vmem>>[vector<16xi32>, vector<16xi32>], vector<16xf32>,
        %max3A_113 = arith.maximumf %gather3A_112, %gather3A_111 : vector<16xf32>
        tpu.vector_store_idx %arg10[%shift_right_arithmetic3A_79, %add3A_110], %max3A_113 : memref<160x128xf32, #tpu.memory_space<vmem>>[vector<16xi32>, vector<16xi32>], vector<16xf32>,
        %add3A_114 = arith.constant 32 : i32
        %add3A_115 = vector.broadcast %add3A_114 : i32 to vector<16xi32>
        %add3A_116 = arith.addi %select_n3A_92, %add3A_115 : vector<16xi32>
        %add3A_117 = arith.addi %add3A_116, %iota3A : vector<16xi32>
        %add3A_118 = arith.constant 32 : i32
        %add3A_119 = vector.broadcast %add3A_118 : i32 to vector<16xi32>
        %add3A_120 = arith.addi %mul3A_85, %add3A_119 : vector<16xi32>
        %add3A_121 = arith.addi %add3A_120, %iota3A : vector<16xi32>
        %gather3A_122 = tpu.vector_load_idx %arg8[%broadcast_in_dim3A, %add3A_117] : memref<512x128xf32, #tpu.memory_space<vmem>>[vector<16xi32>, vector<16xi32>], vector<16xf32>,
        %gather3A_123 = tpu.vector_load_idx %arg10[%shift_right_arithmetic3A_79, %add3A_121] : memref<160x128xf32, #tpu.memory_space<vmem>>[vector<16xi32>, vector<16xi32>], vector<16xf32>,
        %max3A_124 = arith.maximumf %gather3A_123, %gather3A_122 : vector<16xf32>
        tpu.vector_store_idx %arg10[%shift_right_arithmetic3A_79, %add3A_121], %max3A_124 : memref<160x128xf32, #tpu.memory_space<vmem>>[vector<16xi32>, vector<16xi32>], vector<16xf32>,
        %add3A_125 = arith.constant 48 : i32
        %add3A_126 = vector.broadcast %add3A_125 : i32 to vector<16xi32>
        %add3A_127 = arith.addi %select_n3A_92, %add3A_126 : vector<16xi32>
        %add3A_128 = arith.addi %add3A_127, %iota3A : vector<16xi32>
        %add3A_129 = arith.constant 48 : i32
        %add3A_130 = vector.broadcast %add3A_129 : i32 to vector<16xi32>
        %add3A_131 = arith.addi %mul3A_85, %add3A_130 : vector<16xi32>
        %add3A_132 = arith.addi %add3A_131, %iota3A : vector<16xi32>
        %gather3A_133 = tpu.vector_load_idx %arg8[%broadcast_in_dim3A, %add3A_128] : memref<512x128xf32, #tpu.memory_space<vmem>>[vector<16xi32>, vector<16xi32>], vector<16xf32>,
        %gather3A_134 = tpu.vector_load_idx %arg10[%shift_right_arithmetic3A_79, %add3A_132] : memref<160x128xf32, #tpu.memory_space<vmem>>[vector<16xi32>, vector<16xi32>], vector<16xf32>,
        %max3A_135 = arith.maximumf %gather3A_134, %gather3A_133 : vector<16xf32>
        tpu.vector_store_idx %arg10[%shift_right_arithmetic3A_79, %add3A_132], %max3A_135 : memref<160x128xf32, #tpu.memory_space<vmem>>[vector<16xi32>, vector<16xi32>], vector<16xf32>,
      }
    }
    %mul3A_38 = arith.constant 160 : i32
    %mul3A_39 = arith.muli %add3A, %mul3A_38 : i32
    %multiple_of3A = tpu.assume_multiple %mul3A_39, 8 : i32
    "tpu.region"() ({
      %run_scoped3A = tpu.sem_alloc : memref<!tpu.dma_semaphore, #tpu.memory_space<semaphore_mem>>
      %dma_start3A = arith.constant 0 : i32
      %dma_start3A_40 = tpu.memref_slice %arg5[%multiple_of3A, %dma_start3A] : memref<5120x128xf32, #tpu.memory_space<hbm>> -> memref<160x128xf32, #tpu.memory_space<hbm>>
      %dma_start3A_41 = arith.constant 0 : i32
      %dma_start3A_42 = tpu.memref_slice %arg5[%multiple_of3A, %dma_start3A_41] : memref<5120x128xf32, #tpu.memory_space<hbm>> -> memref<160x128xf32, #tpu.memory_space<hbm>>
      tpu.enqueue_dma source(%arg10 : memref<160x128xf32, #tpu.memory_space<vmem>>) target(%dma_start3A_42 : memref<160x128xf32, #tpu.memory_space<hbm>>) target_semaphore(%run_scoped3A : memref<!tpu.dma_semaphore, #tpu.memory_space<semaphore_mem>>)
      %dma_wait3A = arith.constant 0 : i32
      %dma_wait3A_43 = tpu.memref_slice %arg5[%multiple_of3A, %dma_wait3A] : memref<5120x128xf32, #tpu.memory_space<hbm>> -> memref<160x128xf32, #tpu.memory_space<hbm>>
      %dma_wait3A_44 = arith.constant 0 : i32
      %dma_wait3A_45 = tpu.memref_slice %arg5[%multiple_of3A, %dma_wait3A_44] : memref<5120x128xf32, #tpu.memory_space<hbm>> -> memref<160x128xf32, #tpu.memory_space<hbm>>
      tpu.wait_dma2 semaphore(%run_scoped3A : memref<!tpu.dma_semaphore, #tpu.memory_space<semaphore_mem>>) src(%arg10 : memref<160x128xf32, #tpu.memory_space<vmem>>) dst(%dma_wait3A_45 : memref<160x128xf32, #tpu.memory_space<hbm>>)
      tpu.yield
    }) : () -> ()
    return
  }
}

module attributes {stable_mosaic.version = 14 : i64} {
  func.func @_stats_body(%arg0: i32, %arg1: memref<2000x128xf32, #tpu.memory_space<vmem>>, %arg2: memref<1x1x2000xi32, #tpu.memory_space<vmem>>, %arg3: memref<100x128xf32, #tpu.memory_space<vmem>>, %arg4: memref<100x128xf32, #tpu.memory_space<vmem>>, %arg5: memref<100x128xf32, #tpu.memory_space<vmem>>) attributes {dimension_semantics = [#tpu.dimension_semantics<arbitrary>], iteration_bounds = array<i64: 5>, scalar_prefetch = 0 : i64, scratch_operands = 0 : i64, tpu.core_type = #tpu.core_type<tc>, window_params = [{transform_indices = @transform_0, window_bounds = array<i64: 2000, 128>}, {transform_indices = @transform_1, window_bounds = array<i64: 1, 1, 2000>}, {pipeline_mode = #tpu.pipeline_mode<synchronous>, transform_indices = @transform_2, window_bounds = array<i64: 100, 128>}, {pipeline_mode = #tpu.pipeline_mode<synchronous>, transform_indices = @transform_3, window_bounds = array<i64: 100, 128>}, {pipeline_mode = #tpu.pipeline_mode<synchronous>, transform_indices = @transform_4, window_bounds = array<i64: 100, 128>}]} {
    %get3A = arith.constant 0 : index
    %get3A_0 = arith.constant 0 : index
    %get3A_1 = vector.load %arg1[%get3A, %get3A_0] : memref<2000x128xf32, #tpu.memory_space<vmem>>, vector<2000x128xf32>
    %get3A_2 = arith.constant 0 : index
    %get3A_3 = arith.constant 0 : index
    %get3A_4 = arith.constant 0 : index
    %get3A_5 = vector.load %arg2[%get3A_2, %get3A_3, %get3A_4] : memref<1x1x2000xi32, #tpu.memory_space<vmem>>, vector<1x1x2000xi32>
    %get3A_6 = vector.shape_cast %get3A_5 : vector<1x1x2000xi32> to vector<2000xi32>
    %broadcast_in_dim3A = vector.shape_cast %get3A_6 : vector<2000xi32> to vector<2000x1xi32>
    %iota3A = tpu.iota {dimensions = array<i32: 1>} : vector<1x100xi32>
    %eq3A = vector.broadcast %broadcast_in_dim3A : vector<2000x1xi32> to vector<2000x100xi32>
    %eq3A_7 = vector.broadcast %iota3A : vector<1x100xi32> to vector<2000x100xi32>
    %eq3A_8 = arith.cmpi eq, %eq3A, %eq3A_7 : vector<2000x100xi32>
    %convert_element_type3A = arith.extui %eq3A_8 : vector<2000x100xi1> to vector<2000x100xi32>
    %convert_element_type3A_9 = arith.sitofp %convert_element_type3A : vector<2000x100xi32> to vector<2000x100xf32>
    %eq3A_10 = arith.constant 0 : i32
    %eq3A_11 = arith.cmpi eq, %arg0, %eq3A_10 : i32
    %convert_element_type3A_12 = arith.extui %eq3A_11 : i1 to i32
    %cond3A = arith.constant 0 : i32
    %cond3A_13 = arith.cmpi ne, %convert_element_type3A_12, %cond3A : i32
    scf.if %cond3A_13 {
      %broadcast_in_dim3A_40 = arith.constant 0.000000e+00 : f32
      %broadcast_in_dim3A_41 = vector.broadcast %broadcast_in_dim3A_40 : f32 to vector<100x128xf32>
      %swap3A_42 = arith.constant 0 : index
      %swap3A_43 = arith.constant 0 : index
      %swap3A_44 = vector.load %arg3[%swap3A_42, %swap3A_43] : memref<100x128xf32, #tpu.memory_space<vmem>>, vector<100x128xf32>
      tpu.vector_store %arg3[%swap3A_42, %swap3A_43], %broadcast_in_dim3A_41 {strides = array<i32>} : memref<100x128xf32, #tpu.memory_space<vmem>>, vector<100x128xf32>,
      %broadcast_in_dim3A_45 = arith.constant 0.000000e+00 : f32
      %broadcast_in_dim3A_46 = vector.broadcast %broadcast_in_dim3A_45 : f32 to vector<100x128xf32>
      %swap3A_47 = arith.constant 0 : index
      %swap3A_48 = arith.constant 0 : index
      %swap3A_49 = vector.load %arg4[%swap3A_47, %swap3A_48] : memref<100x128xf32, #tpu.memory_space<vmem>>, vector<100x128xf32>
      tpu.vector_store %arg4[%swap3A_47, %swap3A_48], %broadcast_in_dim3A_46 {strides = array<i32>} : memref<100x128xf32, #tpu.memory_space<vmem>>, vector<100x128xf32>,
      %broadcast_in_dim3A_50 = arith.constant 0.000000e+00 : f32
      %broadcast_in_dim3A_51 = vector.broadcast %broadcast_in_dim3A_50 : f32 to vector<100x128xf32>
      %swap3A_52 = arith.constant 0 : index
      %swap3A_53 = arith.constant 0 : index
      %swap3A_54 = vector.load %arg5[%swap3A_52, %swap3A_53] : memref<100x128xf32, #tpu.memory_space<vmem>>, vector<100x128xf32>
      tpu.vector_store %arg5[%swap3A_52, %swap3A_53], %broadcast_in_dim3A_51 {strides = array<i32>} : memref<100x128xf32, #tpu.memory_space<vmem>>, vector<100x128xf32>,
    } else {
    }
    %get3A_14 = arith.constant 0 : index
    %get3A_15 = arith.constant 0 : index
    %get3A_16 = vector.load %arg3[%get3A_14, %get3A_15] : memref<100x128xf32, #tpu.memory_space<vmem>>, vector<100x128xf32>
    %transpose3A = tpu.transpose %convert_element_type3A_9, [1, 0] : vector<2000x100xf32> -> vector<100x2000xf32>
    %dot_general3A = arith.constant dense<0.000000e+00> : vector<100x128xf32>
    %dot_general3A_17 = tpu.matmul %transpose3A, %get3A_1, %dot_general3A {dimension_numbers = #tpu.dot_dimension_numbers<[1], [0], [0], [1], [0, 0, 1, 1], [], []>, transpose_lhs_hint = false} : vector<100x2000xf32>, vector<2000x128xf32>, vector<100x128xf32> -> vector<100x128xf32>
    %add3A = arith.addf %get3A_16, %dot_general3A_17 : vector<100x128xf32>
    %swap3A = arith.constant 0 : index
    %swap3A_18 = arith.constant 0 : index
    %swap3A_19 = vector.load %arg3[%swap3A, %swap3A_18] : memref<100x128xf32, #tpu.memory_space<vmem>>, vector<100x128xf32>
    tpu.vector_store %arg3[%swap3A, %swap3A_18], %add3A {strides = array<i32>} : memref<100x128xf32, #tpu.memory_space<vmem>>, vector<100x128xf32>,
    %get3A_20 = arith.constant 0 : index
    %get3A_21 = arith.constant 0 : index
    %get3A_22 = vector.load %arg4[%get3A_20, %get3A_21] : memref<100x128xf32, #tpu.memory_space<vmem>>, vector<100x128xf32>
    %transpose3A_23 = tpu.transpose %convert_element_type3A_9, [1, 0] : vector<2000x100xf32> -> vector<100x2000xf32>
    %mul3A = arith.mulf %get3A_1, %get3A_1 : vector<2000x128xf32>
    %dot_general3A_24 = arith.constant dense<0.000000e+00> : vector<100x128xf32>
    %dot_general3A_25 = tpu.matmul %transpose3A_23, %mul3A, %dot_general3A_24 {dimension_numbers = #tpu.dot_dimension_numbers<[1], [0], [0], [1], [0, 0, 1, 1], [], []>, transpose_lhs_hint = false} : vector<100x2000xf32>, vector<2000x128xf32>, vector<100x128xf32> -> vector<100x128xf32>
    %add3A_26 = arith.addf %get3A_22, %dot_general3A_25 : vector<100x128xf32>
    %swap3A_27 = arith.constant 0 : index
    %swap3A_28 = arith.constant 0 : index
    %swap3A_29 = vector.load %arg4[%swap3A_27, %swap3A_28] : memref<100x128xf32, #tpu.memory_space<vmem>>, vector<100x128xf32>
    tpu.vector_store %arg4[%swap3A_27, %swap3A_28], %add3A_26 {strides = array<i32>} : memref<100x128xf32, #tpu.memory_space<vmem>>, vector<100x128xf32>,
    %get3A_30 = arith.constant 0 : index
    %get3A_31 = arith.constant 0 : index
    %get3A_32 = vector.load %arg5[%get3A_30, %get3A_31] : memref<100x128xf32, #tpu.memory_space<vmem>>, vector<100x128xf32>
    %reduce_sum3A = arith.constant dense<0.000000e+00> : vector<100xf32>
    %reduce_sum3A_33 = vector.multi_reduction <add>, %convert_element_type3A_9, %reduce_sum3A [0] : vector<2000x100xf32> to vector<100xf32>
    %broadcast_in_dim3A_34 = vector.shape_cast %reduce_sum3A_33 : vector<100xf32> to vector<100x1xf32>
    %add3A_35 = vector.broadcast %broadcast_in_dim3A_34 : vector<100x1xf32> to vector<100x128xf32>
    %add3A_36 = arith.addf %get3A_32, %add3A_35 : vector<100x128xf32>
    %swap3A_37 = arith.constant 0 : index
    %swap3A_38 = arith.constant 0 : index
    %swap3A_39 = vector.load %arg5[%swap3A_37, %swap3A_38] : memref<100x128xf32, #tpu.memory_space<vmem>>, vector<100x128xf32>
    tpu.vector_store %arg5[%swap3A_37, %swap3A_38], %add3A_36 {strides = array<i32>} : memref<100x128xf32, #tpu.memory_space<vmem>>, vector<100x128xf32>,
    return
  }
  func.func @transform_0(%arg0: i32) -> (i32, i32) {
    %c0_i32 = arith.constant 0 : i32
    %c0_i32_0 = arith.constant 0 : i32
    return %arg0, %c0_i32 : i32, i32
  }
  func.func @transform_1(%arg0: i32) -> (i32, i32, i32) {
    %c0_i32 = arith.constant 0 : i32
    %c0_i32_0 = arith.constant 0 : i32
    %c0_i32_1 = arith.constant 0 : i32
    return %arg0, %c0_i32, %c0_i32_0 : i32, i32, i32
  }
  func.func @transform_2(%arg0: i32) -> (i32, i32) {
    %c0_i32 = arith.constant 0 : i32
    %c0_i32_0 = arith.constant 0 : i32
    %c0_i32_1 = arith.constant 0 : i32
    return %c0_i32, %c0_i32_0 : i32, i32
  }
  func.func @transform_3(%arg0: i32) -> (i32, i32) {
    %c0_i32 = arith.constant 0 : i32
    %c0_i32_0 = arith.constant 0 : i32
    %c0_i32_1 = arith.constant 0 : i32
    return %c0_i32, %c0_i32_0 : i32, i32
  }
  func.func @transform_4(%arg0: i32) -> (i32, i32) {
    %c0_i32 = arith.constant 0 : i32
    %c0_i32_0 = arith.constant 0 : i32
    %c0_i32_1 = arith.constant 0 : i32
    return %c0_i32, %c0_i32_0 : i32, i32
  }
}

module attributes {stable_mosaic.version = 14 : i64} {
  func.func @_norm_proj_body(%arg0: i32, %arg1: memref<2000x128xf32, #tpu.memory_space<vmem>>, %arg2: memref<1x1x2000xi32, #tpu.memory_space<vmem>>, %arg3: memref<100x128xf32, #tpu.memory_space<vmem>>, %arg4: memref<100x128xf32, #tpu.memory_space<vmem>>, %arg5: memref<1x128xf32, #tpu.memory_space<vmem>>, %arg6: memref<1x128xf32, #tpu.memory_space<vmem>>, %arg7: memref<1x128xf32, #tpu.memory_space<vmem>>, %arg8: memref<128x128xf32, #tpu.memory_space<vmem>>, %arg9: memref<1x128xf32, #tpu.memory_space<vmem>>, %arg10: memref<2000x128xf32, #tpu.memory_space<vmem>>) attributes {dimension_semantics = [#tpu.dimension_semantics<arbitrary>], iteration_bounds = array<i64: 5>, scalar_prefetch = 0 : i64, scratch_operands = 0 : i64, tpu.core_type = #tpu.core_type<tc>, window_params = [{transform_indices = @transform_0, window_bounds = array<i64: 2000, 128>}, {transform_indices = @transform_1, window_bounds = array<i64: 1, 1, 2000>}, {pipeline_mode = #tpu.pipeline_mode<synchronous>, transform_indices = @transform_2, window_bounds = array<i64: 100, 128>}, {pipeline_mode = #tpu.pipeline_mode<synchronous>, transform_indices = @transform_3, window_bounds = array<i64: 100, 128>}, {pipeline_mode = #tpu.pipeline_mode<synchronous>, transform_indices = @transform_4, window_bounds = array<i64: 1, 128>}, {pipeline_mode = #tpu.pipeline_mode<synchronous>, transform_indices = @transform_5, window_bounds = array<i64: 1, 128>}, {pipeline_mode = #tpu.pipeline_mode<synchronous>, transform_indices = @transform_6, window_bounds = array<i64: 1, 128>}, {pipeline_mode = #tpu.pipeline_mode<synchronous>, transform_indices = @transform_7, window_bounds = array<i64: 128, 128>}, {pipeline_mode = #tpu.pipeline_mode<synchronous>, transform_indices = @transform_8, window_bounds = array<i64: 1, 128>}, {transform_indices = @transform_9, window_bounds = array<i64: 2000, 128>}]} {
    %get3A = arith.constant 0 : index
    %get3A_0 = arith.constant 0 : index
    %get3A_1 = vector.load %arg1[%get3A, %get3A_0] : memref<2000x128xf32, #tpu.memory_space<vmem>>, vector<2000x128xf32>
    %get3A_2 = arith.constant 0 : index
    %get3A_3 = arith.constant 0 : index
    %get3A_4 = arith.constant 0 : index
    %get3A_5 = vector.load %arg2[%get3A_2, %get3A_3, %get3A_4] : memref<1x1x2000xi32, #tpu.memory_space<vmem>>, vector<1x1x2000xi32>
    %get3A_6 = vector.shape_cast %get3A_5 : vector<1x1x2000xi32> to vector<2000xi32>
    %broadcast_in_dim3A = vector.shape_cast %get3A_6 : vector<2000xi32> to vector<2000x1xi32>
    %iota3A = tpu.iota {dimensions = array<i32: 1>} : vector<1x100xi32>
    %eq3A = vector.broadcast %broadcast_in_dim3A : vector<2000x1xi32> to vector<2000x100xi32>
    %eq3A_7 = vector.broadcast %iota3A : vector<1x100xi32> to vector<2000x100xi32>
    %eq3A_8 = arith.cmpi eq, %eq3A, %eq3A_7 : vector<2000x100xi32>
    %convert_element_type3A = arith.extui %eq3A_8 : vector<2000x100xi1> to vector<2000x100xi32>
    %convert_element_type3A_9 = arith.sitofp %convert_element_type3A : vector<2000x100xi32> to vector<2000x100xf32>
    %get3A_10 = arith.constant 0 : index
    %get3A_11 = arith.constant 0 : index
    %get3A_12 = vector.load %arg3[%get3A_10, %get3A_11] : memref<100x128xf32, #tpu.memory_space<vmem>>, vector<100x128xf32>
    %dot_general3A = arith.constant dense<0.000000e+00> : vector<2000x128xf32>
    %dot_general3A_13 = tpu.matmul %convert_element_type3A_9, %get3A_12, %dot_general3A {dimension_numbers = #tpu.dot_dimension_numbers<[1], [0], [0], [1], [0, 0, 1, 1], [], []>, transpose_lhs_hint = false} : vector<2000x100xf32>, vector<100x128xf32>, vector<2000x128xf32> -> vector<2000x128xf32>
    %get3A_14 = arith.constant 0 : index
    %get3A_15 = arith.constant 0 : index
    %get3A_16 = vector.load %arg4[%get3A_14, %get3A_15] : memref<100x128xf32, #tpu.memory_space<vmem>>, vector<100x128xf32>
    %dot_general3A_17 = arith.constant dense<0.000000e+00> : vector<2000x128xf32>
    %dot_general3A_18 = tpu.matmul %convert_element_type3A_9, %get3A_16, %dot_general3A_17 {dimension_numbers = #tpu.dot_dimension_numbers<[1], [0], [0], [1], [0, 0, 1, 1], [], []>, transpose_lhs_hint = false} : vector<2000x100xf32>, vector<100x128xf32>, vector<2000x128xf32> -> vector<2000x128xf32>
    %get3A_19 = arith.constant 0 : index
    %get3A_20 = arith.constant 0 : index
    %get3A_21 = vector.load %arg7[%get3A_19, %get3A_20] : memref<1x128xf32, #tpu.memory_space<vmem>>, vector<1x128xf32>
    %mul3A = vector.broadcast %get3A_21 : vector<1x128xf32> to vector<2000x128xf32>
    %mul3A_22 = arith.mulf %mul3A, %dot_general3A_13 : vector<2000x128xf32>
    %sub3A = arith.subf %get3A_1, %mul3A_22 : vector<2000x128xf32>
    %get3A_23 = arith.constant 0 : index
    %get3A_24 = arith.constant 0 : index
    %get3A_25 = vector.load %arg5[%get3A_23, %get3A_24] : memref<1x128xf32, #tpu.memory_space<vmem>>, vector<1x128xf32>
    %add3A = arith.constant 9.99999974E-6 : f32
    %add3A_26 = vector.broadcast %add3A : f32 to vector<2000x128xf32>
    %add3A_27 = arith.addf %dot_general3A_18, %add3A_26 : vector<2000x128xf32>
    %rsqrt3A = math.rsqrt %add3A_27 : vector<2000x128xf32>
    %mul3A_28 = arith.mulf %sub3A, %rsqrt3A : vector<2000x128xf32>
    %mul3A_29 = vector.broadcast %get3A_25 : vector<1x128xf32> to vector<2000x128xf32>
    %mul3A_30 = arith.mulf %mul3A_29, %mul3A_28 : vector<2000x128xf32>
    %get3A_31 = arith.constant 0 : index
    %get3A_32 = arith.constant 0 : index
    %get3A_33 = vector.load %arg6[%get3A_31, %get3A_32] : memref<1x128xf32, #tpu.memory_space<vmem>>, vector<1x128xf32>
    %add3A_34 = vector.broadcast %get3A_33 : vector<1x128xf32> to vector<2000x128xf32>
    %add3A_35 = arith.addf %mul3A_30, %add3A_34 : vector<2000x128xf32>
    %get3A_36 = arith.constant 0 : index
    %get3A_37 = arith.constant 0 : index
    %get3A_38 = vector.load %arg8[%get3A_36, %get3A_37] : memref<128x128xf32, #tpu.memory_space<vmem>>, vector<128x128xf32>
    %dot_general3A_39 = arith.constant dense<0.000000e+00> : vector<2000x128xf32>
    %dot_general3A_40 = tpu.matmul %add3A_35, %get3A_38, %dot_general3A_39 {dimension_numbers = #tpu.dot_dimension_numbers<[1], [0], [0], [1], [0, 0, 1, 1], [], []>, transpose_lhs_hint = false} : vector<2000x128xf32>, vector<128x128xf32>, vector<2000x128xf32> -> vector<2000x128xf32>
    %get3A_41 = arith.constant 0 : index
    %get3A_42 = arith.constant 0 : index
    %get3A_43 = vector.load %arg9[%get3A_41, %get3A_42] : memref<1x128xf32, #tpu.memory_space<vmem>>, vector<1x128xf32>
    %add3A_44 = vector.broadcast %get3A_43 : vector<1x128xf32> to vector<2000x128xf32>
    %add3A_45 = arith.addf %dot_general3A_40, %add3A_44 : vector<2000x128xf32>
    %swap3A = arith.constant 0 : index
    %swap3A_46 = arith.constant 0 : index
    %swap3A_47 = vector.load %arg10[%swap3A, %swap3A_46] : memref<2000x128xf32, #tpu.memory_space<vmem>>, vector<2000x128xf32>
    tpu.vector_store %arg10[%swap3A, %swap3A_46], %add3A_45 {strides = array<i32>} : memref<2000x128xf32, #tpu.memory_space<vmem>>, vector<2000x128xf32>,
    return
  }
  func.func @transform_0(%arg0: i32) -> (i32, i32) {
    %c0_i32 = arith.constant 0 : i32
    %c0_i32_0 = arith.constant 0 : i32
    return %arg0, %c0_i32 : i32, i32
  }
  func.func @transform_1(%arg0: i32) -> (i32, i32, i32) {
    %c0_i32 = arith.constant 0 : i32
    %c0_i32_0 = arith.constant 0 : i32
    %c0_i32_1 = arith.constant 0 : i32
    return %arg0, %c0_i32, %c0_i32_0 : i32, i32, i32
  }
  func.func @transform_2(%arg0: i32) -> (i32, i32) {
    %c0_i32 = arith.constant 0 : i32
    %c0_i32_0 = arith.constant 0 : i32
    %c0_i32_1 = arith.constant 0 : i32
    return %c0_i32, %c0_i32_0 : i32, i32
  }
  func.func @transform_3(%arg0: i32) -> (i32, i32) {
    %c0_i32 = arith.constant 0 : i32
    %c0_i32_0 = arith.constant 0 : i32
    %c0_i32_1 = arith.constant 0 : i32
    return %c0_i32, %c0_i32_0 : i32, i32
  }
  func.func @transform_4(%arg0: i32) -> (i32, i32) {
    %c0_i32 = arith.constant 0 : i32
    %c0_i32_0 = arith.constant 0 : i32
    %c0_i32_1 = arith.constant 0 : i32
    return %c0_i32, %c0_i32_0 : i32, i32
  }
  func.func @transform_5(%arg0: i32) -> (i32, i32) {
    %c0_i32 = arith.constant 0 : i32
    %c0_i32_0 = arith.constant 0 : i32
    %c0_i32_1 = arith.constant 0 : i32
    return %c0_i32, %c0_i32_0 : i32, i32
  }
  func.func @transform_6(%arg0: i32) -> (i32, i32) {
    %c0_i32 = arith.constant 0 : i32
    %c0_i32_0 = arith.constant 0 : i32
    %c0_i32_1 = arith.constant 0 : i32
    return %c0_i32, %c0_i32_0 : i32, i32
  }
  func.func @transform_7(%arg0: i32) -> (i32, i32) {
    %c0_i32 = arith.constant 0 : i32
    %c0_i32_0 = arith.constant 0 : i32
    %c0_i32_1 = arith.constant 0 : i32
    return %c0_i32, %c0_i32_0 : i32, i32
  }
  func.func @transform_8(%arg0: i32) -> (i32, i32) {
    %c0_i32 = arith.constant 0 : i32
    %c0_i32_0 = arith.constant 0 : i32
    %c0_i32_1 = arith.constant 0 : i32
    return %c0_i32, %c0_i32_0 : i32, i32
  }
  func.func @transform_9(%arg0: i32) -> (i32, i32) {
    %c0_i32 = arith.constant 0 : i32
    %c0_i32_0 = arith.constant 0 : i32
    return %arg0, %c0_i32 : i32, i32
  }
}

module attributes {stable_mosaic.version = 14 : i64} {
  func.func @_edge_mlp_body(%arg0: i32, %arg1: memref<1280x128xf32, #tpu.memory_space<vmem>>, %arg2: memref<1280x128xf32, #tpu.memory_space<vmem>>, %arg3: memref<1280x128xf32, #tpu.memory_space<vmem>>, %arg4: memref<1280x128xf32, #tpu.memory_space<vmem>>, %arg5: memref<128x128xf32, #tpu.memory_space<vmem>>, %arg6: memref<1x128xf32, #tpu.memory_space<vmem>>, %arg7: memref<128x128xf32, #tpu.memory_space<vmem>>, %arg8: memref<1x128xf32, #tpu.memory_space<vmem>>, %arg9: memref<1280x128xf32, #tpu.memory_space<vmem>>) attributes {dimension_semantics = [#tpu.dimension_semantics<arbitrary>], iteration_bounds = array<i64: 125>, scalar_prefetch = 0 : i64, scratch_operands = 0 : i64, tpu.core_type = #tpu.core_type<tc>, window_params = [{transform_indices = @transform_0, window_bounds = array<i64: 1280, 128>}, {transform_indices = @transform_1, window_bounds = array<i64: 1280, 128>}, {transform_indices = @transform_2, window_bounds = array<i64: 1280, 128>}, {transform_indices = @transform_3, window_bounds = array<i64: 1280, 128>}, {pipeline_mode = #tpu.pipeline_mode<synchronous>, transform_indices = @transform_4, window_bounds = array<i64: 128, 128>}, {pipeline_mode = #tpu.pipeline_mode<synchronous>, transform_indices = @transform_5, window_bounds = array<i64: 1, 128>}, {pipeline_mode = #tpu.pipeline_mode<synchronous>, transform_indices = @transform_6, window_bounds = array<i64: 128, 128>}, {pipeline_mode = #tpu.pipeline_mode<synchronous>, transform_indices = @transform_7, window_bounds = array<i64: 1, 128>}, {transform_indices = @transform_8, window_bounds = array<i64: 1280, 128>}]} {
    %get3A = arith.constant 0 : index
    %get3A_0 = arith.constant 0 : index
    %get3A_1 = vector.load %arg1[%get3A, %get3A_0] : memref<1280x128xf32, #tpu.memory_space<vmem>>, vector<1280x128xf32>
    %slice3A = vector.extract_strided_slice %get3A_1 {offsets = [0, 0], sizes = [1280, 64], strides = [1, 1]} : vector<1280x128xf32> to vector<1280x64xf32>
    %get3A_2 = arith.constant 0 : index
    %get3A_3 = arith.constant 0 : index
    %get3A_4 = vector.load %arg2[%get3A_2, %get3A_3] : memref<1280x128xf32, #tpu.memory_space<vmem>>, vector<1280x128xf32>
    %slice3A_5 = vector.extract_strided_slice %get3A_4 {offsets = [0, 64], sizes = [1280, 64], strides = [1, 1]} : vector<1280x128xf32> to vector<1280x64xf32>
    %add3A = arith.addf %slice3A, %slice3A_5 : vector<1280x64xf32>
    %get3A_6 = arith.constant 0 : index
    %get3A_7 = arith.constant 0 : index
    %get3A_8 = vector.load %arg3[%get3A_6, %get3A_7] : memref<1280x128xf32, #tpu.memory_space<vmem>>, vector<1280x128xf32>
    %slice3A_9 = vector.extract_strided_slice %get3A_8 {offsets = [0, 0], sizes = [1280, 64], strides = [1, 1]} : vector<1280x128xf32> to vector<1280x64xf32>
    %get3A_10 = arith.constant 0 : index
    %get3A_11 = arith.constant 0 : index
    %get3A_12 = vector.load %arg4[%get3A_10, %get3A_11] : memref<1280x128xf32, #tpu.memory_space<vmem>>, vector<1280x128xf32>
    %slice3A_13 = vector.extract_strided_slice %get3A_12 {offsets = [0, 64], sizes = [1280, 64], strides = [1, 1]} : vector<1280x128xf32> to vector<1280x64xf32>
    %add3A_14 = arith.addf %slice3A_9, %slice3A_13 : vector<1280x64xf32>
    %concatenate3A = tpu.concatenate %add3A, %add3A_14 in 1 : vector<1280x64xf32>, vector<1280x64xf32> -> vector<1280x128xf32>
    %gt3A = arith.constant 0.000000e+00 : f32
    %gt3A_15 = vector.broadcast %gt3A : f32 to vector<1280x128xf32>
    %gt3A_16 = arith.cmpf ogt, %concatenate3A, %gt3A_15 : vector<1280x128xf32>
    %exp3A = math.exp %concatenate3A : vector<1280x128xf32>
    %sub3A = arith.constant 1.000000e+00 : f32
    %sub3A_17 = vector.broadcast %sub3A : f32 to vector<1280x128xf32>
    %sub3A_18 = arith.subf %exp3A, %sub3A_17 : vector<1280x128xf32>
    %mul3A = arith.constant 1.67326319 : f32
    %mul3A_19 = vector.broadcast %mul3A : f32 to vector<1280x128xf32>
    %mul3A_20 = arith.mulf %mul3A_19, %sub3A_18 : vector<1280x128xf32>
    %select_n3A = arith.select %gt3A_16, %concatenate3A, %mul3A_20 : vector<1280x128xi1>, vector<1280x128xf32>
    %mul3A_21 = arith.constant 1.05070102 : f32
    %mul3A_22 = vector.broadcast %mul3A_21 : f32 to vector<1280x128xf32>
    %mul3A_23 = arith.mulf %mul3A_22, %select_n3A : vector<1280x128xf32>
    %get3A_24 = arith.constant 0 : index
    %get3A_25 = arith.constant 0 : index
    %get3A_26 = vector.load %arg5[%get3A_24, %get3A_25] : memref<128x128xf32, #tpu.memory_space<vmem>>, vector<128x128xf32>
    %dot_general3A = arith.constant dense<0.000000e+00> : vector<1280x128xf32>
    %dot_general3A_27 = tpu.matmul %mul3A_23, %get3A_26, %dot_general3A {dimension_numbers = #tpu.dot_dimension_numbers<[1], [0], [0], [1], [0, 0, 1, 1], [], []>, transpose_lhs_hint = false} : vector<1280x128xf32>, vector<128x128xf32>, vector<1280x128xf32> -> vector<1280x128xf32>
    %get3A_28 = arith.constant 0 : index
    %get3A_29 = arith.constant 0 : index
    %get3A_30 = vector.load %arg6[%get3A_28, %get3A_29] : memref<1x128xf32, #tpu.memory_space<vmem>>, vector<1x128xf32>
    %add3A_31 = vector.broadcast %get3A_30 : vector<1x128xf32> to vector<1280x128xf32>
    %add3A_32 = arith.addf %dot_general3A_27, %add3A_31 : vector<1280x128xf32>
    %gt3A_33 = arith.constant 0.000000e+00 : f32
    %gt3A_34 = vector.broadcast %gt3A_33 : f32 to vector<1280x128xf32>
    %gt3A_35 = arith.cmpf ogt, %add3A_32, %gt3A_34 : vector<1280x128xf32>
    %exp3A_36 = math.exp %add3A_32 : vector<1280x128xf32>
    %sub3A_37 = arith.constant 1.000000e+00 : f32
    %sub3A_38 = vector.broadcast %sub3A_37 : f32 to vector<1280x128xf32>
    %sub3A_39 = arith.subf %exp3A_36, %sub3A_38 : vector<1280x128xf32>
    %mul3A_40 = arith.constant 1.67326319 : f32
    %mul3A_41 = vector.broadcast %mul3A_40 : f32 to vector<1280x128xf32>
    %mul3A_42 = arith.mulf %mul3A_41, %sub3A_39 : vector<1280x128xf32>
    %select_n3A_43 = arith.select %gt3A_35, %add3A_32, %mul3A_42 : vector<1280x128xi1>, vector<1280x128xf32>
    %mul3A_44 = arith.constant 1.05070102 : f32
    %mul3A_45 = vector.broadcast %mul3A_44 : f32 to vector<1280x128xf32>
    %mul3A_46 = arith.mulf %mul3A_45, %select_n3A_43 : vector<1280x128xf32>
    %get3A_47 = arith.constant 0 : index
    %get3A_48 = arith.constant 0 : index
    %get3A_49 = vector.load %arg7[%get3A_47, %get3A_48] : memref<128x128xf32, #tpu.memory_space<vmem>>, vector<128x128xf32>
    %dot_general3A_50 = arith.constant dense<0.000000e+00> : vector<1280x128xf32>
    %dot_general3A_51 = tpu.matmul %mul3A_46, %get3A_49, %dot_general3A_50 {dimension_numbers = #tpu.dot_dimension_numbers<[1], [0], [0], [1], [0, 0, 1, 1], [], []>, transpose_lhs_hint = false} : vector<1280x128xf32>, vector<128x128xf32>, vector<1280x128xf32> -> vector<1280x128xf32>
    %get3A_52 = arith.constant 0 : index
    %get3A_53 = arith.constant 0 : index
    %get3A_54 = vector.load %arg8[%get3A_52, %get3A_53] : memref<1x128xf32, #tpu.memory_space<vmem>>, vector<1x128xf32>
    %add3A_55 = vector.broadcast %get3A_54 : vector<1x128xf32> to vector<1280x128xf32>
    %add3A_56 = arith.addf %dot_general3A_51, %add3A_55 : vector<1280x128xf32>
    %swap3A = arith.constant 0 : index
    %swap3A_57 = arith.constant 0 : index
    %swap3A_58 = vector.load %arg9[%swap3A, %swap3A_57] : memref<1280x128xf32, #tpu.memory_space<vmem>>, vector<1280x128xf32>
    tpu.vector_store %arg9[%swap3A, %swap3A_57], %add3A_56 {strides = array<i32>} : memref<1280x128xf32, #tpu.memory_space<vmem>>, vector<1280x128xf32>,
    return
  }
  func.func @transform_0(%arg0: i32) -> (i32, i32) {
    %c0_i32 = arith.constant 0 : i32
    %c0_i32_0 = arith.constant 0 : i32
    return %arg0, %c0_i32 : i32, i32
  }
  func.func @transform_1(%arg0: i32) -> (i32, i32) {
    %c0_i32 = arith.constant 0 : i32
    %c0_i32_0 = arith.constant 0 : i32
    return %arg0, %c0_i32 : i32, i32
  }
  func.func @transform_2(%arg0: i32) -> (i32, i32) {
    %add3A = arith.constant 125 : i32
    %add3A_0 = arith.addi %arg0, %add3A : i32
    %c0_i32 = arith.constant 0 : i32
    %c0_i32_1 = arith.constant 0 : i32
    return %add3A_0, %c0_i32 : i32, i32
  }
  func.func @transform_3(%arg0: i32) -> (i32, i32) {
    %add3A = arith.constant 125 : i32
    %add3A_0 = arith.addi %arg0, %add3A : i32
    %c0_i32 = arith.constant 0 : i32
    %c0_i32_1 = arith.constant 0 : i32
    return %add3A_0, %c0_i32 : i32, i32
  }
  func.func @transform_4(%arg0: i32) -> (i32, i32) {
    %c0_i32 = arith.constant 0 : i32
    %c0_i32_0 = arith.constant 0 : i32
    %c0_i32_1 = arith.constant 0 : i32
    return %c0_i32, %c0_i32_0 : i32, i32
  }
  func.func @transform_5(%arg0: i32) -> (i32, i32) {
    %c0_i32 = arith.constant 0 : i32
    %c0_i32_0 = arith.constant 0 : i32
    %c0_i32_1 = arith.constant 0 : i32
    return %c0_i32, %c0_i32_0 : i32, i32
  }
  func.func @transform_6(%arg0: i32) -> (i32, i32) {
    %c0_i32 = arith.constant 0 : i32
    %c0_i32_0 = arith.constant 0 : i32
    %c0_i32_1 = arith.constant 0 : i32
    return %c0_i32, %c0_i32_0 : i32, i32
  }
  func.func @transform_7(%arg0: i32) -> (i32, i32) {
    %c0_i32 = arith.constant 0 : i32
    %c0_i32_0 = arith.constant 0 : i32
    %c0_i32_1 = arith.constant 0 : i32
    return %c0_i32, %c0_i32_0 : i32, i32
  }
  func.func @transform_8(%arg0: i32) -> (i32, i32) {
    %c0_i32 = arith.constant 0 : i32
    %c0_i32_0 = arith.constant 0 : i32
    return %arg0, %c0_i32 : i32, i32
  }
}

module attributes {stable_mosaic.version = 14 : i64} {
  func.func @_stats_body(%arg0: i32, %arg1: memref<2000x64xf32, #tpu.memory_space<vmem>>, %arg2: memref<1x1x2000xi32, #tpu.memory_space<vmem>>, %arg3: memref<100x64xf32, #tpu.memory_space<vmem>>, %arg4: memref<100x64xf32, #tpu.memory_space<vmem>>, %arg5: memref<100x128xf32, #tpu.memory_space<vmem>>) attributes {dimension_semantics = [#tpu.dimension_semantics<arbitrary>], iteration_bounds = array<i64: 5>, scalar_prefetch = 0 : i64, scratch_operands = 0 : i64, tpu.core_type = #tpu.core_type<tc>, window_params = [{transform_indices = @transform_0, window_bounds = array<i64: 2000, 64>}, {transform_indices = @transform_1, window_bounds = array<i64: 1, 1, 2000>}, {pipeline_mode = #tpu.pipeline_mode<synchronous>, transform_indices = @transform_2, window_bounds = array<i64: 100, 64>}, {pipeline_mode = #tpu.pipeline_mode<synchronous>, transform_indices = @transform_3, window_bounds = array<i64: 100, 64>}, {pipeline_mode = #tpu.pipeline_mode<synchronous>, transform_indices = @transform_4, window_bounds = array<i64: 100, 128>}]} {
    %get3A = arith.constant 0 : index
    %get3A_0 = arith.constant 0 : index
    %get3A_1 = vector.load %arg1[%get3A, %get3A_0] : memref<2000x64xf32, #tpu.memory_space<vmem>>, vector<2000x64xf32>
    %get3A_2 = arith.constant 0 : index
    %get3A_3 = arith.constant 0 : index
    %get3A_4 = arith.constant 0 : index
    %get3A_5 = vector.load %arg2[%get3A_2, %get3A_3, %get3A_4] : memref<1x1x2000xi32, #tpu.memory_space<vmem>>, vector<1x1x2000xi32>
    %get3A_6 = vector.shape_cast %get3A_5 : vector<1x1x2000xi32> to vector<2000xi32>
    %broadcast_in_dim3A = vector.shape_cast %get3A_6 : vector<2000xi32> to vector<2000x1xi32>
    %iota3A = tpu.iota {dimensions = array<i32: 1>} : vector<1x100xi32>
    %eq3A = vector.broadcast %broadcast_in_dim3A : vector<2000x1xi32> to vector<2000x100xi32>
    %eq3A_7 = vector.broadcast %iota3A : vector<1x100xi32> to vector<2000x100xi32>
    %eq3A_8 = arith.cmpi eq, %eq3A, %eq3A_7 : vector<2000x100xi32>
    %convert_element_type3A = arith.extui %eq3A_8 : vector<2000x100xi1> to vector<2000x100xi32>
    %convert_element_type3A_9 = arith.sitofp %convert_element_type3A : vector<2000x100xi32> to vector<2000x100xf32>
    %eq3A_10 = arith.constant 0 : i32
    %eq3A_11 = arith.cmpi eq, %arg0, %eq3A_10 : i32
    %convert_element_type3A_12 = arith.extui %eq3A_11 : i1 to i32
    %cond3A = arith.constant 0 : i32
    %cond3A_13 = arith.cmpi ne, %convert_element_type3A_12, %cond3A : i32
    scf.if %cond3A_13 {
      %broadcast_in_dim3A_40 = arith.constant 0.000000e+00 : f32
      %broadcast_in_dim3A_41 = vector.broadcast %broadcast_in_dim3A_40 : f32 to vector<100x64xf32>
      %swap3A_42 = arith.constant 0 : index
      %swap3A_43 = arith.constant 0 : index
      %swap3A_44 = vector.load %arg3[%swap3A_42, %swap3A_43] : memref<100x64xf32, #tpu.memory_space<vmem>>, vector<100x64xf32>
      tpu.vector_store %arg3[%swap3A_42, %swap3A_43], %broadcast_in_dim3A_41 {strides = array<i32>} : memref<100x64xf32, #tpu.memory_space<vmem>>, vector<100x64xf32>,
      %broadcast_in_dim3A_45 = arith.constant 0.000000e+00 : f32
      %broadcast_in_dim3A_46 = vector.broadcast %broadcast_in_dim3A_45 : f32 to vector<100x64xf32>
      %swap3A_47 = arith.constant 0 : index
      %swap3A_48 = arith.constant 0 : index
      %swap3A_49 = vector.load %arg4[%swap3A_47, %swap3A_48] : memref<100x64xf32, #tpu.memory_space<vmem>>, vector<100x64xf32>
      tpu.vector_store %arg4[%swap3A_47, %swap3A_48], %broadcast_in_dim3A_46 {strides = array<i32>} : memref<100x64xf32, #tpu.memory_space<vmem>>, vector<100x64xf32>,
      %broadcast_in_dim3A_50 = arith.constant 0.000000e+00 : f32
      %broadcast_in_dim3A_51 = vector.broadcast %broadcast_in_dim3A_50 : f32 to vector<100x128xf32>
      %swap3A_52 = arith.constant 0 : index
      %swap3A_53 = arith.constant 0 : index
      %swap3A_54 = vector.load %arg5[%swap3A_52, %swap3A_53] : memref<100x128xf32, #tpu.memory_space<vmem>>, vector<100x128xf32>
      tpu.vector_store %arg5[%swap3A_52, %swap3A_53], %broadcast_in_dim3A_51 {strides = array<i32>} : memref<100x128xf32, #tpu.memory_space<vmem>>, vector<100x128xf32>,
    } else {
    }
    %get3A_14 = arith.constant 0 : index
    %get3A_15 = arith.constant 0 : index
    %get3A_16 = vector.load %arg3[%get3A_14, %get3A_15] : memref<100x64xf32, #tpu.memory_space<vmem>>, vector<100x64xf32>
    %transpose3A = tpu.transpose %convert_element_type3A_9, [1, 0] : vector<2000x100xf32> -> vector<100x2000xf32>
    %dot_general3A = arith.constant dense<0.000000e+00> : vector<100x64xf32>
    %dot_general3A_17 = tpu.matmul %transpose3A, %get3A_1, %dot_general3A {dimension_numbers = #tpu.dot_dimension_numbers<[1], [0], [0], [1], [0, 0, 1, 1], [], []>, transpose_lhs_hint = false} : vector<100x2000xf32>, vector<2000x64xf32>, vector<100x64xf32> -> vector<100x64xf32>
    %add3A = arith.addf %get3A_16, %dot_general3A_17 : vector<100x64xf32>
    %swap3A = arith.constant 0 : index
    %swap3A_18 = arith.constant 0 : index
    %swap3A_19 = vector.load %arg3[%swap3A, %swap3A_18] : memref<100x64xf32, #tpu.memory_space<vmem>>, vector<100x64xf32>
    tpu.vector_store %arg3[%swap3A, %swap3A_18], %add3A {strides = array<i32>} : memref<100x64xf32, #tpu.memory_space<vmem>>, vector<100x64xf32>,
    %get3A_20 = arith.constant 0 : index
    %get3A_21 = arith.constant 0 : index
    %get3A_22 = vector.load %arg4[%get3A_20, %get3A_21] : memref<100x64xf32, #tpu.memory_space<vmem>>, vector<100x64xf32>
    %transpose3A_23 = tpu.transpose %convert_element_type3A_9, [1, 0] : vector<2000x100xf32> -> vector<100x2000xf32>
    %mul3A = arith.mulf %get3A_1, %get3A_1 : vector<2000x64xf32>
    %dot_general3A_24 = arith.constant dense<0.000000e+00> : vector<100x64xf32>
    %dot_general3A_25 = tpu.matmul %transpose3A_23, %mul3A, %dot_general3A_24 {dimension_numbers = #tpu.dot_dimension_numbers<[1], [0], [0], [1], [0, 0, 1, 1], [], []>, transpose_lhs_hint = false} : vector<100x2000xf32>, vector<2000x64xf32>, vector<100x64xf32> -> vector<100x64xf32>
    %add3A_26 = arith.addf %get3A_22, %dot_general3A_25 : vector<100x64xf32>
    %swap3A_27 = arith.constant 0 : index
    %swap3A_28 = arith.constant 0 : index
    %swap3A_29 = vector.load %arg4[%swap3A_27, %swap3A_28] : memref<100x64xf32, #tpu.memory_space<vmem>>, vector<100x64xf32>
    tpu.vector_store %arg4[%swap3A_27, %swap3A_28], %add3A_26 {strides = array<i32>} : memref<100x64xf32, #tpu.memory_space<vmem>>, vector<100x64xf32>,
    %get3A_30 = arith.constant 0 : index
    %get3A_31 = arith.constant 0 : index
    %get3A_32 = vector.load %arg5[%get3A_30, %get3A_31] : memref<100x128xf32, #tpu.memory_space<vmem>>, vector<100x128xf32>
    %reduce_sum3A = arith.constant dense<0.000000e+00> : vector<100xf32>
    %reduce_sum3A_33 = vector.multi_reduction <add>, %convert_element_type3A_9, %reduce_sum3A [0] : vector<2000x100xf32> to vector<100xf32>
    %broadcast_in_dim3A_34 = vector.shape_cast %reduce_sum3A_33 : vector<100xf32> to vector<100x1xf32>
    %add3A_35 = vector.broadcast %broadcast_in_dim3A_34 : vector<100x1xf32> to vector<100x128xf32>
    %add3A_36 = arith.addf %get3A_32, %add3A_35 : vector<100x128xf32>
    %swap3A_37 = arith.constant 0 : index
    %swap3A_38 = arith.constant 0 : index
    %swap3A_39 = vector.load %arg5[%swap3A_37, %swap3A_38] : memref<100x128xf32, #tpu.memory_space<vmem>>, vector<100x128xf32>
    tpu.vector_store %arg5[%swap3A_37, %swap3A_38], %add3A_36 {strides = array<i32>} : memref<100x128xf32, #tpu.memory_space<vmem>>, vector<100x128xf32>,
    return
  }
  func.func @transform_0(%arg0: i32) -> (i32, i32) {
    %c0_i32 = arith.constant 0 : i32
    %c0_i32_0 = arith.constant 0 : i32
    return %arg0, %c0_i32 : i32, i32
  }
  func.func @transform_1(%arg0: i32) -> (i32, i32, i32) {
    %c0_i32 = arith.constant 0 : i32
    %c0_i32_0 = arith.constant 0 : i32
    %c0_i32_1 = arith.constant 0 : i32
    return %arg0, %c0_i32, %c0_i32_0 : i32, i32, i32
  }
  func.func @transform_2(%arg0: i32) -> (i32, i32) {
    %c0_i32 = arith.constant 0 : i32
    %c0_i32_0 = arith.constant 0 : i32
    %c0_i32_1 = arith.constant 0 : i32
    return %c0_i32, %c0_i32_0 : i32, i32
  }
  func.func @transform_3(%arg0: i32) -> (i32, i32) {
    %c0_i32 = arith.constant 0 : i32
    %c0_i32_0 = arith.constant 0 : i32
    %c0_i32_1 = arith.constant 0 : i32
    return %c0_i32, %c0_i32_0 : i32, i32
  }
  func.func @transform_4(%arg0: i32) -> (i32, i32) {
    %c0_i32 = arith.constant 0 : i32
    %c0_i32_0 = arith.constant 0 : i32
    %c0_i32_1 = arith.constant 0 : i32
    return %c0_i32, %c0_i32_0 : i32, i32
  }
}

module attributes {stable_mosaic.version = 14 : i64} {
  func.func @_norm_proj_body(%arg0: i32, %arg1: memref<2000x64xf32, #tpu.memory_space<vmem>>, %arg2: memref<1x1x2000xi32, #tpu.memory_space<vmem>>, %arg3: memref<100x64xf32, #tpu.memory_space<vmem>>, %arg4: memref<100x64xf32, #tpu.memory_space<vmem>>, %arg5: memref<1x64xf32, #tpu.memory_space<vmem>>, %arg6: memref<1x64xf32, #tpu.memory_space<vmem>>, %arg7: memref<1x64xf32, #tpu.memory_space<vmem>>, %arg8: memref<64x128xf32, #tpu.memory_space<vmem>>, %arg9: memref<1x128xf32, #tpu.memory_space<vmem>>, %arg10: memref<2000x128xf32, #tpu.memory_space<vmem>>) attributes {dimension_semantics = [#tpu.dimension_semantics<arbitrary>], iteration_bounds = array<i64: 5>, scalar_prefetch = 0 : i64, scratch_operands = 0 : i64, tpu.core_type = #tpu.core_type<tc>, window_params = [{transform_indices = @transform_0, window_bounds = array<i64: 2000, 64>}, {transform_indices = @transform_1, window_bounds = array<i64: 1, 1, 2000>}, {pipeline_mode = #tpu.pipeline_mode<synchronous>, transform_indices = @transform_2, window_bounds = array<i64: 100, 64>}, {pipeline_mode = #tpu.pipeline_mode<synchronous>, transform_indices = @transform_3, window_bounds = array<i64: 100, 64>}, {pipeline_mode = #tpu.pipeline_mode<synchronous>, transform_indices = @transform_4, window_bounds = array<i64: 1, 64>}, {pipeline_mode = #tpu.pipeline_mode<synchronous>, transform_indices = @transform_5, window_bounds = array<i64: 1, 64>}, {pipeline_mode = #tpu.pipeline_mode<synchronous>, transform_indices = @transform_6, window_bounds = array<i64: 1, 64>}, {pipeline_mode = #tpu.pipeline_mode<synchronous>, transform_indices = @transform_7, window_bounds = array<i64: 64, 128>}, {pipeline_mode = #tpu.pipeline_mode<synchronous>, transform_indices = @transform_8, window_bounds = array<i64: 1, 128>}, {transform_indices = @transform_9, window_bounds = array<i64: 2000, 128>}]} {
    %get3A = arith.constant 0 : index
    %get3A_0 = arith.constant 0 : index
    %get3A_1 = vector.load %arg1[%get3A, %get3A_0] : memref<2000x64xf32, #tpu.memory_space<vmem>>, vector<2000x64xf32>
    %get3A_2 = arith.constant 0 : index
    %get3A_3 = arith.constant 0 : index
    %get3A_4 = arith.constant 0 : index
    %get3A_5 = vector.load %arg2[%get3A_2, %get3A_3, %get3A_4] : memref<1x1x2000xi32, #tpu.memory_space<vmem>>, vector<1x1x2000xi32>
    %get3A_6 = vector.shape_cast %get3A_5 : vector<1x1x2000xi32> to vector<2000xi32>
    %broadcast_in_dim3A = vector.shape_cast %get3A_6 : vector<2000xi32> to vector<2000x1xi32>
    %iota3A = tpu.iota {dimensions = array<i32: 1>} : vector<1x100xi32>
    %eq3A = vector.broadcast %broadcast_in_dim3A : vector<2000x1xi32> to vector<2000x100xi32>
    %eq3A_7 = vector.broadcast %iota3A : vector<1x100xi32> to vector<2000x100xi32>
    %eq3A_8 = arith.cmpi eq, %eq3A, %eq3A_7 : vector<2000x100xi32>
    %convert_element_type3A = arith.extui %eq3A_8 : vector<2000x100xi1> to vector<2000x100xi32>
    %convert_element_type3A_9 = arith.sitofp %convert_element_type3A : vector<2000x100xi32> to vector<2000x100xf32>
    %get3A_10 = arith.constant 0 : index
    %get3A_11 = arith.constant 0 : index
    %get3A_12 = vector.load %arg3[%get3A_10, %get3A_11] : memref<100x64xf32, #tpu.memory_space<vmem>>, vector<100x64xf32>
    %dot_general3A = arith.constant dense<0.000000e+00> : vector<2000x64xf32>
    %dot_general3A_13 = tpu.matmul %convert_element_type3A_9, %get3A_12, %dot_general3A {dimension_numbers = #tpu.dot_dimension_numbers<[1], [0], [0], [1], [0, 0, 1, 1], [], []>, transpose_lhs_hint = false} : vector<2000x100xf32>, vector<100x64xf32>, vector<2000x64xf32> -> vector<2000x64xf32>
    %get3A_14 = arith.constant 0 : index
    %get3A_15 = arith.constant 0 : index
    %get3A_16 = vector.load %arg4[%get3A_14, %get3A_15] : memref<100x64xf32, #tpu.memory_space<vmem>>, vector<100x64xf32>
    %dot_general3A_17 = arith.constant dense<0.000000e+00> : vector<2000x64xf32>
    %dot_general3A_18 = tpu.matmul %convert_element_type3A_9, %get3A_16, %dot_general3A_17 {dimension_numbers = #tpu.dot_dimension_numbers<[1], [0], [0], [1], [0, 0, 1, 1], [], []>, transpose_lhs_hint = false} : vector<2000x100xf32>, vector<100x64xf32>, vector<2000x64xf32> -> vector<2000x64xf32>
    %get3A_19 = arith.constant 0 : index
    %get3A_20 = arith.constant 0 : index
    %get3A_21 = vector.load %arg7[%get3A_19, %get3A_20] : memref<1x64xf32, #tpu.memory_space<vmem>>, vector<1x64xf32>
    %mul3A = vector.broadcast %get3A_21 : vector<1x64xf32> to vector<2000x64xf32>
    %mul3A_22 = arith.mulf %mul3A, %dot_general3A_13 : vector<2000x64xf32>
    %sub3A = arith.subf %get3A_1, %mul3A_22 : vector<2000x64xf32>
    %get3A_23 = arith.constant 0 : index
    %get3A_24 = arith.constant 0 : index
    %get3A_25 = vector.load %arg5[%get3A_23, %get3A_24] : memref<1x64xf32, #tpu.memory_space<vmem>>, vector<1x64xf32>
    %add3A = arith.constant 9.99999974E-6 : f32
    %add3A_26 = vector.broadcast %add3A : f32 to vector<2000x64xf32>
    %add3A_27 = arith.addf %dot_general3A_18, %add3A_26 : vector<2000x64xf32>
    %rsqrt3A = math.rsqrt %add3A_27 : vector<2000x64xf32>
    %mul3A_28 = arith.mulf %sub3A, %rsqrt3A : vector<2000x64xf32>
    %mul3A_29 = vector.broadcast %get3A_25 : vector<1x64xf32> to vector<2000x64xf32>
    %mul3A_30 = arith.mulf %mul3A_29, %mul3A_28 : vector<2000x64xf32>
    %get3A_31 = arith.constant 0 : index
    %get3A_32 = arith.constant 0 : index
    %get3A_33 = vector.load %arg6[%get3A_31, %get3A_32] : memref<1x64xf32, #tpu.memory_space<vmem>>, vector<1x64xf32>
    %add3A_34 = vector.broadcast %get3A_33 : vector<1x64xf32> to vector<2000x64xf32>
    %add3A_35 = arith.addf %mul3A_30, %add3A_34 : vector<2000x64xf32>
    %get3A_36 = arith.constant 0 : index
    %get3A_37 = arith.constant 0 : index
    %get3A_38 = vector.load %arg8[%get3A_36, %get3A_37] : memref<64x128xf32, #tpu.memory_space<vmem>>, vector<64x128xf32>
    %dot_general3A_39 = arith.constant dense<0.000000e+00> : vector<2000x128xf32>
    %dot_general3A_40 = tpu.matmul %add3A_35, %get3A_38, %dot_general3A_39 {dimension_numbers = #tpu.dot_dimension_numbers<[1], [0], [0], [1], [0, 0, 1, 1], [], []>, transpose_lhs_hint = false} : vector<2000x64xf32>, vector<64x128xf32>, vector<2000x128xf32> -> vector<2000x128xf32>
    %get3A_41 = arith.constant 0 : index
    %get3A_42 = arith.constant 0 : index
    %get3A_43 = vector.load %arg9[%get3A_41, %get3A_42] : memref<1x128xf32, #tpu.memory_space<vmem>>, vector<1x128xf32>
    %add3A_44 = vector.broadcast %get3A_43 : vector<1x128xf32> to vector<2000x128xf32>
    %add3A_45 = arith.addf %dot_general3A_40, %add3A_44 : vector<2000x128xf32>
    %swap3A = arith.constant 0 : index
    %swap3A_46 = arith.constant 0 : index
    %swap3A_47 = vector.load %arg10[%swap3A, %swap3A_46] : memref<2000x128xf32, #tpu.memory_space<vmem>>, vector<2000x128xf32>
    tpu.vector_store %arg10[%swap3A, %swap3A_46], %add3A_45 {strides = array<i32>} : memref<2000x128xf32, #tpu.memory_space<vmem>>, vector<2000x128xf32>,
    return
  }
  func.func @transform_0(%arg0: i32) -> (i32, i32) {
    %c0_i32 = arith.constant 0 : i32
    %c0_i32_0 = arith.constant 0 : i32
    return %arg0, %c0_i32 : i32, i32
  }
  func.func @transform_1(%arg0: i32) -> (i32, i32, i32) {
    %c0_i32 = arith.constant 0 : i32
    %c0_i32_0 = arith.constant 0 : i32
    %c0_i32_1 = arith.constant 0 : i32
    return %arg0, %c0_i32, %c0_i32_0 : i32, i32, i32
  }
  func.func @transform_2(%arg0: i32) -> (i32, i32) {
    %c0_i32 = arith.constant 0 : i32
    %c0_i32_0 = arith.constant 0 : i32
    %c0_i32_1 = arith.constant 0 : i32
    return %c0_i32, %c0_i32_0 : i32, i32
  }
  func.func @transform_3(%arg0: i32) -> (i32, i32) {
    %c0_i32 = arith.constant 0 : i32
    %c0_i32_0 = arith.constant 0 : i32
    %c0_i32_1 = arith.constant 0 : i32
    return %c0_i32, %c0_i32_0 : i32, i32
  }
  func.func @transform_4(%arg0: i32) -> (i32, i32) {
    %c0_i32 = arith.constant 0 : i32
    %c0_i32_0 = arith.constant 0 : i32
    %c0_i32_1 = arith.constant 0 : i32
    return %c0_i32, %c0_i32_0 : i32, i32
  }
  func.func @transform_5(%arg0: i32) -> (i32, i32) {
    %c0_i32 = arith.constant 0 : i32
    %c0_i32_0 = arith.constant 0 : i32
    %c0_i32_1 = arith.constant 0 : i32
    return %c0_i32, %c0_i32_0 : i32, i32
  }
  func.func @transform_6(%arg0: i32) -> (i32, i32) {
    %c0_i32 = arith.constant 0 : i32
    %c0_i32_0 = arith.constant 0 : i32
    %c0_i32_1 = arith.constant 0 : i32
    return %c0_i32, %c0_i32_0 : i32, i32
  }
  func.func @transform_7(%arg0: i32) -> (i32, i32) {
    %c0_i32 = arith.constant 0 : i32
    %c0_i32_0 = arith.constant 0 : i32
    %c0_i32_1 = arith.constant 0 : i32
    return %c0_i32, %c0_i32_0 : i32, i32
  }
  func.func @transform_8(%arg0: i32) -> (i32, i32) {
    %c0_i32 = arith.constant 0 : i32
    %c0_i32_0 = arith.constant 0 : i32
    %c0_i32_1 = arith.constant 0 : i32
    return %c0_i32, %c0_i32_0 : i32, i32
  }
  func.func @transform_9(%arg0: i32) -> (i32, i32) {
    %c0_i32 = arith.constant 0 : i32
    %c0_i32_0 = arith.constant 0 : i32
    return %arg0, %c0_i32 : i32, i32
  }
}

module attributes {stable_mosaic.version = 14 : i64} {
  func.func @_stats_body(%arg0: i32, %arg1: memref<2000x64xf32, #tpu.memory_space<vmem>>, %arg2: memref<1x1x2000xi32, #tpu.memory_space<vmem>>, %arg3: memref<100x64xf32, #tpu.memory_space<vmem>>, %arg4: memref<100x64xf32, #tpu.memory_space<vmem>>, %arg5: memref<100x128xf32, #tpu.memory_space<vmem>>) attributes {dimension_semantics = [#tpu.dimension_semantics<arbitrary>], iteration_bounds = array<i64: 5>, scalar_prefetch = 0 : i64, scratch_operands = 0 : i64, tpu.core_type = #tpu.core_type<tc>, window_params = [{transform_indices = @transform_0, window_bounds = array<i64: 2000, 64>}, {transform_indices = @transform_1, window_bounds = array<i64: 1, 1, 2000>}, {pipeline_mode = #tpu.pipeline_mode<synchronous>, transform_indices = @transform_2, window_bounds = array<i64: 100, 64>}, {pipeline_mode = #tpu.pipeline_mode<synchronous>, transform_indices = @transform_3, window_bounds = array<i64: 100, 64>}, {pipeline_mode = #tpu.pipeline_mode<synchronous>, transform_indices = @transform_4, window_bounds = array<i64: 100, 128>}]} {
    %get3A = arith.constant 0 : index
    %get3A_0 = arith.constant 0 : index
    %get3A_1 = vector.load %arg1[%get3A, %get3A_0] : memref<2000x64xf32, #tpu.memory_space<vmem>>, vector<2000x64xf32>
    %get3A_2 = arith.constant 0 : index
    %get3A_3 = arith.constant 0 : index
    %get3A_4 = arith.constant 0 : index
    %get3A_5 = vector.load %arg2[%get3A_2, %get3A_3, %get3A_4] : memref<1x1x2000xi32, #tpu.memory_space<vmem>>, vector<1x1x2000xi32>
    %get3A_6 = vector.shape_cast %get3A_5 : vector<1x1x2000xi32> to vector<2000xi32>
    %broadcast_in_dim3A = vector.shape_cast %get3A_6 : vector<2000xi32> to vector<2000x1xi32>
    %iota3A = tpu.iota {dimensions = array<i32: 1>} : vector<1x100xi32>
    %eq3A = vector.broadcast %broadcast_in_dim3A : vector<2000x1xi32> to vector<2000x100xi32>
    %eq3A_7 = vector.broadcast %iota3A : vector<1x100xi32> to vector<2000x100xi32>
    %eq3A_8 = arith.cmpi eq, %eq3A, %eq3A_7 : vector<2000x100xi32>
    %convert_element_type3A = arith.extui %eq3A_8 : vector<2000x100xi1> to vector<2000x100xi32>
    %convert_element_type3A_9 = arith.sitofp %convert_element_type3A : vector<2000x100xi32> to vector<2000x100xf32>
    %eq3A_10 = arith.constant 0 : i32
    %eq3A_11 = arith.cmpi eq, %arg0, %eq3A_10 : i32
    %convert_element_type3A_12 = arith.extui %eq3A_11 : i1 to i32
    %cond3A = arith.constant 0 : i32
    %cond3A_13 = arith.cmpi ne, %convert_element_type3A_12, %cond3A : i32
    scf.if %cond3A_13 {
      %broadcast_in_dim3A_40 = arith.constant 0.000000e+00 : f32
      %broadcast_in_dim3A_41 = vector.broadcast %broadcast_in_dim3A_40 : f32 to vector<100x64xf32>
      %swap3A_42 = arith.constant 0 : index
      %swap3A_43 = arith.constant 0 : index
      %swap3A_44 = vector.load %arg3[%swap3A_42, %swap3A_43] : memref<100x64xf32, #tpu.memory_space<vmem>>, vector<100x64xf32>
      tpu.vector_store %arg3[%swap3A_42, %swap3A_43], %broadcast_in_dim3A_41 {strides = array<i32>} : memref<100x64xf32, #tpu.memory_space<vmem>>, vector<100x64xf32>,
      %broadcast_in_dim3A_45 = arith.constant 0.000000e+00 : f32
      %broadcast_in_dim3A_46 = vector.broadcast %broadcast_in_dim3A_45 : f32 to vector<100x64xf32>
      %swap3A_47 = arith.constant 0 : index
      %swap3A_48 = arith.constant 0 : index
      %swap3A_49 = vector.load %arg4[%swap3A_47, %swap3A_48] : memref<100x64xf32, #tpu.memory_space<vmem>>, vector<100x64xf32>
      tpu.vector_store %arg4[%swap3A_47, %swap3A_48], %broadcast_in_dim3A_46 {strides = array<i32>} : memref<100x64xf32, #tpu.memory_space<vmem>>, vector<100x64xf32>,
      %broadcast_in_dim3A_50 = arith.constant 0.000000e+00 : f32
      %broadcast_in_dim3A_51 = vector.broadcast %broadcast_in_dim3A_50 : f32 to vector<100x128xf32>
      %swap3A_52 = arith.constant 0 : index
      %swap3A_53 = arith.constant 0 : index
      %swap3A_54 = vector.load %arg5[%swap3A_52, %swap3A_53] : memref<100x128xf32, #tpu.memory_space<vmem>>, vector<100x128xf32>
      tpu.vector_store %arg5[%swap3A_52, %swap3A_53], %broadcast_in_dim3A_51 {strides = array<i32>} : memref<100x128xf32, #tpu.memory_space<vmem>>, vector<100x128xf32>,
    } else {
    }
    %get3A_14 = arith.constant 0 : index
    %get3A_15 = arith.constant 0 : index
    %get3A_16 = vector.load %arg3[%get3A_14, %get3A_15] : memref<100x64xf32, #tpu.memory_space<vmem>>, vector<100x64xf32>
    %transpose3A = tpu.transpose %convert_element_type3A_9, [1, 0] : vector<2000x100xf32> -> vector<100x2000xf32>
    %dot_general3A = arith.constant dense<0.000000e+00> : vector<100x64xf32>
    %dot_general3A_17 = tpu.matmul %transpose3A, %get3A_1, %dot_general3A {dimension_numbers = #tpu.dot_dimension_numbers<[1], [0], [0], [1], [0, 0, 1, 1], [], []>, transpose_lhs_hint = false} : vector<100x2000xf32>, vector<2000x64xf32>, vector<100x64xf32> -> vector<100x64xf32>
    %add3A = arith.addf %get3A_16, %dot_general3A_17 : vector<100x64xf32>
    %swap3A = arith.constant 0 : index
    %swap3A_18 = arith.constant 0 : index
    %swap3A_19 = vector.load %arg3[%swap3A, %swap3A_18] : memref<100x64xf32, #tpu.memory_space<vmem>>, vector<100x64xf32>
    tpu.vector_store %arg3[%swap3A, %swap3A_18], %add3A {strides = array<i32>} : memref<100x64xf32, #tpu.memory_space<vmem>>, vector<100x64xf32>,
    %get3A_20 = arith.constant 0 : index
    %get3A_21 = arith.constant 0 : index
    %get3A_22 = vector.load %arg4[%get3A_20, %get3A_21] : memref<100x64xf32, #tpu.memory_space<vmem>>, vector<100x64xf32>
    %transpose3A_23 = tpu.transpose %convert_element_type3A_9, [1, 0] : vector<2000x100xf32> -> vector<100x2000xf32>
    %mul3A = arith.mulf %get3A_1, %get3A_1 : vector<2000x64xf32>
    %dot_general3A_24 = arith.constant dense<0.000000e+00> : vector<100x64xf32>
    %dot_general3A_25 = tpu.matmul %transpose3A_23, %mul3A, %dot_general3A_24 {dimension_numbers = #tpu.dot_dimension_numbers<[1], [0], [0], [1], [0, 0, 1, 1], [], []>, transpose_lhs_hint = false} : vector<100x2000xf32>, vector<2000x64xf32>, vector<100x64xf32> -> vector<100x64xf32>
    %add3A_26 = arith.addf %get3A_22, %dot_general3A_25 : vector<100x64xf32>
    %swap3A_27 = arith.constant 0 : index
    %swap3A_28 = arith.constant 0 : index
    %swap3A_29 = vector.load %arg4[%swap3A_27, %swap3A_28] : memref<100x64xf32, #tpu.memory_space<vmem>>, vector<100x64xf32>
    tpu.vector_store %arg4[%swap3A_27, %swap3A_28], %add3A_26 {strides = array<i32>} : memref<100x64xf32, #tpu.memory_space<vmem>>, vector<100x64xf32>,
    %get3A_30 = arith.constant 0 : index
    %get3A_31 = arith.constant 0 : index
    %get3A_32 = vector.load %arg5[%get3A_30, %get3A_31] : memref<100x128xf32, #tpu.memory_space<vmem>>, vector<100x128xf32>
    %reduce_sum3A = arith.constant dense<0.000000e+00> : vector<100xf32>
    %reduce_sum3A_33 = vector.multi_reduction <add>, %convert_element_type3A_9, %reduce_sum3A [0] : vector<2000x100xf32> to vector<100xf32>
    %broadcast_in_dim3A_34 = vector.shape_cast %reduce_sum3A_33 : vector<100xf32> to vector<100x1xf32>
    %add3A_35 = vector.broadcast %broadcast_in_dim3A_34 : vector<100x1xf32> to vector<100x128xf32>
    %add3A_36 = arith.addf %get3A_32, %add3A_35 : vector<100x128xf32>
    %swap3A_37 = arith.constant 0 : index
    %swap3A_38 = arith.constant 0 : index
    %swap3A_39 = vector.load %arg5[%swap3A_37, %swap3A_38] : memref<100x128xf32, #tpu.memory_space<vmem>>, vector<100x128xf32>
    tpu.vector_store %arg5[%swap3A_37, %swap3A_38], %add3A_36 {strides = array<i32>} : memref<100x128xf32, #tpu.memory_space<vmem>>, vector<100x128xf32>,
    return
  }
  func.func @transform_0(%arg0: i32) -> (i32, i32) {
    %c0_i32 = arith.constant 0 : i32
    %c0_i32_0 = arith.constant 0 : i32
    return %arg0, %c0_i32 : i32, i32
  }
  func.func @transform_1(%arg0: i32) -> (i32, i32, i32) {
    %c0_i32 = arith.constant 0 : i32
    %c0_i32_0 = arith.constant 0 : i32
    %c0_i32_1 = arith.constant 0 : i32
    return %arg0, %c0_i32, %c0_i32_0 : i32, i32, i32
  }
  func.func @transform_2(%arg0: i32) -> (i32, i32) {
    %c0_i32 = arith.constant 0 : i32
    %c0_i32_0 = arith.constant 0 : i32
    %c0_i32_1 = arith.constant 0 : i32
    return %c0_i32, %c0_i32_0 : i32, i32
  }
  func.func @transform_3(%arg0: i32) -> (i32, i32) {
    %c0_i32 = arith.constant 0 : i32
    %c0_i32_0 = arith.constant 0 : i32
    %c0_i32_1 = arith.constant 0 : i32
    return %c0_i32, %c0_i32_0 : i32, i32
  }
  func.func @transform_4(%arg0: i32) -> (i32, i32) {
    %c0_i32 = arith.constant 0 : i32
    %c0_i32_0 = arith.constant 0 : i32
    %c0_i32_1 = arith.constant 0 : i32
    return %c0_i32, %c0_i32_0 : i32, i32
  }
}

module attributes {stable_mosaic.version = 14 : i64} {
  func.func @_head_body(%arg0: memref<100x64xf32, #tpu.memory_space<vmem>>, %arg1: memref<100x128xf32, #tpu.memory_space<vmem>>, %arg2: memref<64x64xf32, #tpu.memory_space<vmem>>, %arg3: memref<1x64xf32, #tpu.memory_space<vmem>>, %arg4: memref<64x2xf32, #tpu.memory_space<vmem>>, %arg5: memref<1x2xf32, #tpu.memory_space<vmem>>, %arg6: memref<100x2xf32, #tpu.memory_space<vmem>>) attributes {dimension_semantics = [], scalar_prefetch = 0 : i64, scratch_operands = 0 : i64, tpu.core_type = #tpu.core_type<tc>} {
    %get3A = arith.constant 0 : index
    %get3A_0 = arith.constant 0 : index
    %get3A_1 = vector.load %arg1[%get3A, %get3A_0] : memref<100x128xf32, #tpu.memory_space<vmem>>, vector<100x128xf32>
    %slice3A = vector.extract_strided_slice %get3A_1 {offsets = [0, 0], sizes = [100, 1], strides = [1, 1]} : vector<100x128xf32> to vector<100x1xf32>
    %max3A = arith.constant 1.000000e+00 : f32
    %max3A_2 = vector.broadcast %max3A : f32 to vector<100x1xf32>
    %max3A_3 = arith.maximumf %slice3A, %max3A_2 : vector<100x1xf32>
    %get3A_4 = arith.constant 0 : index
    %get3A_5 = arith.constant 0 : index
    %get3A_6 = vector.load %arg0[%get3A_4, %get3A_5] : memref<100x64xf32, #tpu.memory_space<vmem>>, vector<100x64xf32>
    %div3A = vector.broadcast %max3A_3 : vector<100x1xf32> to vector<100x64xf32>
    %div3A_7 = arith.divf %get3A_6, %div3A : vector<100x64xf32>
    %get3A_8 = arith.constant 0 : index
    %get3A_9 = arith.constant 0 : index
    %get3A_10 = vector.load %arg2[%get3A_8, %get3A_9] : memref<64x64xf32, #tpu.memory_space<vmem>>, vector<64x64xf32>
    %dot_general3A = arith.constant dense<0.000000e+00> : vector<100x64xf32>
    %dot_general3A_11 = tpu.matmul %div3A_7, %get3A_10, %dot_general3A {dimension_numbers = #tpu.dot_dimension_numbers<[1], [0], [0], [1], [0, 0, 1, 1], [], []>, transpose_lhs_hint = false} : vector<100x64xf32>, vector<64x64xf32>, vector<100x64xf32> -> vector<100x64xf32>
    %get3A_12 = arith.constant 0 : index
    %get3A_13 = arith.constant 0 : index
    %get3A_14 = vector.load %arg3[%get3A_12, %get3A_13] : memref<1x64xf32, #tpu.memory_space<vmem>>, vector<1x64xf32>
    %add3A = vector.broadcast %get3A_14 : vector<1x64xf32> to vector<100x64xf32>
    %add3A_15 = arith.addf %dot_general3A_11, %add3A : vector<100x64xf32>
    %max3A_16 = arith.constant 0.000000e+00 : f32
    %max3A_17 = vector.broadcast %max3A_16 : f32 to vector<100x64xf32>
    %max3A_18 = arith.maximumf %add3A_15, %max3A_17 : vector<100x64xf32>
    %get3A_19 = arith.constant 0 : index
    %get3A_20 = arith.constant 0 : index
    %get3A_21 = vector.load %arg4[%get3A_19, %get3A_20] : memref<64x2xf32, #tpu.memory_space<vmem>>, vector<64x2xf32>
    %dot_general3A_22 = arith.constant dense<0.000000e+00> : vector<100x2xf32>
    %dot_general3A_23 = tpu.matmul %max3A_18, %get3A_21, %dot_general3A_22 {dimension_numbers = #tpu.dot_dimension_numbers<[1], [0], [0], [1], [0, 0, 1, 1], [], []>, transpose_lhs_hint = false} : vector<100x64xf32>, vector<64x2xf32>, vector<100x2xf32> -> vector<100x2xf32>
    %get3A_24 = arith.constant 0 : index
    %get3A_25 = arith.constant 0 : index
    %get3A_26 = vector.load %arg5[%get3A_24, %get3A_25] : memref<1x2xf32, #tpu.memory_space<vmem>>, vector<1x2xf32>
    %add3A_27 = vector.broadcast %get3A_26 : vector<1x2xf32> to vector<100x2xf32>
    %add3A_28 = arith.addf %dot_general3A_23, %add3A_27 : vector<100x2xf32>
    %reduce_max3A = arith.constant dense<0xFF800000> : vector<100xf32>
    %reduce_max3A_29 = vector.multi_reduction <maximumf>, %add3A_28, %reduce_max3A [1] : vector<100x2xf32> to vector<100xf32>
    %broadcast_in_dim3A = vector.shape_cast %reduce_max3A_29 : vector<100xf32> to vector<100x1xf32>
    %sub3A = vector.broadcast %broadcast_in_dim3A : vector<100x1xf32> to vector<100x2xf32>
    %sub3A_30 = arith.subf %add3A_28, %sub3A : vector<100x2xf32>
    %exp3A = math.exp %sub3A_30 : vector<100x2xf32>
    %reduce_sum3A = arith.constant dense<0.000000e+00> : vector<100xf32>
    %reduce_sum3A_31 = vector.multi_reduction <add>, %exp3A, %reduce_sum3A [1] : vector<100x2xf32> to vector<100xf32>
    %broadcast_in_dim3A_32 = vector.shape_cast %reduce_sum3A_31 : vector<100xf32> to vector<100x1xf32>
    %div3A_33 = vector.broadcast %broadcast_in_dim3A_32 : vector<100x1xf32> to vector<100x2xf32>
    %div3A_34 = arith.divf %exp3A, %div3A_33 : vector<100x2xf32>
    %swap3A = arith.constant 0 : index
    %swap3A_35 = arith.constant 0 : index
    %swap3A_36 = vector.load %arg6[%swap3A, %swap3A_35] : memref<100x2xf32, #tpu.memory_space<vmem>>, vector<100x2xf32>
    tpu.vector_store %arg6[%swap3A, %swap3A_35], %div3A_34 {strides = array<i32>} : memref<100x2xf32, #tpu.memory_space<vmem>>, vector<100x2xf32>,
    return
  }
}

</mosaic_0001>

<sc_bundles>
// kernel: kernel.20.cloned.1.call-start
scs
__scs_entry_jumppad:
0x0: {  	(pc) =	sbr.rel $0x88, $3  }
0x1: {  	(tag) =	ssettag $0x0;
	lr =	simm.s32 $0x1  }
0x2: {  	[smem:$0x3F7F] =	sst lr;
	_ =	strace $0xD0000000  }
0x3: {  	_ = 	snop  }
0x4: {  	_ = 	snop  }
0x5: {  	_ = 	snop  }
0x6: {  	_ = 	snop  }
0x7: {  	_ = 	snop  }
__scs_overlays_trampoline_lowered:
0x8: {  	[smem:$0x3F8E] =	sst s0  }
0x9: {  	[smem:$0x3F8F] =	sst s1  }
0xa: {  	[smem:$0x3F90] =	sst s2  }
0xb: {  	[smem:$0x3F91] =	sst s3  }
0xc: {  	[smem:$0x3F92] =	sst s4  }
0xd: {  	[smem:$0x3F93] =	sst s5  }
0xe: {  	[smem:$0x3F94] =	sst s6  }
0xf: {  	[smem:$0x3F95] =	sst s7  }
0x10: {  	[smem:$0x3F96] =	sst s8  }
0x11: {  	[smem:$0x3F97] =	sst s9;
	s0 =	simm.s32 @!p0 $0x0  }
0x12: {  	s1 =	sld [smem:$0x3F7D];
	s0 =	simm.s32 @p0 $0x1  }
0x13: {  	[smem:$0x3F98] =	sst s0;
	s0 =	simm.s32 @!p1 $0x0  }
0x14: {  	s2 =	sld [smem:$0x3F7C];
	s0 =	simm.s32 @p1 $0x1  }
0x15: {  	[smem:$0x3F99] =	sst s0;
	s0 =	simm.s32 @!p2 $0x0  }
0x16: {  	s3 =	sld [smem:$0x3FDB];
	s0 =	simm.s32 @p2 $0x1  }
0x17: {  	s4 =	simm.s32 $0x1BF5;
	[smem:$0x3F9B] =	sst s0  }
0x18: {  	s0 =	sld [smem:$0x3F7E];
	_ =	swait.ge [sflag:s4], $0x0  }
0x19: {  	s7 =	sld [smem:$0x3F7F]  }
0x1a: {  	s8 =	sadd.s32 $0xFFFFE003, lr  }
0x1b: {  	s9 =	sadd.s32 $0xFFFFFEF7, lr;
	s5 =	simm.s32 $0xFFFFFFFF;
	p2 =	slt.u32 s8, $0xFFFFF086  }
0x1c: {  	p1 =	slt.u32 s9, $0xF7A;
	s5 =	simm.s32 @!p2 $0x0  }
0x1d: {  	s5 =	simm.s32 @p1 $0x1;
	p0 =	seq.s32 s7, s2  }
0x1e: {  	s7 =	smul.u32 @!p0 $0xF7A, s2;
	p2 =	seq.s32 @!p0 s5, $0x0  }
0x1f: {  	s9 =	smul.u32 $0xF7A, s1;
	s8 =	simm.s32 @!p0 $0x1BF5;
	p2 =	por !p2, p0  }
0x20: {  	[sflag:s8] =	ssyncset.s32 @!p0 $0xFFFFF086;
	s6 =	sadd.s32 @!p0 s3, s7;
	s7 =	simm.s32 @!p0 $0x108  }
0x21: {  	s3 =	sadd.s32 s3, s9;
	s6 =	sadd.s32 @!p0 $0x88, s6;
	s7 =	simm.s32 @p2 $0x1082  }
0x22: {  	[simem:s7], [sflag:s8] =	dma.local @!p0 [hbm:s6], $0xF7A  }
0x23: {  	s9 =	sor.u32 $0xD0000000, s2;
	s6 =	simm.s32 $0x108;
	_ =	swait.ge @!p0 [sflag:s8], $0x0  }
0x24: {  	s3 =	sadd.s32 $0x88, s3;
	s6 =	simm.s32 @!p1 $0x1082;
	[sflag:s4] =	ssyncset.s32 $0xFFFFF086  }
0x25: {  	[simem:s6], [sflag:s4] =	dma.local [hbm:s3], $0xF7A  }
0x26: {  	[smem:$0x3F7F] =	sst s1;
	(tag) =	ssettag s2;
	_ =	strace s9  }
0x27: {  	s1 =	sld [smem:$0x3F8F]  }
0x28: {  	s2 =	sld [smem:$0x3F90]  }
0x29: {  	s4 =	sld [smem:$0x3F92]  }
0x2a: {  	p0 =	seq.s32 s5, $0x0;
	s5 =	sld [smem:$0x3F93]  }
0x2b: {  	s6 =	sld [smem:$0x3F94]  }
0x2c: {  	s7 =	sld [smem:$0x3F95]  }
0x2d: {  	s3 =	simm.s32 $0x108;
	s8 =	sld [smem:$0x3F96]  }
0x2e: {  	s3 =	simm.s32 @!p0 $0x1082;
	s9 =	sld [smem:$0x3F97]  }
0x2f: {  	lr =	sadd.s32 s0, s3;
	s0 =	sld [smem:$0x3F8E]  }
0x30: {  	s3 =	sld [smem:$0x3F91]  }
0x31: {  	[smem:$0x3F9A] =	sst s10  }
0x32: {  	s10 =	sld [smem:$0x3F98];
	_ =	sdelay $0x3  }
0x33: {  	p0 =	seq.s32 s10, $0x1;
	s10 =	sld [smem:$0x3F9A];
	_ =	sdelay $0x3  }
0x34: {  	[smem:$0x3F9A] =	sst s10  }
0x35: {  	s10 =	sld [smem:$0x3F99];
	_ =	sdelay $0x3  }
0x36: {  	p1 =	seq.s32 s10, $0x1;
	s10 =	sld [smem:$0x3F9A];
	_ =	sdelay $0x3  }
0x37: {  	[smem:$0x3F9A] =	sst s10  }
0x38: {  	s10 =	sld [smem:$0x3F9B]  }
0x39: {  	_ = 	snop;
	(pc) =	sbr.ind lr, $3  }
0x3a: {  	_ = 	snop  }
0x3b: {  	_ = 	snop  }
0x3c: {  	p2 =	seq.s32 s10, $0x1;
	s10 =	sld [smem:$0x3F9A]  }
0x3d: {  	_ =	shalt  }
0x3e: {  	_ =	shalt  }
0x3f: {  	_ =	shalt  }
0x40: {  	_ =	shalt  }
0x41: {  	_ =	shalt  }
0x42: {  	_ =	shalt  }
0x43: {  	_ =	shalt  }
0x44: {  	_ =	shalt  }
0x45: {  	_ =	shalt  }
0x46: {  	_ =	shalt  }
0x47: {  	_ =	shalt  }
0x48: {  	_ =	shalt  }
0x49: {  	_ =	shalt  }
0x4a: {  	_ =	shalt  }
0x4b: {  	_ =	shalt  }
0x4c: {  	_ =	shalt  }
0x4d: {  	_ =	shalt  }
0x4e: {  	_ =	shalt  }
0x4f: {  	_ =	shalt  }
0x50: {  	_ =	shalt  }
0x51: {  	_ =	shalt  }
0x52: {  	_ =	shalt  }
0x53: {  	_ =	shalt  }
0x54: {  	_ =	shalt  }
0x55: {  	_ =	shalt  }
0x56: {  	_ =	shalt  }
0x57: {  	_ =	shalt  }
0x58: {  	_ =	shalt  }
0x59: {  	_ =	shalt  }
0x5a: {  	_ =	shalt  }
0x5b: {  	_ =	shalt  }
0x5c: {  	_ =	shalt  }
0x5d: {  	_ =	shalt  }
0x5e: {  	_ =	shalt  }
0x5f: {  	_ =	shalt  }
0x60: {  	_ =	shalt  }
0x61: {  	_ =	shalt  }
0x62: {  	_ =	shalt  }
0x63: {  	_ =	shalt  }
0x64: {  	_ =	shalt  }
0x65: {  	_ =	shalt  }
0x66: {  	_ =	shalt  }
0x67: {  	_ =	shalt  }
0x68: {  	_ =	shalt  }
0x69: {  	_ =	shalt  }
0x6a: {  	_ =	shalt  }
0x6b: {  	_ =	shalt  }
0x6c: {  	_ =	shalt  }
0x6d: {  	_ =	shalt  }
0x6e: {  	_ =	shalt  }
0x6f: {  	_ =	shalt  }
0x70: {  	_ =	shalt  }
0x71: {  	_ =	shalt  }
0x72: {  	_ =	shalt  }
0x73: {  	_ =	shalt  }
0x74: {  	_ =	shalt  }
0x75: {  	_ =	shalt  }
0x76: {  	_ =	shalt  }
0x77: {  	_ =	shalt  }
0x78: {  	_ =	shalt  }
0x79: {  	_ =	shalt  }
0x7a: {  	_ =	shalt  }
0x7b: {  	_ =	shalt  }
0x7c: {  	_ =	shalt  }
0x7d: {  	_ =	shalt  }
0x7e: {  	_ =	shalt  }
0x7f: {  	_ =	shalt  }
0x80: {  	_ =	shalt  }
0x81: {  	_ =	shalt  }
0x82: {  	_ =	shalt  }
0x83: {  	_ =	shalt  }
0x84: {  	_ =	shalt  }
0x85: {  	_ =	shalt  }
0x86: {  	_ =	shalt  }
0x87: {  	_ =	shalt  }
.Lfunc_end0:
.L_simem_size_0:
called_computation_lowered:
.L_overlay_start_0:
0x88: {  	s2 =	sld [smem:$0x3FD9]  }
0x89: {  	s3 =	sld [smem:$0x3FFE];
	_ =	sdelay $0x1  }
0x8a: {  	s1 =	srdreg.scid  }
0x8b: {  	s0 =	sand.u32 $0x1, s1  }
0x8c: {  	s17 =	sshll.u32 s0, $0xA;
	s2 =	sadd.s32 s3, s2  }
0x8d: {  	s2 =	sadd.s32 s2, s17  }
0x8e: {  	[smem:$0x3FA6] =	sst s2  }
0x8f: {  	_ = 	snop  }
0x90: {  	(tm) =	ssettm $0x1  }
0x91: {  	s18 =	sld [smem:$0x3FFB];
	_ =	sdelay $0x3  }
0x92: {  	_ =	strace s18  }
0x93: {  	s2 =	sld [smem:$0x3FFC];
	_ =	sdelay $0x3  }
0x94: {  	_ =	strace s2  }
0x95: {  	s2 =	sld [smem:$0x3FFD];
	_ =	sdelay $0x3  }
0x96: {  	_ =	strace s2  }
0x97: {  	_ =	strace $0x8FFFFFFF  }
0x98: {  	s19 =	sld [smem:$0x3FDB];
	_ =	sdelay $0x1  }
0x99: {  	s20 =	simm.s32 $_scs_section_size  }
0x9a: {  	s4 =	simm.s32 $_size__tile_overlayer_lowered;
	s5 =	simm.s32 $_tile_overlayer_lowered  }
0x9b: {  	s6 =	simm.s32 $0x1BFF;
	s21 =	sshll.u32 s5, $0x1;
	s3 =	sadd.s32 s20, s19  }
0x9c: {  	s22 =	simm.s32 $0x0;
	s4 =	sshll.u32 s4, $0x1;
	s5 =	sadd.s32 s21, s3  }
0x9d: {  	[timem:s22], [sflag:s6] =	dma.local [hbm:s5], s4  }
0x9e: {  	_ =	swait.ge [sflag:s6], s4  }
0x9f: {  	s4 =	ssub.s32 $0x0, s4;
	[sflag:s6] =	ssyncset.done $0x0  }
0xa0: {  	[sflag:s6] =	ssyncadd.s32 s4;
	_ =	sdelay $0x1  }
0xa1: {  	s23 =	simm.s32 $0x1B8B  }
0xa2: {  	_ =	swait.ge [sflag:s23], $0x1  }
0xa3: {  	[sflag:s23] =	ssyncset.done $0x0  }
0xa4: {  	[sflag:s23] =	ssyncadd.s32 $0xFFFFFFFF  }
0xa5: {  	s4 =	sld [smem:$0x0]  }
0xa6: {  	s5 =	sand.u32 $0xFFFFFFFE, s1  }
0xa7: {  	p0 =	sne.s32 s1, s5  }
0xa8: {  	s5 =	sshll.u32 @p0 s5, $0xE  }
0xa9: {  	s5 =	sadd.s32 @p0 $0x11B8D, s5;
	s6 =	sshll.u32 @p0 s4, $0x11  }
0xaa: {  	s5 =	sor.u32 @p0 s6, s5  }
0xab: {  	[sflag:s5] =	ssyncadd.remote.s32 @p0 $0x1;
	_ =	sdelay $0x1  }
0xac: {  	s5 =	simm.s32 @p0 $0x1B8D  }
0xad: {  	_ =	swait.eq @p0 [sflag:s5], $0x1  }
0xae: {  	[sflag:s5] =	ssyncadd.s32 @p0 $0xFFFFFFFF  }
0xaf: {  	s6 =	sshll.u32 @!p0 s1, $0xE  }
0xb0: {  	s6 =	sor.u32 @!p0 $0x4000, s6;
	s5 =	simm.s32 @!p0 $0x1B8D  }
0xb1: {  	s4 =	sshll.u32 @!p0 s4, $0x11;
	s6 =	sadd.s32 @!p0 $0x11B8D, s6;
	_ =	swait.eq @!p0 [sflag:s5], $0x1  }
0xb2: {  	s4 =	sor.u32 @!p0 s4, s6;
	[sflag:s5] =	ssyncadd.s32 @!p0 $0xFFFFFFFF  }
0xb3: {  	s25 =	simm.s32 $0x1B8E;
	s24 =	sld [smem:$0x3FFE];
	[sflag:s4] =	ssyncadd.remote.s32 @!p0 $0x1  }
0xb4: {  	s26 =	simm.s32 $execute0_lowered;
	[smem:$0x3FD2] =	sst s25  }
0xb5: {  	s5 =	sshll.u32 s26, $0x1;
	_ =	strace $0x80000049;
	[dreg:$0x1] =	wrdreg $0xFFFFFFFF  }
0xb6: {  	s28 =	simm.s32 $_size_execute0_lowered;
	s3 =	sadd.s32 s3, s5;
	[dreg:$0x0] =	wrdreg $0x0  }
0xb7: {  	s5 =	sshll.u32 s28, $0x1;
	[dreg:$0x2] =	wrdreg s3  }
0xb8: {  	[dreg:$0x3] =	wrdreg s5  }
0xb9: {  	[dreg:$0x4] =	wrdreg $0xC0  }
0xba: {  	_ =	task [dreg:s22], $0x5FFFF  }
0xbb: {  	[dreg:$0x1] =	wrdreg $0xFFFFFFFF  }
0xbc: {  	[dreg:$0x0] =	wrdreg $0x60  }
0xbd: {  	[dreg:$0x2] =	wrdreg s24  }
0xbe: {  	[dreg:$0x3] =	wrdreg $0x9  }
0xbf: {  	_ =	task.clear_ibuf [dreg:s22], $0x4FFFF;
	_ =	strace $0x90000049  }
0xc0: {  	s29 =	simm.s32 $0x9;
	_ =	strace $0x8000004B  }
0xc1: {  	_ =	swait.ge [sflag:s29], $0x1  }
0xc2: {  	[sflag:s29] =	ssyncadd.s32 $0xFFFFFFFF  }
0xc3: {  	_ =	strace $0x9000004B  }
0xc4: {  	_ =	sfence  }
0xc5: {  	s30 =	sld [smem:$0x0];
	_ =	sdelay $0x2  }
0xc6: {  	s31 =	sshll.u32 s1, $0xD;
	s1 =	sshrl.u32 s1, $0x2  }
0xc7: {  	s4 =	sand.u32 $0x4000, s31;
	s1 =	sadd.s32 s1, s30  }
0xc8: {  	s0 =	sor.u32 s4, s0;
	s1 =	sshll.u32 s1, $0x11  }
0xc9: {  	s0 =	sor.u32 s1, s0  }
0xca: {  	s0 =	sadd.s32 $0x8F2B, s0  }
0xcb: {  	[sflag:s0] =	ssyncadd.remote.s32 $0x1  }
0xcc: {  	_ =	sfence.sel $0xFFFF  }
0xcd: {  	[dreg:$0x0] =	wrdreg $0xFFFFFFFF;
	(pc) =	sbr.abs _section_cstart, $3  }
0xce: {  	[dreg:$0x1] =	wrdreg $0xFFFFFFFF  }
0xcf: {  	_ =	task.clear_ibuf [dreg:s22], $0x2FFFF;
	_ =	strace $0x9FFFFFFF  }
0xd0: {  	(tm) =	ssettm $0x7FFFFFFF  }
0xd1: {  	_ =	shalt  }
tec
execute0_lowered:
.L_overlay_start_1:
0x0: {  	(tag) =	ssettag $0x1  }
0x1: {  	s5 =	rddreg [dreg:$0x0]  }
0x2: {  	s0 =	rddreg [dreg:$0x1]  }
0x3: {  	s2 =	simm.s32 $0x0;
	s4 =	srdreg.scid;
	s1 =	stileid.u32  }
0x4: {  	s11 =	simm.s32 $0x0;
	[smem:$0x7FF] =	sst s2;
	s3 =	sadd.s32 $0x12C00, s5  }
0x5: {  	s6 =	sand.u32 $0x1, s4;
	s7 =	sshll.u32 s1, $0x1;
	s4 =	sadd.s32 $0xA07C00, s5  }
.Ltmp0:
0x6: {  	s7 =	sor.u32 s6, s7;
	s6 =	ssub.s32 $0x2, s6;
	(pc) =	sbr.rel .LBB2_1-.Ltmp0, $4  }
0x7: {  	_ =	strace $0x8000004A;
	s8 =	sshll.u32 s7, $0x1;
	s9 =	sshrl.u32 s6, $0x1  }
0x8: {  	s10 =	smul.u32 $0x140, s7;
	s8 =	sadd.s32 s8, s5;
	s9 =	ssub.s32 s6, s9  }
0x9: {  	v0 =	vlaneseq.u32;
	s5 =	smul.u32 $0x4EA00, s7;
	s6 =	sadd.s32 $0xB42400, s8;
	s7 =	smax.u32 s9, $0x1  }
0xa: {  	v2 =	vmul.u32 $0x200, v0;
	v3 =	vor.u32 $0x80000000, v0;
	s8 =	simm.s32 $0x1;
	v1 =	vmov s10;
	s9 =	simm.s32 $0x800;
	s10 =	simm.s32 $0x1880  }
.LBB2_9:
0xb: {  	s12 =	sshll.u32 s13, $0xB  }
0xc: {  	s12 =	sadd.s32 s5, s12  }
0xd: {  	s12 =	sshrl.u32 s12, $0x3  }
0xe: {  	s12 =	sadd.s32 s4, s12  }
0xf: {  	[hbm4b:s12+s2] =	stream.linear.scatter [tilespmem:s9], [sflag:$0x1], $0x800, $0x38;
	[tilespmem:$0x1900] =	vst v63  }
0x10: {  	_ =	swait.ge [sflag:s8], $0x800  }
0x11: {  	s11 =	sadd.s32 $0x1, s11;
	[sflag:s8] =	ssyncset.done $0x0  }
0x12: {  	p0 =	sne.s32 s11, s7;
	[sflag:s8] =	ssyncadd.s32 $0xFFFFF800  }
.Ltmp1:
0x13: {  	[tilespmem:$0x1880] =	vst v4;
	(pc) =	sbr.rel @!p0 .LBB2_10-.Ltmp1, $4  }
0x14: {  	[hbm4b:s6+s2] =	stream.linear.scatter [tilespmem:s10], [sflag:$0x1], $0x10, $0x38;
	[tilespmem:$0x1900] =	vst v63  }
0x15: {  	_ =	swait.ge [sflag:s8], $0x10  }
0x16: {  	[sflag:s8] =	ssyncset.done $0x0  }
0x17: {  	[sflag:s8] =	ssyncadd.s32 $0xFFFFFFF0  }
.LBB2_1:
.Ltmp2:
0x18: {  	(pc) =	sbr.rel .LBB2_2-.Ltmp2, $3  }
0x19: {  	_ =	sdelay $0x1  }
0x1a: {  	s12 =	simm.s32 $0x0  }
0x1b: {  	v4 =	vimm.s32 $0x0;
	s13 =	simm.s32 $0x0;
	s16 =	simm.s32 $0x0;
	s14 =	simm.s32 $0x0  }
.LBB2_8:
0x1c: {  	s14 =	sadd.s32 $0x1, s14  }
0x1d: {  	p0 =	sne.s32 s14, $0x9C  }
.Ltmp3:
0x1e: {  	_ = 	snop;
	(pc) =	sbr.rel @!p0 .LBB2_9-.Ltmp3, $2  }
0x1f: {  	_ =	sdelay $0x2  }
0x20: {  	s12 =	sadd.s32 $0x800, s12  }
.LBB2_2:
0x21: {  	s15 =	sshll.u32 s14, $0x8  }
0x22: {  	s17 =	simm.s32 $0x0;
	s15 =	sadd.s32 s3, s15  }
0x23: {  	[tilespmem:s17], [sflag:$0x1] =	stream.linear.gather [hbm4b:s15+s17], $0x800, $0x38;
	[tilespmem:$0x1900] =	vst v63  }
0x24: {  	_ =	swait.ge [sflag:s8], $0x800  }
0x25: {  	[sflag:s8] =	ssyncset.done $0x0  }
0x26: {  	s15 =	simm.s32 $0x20;
	[sflag:s8] =	ssyncadd.s32 $0xFFFFF800  }
0x27: {  	v5 =	vld [tilespmem:s15+$0xFFFFFFE0];
	_ =	sdelay $0x3  }
0x28: {  	s28 =	sadd.s32 $0x0, s12  }
0x29: {  	v6 =	vmov s28;
	v5 =	vsub.s32 v5, v1  }
0x2a: {  	v6 =	vshll.u32 v6, $0x9;
	vm0 =	vlt.u32 v5, $0x140  }
0x2b: {  	v6 =	vor.u32 v2, v6;
	v5 =	vnsel vm0, $0x0, v5  }
0x2c: {  	v5 =	vor.u32 v6, v5  }
0x2d: {  	(xrf1) =	vsort.ascd.msk.u32 vm0, v3, v5;
	_ =	sdelay $0x8  }
0x2e: {  	v5 =	vmov s16  }
0x2f: {  	v6 =	vadd.s32 v0, v5;
	_ =	sdelay $0x3  }
0x30: {  	_, v7, _ =	vpop (xrf1)  }
0x31: {  	[tilespmem:v6+s9+$0x0] =	vst.idx.msk $0xffff, v7  }
0x32: {  	v6 =	vld [tilespmem:s15+$0xFFFFFFF0];
	_ =	sdelay $0x3  }
0x33: {  	s29 =	sadd.s32 $0x10, s28  }
0x34: {  	v7 =	vmov s29;
	v6 =	vsub.s32 v6, v1  }
0x35: {  	v7 =	vshll.u32 v7, $0x9;
	vm1 =	vlt.u32 v6, $0x140  }
0x36: {  	v7 =	vor.u32 v2, v7;
	v6 =	vnsel vm1, $0x0, v6  }
0x37: {  	v6 =	vor.u32 v7, v6  }
0x38: {  	(xrf1) =	vsort.ascd.msk.u32 vm1, v3, v6;
	_ =	sdelay $0x6  }
0x39: {  	v6 =	vmpcnt.ones.xlane vm0;
	_ =	sdelay $0x1  }
0x3a: {  	v5 =	vadd.s32 v5, v6  }
0x3b: {  	v7 =	vadd.s32 v0, v5;
	_ =	sdelay $0x3  }
0x3c: {  	_, v8, _ =	vpop (xrf1)  }
0x3d: {  	[tilespmem:v7+s9+$0x0] =	vst.idx.msk $0xffff, v8  }
0x3e: {  	v7 =	vld [tilespmem:s15+$0x0];
	_ =	sdelay $0x3  }
0x3f: {  	s30 =	sadd.s32 $0x20, s28  }
0x40: {  	v8 =	vmov s30;
	v7 =	vsub.s32 v7, v1  }
0x41: {  	v8 =	vshll.u32 v8, $0x9;
	vm14 =	vlt.u32 v7, $0x140  }
0x42: {  	v8 =	vor.u32 v2, v8;
	v7 =	vnsel vm14, $0x0, v7  }
0x43: {  	v7 =	vor.u32 v8, v7  }
0x44: {  	(xrf1) =	vsort.ascd.msk.u32 vm14, v3, v7;
	_ =	sdelay $0x6  }
0x45: {  	v7 =	vmpcnt.ones.xlane vm1;
	_ =	sdelay $0x1  }
0x46: {  	v5 =	vadd.s32 v5, v7  }
0x47: {  	v8 =	vadd.s32 v0, v5;
	_ =	sdelay $0x3  }
0x48: {  	_, v9, _ =	vpop (xrf1)  }
0x49: {  	[tilespmem:v8+s9+$0x0] =	vst.idx.msk $0xffff, v9  }
0x4a: {  	v8 =	vld [tilespmem:s15+$0x10];
	_ =	sdelay $0x3  }
0x4b: {  	s31 =	sadd.s32 $0x30, s28  }
0x4c: {  	v63 =	vmov s31;
	v8 =	vsub.s32 v8, v1  }
0x4d: {  	v9 =	vshll.u32 v63, $0x9;
	vm15 =	vlt.u32 v8, $0x140  }
0x4e: {  	v9 =	vor.u32 v2, v9;
	v8 =	vnsel vm15, $0x0, v8  }
0x4f: {  	v8 =	vor.u32 v9, v8  }
0x50: {  	(xrf1) =	vsort.ascd.msk.u32 vm15, v3, v8;
	_ =	sdelay $0x7  }
0x51: {  	v4 =	vadd.s32 v4, v6;
	v8 =	vmpcnt.ones.xlane vm14  }
0x52: {  	v4 =	vadd.s32 v7, v4;
	v6 =	vmpcnt.ones.xlane vm15  }
0x53: {  	v7 =	vadd.s32 v5, v8;
	v4 =	vadd.s32 v8, v4  }
0x54: {  	v5 =	vadd.s32 v7, v6;
	v4 =	vadd.s32 v6, v4;
	v6 =	vadd.s32 v0, v7;
	_ =	sdelay $0x2  }
0x55: {  	s16 =	simm.s32 $0x40;
	_, v7, _ =	vpop (xrf1)  }
.LBB2_3:
0x56: {  	p0 =	sne.s32 s16, $0x7C0  }
0x57: {  	[tilespmem:v6+s9+$0x0] =	vst.idx.msk $0xffff, v7;
	s15 =	sadd.s32 $0x40, s15;
	s17 =	smov.u32 s16;
	s16 =	sadd.s32 $0x40, s16  }
0x58: {  	v6 =	vld [tilespmem:s15+$0xFFFFFFE0];
	_ =	sdelay $0x3  }
0x59: {  	s17 =	sadd.s32 s17, s12  }
0x5a: {  	v7 =	vmov s17;
	s18 =	sadd.s32 $0x10, s17;
	s19 =	sadd.s32 $0x20, s17;
	s17 =	sadd.s32 $0x30, s17;
	v6 =	vsub.s32 v6, v1  }
0x5b: {  	v7 =	vshll.u32 v7, $0x9;
	v8 =	vmov s18;
	vm0 =	vlt.u32 v6, $0x140  }
0x5c: {  	v7 =	vor.u32 v2, v7;
	v8 =	vshll.u32 v8, $0x9;
	v6 =	vnsel vm0, $0x0, v6  }
0x5d: {  	v9 =	vmov s19;
	v6 =	vor.u32 v7, v6;
	v7 =	vmpcnt.ones.xlane vm0  }
0x5e: {  	v10 =	vmov s17;
	v9 =	vshll.u32 v9, $0x9;
	(xrf1) =	vsort.ascd.msk.u32 vm0, v3, v6  }
0x5f: {  	v10 =	vshll.u32 v10, $0x9;
	v6 =	vadd.s32 v5, v7;
	_ =	sdelay $0x8  }
0x60: {  	v5 =	vadd.s32 v0, v5;
	_ =	sdelay $0x3  }
0x61: {  	_, v11, _ =	vpop (xrf1)  }
0x62: {  	[tilespmem:v5+s9+$0x0] =	vst.idx.msk $0xffff, v11  }
0x63: {  	v5 =	vld [tilespmem:s15+$0xFFFFFFF0];
	_ =	sdelay $0x4  }
0x64: {  	v5 =	vsub.s32 v5, v1  }
0x65: {  	vm0 =	vlt.u32 v5, $0x140  }
0x66: {  	v8 =	vor.u32 v2, v8;
	v5 =	vnsel vm0, $0x0, v5;
	v11 =	vmpcnt.ones.xlane vm0  }
0x67: {  	v5 =	vor.u32 v8, v5  }
0x68: {  	v8 =	vadd.s32 v6, v11;
	(xrf1) =	vsort.ascd.msk.u32 vm0, v3, v5;
	_ =	sdelay $0x9  }
0x69: {  	v5 =	vadd.s32 v0, v6;
	_ =	sdelay $0x3  }
0x6a: {  	_, v6, _ =	vpop (xrf1)  }
0x6b: {  	[tilespmem:v5+s9+$0x0] =	vst.idx.msk $0xffff, v6  }
0x6c: {  	v5 =	vld [tilespmem:s15+$0x0];
	_ =	sdelay $0x4  }
0x6d: {  	v5 =	vsub.s32 v5, v1  }
0x6e: {  	vm0 =	vlt.u32 v5, $0x140  }
0x6f: {  	v6 =	vor.u32 v2, v9;
	v5 =	vnsel vm0, $0x0, v5;
	v9 =	vmpcnt.ones.xlane vm0  }
0x70: {  	v5 =	vor.u32 v6, v5  }
0x71: {  	(xrf1) =	vsort.ascd.msk.u32 vm0, v3, v5;
	_ =	sdelay $0x9  }
0x72: {  	v5 =	vadd.s32 v0, v8;
	_ =	sdelay $0x3  }
0x73: {  	_, v6, _ =	vpop (xrf1)  }
0x74: {  	[tilespmem:v5+s9+$0x0] =	vst.idx.msk $0xffff, v6  }
0x75: {  	v5 =	vld [tilespmem:s15+$0x10];
	_ =	sdelay $0x4  }
0x76: {  	v5 =	vsub.s32 v5, v1  }
0x77: {  	v4 =	vadd.s32 v4, v7;
	v6 =	vor.u32 v2, v10;
	vm0 =	vlt.u32 v5, $0x140  }
0x78: {  	v4 =	vadd.s32 v11, v4;
	v5 =	vnsel vm0, $0x0, v5;
	v7 =	vmpcnt.ones.xlane vm0  }
0x79: {  	v8 =	vadd.s32 v8, v9;
	v4 =	vadd.s32 v9, v4;
	v6 =	vor.u32 v6, v5  }
0x7a: {  	v5 =	vadd.s32 v8, v7;
	v4 =	vadd.s32 v7, v4;
	(xrf1) =	vsort.ascd.msk.u32 vm0, v3, v6;
	_ =	sdelay $0x9  }
.Ltmp4:
0x7b: {  	v6 =	vadd.s32 v0, v8;
	(pc) =	sbr.rel @p0 .LBB2_3-.Ltmp4, $2  }
0x7c: {  	_ =	sdelay $0x2  }
0x7d: {  	_, v7, _ =	vpop (xrf1)  }
0x7e: {  	(v2sf) =	vpush v5, $0x0;
	_ =	sdelay $0xe  }
0x7f: {  	s16 =	spop (v2sf)  }
0x80: {  	p0 =	slt.s32 s16, $0x800  }
.Ltmp5:
0x81: {  	_ = 	snop;
	(pc) =	sbr.rel @p0 .LBB2_8-.Ltmp5, $2  }
0x82: {  	_ =	sdelay $0x2  }
0x83: {  	[tilespmem:v6+s9+$0x0] =	vst.idx.msk $0xffff, v7  }
0x84: {  	s15 =	sshll.u32 s13, $0xB  }
0x85: {  	s15 =	sadd.s32 s5, s15  }
0x86: {  	s15 =	sshrl.u32 s15, $0x3  }
0x87: {  	s18 =	simm.s32 $0x0;
	s17 =	sadd.s32 s4, s15;
	s15 =	simm.s32 $0x800  }
0x88: {  	[hbm4b:s17+s18] =	stream.linear.scatter [tilespmem:s15], [sflag:$0x1], $0x800, $0x38;
	[tilespmem:$0x1900] =	vst v63  }
0x89: {  	_ =	swait.ge [sflag:s8], $0x800  }
0x8a: {  	[sflag:s8] =	ssyncset.done $0x0  }
0x8b: {  	s18 =	sand.u32 $0x7F0, s18;
	[sflag:s8] =	ssyncadd.s32 $0xFFFFF800  }
0x8c: {  	v5 =	vld [tilespmem:s18+$0x1000];
	_ =	sdelay $0x3  }
0x8d: {  	s17 =	simm.s32 $0x10  }
.LBB2_6:
0x8e: {  	s18 =	sand.u32 $0x7F0, s17;
	p0 =	sne.s32 s17, $0x7F0;
	s17 =	sadd.s32 $0x10, s17;
	[tilespmem:s15+$0x0] =	vst v5  }
.Ltmp6:
0x8f: {  	v5 =	vld [tilespmem:s18+$0x1000];
	(pc) =	sbr.rel @p0 .LBB2_6-.Ltmp6, $2  }
0x90: {  	_ =	sdelay $0x2  }
0x91: {  	s15 =	sadd.s32 $0x10, s15  }
.Ltmp7:
0x92: {  	(pc) =	sbr.rel .LBB2_8-.Ltmp7, $2  }
0x93: {  	_ =	sdelay $0x2  }
0x94: {  	[tilespmem:s15+$0x0] =	vst v5;
	s16 =	sadd.s32 $0xFFFFF800, s16;
	s13 =	sadd.s32 $0x1, s13  }
.LBB2_10:
0x95: {  	_ =	sfence.sel $0x180000  }
0x96: {  	[bflag:$0x0] =	sbarrier.arrive $0xFFFF  }
0x97: {  	p0 =	sne.s32 s1, $0x0;
	_ =	strace $0x9000004A  }
0x98: {  	s0 =	sadd.s32 @!p0 $0x100000, s0;
	[bflag:$0x2] =	sbarrier.arrive $0xFFFF  }
0x99: {  	[sflag:s0] =	ssyncadd.tile.s32 @!p0 $0x1;
	_ =	shalt  }
.Lfunc_end2:
_tile_overlayer_lowered:
.L_overlay_start_2:
0x9a: {  	(tag) =	ssettag $0x2  }
0x9b: {  	s0 =	rddreg [dreg:$0x0];
	s2 =	stileid.u32  }
0x9c: {  	s1 =	rddreg [dreg:$0x1];
	p0 =	sne.s32 s2, $0x0  }
0x9d: {  	s3 =	rddreg [dreg:$0x2];
	[bflag:$0x3] =	sbarrier.arrive $0xFFFF;
	s2 =	simm.s32 @!p0 $0x1C01  }
0x9e: {  	[timem:s3], [sflag:s2] =	dma.local @!p0 [hbm:s0], s1  }
0x9f: {  	s0 =	simm.s32 @!p0 $0x1  }
0xa0: {  	_ =	swait.ge @!p0 [sflag:s0], s1  }
0xa1: {  	s1 =	ssub.s32 @!p0 $0x0, s1;
	[sflag:s0] =	ssyncset.done @!p0 $0x0  }
0xa2: {  	[sflag:s0] =	ssyncadd.s32 @!p0 s1  }
0xa3: {  	[bflag:$0x3] =	sbarrier.arrive $0xFFFF  }
0xa4: {  	_ =	shalt  }

// kernel: kernel.23.cloned.1.call-start
scs
__scs_entry_jumppad:
0x0: {  	(pc) =	sbr.rel $0x88, $3  }
0x1: {  	(tag) =	ssettag $0x0;
	lr =	simm.s32 $0x1  }
0x2: {  	[smem:$0x3F7F] =	sst lr;
	_ =	strace $0xD0000000  }
0x3: {  	_ = 	snop  }
0x4: {  	_ = 	snop  }
0x5: {  	_ = 	snop  }
0x6: {  	_ = 	snop  }
0x7: {  	_ = 	snop  }
__scs_overlays_trampoline_lowered:
0x8: {  	[smem:$0x3F8E] =	sst s0  }
0x9: {  	[smem:$0x3F8F] =	sst s1  }
0xa: {  	[smem:$0x3F90] =	sst s2  }
0xb: {  	[smem:$0x3F91] =	sst s3  }
0xc: {  	[smem:$0x3F92] =	sst s4  }
0xd: {  	[smem:$0x3F93] =	sst s5  }
0xe: {  	[smem:$0x3F94] =	sst s6  }
0xf: {  	[smem:$0x3F95] =	sst s7  }
0x10: {  	[smem:$0x3F96] =	sst s8  }
0x11: {  	[smem:$0x3F97] =	sst s9;
	s0 =	simm.s32 @!p0 $0x0  }
0x12: {  	s1 =	sld [smem:$0x3F7D];
	s0 =	simm.s32 @p0 $0x1  }
0x13: {  	[smem:$0x3F98] =	sst s0;
	s0 =	simm.s32 @!p1 $0x0  }
0x14: {  	s2 =	sld [smem:$0x3F7C];
	s0 =	simm.s32 @p1 $0x1  }
0x15: {  	[smem:$0x3F99] =	sst s0;
	s0 =	simm.s32 @!p2 $0x0  }
0x16: {  	s3 =	sld [smem:$0x3FDB];
	s0 =	simm.s32 @p2 $0x1  }
0x17: {  	s4 =	simm.s32 $0x1BF5;
	[smem:$0x3F9B] =	sst s0  }
0x18: {  	s0 =	sld [smem:$0x3F7E];
	_ =	swait.ge [sflag:s4], $0x0  }
0x19: {  	s7 =	sld [smem:$0x3F7F]  }
0x1a: {  	s8 =	sadd.s32 $0xFFFFE003, lr  }
0x1b: {  	s9 =	sadd.s32 $0xFFFFFEF7, lr;
	s5 =	simm.s32 $0xFFFFFFFF;
	p2 =	slt.u32 s8, $0xFFFFF086  }
0x1c: {  	p1 =	slt.u32 s9, $0xF7A;
	s5 =	simm.s32 @!p2 $0x0  }
0x1d: {  	s5 =	simm.s32 @p1 $0x1;
	p0 =	seq.s32 s7, s2  }
0x1e: {  	s7 =	smul.u32 @!p0 $0xF7A, s2;
	p2 =	seq.s32 @!p0 s5, $0x0  }
0x1f: {  	s9 =	smul.u32 $0xF7A, s1;
	s8 =	simm.s32 @!p0 $0x1BF5;
	p2 =	por !p2, p0  }
0x20: {  	[sflag:s8] =	ssyncset.s32 @!p0 $0xFFFFF086;
	s6 =	sadd.s32 @!p0 s3, s7;
	s7 =	simm.s32 @!p0 $0x108  }
0x21: {  	s3 =	sadd.s32 s3, s9;
	s6 =	sadd.s32 @!p0 $0x88, s6;
	s7 =	simm.s32 @p2 $0x1082  }
0x22: {  	[simem:s7], [sflag:s8] =	dma.local @!p0 [hbm:s6], $0xF7A  }
0x23: {  	s9 =	sor.u32 $0xD0000000, s2;
	s6 =	simm.s32 $0x108;
	_ =	swait.ge @!p0 [sflag:s8], $0x0  }
0x24: {  	s3 =	sadd.s32 $0x88, s3;
	s6 =	simm.s32 @!p1 $0x1082;
	[sflag:s4] =	ssyncset.s32 $0xFFFFF086  }
0x25: {  	[simem:s6], [sflag:s4] =	dma.local [hbm:s3], $0xF7A  }
0x26: {  	[smem:$0x3F7F] =	sst s1;
	(tag) =	ssettag s2;
	_ =	strace s9  }
0x27: {  	s1 =	sld [smem:$0x3F8F]  }
0x28: {  	s2 =	sld [smem:$0x3F90]  }
0x29: {  	s4 =	sld [smem:$0x3F92]  }
0x2a: {  	p0 =	seq.s32 s5, $0x0;
	s5 =	sld [smem:$0x3F93]  }
0x2b: {  	s6 =	sld [smem:$0x3F94]  }
0x2c: {  	s7 =	sld [smem:$0x3F95]  }
0x2d: {  	s3 =	simm.s32 $0x108;
	s8 =	sld [smem:$0x3F96]  }
0x2e: {  	s3 =	simm.s32 @!p0 $0x1082;
	s9 =	sld [smem:$0x3F97]  }
0x2f: {  	lr =	sadd.s32 s0, s3;
	s0 =	sld [smem:$0x3F8E]  }
0x30: {  	s3 =	sld [smem:$0x3F91]  }
0x31: {  	[smem:$0x3F9A] =	sst s10  }
0x32: {  	s10 =	sld [smem:$0x3F98];
	_ =	sdelay $0x3  }
0x33: {  	p0 =	seq.s32 s10, $0x1;
	s10 =	sld [smem:$0x3F9A];
	_ =	sdelay $0x3  }
0x34: {  	[smem:$0x3F9A] =	sst s10  }
0x35: {  	s10 =	sld [smem:$0x3F99];
	_ =	sdelay $0x3  }
0x36: {  	p1 =	seq.s32 s10, $0x1;
	s10 =	sld [smem:$0x3F9A];
	_ =	sdelay $0x3  }
0x37: {  	[smem:$0x3F9A] =	sst s10  }
0x38: {  	s10 =	sld [smem:$0x3F9B]  }
0x39: {  	_ = 	snop;
	(pc) =	sbr.ind lr, $3  }
0x3a: {  	_ = 	snop  }
0x3b: {  	_ = 	snop  }
0x3c: {  	p2 =	seq.s32 s10, $0x1;
	s10 =	sld [smem:$0x3F9A]  }
0x3d: {  	_ =	shalt  }
0x3e: {  	_ =	shalt  }
0x3f: {  	_ =	shalt  }
0x40: {  	_ =	shalt  }
0x41: {  	_ =	shalt  }
0x42: {  	_ =	shalt  }
0x43: {  	_ =	shalt  }
0x44: {  	_ =	shalt  }
0x45: {  	_ =	shalt  }
0x46: {  	_ =	shalt  }
0x47: {  	_ =	shalt  }
0x48: {  	_ =	shalt  }
0x49: {  	_ =	shalt  }
0x4a: {  	_ =	shalt  }
0x4b: {  	_ =	shalt  }
0x4c: {  	_ =	shalt  }
0x4d: {  	_ =	shalt  }
0x4e: {  	_ =	shalt  }
0x4f: {  	_ =	shalt  }
0x50: {  	_ =	shalt  }
0x51: {  	_ =	shalt  }
0x52: {  	_ =	shalt  }
0x53: {  	_ =	shalt  }
0x54: {  	_ =	shalt  }
0x55: {  	_ =	shalt  }
0x56: {  	_ =	shalt  }
0x57: {  	_ =	shalt  }
0x58: {  	_ =	shalt  }
0x59: {  	_ =	shalt  }
0x5a: {  	_ =	shalt  }
0x5b: {  	_ =	shalt  }
0x5c: {  	_ =	shalt  }
0x5d: {  	_ =	shalt  }
0x5e: {  	_ =	shalt  }
0x5f: {  	_ =	shalt  }
0x60: {  	_ =	shalt  }
0x61: {  	_ =	shalt  }
0x62: {  	_ =	shalt  }
0x63: {  	_ =	shalt  }
0x64: {  	_ =	shalt  }
0x65: {  	_ =	shalt  }
0x66: {  	_ =	shalt  }
0x67: {  	_ =	shalt  }
0x68: {  	_ =	shalt  }
0x69: {  	_ =	shalt  }
0x6a: {  	_ =	shalt  }
0x6b: {  	_ =	shalt  }
0x6c: {  	_ =	shalt  }
0x6d: {  	_ =	shalt  }
0x6e: {  	_ =	shalt  }
0x6f: {  	_ =	shalt  }
0x70: {  	_ =	shalt  }
0x71: {  	_ =	shalt  }
0x72: {  	_ =	shalt  }
0x73: {  	_ =	shalt  }
0x74: {  	_ =	shalt  }
0x75: {  	_ =	shalt  }
0x76: {  	_ =	shalt  }
0x77: {  	_ =	shalt  }
0x78: {  	_ =	shalt  }
0x79: {  	_ =	shalt  }
0x7a: {  	_ =	shalt  }
0x7b: {  	_ =	shalt  }
0x7c: {  	_ =	shalt  }
0x7d: {  	_ =	shalt  }
0x7e: {  	_ =	shalt  }
0x7f: {  	_ =	shalt  }
0x80: {  	_ =	shalt  }
0x81: {  	_ =	shalt  }
0x82: {  	_ =	shalt  }
0x83: {  	_ =	shalt  }
0x84: {  	_ =	shalt  }
0x85: {  	_ =	shalt  }
0x86: {  	_ =	shalt  }
0x87: {  	_ =	shalt  }
.Lfunc_end0:
.L_simem_size_0:
called_computation.1_lowered:
.L_overlay_start_0:
0x88: {  	s2 =	sld [smem:$0x3FD9]  }
0x89: {  	s3 =	sld [smem:$0x3FFE];
	_ =	sdelay $0x1  }
0x8a: {  	s1 =	srdreg.scid  }
0x8b: {  	s0 =	sand.u32 $0x1, s1  }
0x8c: {  	s16 =	sshll.u32 s0, $0xA;
	s2 =	sadd.s32 s3, s2  }
0x8d: {  	s2 =	sadd.s32 s2, s16  }
0x8e: {  	[smem:$0x3FA6] =	sst s2  }
0x8f: {  	_ = 	snop  }
0x90: {  	(tm) =	ssettm $0x1  }
0x91: {  	s17 =	sld [smem:$0x3FFB];
	_ =	sdelay $0x3  }
0x92: {  	_ =	strace s17  }
0x93: {  	s2 =	sld [smem:$0x3FFC];
	_ =	sdelay $0x3  }
0x94: {  	_ =	strace s2  }
0x95: {  	s2 =	sld [smem:$0x3FFD];
	_ =	sdelay $0x3  }
0x96: {  	_ =	strace s2  }
0x97: {  	_ =	strace $0x8FFFFFFF  }
0x98: {  	s18 =	sld [smem:$0x3FDB];
	_ =	sdelay $0x1  }
0x99: {  	s19 =	simm.s32 $_scs_section_size  }
0x9a: {  	s4 =	simm.s32 $_size__tile_overlayer_lowered;
	s5 =	simm.s32 $_tile_overlayer_lowered  }
0x9b: {  	s22 =	simm.s32 $0x1BFF;
	s21 =	sshll.u32 s5, $0x1;
	s2 =	sadd.s32 s19, s18  }
0x9c: {  	s6 =	simm.s32 $0x0;
	s20 =	sshll.u32 s4, $0x1;
	s4 =	sadd.s32 s21, s2  }
0x9d: {  	[timem:s6], [sflag:s22] =	dma.local [hbm:s4], s20  }
0x9e: {  	_ =	swait.ge [sflag:s22], s20  }
0x9f: {  	s3 =	ssub.s32 $0x0, s20;
	[sflag:s22] =	ssyncset.done $0x0  }
0xa0: {  	[sflag:s22] =	ssyncadd.s32 s3;
	_ =	sdelay $0x1  }
0xa1: {  	s23 =	simm.s32 $0x1B8B  }
0xa2: {  	_ =	swait.ge [sflag:s23], $0x1  }
0xa3: {  	[sflag:s23] =	ssyncset.done $0x0  }
0xa4: {  	s25 =	simm.s32 $0x1B8E;
	s24 =	sld [smem:$0x3FFE];
	[sflag:s23] =	ssyncadd.s32 $0xFFFFFFFF  }
0xa5: {  	s26 =	simm.s32 $execute0_lowered;
	[smem:$0x3FD2] =	sst s25  }
0xa6: {  	s4 =	sshll.u32 s26, $0x1;
	_ =	strace $0x80000046;
	[dreg:$0x1] =	wrdreg $0xFFFFFFFF  }
0xa7: {  	s28 =	simm.s32 $_size_execute0_lowered;
	s2 =	sadd.s32 s2, s4;
	[dreg:$0x0] =	wrdreg $0x0  }
0xa8: {  	s4 =	sshll.u32 s28, $0x1;
	[dreg:$0x2] =	wrdreg s2  }
0xa9: {  	[dreg:$0x3] =	wrdreg s4  }
0xaa: {  	[dreg:$0x4] =	wrdreg $0xC0  }
0xab: {  	_ =	task [dreg:s6], $0x5FFFF  }
0xac: {  	[dreg:$0x1] =	wrdreg $0xFFFFFFFF  }
0xad: {  	[dreg:$0x0] =	wrdreg $0x60  }
0xae: {  	[dreg:$0x2] =	wrdreg s24  }
0xaf: {  	[dreg:$0x3] =	wrdreg $0xA  }
0xb0: {  	_ =	task.clear_ibuf [dreg:s6], $0x4FFFF;
	_ =	strace $0x90000046  }
0xb1: {  	s29 =	simm.s32 $0xA;
	_ =	strace $0x80000048  }
0xb2: {  	_ =	swait.ge [sflag:s29], $0x1  }
0xb3: {  	[sflag:s29] =	ssyncadd.s32 $0xFFFFFFFF  }
0xb4: {  	_ =	strace $0x90000048  }
0xb5: {  	_ =	sfence  }
0xb6: {  	s30 =	sld [smem:$0x0];
	_ =	sdelay $0x2  }
0xb7: {  	s31 =	sshll.u32 s1, $0xD;
	s1 =	sshrl.u32 s1, $0x2  }
0xb8: {  	s3 =	sand.u32 $0x4000, s31;
	s1 =	sadd.s32 s1, s30  }
0xb9: {  	s0 =	sor.u32 s3, s0;
	s1 =	sshll.u32 s1, $0x11  }
0xba: {  	s0 =	sor.u32 s1, s0  }
0xbb: {  	s0 =	sadd.s32 $0x8F2B, s0  }
0xbc: {  	[sflag:s0] =	ssyncadd.remote.s32 $0x1  }
0xbd: {  	_ =	sfence.sel $0xFFFF  }
0xbe: {  	[dreg:$0x0] =	wrdreg $0xFFFFFFFF;
	(pc) =	sbr.abs _section_cstart, $3  }
0xbf: {  	[dreg:$0x1] =	wrdreg $0xFFFFFFFF  }
0xc0: {  	_ =	task.clear_ibuf [dreg:s6], $0x2FFFF;
	_ =	strace $0x9FFFFFFF  }
0xc1: {  	(tm) =	ssettm $0x7FFFFFFF  }
tec
execute0_lowered:
.L_overlay_start_1:
0x0: {  	(tag) =	ssettag $0x1  }
0x1: {  	s4 =	rddreg [dreg:$0x0]  }
0x2: {  	s0 =	rddreg [dreg:$0x1]  }
0x3: {  	s3 =	srdreg.scid;
	s1 =	stileid.u32;
	s2 =	simm.s32 $0x0  }
0x4: {  	s11 =	simm.s32 $0x190;
	s12 =	simm.s32 $0x4F00;
	s13 =	simm.s32 $0x11700  }
0x5: {  	s14 =	simm.s32 $0x0;
	s5 =	sand.u32 $0x1, s3;
	s26 =	sshll.u32 s1, $0x1  }
0x6: {  	[smem:$0x7FF] =	sst s2;
	s7 =	smul.u32 $0x4E200, s1;
	s3 =	sor.u32 s5, s26  }
0x7: {  	_ =	strace $0x80000047;
	s8 =	ssub.s32 $0x2, s5;
	s10 =	smul.u32 $0x27100, s5  }
0x8: {  	s6 =	smul.u32 $0x2710, s3;
	s9 =	sshrl.u32 s8, $0x1;
	s29 =	sadd.s32 s7, s4  }
0x9: {  	s3 =	sadd.s32 $0x1CA00, s4;
	s30 =	ssub.s32 s8, s9;
	s31 =	sadd.s32 s10, s29  }
0xa: {  	s9 =	simm.s32 $0x2780;
	s10 =	simm.s32 $0x1;
	s6 =	sshrl.u32 s6, $0x3  }
0xb: {  	s7 =	sadd.s32 $0x43C00, s31;
	s8 =	sadd.s32 $0x525C00, s31;
	s28 =	sadd.s32 s6, s4  }
0xc: {  	s6 =	smax.u32 s30, $0x1;
	s4 =	sadd.s32 $0x12C00, s28;
	s5 =	sadd.s32 $0x8E00, s28  }
.LBB2_1:
0xd: {  	[tilespmem:s2], [sflag:$0x1] =	stream.linear.gather [hbm4b:s4+s2], $0x2710, $0x38;
	[tilespmem:$0x1DF00] =	vst v63  }
0xe: {  	_ = 	snop  }
0xf: {  	[tilespmem:s9], [sflag:$0x1] =	stream.linear.gather [hbm4b:s5+s2], $0x2710, $0x38;
	[tilespmem:$0x1DF00] =	vst v63  }
0x10: {  	_ =	swait.ge [sflag:s10], $0x2710  }
0x11: {  	[sflag:s10] =	ssyncset.done $0x0  }
0x12: {  	[sflag:s10] =	ssyncadd.s32 $0xFFFFD8F0  }
0x13: {  	_ =	swait.ge [sflag:s10], $0x2710  }
0x14: {  	[sflag:s10] =	ssyncset.done $0x0  }
0x15: {  	s15 =	simm.s32 $0x0;
	[sflag:s10] =	ssyncadd.s32 $0xFFFFD8F0  }
0x16: {  	[tilespmem:s12], [sflag:$0x1] =	stream.indirect.gather [hbm4b:s3+s11], $0x80, s15, s11, $0xb8;
	[tilespmem:$0x1DF00] =	vst v63  }
0x17: {  	s31 =	simm.s32 $0x2780  }
0x18: {  	[tilespmem:s13], [sflag:$0x1] =	stream.indirect.gather [hbm4b:s3+s11], $0x80, s31, s11, $0xb8;
	[tilespmem:$0x1DF00] =	vst v63  }
0x19: {  	_ =	swait.ge [sflag:s10], $0xC800  }
0x1a: {  	[sflag:s10] =	ssyncset.done $0x0  }
0x1b: {  	[sflag:s10] =	ssyncadd.s32 $0xFFFF3800  }
0x1c: {  	_ =	swait.ge [sflag:s10], $0xC800  }
0x1d: {  	[sflag:s10] =	ssyncset.done $0x0  }
0x1e: {  	[sflag:s10] =	ssyncadd.s32 $0xFFFF3800  }
0x1f: {  	[hbm4b:s7+s2] =	stream.linear.scatter [tilespmem:s12], [sflag:$0x1], $0xC800, $0x38;
	[tilespmem:$0x1DF00] =	vst v63  }
0x20: {  	_ = 	snop  }
0x21: {  	[hbm4b:s8+s2] =	stream.linear.scatter [tilespmem:s13], [sflag:$0x1], $0xC800, $0x38;
	[tilespmem:$0x1DF00] =	vst v63  }
0x22: {  	_ =	swait.ge [sflag:s10], $0xC800  }
0x23: {  	[sflag:s10] =	ssyncset.done $0x0  }
0x24: {  	[sflag:s10] =	ssyncadd.s32 $0xFFFF3800  }
0x25: {  	s17 =	simm.s32 $0x640;
	s18 =	simm.s32 $0xC80;
	_ =	swait.ge [sflag:s10], $0xC800  }
0x26: {  	s16 =	sadd.s32 $0x1900, s8;
	s15 =	sadd.s32 $0x1900, s7;
	[sflag:s10] =	ssyncset.done $0x0  }
.LBB2_2:
0x27: {  	s19 =	sshra.s32 s17, $0x2  }
0x28: {  	[sflag:s10] =	ssyncadd.s32 $0xFFFF3800;
	s17 =	smov.u32 s18;
	s20 =	sadd.s32 $0x640, s18  }
0x29: {  	[tilespmem:s12], [sflag:$0x1] =	stream.indirect.gather [hbm4b:s3+s11], $0x80, s19, s11, $0xb8;
	[tilespmem:$0x1DF00] =	vst v63  }
0x2a: {  	p0 =	sne.s32 s18, $0x9600;
	s18 =	sadd.s32 $0x2780, s19  }
0x2b: {  	[tilespmem:s13], [sflag:$0x1] =	stream.indirect.gather [hbm4b:s3+s11], $0x80, s18, s11, $0xb8;
	[tilespmem:$0x1DF00] =	vst v63  }
0x2c: {  	_ =	swait.ge [sflag:s10], $0xC800  }
0x2d: {  	[sflag:s10] =	ssyncset.done $0x0  }
0x2e: {  	[sflag:s10] =	ssyncadd.s32 $0xFFFF3800  }
0x2f: {  	_ =	swait.ge [sflag:s10], $0xC800  }
0x30: {  	[sflag:s10] =	ssyncset.done $0x0  }
0x31: {  	[sflag:s10] =	ssyncadd.s32 $0xFFFF3800  }
0x32: {  	[hbm4b:s15+s2] =	stream.linear.scatter [tilespmem:s12], [sflag:$0x1], $0xC800, $0x38;
	[tilespmem:$0x1DF00] =	vst v63  }
0x33: {  	_ = 	snop  }
0x34: {  	[hbm4b:s16+s2] =	stream.linear.scatter [tilespmem:s13], [sflag:$0x1], $0xC800, $0x38;
	[tilespmem:$0x1DF00] =	vst v63  }
.Ltmp0:
0x35: {  	_ =	swait.ge [sflag:s10], $0xC800;
	(pc) =	sbr.rel @p0 .LBB2_2-.Ltmp0, $4  }
0x36: {  	[sflag:s10] =	ssyncset.done $0x0  }
0x37: {  	[sflag:s10] =	ssyncadd.s32 $0xFFFF3800  }
0x38: {  	s18 =	smov.u32 s20;
	_ =	swait.ge [sflag:s10], $0xC800  }
0x39: {  	s15 =	sadd.s32 $0x1900, s15;
	s16 =	sadd.s32 $0x1900, s16;
	[sflag:s10] =	ssyncset.done $0x0  }
0x3a: {  	s17 =	sshra.s32 s17, $0x2;
	[sflag:s10] =	ssyncadd.s32 $0xFFFF3800  }
0x3b: {  	[tilespmem:s12], [sflag:$0x1] =	stream.indirect.gather [hbm4b:s3+s11], $0x80, s17, s11, $0xb8;
	[tilespmem:$0x1DF00] =	vst v63  }
0x3c: {  	s17 =	sadd.s32 $0x2780, s17  }
0x3d: {  	[tilespmem:s13], [sflag:$0x1] =	stream.indirect.gather [hbm4b:s3+s11], $0x80, s17, s11, $0xb8;
	[tilespmem:$0x1DF00] =	vst v63  }
0x3e: {  	_ =	swait.ge [sflag:s10], $0xC800  }
0x3f: {  	[sflag:s10] =	ssyncset.done $0x0  }
0x40: {  	[sflag:s10] =	ssyncadd.s32 $0xFFFF3800  }
0x41: {  	_ =	swait.ge [sflag:s10], $0xC800  }
0x42: {  	[sflag:s10] =	ssyncset.done $0x0  }
0x43: {  	[sflag:s10] =	ssyncadd.s32 $0xFFFF3800  }
0x44: {  	[hbm4b:s15+s2] =	stream.linear.scatter [tilespmem:s12], [sflag:$0x1], $0xC800, $0x38;
	[tilespmem:$0x1DF00] =	vst v63  }
0x45: {  	s14 =	sadd.s32 $0x1, s14  }
0x46: {  	[hbm4b:s16+s2] =	stream.linear.scatter [tilespmem:s13], [sflag:$0x1], $0xC800, $0x38;
	[tilespmem:$0x1DF00] =	vst v63  }
0x47: {  	p0 =	sne.s32 s14, s6;
	_ =	swait.ge [sflag:s10], $0xC800  }
.Ltmp1:
0x48: {  	[sflag:s10] =	ssyncset.done $0x0;
	(pc) =	sbr.rel @p0 .LBB2_1-.Ltmp1, $4  }
0x49: {  	[sflag:s10] =	ssyncadd.s32 $0xFFFF3800  }
0x4a: {  	_ =	swait.ge [sflag:s10], $0xC800  }
0x4b: {  	[sflag:s10] =	ssyncset.done $0x0  }
0x4c: {  	[sflag:s10] =	ssyncadd.s32 $0xFFFF3800  }
0x4d: {  	_ =	sfence.sel $0x180000  }
0x4e: {  	[bflag:$0x0] =	sbarrier.arrive $0xFFFF  }
0x4f: {  	p0 =	sne.s32 s1, $0x0;
	_ =	strace $0x90000047  }
0x50: {  	s0 =	sadd.s32 @!p0 $0x100000, s0;
	[bflag:$0x2] =	sbarrier.arrive $0xFFFF  }
0x51: {  	[sflag:s0] =	ssyncadd.tile.s32 @!p0 $0x1;
	_ =	shalt  }
.Lfunc_end2:
_tile_overlayer_lowered:
.L_overlay_start_2:
0x52: {  	(tag) =	ssettag $0x2  }
0x53: {  	s0 =	rddreg [dreg:$0x0];
	s2 =	stileid.u32  }
0x54: {  	s1 =	rddreg [dreg:$0x1];
	p0 =	sne.s32 s2, $0x0  }
0x55: {  	s3 =	rddreg [dreg:$0x2];
	[bflag:$0x3] =	sbarrier.arrive $0xFFFF;
	s2 =	simm.s32 @!p0 $0x1C02  }
0x56: {  	[timem:s3], [sflag:s2] =	dma.local @!p0 [hbm:s0], s1  }
0x57: {  	s0 =	simm.s32 @!p0 $0x2  }
0x58: {  	_ =	swait.ge @!p0 [sflag:s0], s1  }
0x59: {  	s1 =	ssub.s32 @!p0 $0x0, s1;
	[sflag:s0] =	ssyncset.done @!p0 $0x0  }
0x5a: {  	[sflag:s0] =	ssyncadd.s32 @!p0 s1  }
0x5b: {  	[bflag:$0x3] =	sbarrier.arrive $0xFFFF  }
0x5c: {  	_ =	shalt  }

// kernel: kernel.26.cloned.1.call-start
scs
__scs_entry_jumppad:
0x0: {  	(pc) =	sbr.rel $0x88, $3  }
0x1: {  	(tag) =	ssettag $0x0;
	lr =	simm.s32 $0x1  }
0x2: {  	[smem:$0x3F7F] =	sst lr;
	_ =	strace $0xD0000000  }
0x3: {  	_ = 	snop  }
0x4: {  	_ = 	snop  }
0x5: {  	_ = 	snop  }
0x6: {  	_ = 	snop  }
0x7: {  	_ = 	snop  }
__scs_overlays_trampoline_lowered:
0x8: {  	[smem:$0x3F8E] =	sst s0  }
0x9: {  	[smem:$0x3F8F] =	sst s1  }
0xa: {  	[smem:$0x3F90] =	sst s2  }
0xb: {  	[smem:$0x3F91] =	sst s3  }
0xc: {  	[smem:$0x3F92] =	sst s4  }
0xd: {  	[smem:$0x3F93] =	sst s5  }
0xe: {  	[smem:$0x3F94] =	sst s6  }
0xf: {  	[smem:$0x3F95] =	sst s7  }
0x10: {  	[smem:$0x3F96] =	sst s8  }
0x11: {  	[smem:$0x3F97] =	sst s9;
	s0 =	simm.s32 @!p0 $0x0  }
0x12: {  	s1 =	sld [smem:$0x3F7D];
	s0 =	simm.s32 @p0 $0x1  }
0x13: {  	[smem:$0x3F98] =	sst s0;
	s0 =	simm.s32 @!p1 $0x0  }
0x14: {  	s2 =	sld [smem:$0x3F7C];
	s0 =	simm.s32 @p1 $0x1  }
0x15: {  	[smem:$0x3F99] =	sst s0;
	s0 =	simm.s32 @!p2 $0x0  }
0x16: {  	s3 =	sld [smem:$0x3FDB];
	s0 =	simm.s32 @p2 $0x1  }
0x17: {  	s4 =	simm.s32 $0x1BF5;
	[smem:$0x3F9B] =	sst s0  }
0x18: {  	s0 =	sld [smem:$0x3F7E];
	_ =	swait.ge [sflag:s4], $0x0  }
0x19: {  	s7 =	sld [smem:$0x3F7F]  }
0x1a: {  	s8 =	sadd.s32 $0xFFFFE003, lr  }
0x1b: {  	s9 =	sadd.s32 $0xFFFFFEF7, lr;
	s5 =	simm.s32 $0xFFFFFFFF;
	p2 =	slt.u32 s8, $0xFFFFF086  }
0x1c: {  	p1 =	slt.u32 s9, $0xF7A;
	s5 =	simm.s32 @!p2 $0x0  }
0x1d: {  	s5 =	simm.s32 @p1 $0x1;
	p0 =	seq.s32 s7, s2  }
0x1e: {  	s7 =	smul.u32 @!p0 $0xF7A, s2;
	p2 =	seq.s32 @!p0 s5, $0x0  }
0x1f: {  	s9 =	smul.u32 $0xF7A, s1;
	s8 =	simm.s32 @!p0 $0x1BF5;
	p2 =	por !p2, p0  }
0x20: {  	[sflag:s8] =	ssyncset.s32 @!p0 $0xFFFFF086;
	s6 =	sadd.s32 @!p0 s3, s7;
	s7 =	simm.s32 @!p0 $0x108  }
0x21: {  	s3 =	sadd.s32 s3, s9;
	s6 =	sadd.s32 @!p0 $0x88, s6;
	s7 =	simm.s32 @p2 $0x1082  }
0x22: {  	[simem:s7], [sflag:s8] =	dma.local @!p0 [hbm:s6], $0xF7A  }
0x23: {  	s9 =	sor.u32 $0xD0000000, s2;
	s6 =	simm.s32 $0x108;
	_ =	swait.ge @!p0 [sflag:s8], $0x0  }
0x24: {  	s3 =	sadd.s32 $0x88, s3;
	s6 =	simm.s32 @!p1 $0x1082;
	[sflag:s4] =	ssyncset.s32 $0xFFFFF086  }
0x25: {  	[simem:s6], [sflag:s4] =	dma.local [hbm:s3], $0xF7A  }
0x26: {  	[smem:$0x3F7F] =	sst s1;
	(tag) =	ssettag s2;
	_ =	strace s9  }
0x27: {  	s1 =	sld [smem:$0x3F8F]  }
0x28: {  	s2 =	sld [smem:$0x3F90]  }
0x29: {  	s4 =	sld [smem:$0x3F92]  }
0x2a: {  	p0 =	seq.s32 s5, $0x0;
	s5 =	sld [smem:$0x3F93]  }
0x2b: {  	s6 =	sld [smem:$0x3F94]  }
0x2c: {  	s7 =	sld [smem:$0x3F95]  }
0x2d: {  	s3 =	simm.s32 $0x108;
	s8 =	sld [smem:$0x3F96]  }
0x2e: {  	s3 =	simm.s32 @!p0 $0x1082;
	s9 =	sld [smem:$0x3F97]  }
0x2f: {  	lr =	sadd.s32 s0, s3;
	s0 =	sld [smem:$0x3F8E]  }
0x30: {  	s3 =	sld [smem:$0x3F91]  }
0x31: {  	[smem:$0x3F9A] =	sst s10  }
0x32: {  	s10 =	sld [smem:$0x3F98];
	_ =	sdelay $0x3  }
0x33: {  	p0 =	seq.s32 s10, $0x1;
	s10 =	sld [smem:$0x3F9A];
	_ =	sdelay $0x3  }
0x34: {  	[smem:$0x3F9A] =	sst s10  }
0x35: {  	s10 =	sld [smem:$0x3F99];
	_ =	sdelay $0x3  }
0x36: {  	p1 =	seq.s32 s10, $0x1;
	s10 =	sld [smem:$0x3F9A];
	_ =	sdelay $0x3  }
0x37: {  	[smem:$0x3F9A] =	sst s10  }
0x38: {  	s10 =	sld [smem:$0x3F9B]  }
0x39: {  	_ = 	snop;
	(pc) =	sbr.ind lr, $3  }
0x3a: {  	_ = 	snop  }
0x3b: {  	_ = 	snop  }
0x3c: {  	p2 =	seq.s32 s10, $0x1;
	s10 =	sld [smem:$0x3F9A]  }
0x3d: {  	_ =	shalt  }
0x3e: {  	_ =	shalt  }
0x3f: {  	_ =	shalt  }
0x40: {  	_ =	shalt  }
0x41: {  	_ =	shalt  }
0x42: {  	_ =	shalt  }
0x43: {  	_ =	shalt  }
0x44: {  	_ =	shalt  }
0x45: {  	_ =	shalt  }
0x46: {  	_ =	shalt  }
0x47: {  	_ =	shalt  }
0x48: {  	_ =	shalt  }
0x49: {  	_ =	shalt  }
0x4a: {  	_ =	shalt  }
0x4b: {  	_ =	shalt  }
0x4c: {  	_ =	shalt  }
0x4d: {  	_ =	shalt  }
0x4e: {  	_ =	shalt  }
0x4f: {  	_ =	shalt  }
0x50: {  	_ =	shalt  }
0x51: {  	_ =	shalt  }
0x52: {  	_ =	shalt  }
0x53: {  	_ =	shalt  }
0x54: {  	_ =	shalt  }
0x55: {  	_ =	shalt  }
0x56: {  	_ =	shalt  }
0x57: {  	_ =	shalt  }
0x58: {  	_ =	shalt  }
0x59: {  	_ =	shalt  }
0x5a: {  	_ =	shalt  }
0x5b: {  	_ =	shalt  }
0x5c: {  	_ =	shalt  }
0x5d: {  	_ =	shalt  }
0x5e: {  	_ =	shalt  }
0x5f: {  	_ =	shalt  }
0x60: {  	_ =	shalt  }
0x61: {  	_ =	shalt  }
0x62: {  	_ =	shalt  }
0x63: {  	_ =	shalt  }
0x64: {  	_ =	shalt  }
0x65: {  	_ =	shalt  }
0x66: {  	_ =	shalt  }
0x67: {  	_ =	shalt  }
0x68: {  	_ =	shalt  }
0x69: {  	_ =	shalt  }
0x6a: {  	_ =	shalt  }
0x6b: {  	_ =	shalt  }
0x6c: {  	_ =	shalt  }
0x6d: {  	_ =	shalt  }
0x6e: {  	_ =	shalt  }
0x6f: {  	_ =	shalt  }
0x70: {  	_ =	shalt  }
0x71: {  	_ =	shalt  }
0x72: {  	_ =	shalt  }
0x73: {  	_ =	shalt  }
0x74: {  	_ =	shalt  }
0x75: {  	_ =	shalt  }
0x76: {  	_ =	shalt  }
0x77: {  	_ =	shalt  }
0x78: {  	_ =	shalt  }
0x79: {  	_ =	shalt  }
0x7a: {  	_ =	shalt  }
0x7b: {  	_ =	shalt  }
0x7c: {  	_ =	shalt  }
0x7d: {  	_ =	shalt  }
0x7e: {  	_ =	shalt  }
0x7f: {  	_ =	shalt  }
0x80: {  	_ =	shalt  }
0x81: {  	_ =	shalt  }
0x82: {  	_ =	shalt  }
0x83: {  	_ =	shalt  }
0x84: {  	_ =	shalt  }
0x85: {  	_ =	shalt  }
0x86: {  	_ =	shalt  }
0x87: {  	_ =	shalt  }
.Lfunc_end0:
.L_simem_size_0:
called_computation.2_lowered:
.L_overlay_start_0:
0x88: {  	s2 =	sld [smem:$0x3FD9]  }
0x89: {  	s3 =	sld [smem:$0x3FFE];
	_ =	sdelay $0x1  }
0x8a: {  	s1 =	srdreg.scid  }
0x8b: {  	s0 =	sand.u32 $0x1, s1  }
0x8c: {  	s16 =	sshll.u32 s0, $0xA;
	s2 =	sadd.s32 s3, s2  }
0x8d: {  	s2 =	sadd.s32 s2, s16  }
0x8e: {  	[smem:$0x3FA6] =	sst s2  }
0x8f: {  	_ = 	snop  }
0x90: {  	(tm) =	ssettm $0x1  }
0x91: {  	s17 =	sld [smem:$0x3FFB];
	_ =	sdelay $0x3  }
0x92: {  	_ =	strace s17  }
0x93: {  	s2 =	sld [smem:$0x3FFC];
	_ =	sdelay $0x3  }
0x94: {  	_ =	strace s2  }
0x95: {  	s2 =	sld [smem:$0x3FFD];
	_ =	sdelay $0x3  }
0x96: {  	_ =	strace s2  }
0x97: {  	_ =	strace $0x8FFFFFFF  }
0x98: {  	s18 =	sld [smem:$0x3FDB];
	_ =	sdelay $0x1  }
0x99: {  	s19 =	simm.s32 $_scs_section_size  }
0x9a: {  	s4 =	simm.s32 $_size__tile_overlayer_lowered;
	s5 =	simm.s32 $_tile_overlayer_lowered  }
0x9b: {  	s22 =	simm.s32 $0x1BFF;
	s21 =	sshll.u32 s5, $0x1;
	s2 =	sadd.s32 s19, s18  }
0x9c: {  	s6 =	simm.s32 $0x0;
	s20 =	sshll.u32 s4, $0x1;
	s4 =	sadd.s32 s21, s2  }
0x9d: {  	[timem:s6], [sflag:s22] =	dma.local [hbm:s4], s20  }
0x9e: {  	_ =	swait.ge [sflag:s22], s20  }
0x9f: {  	s3 =	ssub.s32 $0x0, s20;
	[sflag:s22] =	ssyncset.done $0x0  }
0xa0: {  	[sflag:s22] =	ssyncadd.s32 s3;
	_ =	sdelay $0x1  }
0xa1: {  	s23 =	simm.s32 $0x1B8B  }
0xa2: {  	_ =	swait.ge [sflag:s23], $0x1  }
0xa3: {  	[sflag:s23] =	ssyncset.done $0x0  }
0xa4: {  	s25 =	simm.s32 $0x1B8E;
	s24 =	sld [smem:$0x3FFE];
	[sflag:s23] =	ssyncadd.s32 $0xFFFFFFFF  }
0xa5: {  	s26 =	simm.s32 $execute0_lowered;
	[smem:$0x3FD2] =	sst s25  }
0xa6: {  	s4 =	sshll.u32 s26, $0x1;
	_ =	strace $0x8000004C;
	[dreg:$0x1] =	wrdreg $0xFFFFFFFF  }
0xa7: {  	s28 =	simm.s32 $_size_execute0_lowered;
	s2 =	sadd.s32 s2, s4;
	[dreg:$0x0] =	wrdreg $0x0  }
0xa8: {  	s4 =	sshll.u32 s28, $0x1;
	[dreg:$0x2] =	wrdreg s2  }
0xa9: {  	[dreg:$0x3] =	wrdreg s4  }
0xaa: {  	[dreg:$0x4] =	wrdreg $0xC0  }
0xab: {  	_ =	task [dreg:s6], $0x5FFFF  }
0xac: {  	[dreg:$0x1] =	wrdreg $0xFFFFFFFF  }
0xad: {  	[dreg:$0x0] =	wrdreg $0x60  }
0xae: {  	[dreg:$0x2] =	wrdreg s24  }
0xaf: {  	[dreg:$0x3] =	wrdreg $0x9  }
0xb0: {  	_ =	task.clear_ibuf [dreg:s6], $0x4FFFF;
	_ =	strace $0x9000004C  }
0xb1: {  	s29 =	simm.s32 $0x9;
	_ =	strace $0x8000004E  }
0xb2: {  	_ =	swait.ge [sflag:s29], $0x1  }
0xb3: {  	[sflag:s29] =	ssyncadd.s32 $0xFFFFFFFF  }
0xb4: {  	_ =	strace $0x9000004E  }
0xb5: {  	_ =	sfence  }
0xb6: {  	s30 =	sld [smem:$0x0];
	_ =	sdelay $0x2  }
0xb7: {  	s31 =	sshll.u32 s1, $0xD;
	s1 =	sshrl.u32 s1, $0x2  }
0xb8: {  	s3 =	sand.u32 $0x4000, s31;
	s1 =	sadd.s32 s1, s30  }
0xb9: {  	s0 =	sor.u32 s3, s0;
	s1 =	sshll.u32 s1, $0x11  }
0xba: {  	s0 =	sor.u32 s1, s0  }
0xbb: {  	s0 =	sadd.s32 $0x8F2B, s0  }
0xbc: {  	[sflag:s0] =	ssyncadd.remote.s32 $0x1  }
0xbd: {  	_ =	sfence.sel $0xFFFF  }
0xbe: {  	[dreg:$0x0] =	wrdreg $0xFFFFFFFF;
	(pc) =	sbr.abs _section_cstart, $3  }
0xbf: {  	[dreg:$0x1] =	wrdreg $0xFFFFFFFF  }
0xc0: {  	_ =	task.clear_ibuf [dreg:s6], $0x2FFFF;
	_ =	strace $0x9FFFFFFF  }
0xc1: {  	(tm) =	ssettm $0x7FFFFFFF  }
tec
execute0_lowered:
.L_overlay_start_1:
0x0: {  	(tag) =	ssettag $0x1  }
0x1: {  	s5 =	rddreg [dreg:$0x0]  }
0x2: {  	s0 =	rddreg [dreg:$0x1]  }
0x3: {  	s3 =	srdreg.scid;
	s1 =	stileid.u32  }
0x4: {  	s2 =	simm.s32 $0x0;
	s10 =	simm.s32 $0x2;
	s11 =	simm.s32 $0x1  }
0x5: {  	s12 =	simm.s32 $0x200;
	s13 =	simm.s32 $0x400;
	s14 =	simm.s32 $0x10480  }
0x6: {  	s15 =	simm.s32 $0x0;
	s4 =	sand.u32 $0x1, s3;
	s30 =	sshll.u32 s1, $0x1  }
0x7: {  	[smem:$0x7FF] =	sst s2;
	s3 =	sadd.s32 $0xA07C00, s5;
	s6 =	sor.u32 s4, s30  }
.Ltmp0:
0x8: {  	_ =	strace $0x8000004D;
	s9 =	ssub.s32 $0x2, s4;
	(pc) =	sbr.rel .LBB2_1-.Ltmp0, $4  }
0x9: {  	s4 =	sadd.s32 $0xB42600, s5;
	s7 =	sshll.u32 s6, $0x1;
	s8 =	smul.u32 $0xA00, s6  }
0xa: {  	v0 =	vimm.f32 $0.0e+00;
	s31 =	sshrl.u32 s9, $0x1;
	s6 =	smul.u32 $0x4EA00, s6;
	s7 =	sadd.s32 s7, s5  }
0xb: {  	v1 =	vlaneseq.u32;
	v2 =	vimm.s32 $0xFFFD8F00;
	v3 =	vimm.s32 $0x0;
	s9 =	ssub.s32 s9, s31;
	s8 =	sadd.s32 s8, s5;
	s5 =	sadd.s32 $0xB42400, s7  }
0xc: {  	v4 =	vor.u32 $0x10, v1;
	v5 =	vor.u32 $0x20, v1;
	v6 =	vor.u32 $0x30, v1;
	s7 =	sadd.s32 $0x1CA00, s8;
	s8 =	smax.u32 s9, $0x1;
	s9 =	simm.s32 $0x10400  }
.LBB2_14:
0xd: {  	s15 =	sadd.s32 $0x1, s15  }
0xe: {  	p0 =	sne.s32 s15, s8  }
.Ltmp1:
0xf: {  	_ = 	snop;
	(pc) =	sbr.rel @!p0 .LBB2_15-.Ltmp1, $4  }
0x10: {  	[hbm4b:s7+s2] =	stream.linear.scatter [tilespmem:s14], [sflag:$0x2], $0x5000, $0x38;
	[tilespmem:$0x15480] =	vst v63  }
0x11: {  	_ =	swait.ge [sflag:s10], $0x5000  }
0x12: {  	[sflag:s10] =	ssyncset.done $0x0  }
0x13: {  	[sflag:s10] =	ssyncadd.s32 $0xFFFFB000  }
.LBB2_1:
0x14: {  	s16 =	simm.s32 $0x0;
	s17 =	simm.s32 $0x200  }
.LBB2_2:
0x15: {  	p0 =	sne.s32 s17, $0x13E00;
	[tilespmem:s16+$0x104F0] =	vst v0  }
0x16: {  	[tilespmem:s16+$0x10480] =	vst v0  }
0x17: {  	[tilespmem:s16+$0x10490] =	vst v0  }
.Ltmp2:
0x18: {  	[tilespmem:s16+$0x104A0] =	vst v0;
	(pc) =	sbr.rel @p0 .LBB2_2-.Ltmp2, $4  }
0x19: {  	[tilespmem:s16+$0x104B0] =	vst v0  }
0x1a: {  	[tilespmem:s16+$0x104C0] =	vst v0  }
0x1b: {  	[tilespmem:s16+$0x104D0] =	vst v0  }
0x1c: {  	[tilespmem:s16+$0x104E0] =	vst v0;
	s16 =	sshra.s32 s17, $0x2;
	s17 =	sadd.s32 $0x200, s17  }
0x1d: {  	[tilespmem:s16+$0x104F0] =	vst v0  }
0x1e: {  	[tilespmem:s16+$0x10480] =	vst v0  }
0x1f: {  	[tilespmem:s16+$0x10490] =	vst v0  }
0x20: {  	[tilespmem:s16+$0x104A0] =	vst v0  }
0x21: {  	[tilespmem:s16+$0x104B0] =	vst v0  }
0x22: {  	[tilespmem:s16+$0x104C0] =	vst v0  }
0x23: {  	[tilespmem:s16+$0x104D0] =	vst v0  }
0x24: {  	[tilespmem:s16+$0x104E0] =	vst v0  }
0x25: {  	[tilespmem:s9], [sflag:$0x2] =	stream.linear.gather [hbm4b:s5+s2], $0x10, $0x38;
	[tilespmem:$0x15480] =	vst v63  }
0x26: {  	_ =	swait.ge [sflag:s10], $0x10  }
0x27: {  	[sflag:s10] =	ssyncset.done $0x0  }
0x28: {  	[sflag:s10] =	ssyncadd.s32 $0xFFFFFFF0  }
0x29: {  	v7 =	vld [tilespmem:$0x10400];
	_ =	sdelay $0x4  }
0x2a: {  	(v2sf) =	vpush v7, $0x0;
	_ =	sdelay $0xe  }
0x2b: {  	s16 =	spop (v2sf)  }
0x2c: {  	s17 =	sadd.s32 $0x1FF, s16  }
0x2d: {  	s18 =	sand.u32 $0x1FF, s17  }
0x2e: {  	s31 =	sshra.s32 s17, $0x1F;
	p1 =	slt.s32 s17, $0x1;
	p0 =	sne.s32 s18, $0x0  }
0x2f: {  	s18 =	sshrl.u32 s31, $0x17;
	p0 =	por !p1, !p0  }
0x30: {  	s17 =	sadd.s32 s18, s17;
	s18 =	simm.s32 $0x1;
	p0 =	por !p0, !p0  }
0x31: {  	s17 =	sshra.s32 s17, $0x9;
	s18 =	simm.s32 @!p0 $0x0  }
0x32: {  	s17 =	ssub.s32 s17, s18  }
0x33: {  	p0 =	slt.s32 s17, $0x1  }
.Ltmp3:
0x34: {  	_ = 	snop;
	(pc) =	sbr.rel @p0 .LBB2_14-.Ltmp3, $1  }
0x35: {  	_ =	sdelay $0x3  }
.Ltmp4:
0x36: {  	(pc) =	sbr.rel .LBB2_5-.Ltmp4, $3  }
0x37: {  	_ =	sdelay $0x1  }
0x38: {  	s18 =	simm.s32 $0x0  }
0x39: {  	v7 =	vbroadcast v7, $0x0;
	s19 =	simm.s32 $0x0;
	s20 =	smov.u32 s16;
	s21 =	simm.s32 $0x0  }
.LBB2_9:
0x3a: {  	_ = 	snop  }
.LBB2_12:
0x3b: {  	_ =	sdelay $0x2  }
0x3c: {  	v10 =	vmax.f32 @p0 v11, v10  }
0x3d: {  	[tilespmem:v9+s14+$0x0] =	vst.idx.msk @p0 $0xffff, v10  }
0x3e: {  	v9 =	vld.idx.msk [tilespmem:v8+s2+$0x0], $0xffff;
	_ =	sdelay $0x4  }
0x3f: {  	v58 =	vshll.u32 v9, $0x6;
	vm0 =	vgt.s32 v9, $0x4E1FFFF  }
0x40: {  	v8 =	vshll.u32 v8, $0x7;
	v9 =	vsel vm0, $0x40, v3;
	v10 =	vand.u32 $0x7FC0, v58  }
0x41: {  	v8 =	vor.u32 v8, v9;
	v59 =	vor.u32 v1, v10  }
0x42: {  	v60 =	vor.u32 v1, v8;
	_ =	sdelay $0x3  }
0x43: {  	v12 =	vld.idx.msk [tilespmem:v59+s14+$0x0], $0xffff  }
0x44: {  	v11 =	vld.idx.msk [tilespmem:v60+s13+$0x0], $0xffff;
	_ =	sdelay $0x1  }
0x45: {  	v13 =	vor.u32 v4, v8  }
0x46: {  	v14 =	vor.u32 v4, v10;
	_ =	sdelay $0x1  }
0x47: {  	v11 =	vmax.f32 v12, v11  }
0x48: {  	[tilespmem:v59+s14+$0x0] =	vst.idx.msk $0xffff, v11  }
0x49: {  	v9 =	vld.idx.msk [tilespmem:v13+s13+$0x0], $0xffff  }
0x4a: {  	v11 =	vld.idx.msk [tilespmem:v14+s14+$0x0], $0xffff;
	_ =	sdelay $0x1  }
0x4b: {  	v61 =	vor.u32 v5, v8  }
0x4c: {  	v62 =	vor.u32 v5, v10;
	_ =	sdelay $0x1  }
0x4d: {  	v9 =	vmax.f32 v11, v9  }
0x4e: {  	[tilespmem:v14+s14+$0x0] =	vst.idx.msk $0xffff, v9  }
0x4f: {  	v9 =	vld.idx.msk [tilespmem:v61+s13+$0x0], $0xffff  }
0x50: {  	v63 =	vld.idx.msk [tilespmem:v62+s14+$0x0], $0xffff;
	_ =	sdelay $0x1  }
0x51: {  	v8 =	vor.u32 v6, v8  }
0x52: {  	v10 =	vor.u32 v6, v10;
	_ =	sdelay $0x1  }
0x53: {  	v9 =	vmax.f32 v63, v9  }
0x54: {  	[tilespmem:v62+s14+$0x0] =	vst.idx.msk $0xffff, v9  }
0x55: {  	v8 =	vld.idx.msk [tilespmem:v8+s13+$0x0], $0xffff  }
0x56: {  	v9 =	vld.idx.msk [tilespmem:v10+s14+$0x0], $0xffff;
	_ =	sdelay $0x4  }
0x57: {  	v8 =	vmax.f32 v9, v8  }
0x58: {  	[tilespmem:v10+s14+$0x0] =	vst.idx.msk $0xffff, v8  }
.LBB2_13:
0x59: {  	s21 =	sadd.s32 $0x1, s21  }
0x5a: {  	p0 =	sne.s32 s21, s17  }
.Ltmp5:
0x5b: {  	_ = 	snop;
	(pc) =	sbr.rel @!p0 .LBB2_14-.Ltmp5, $2  }
0x5c: {  	_ =	sdelay $0x2  }
0x5d: {  	s20 =	sadd.s32 $0xFFFFFE00, s20;
	s19 =	sadd.s32 $0x200, s19  }
.LBB2_5:
0x5e: {  	s23 =	sshll.u32 s21, $0x9  }
0x5f: {  	s22 =	sadd.s32 s6, s23  }
0x60: {  	s22 =	sshrl.u32 s22, $0x3  }
0x61: {  	s22 =	sadd.s32 s3, s22  }
0x62: {  	[tilespmem:s18], [sflag:$0x2] =	stream.linear.gather [hbm4b:s22+s18], $0x200, $0x38;
	[tilespmem:$0x15480] =	vst v63  }
0x63: {  	_ =	swait.ge [sflag:s10], $0x200  }
0x64: {  	[sflag:s10] =	ssyncset.done $0x0  }
0x65: {  	s25 =	simm.s32 $0x0;
	[sflag:s10] =	ssyncadd.s32 $0xFFFFFE00  }
0x66: {  	v8 =	vld [tilespmem:s25+$0x0];
	_ =	sdelay $0x4  }
0x67: {  	v8 =	vshra.s32 v8, $0x9  }
0x68: {  	vm0 =	vlt.s32 v8, $0x27100  }
0x69: {  	v9 =	vor.u32 s19, v1;
	s24 =	simm.s32 $0x10;
	v10 =	vsel vm0, $0x0, v2  }
0x6a: {  	vm15 =	vlt.s32 v9, v7;
	v9 =	vadd.s32 v8, v10;
	v8 =	vld [tilespmem:s24+$0x0];
	_ =	sdelay $0x1  }
0x6b: {  	p0 =	sgt.s32 s20, $0x1;
	s22 =	smov.u32 s20  }
0x6c: {  	s22 =	simm.s32 @!p0 $0x1;
	v9 =	vnsel vm15, $0x0, v9  }
0x6d: {  	s26 =	simm.s32 $0x80;
	s22 =	smin.u32 s22, $0x200;
	[tilespmem:s25+$0x200] =	vst v9;
	s25 =	smov.u32 s19  }
.LBB2_6:
0x6e: {  	s28 =	sshra.s32 s26, $0x2;
	p0 =	sne.s32 s26, $0x7C0;
	s26 =	sadd.s32 $0x40, s26;
	v9 =	vshra.s32 v8, $0x9  }
.Ltmp6:
0x6f: {  	s25 =	sadd.s32 $0x10, s25;
	v8 =	vld [tilespmem:s28+$0x0];
	vm0 =	vlt.s32 v9, $0x27100;
	(pc) =	sbr.rel @p0 .LBB2_6-.Ltmp6, $4  }
0x70: {  	v10 =	vor.u32 s25, v1;
	v11 =	vsel vm0, $0x0, v2  }
0x71: {  	vm0 =	vlt.s32 v10, v7;
	v9 =	vadd.s32 v9, v11  }
0x72: {  	v9 =	vnsel vm0, $0x0, v9  }
0x73: {  	[tilespmem:s24+$0x200] =	vst v9;
	s24 =	smov.u32 s28  }
0x74: {  	v8 =	vshra.s32 v8, $0x9  }
0x75: {  	s25 =	sadd.s32 $0x10, s25;
	vm0 =	vlt.s32 v8, $0x27100  }
0x76: {  	v9 =	vor.u32 s25, v1;
	v10 =	vsel vm0, $0x0, v2  }
0x77: {  	s23 =	ssub.s32 s16, s23;
	vm15 =	vlt.s32 v9, v7;
	v8 =	vadd.s32 v8, v10  }
0x78: {  	p0 =	slt.s32 s23, $0x1;
	v8 =	vnsel vm15, $0x0, v8  }
.Ltmp7:
0x79: {  	[tilespmem:s24+$0x200] =	vst v8;
	(pc) =	sbr.rel @p0 .LBB2_13-.Ltmp7, $4  }
0x7a: {  	[tilespmem:s13], [sflag:$0x1] =	stream.indirect.gather [hbm4b:s4+s12], $0x80, s12, s12, $0xb8;
	[tilespmem:$0x15480] =	vst v63  }
0x7b: {  	_ =	swait.ge [sflag:s11], $0x10000  }
0x7c: {  	[sflag:s11] =	ssyncset.done $0x0  }
0x7d: {  	s23 =	simm.s32 $0x0;
	[sflag:s11] =	ssyncadd.s32 $0xFFFF0000  }
0x7e: {  	p1 =	sne.s32 s22, $0x1  }
.Ltmp8:
0x7f: {  	_ = 	snop;
	(pc) =	sbr.rel @!p1 .LBB2_9-.Ltmp8, $2  }
0x80: {  	_ =	sdelay $0x2  }
0x81: {  	s24 =	simm.s32 $0x1;
	v8 =	vmov s23;
	p0 =	por $0x0, $0x0  }
0x82: {  	_ =	sdelay $0x3  }
0x83: {  	v9 =	vld.idx.msk [tilespmem:v8+s2+$0x0], $0xffff;
	_ =	sdelay $0x4  }
0x84: {  	v10 =	vshll.u32 v9, $0x6;
	vm0 =	vgt.s32 v9, $0x4E1FFFF  }
0x85: {  	v8 =	vshll.u32 v8, $0x7;
	v9 =	vsel vm0, $0x40, v3;
	v10 =	vand.u32 $0x7FC0, v10  }
0x86: {  	v8 =	vor.u32 v8, v9;
	v9 =	vor.u32 v1, v10  }
0x87: {  	v11 =	vor.u32 v1, v8;
	_ =	sdelay $0x3  }
0x88: {  	v12 =	vld.idx.msk [tilespmem:v9+s14+$0x0], $0xffff  }
0x89: {  	v11 =	vld.idx.msk [tilespmem:v11+s13+$0x0], $0xffff;
	_ =	sdelay $0x1  }
0x8a: {  	v13 =	vor.u32 v4, v8  }
0x8b: {  	v14 =	vor.u32 v4, v10;
	_ =	sdelay $0x1  }
0x8c: {  	v11 =	vmax.f32 v12, v11  }
0x8d: {  	[tilespmem:v9+s14+$0x0] =	vst.idx.msk $0xffff, v11  }
0x8e: {  	v9 =	vld.idx.msk [tilespmem:v13+s13+$0x0], $0xffff  }
0x8f: {  	v11 =	vld.idx.msk [tilespmem:v14+s14+$0x0], $0xffff;
	_ =	sdelay $0x1  }
0x90: {  	v61 =	vor.u32 v5, v8  }
0x91: {  	v62 =	vor.u32 v5, v10;
	_ =	sdelay $0x1  }
0x92: {  	v9 =	vmax.f32 v11, v9  }
0x93: {  	[tilespmem:v14+s14+$0x0] =	vst.idx.msk $0xffff, v9  }
0x94: {  	v11 =	vld.idx.msk [tilespmem:v61+s13+$0x0], $0xffff  }
0x95: {  	v63 =	vld.idx.msk [tilespmem:v62+s14+$0x0], $0xffff;
	_ =	sdelay $0x1  }
0x96: {  	v8 =	vor.u32 v6, v8  }
0x97: {  	v9 =	vor.u32 v6, v10  }
0x98: {  	p1 =	sne.s32 s22, $0x2  }
.Ltmp9:
0x99: {  	v10 =	vmax.f32 v63, v11;
	(pc) =	sbr.rel @!p1 .LBB2_12-.Ltmp9, $4  }
0x9a: {  	[tilespmem:v62+s14+$0x0] =	vst.idx.msk $0xffff, v10  }
0x9b: {  	v10 =	vld.idx.msk [tilespmem:v8+s13+$0x0], $0xffff  }
0x9c: {  	v11 =	vld.idx.msk [tilespmem:v9+s14+$0x0], $0xffff  }
0x9d: {  	s23 =	simm.s32 $0x2;
	p0 =	por $0x1, $0x1;
	v8 =	vmov s24  }
.LBB2_11:
0x9e: {  	s24 =	smov.u32 s23;
	s23 =	sadd.s32 $0x1, s23  }
0x9f: {  	p1 =	sne.s32 s22, s23;
	_ =	sdelay $0x1  }
0xa0: {  	v10 =	vmax.f32 v11, v10  }
0xa1: {  	[tilespmem:v9+s14+$0x0] =	vst.idx.msk $0xffff, v10  }
0xa2: {  	v9 =	vld.idx.msk [tilespmem:v8+s2+$0x0], $0xffff;
	_ =	sdelay $0x5  }
0xa3: {  	v10 =	vshll.u32 v9, $0x6;
	vm0 =	vgt.s32 v9, $0x4E1FFFF  }
0xa4: {  	v8 =	vshll.u32 v8, $0x7;
	v9 =	vsel vm0, $0x40, v3;
	v10 =	vand.u32 $0x7FC0, v10  }
0xa5: {  	v8 =	vor.u32 v8, v9;
	v9 =	vor.u32 v1, v10  }
0xa6: {  	v11 =	vor.u32 v1, v8;
	_ =	sdelay $0x3  }
0xa7: {  	v12 =	vld.idx.msk [tilespmem:v9+s14+$0x0], $0xffff  }
0xa8: {  	v11 =	vld.idx.msk [tilespmem:v11+s13+$0x0], $0xffff;
	_ =	sdelay $0x2  }
0xa9: {  	v13 =	vor.u32 v4, v8  }
0xaa: {  	v14 =	vor.u32 v4, v10;
	_ =	sdelay $0x1  }
0xab: {  	v11 =	vmax.f32 v12, v11  }
0xac: {  	[tilespmem:v9+s14+$0x0] =	vst.idx.msk $0xffff, v11  }
0xad: {  	v9 =	vld.idx.msk [tilespmem:v13+s13+$0x0], $0xffff  }
0xae: {  	v11 =	vld.idx.msk [tilespmem:v14+s14+$0x0], $0xffff;
	_ =	sdelay $0x2  }
0xaf: {  	v12 =	vor.u32 v5, v8  }
0xb0: {  	v13 =	vor.u32 v5, v10;
	_ =	sdelay $0x1  }
0xb1: {  	v9 =	vmax.f32 v11, v9  }
0xb2: {  	[tilespmem:v14+s14+$0x0] =	vst.idx.msk $0xffff, v9  }
0xb3: {  	v11 =	vld.idx.msk [tilespmem:v12+s13+$0x0], $0xffff  }
0xb4: {  	v12 =	vld.idx.msk [tilespmem:v13+s14+$0x0], $0xffff;
	_ =	sdelay $0x2  }
0xb5: {  	v8 =	vor.u32 v6, v8;
	v9 =	vor.u32 v6, v10;
	_ =	sdelay $0x2  }
0xb6: {  	v10 =	vmax.f32 v12, v11  }
.Ltmp10:
0xb7: {  	[tilespmem:v13+s14+$0x0] =	vst.idx.msk $0xffff, v10;
	(pc) =	sbr.rel @p1 .LBB2_11-.Ltmp10, $3  }
0xb8: {  	v10 =	vld.idx.msk [tilespmem:v8+s13+$0x0], $0xffff  }
0xb9: {  	v11 =	vld.idx.msk [tilespmem:v9+s14+$0x0], $0xffff;
	_ =	sdelay $0x1  }
0xba: {  	v8 =	vmov s24  }
.Ltmp11:
0xbb: {  	_ = 	snop;
	(pc) =	sbr.rel .LBB2_12-.Ltmp11, $1  }
0xbc: {  	_ =	sdelay $0x3  }
.LBB2_15:
0xbd: {  	_ =	sfence.sel $0x180000  }
0xbe: {  	[bflag:$0x0] =	sbarrier.arrive $0xFFFF  }
0xbf: {  	p0 =	sne.s32 s1, $0x0;
	_ =	strace $0x9000004D  }
0xc0: {  	s0 =	sadd.s32 @!p0 $0x100000, s0;
	[bflag:$0x2] =	sbarrier.arrive $0xFFFF  }
0xc1: {  	[sflag:s0] =	ssyncadd.tile.s32 @!p0 $0x1;
	_ =	shalt  }
.Lfunc_end2:
_tile_overlayer_lowered:
.L_overlay_start_2:
0xc2: {  	(tag) =	ssettag $0x2  }
0xc3: {  	s0 =	rddreg [dreg:$0x0];
	s2 =	stileid.u32  }
0xc4: {  	s1 =	rddreg [dreg:$0x1];
	p0 =	sne.s32 s2, $0x0  }
0xc5: {  	s3 =	rddreg [dreg:$0x2];
	[bflag:$0x3] =	sbarrier.arrive $0xFFFF;
	s2 =	simm.s32 @!p0 $0x1C02  }
0xc6: {  	[timem:s3], [sflag:s2] =	dma.local @!p0 [hbm:s0], s1  }
0xc7: {  	s0 =	simm.s32 @!p0 $0x2  }
0xc8: {  	_ =	swait.ge @!p0 [sflag:s0], s1  }
0xc9: {  	s1 =	ssub.s32 @!p0 $0x0, s1;
	[sflag:s0] =	ssyncset.done @!p0 $0x0  }
0xca: {  	[sflag:s0] =	ssyncadd.s32 @!p0 s1  }
0xcb: {  	[bflag:$0x3] =	sbarrier.arrive $0xFFFF  }
0xcc: {  	_ =	shalt  }

// kernel: kernel.29.cloned.1.call-start
scs
__scs_entry_jumppad:
0x0: {  	(pc) =	sbr.rel $0x88, $3  }
0x1: {  	(tag) =	ssettag $0x0;
	lr =	simm.s32 $0x1  }
0x2: {  	[smem:$0x3F7F] =	sst lr;
	_ =	strace $0xD0000000  }
0x3: {  	_ = 	snop  }
0x4: {  	_ = 	snop  }
0x5: {  	_ = 	snop  }
0x6: {  	_ = 	snop  }
0x7: {  	_ = 	snop  }
__scs_overlays_trampoline_lowered:
0x8: {  	[smem:$0x3F8E] =	sst s0  }
0x9: {  	[smem:$0x3F8F] =	sst s1  }
0xa: {  	[smem:$0x3F90] =	sst s2  }
0xb: {  	[smem:$0x3F91] =	sst s3  }
0xc: {  	[smem:$0x3F92] =	sst s4  }
0xd: {  	[smem:$0x3F93] =	sst s5  }
0xe: {  	[smem:$0x3F94] =	sst s6  }
0xf: {  	[smem:$0x3F95] =	sst s7  }
0x10: {  	[smem:$0x3F96] =	sst s8  }
0x11: {  	[smem:$0x3F97] =	sst s9;
	s0 =	simm.s32 @!p0 $0x0  }
0x12: {  	s1 =	sld [smem:$0x3F7D];
	s0 =	simm.s32 @p0 $0x1  }
0x13: {  	[smem:$0x3F98] =	sst s0;
	s0 =	simm.s32 @!p1 $0x0  }
0x14: {  	s2 =	sld [smem:$0x3F7C];
	s0 =	simm.s32 @p1 $0x1  }
0x15: {  	[smem:$0x3F99] =	sst s0;
	s0 =	simm.s32 @!p2 $0x0  }
0x16: {  	s3 =	sld [smem:$0x3FDB];
	s0 =	simm.s32 @p2 $0x1  }
0x17: {  	s4 =	simm.s32 $0x1BF5;
	[smem:$0x3F9B] =	sst s0  }
0x18: {  	s0 =	sld [smem:$0x3F7E];
	_ =	swait.ge [sflag:s4], $0x0  }
0x19: {  	s7 =	sld [smem:$0x3F7F]  }
0x1a: {  	s8 =	sadd.s32 $0xFFFFE003, lr  }
0x1b: {  	s9 =	sadd.s32 $0xFFFFFEF7, lr;
	s5 =	simm.s32 $0xFFFFFFFF;
	p2 =	slt.u32 s8, $0xFFFFF086  }
0x1c: {  	p1 =	slt.u32 s9, $0xF7A;
	s5 =	simm.s32 @!p2 $0x0  }
0x1d: {  	s5 =	simm.s32 @p1 $0x1;
	p0 =	seq.s32 s7, s2  }
0x1e: {  	s7 =	smul.u32 @!p0 $0xF7A, s2;
	p2 =	seq.s32 @!p0 s5, $0x0  }
0x1f: {  	s9 =	smul.u32 $0xF7A, s1;
	s8 =	simm.s32 @!p0 $0x1BF5;
	p2 =	por !p2, p0  }
0x20: {  	[sflag:s8] =	ssyncset.s32 @!p0 $0xFFFFF086;
	s6 =	sadd.s32 @!p0 s3, s7;
	s7 =	simm.s32 @!p0 $0x108  }
0x21: {  	s3 =	sadd.s32 s3, s9;
	s6 =	sadd.s32 @!p0 $0x88, s6;
	s7 =	simm.s32 @p2 $0x1082  }
0x22: {  	[simem:s7], [sflag:s8] =	dma.local @!p0 [hbm:s6], $0xF7A  }
0x23: {  	s9 =	sor.u32 $0xD0000000, s2;
	s6 =	simm.s32 $0x108;
	_ =	swait.ge @!p0 [sflag:s8], $0x0  }
0x24: {  	s3 =	sadd.s32 $0x88, s3;
	s6 =	simm.s32 @!p1 $0x1082;
	[sflag:s4] =	ssyncset.s32 $0xFFFFF086  }
0x25: {  	[simem:s6], [sflag:s4] =	dma.local [hbm:s3], $0xF7A  }
0x26: {  	[smem:$0x3F7F] =	sst s1;
	(tag) =	ssettag s2;
	_ =	strace s9  }
0x27: {  	s1 =	sld [smem:$0x3F8F]  }
0x28: {  	s2 =	sld [smem:$0x3F90]  }
0x29: {  	s4 =	sld [smem:$0x3F92]  }
0x2a: {  	p0 =	seq.s32 s5, $0x0;
	s5 =	sld [smem:$0x3F93]  }
0x2b: {  	s6 =	sld [smem:$0x3F94]  }
0x2c: {  	s7 =	sld [smem:$0x3F95]  }
0x2d: {  	s3 =	simm.s32 $0x108;
	s8 =	sld [smem:$0x3F96]  }
0x2e: {  	s3 =	simm.s32 @!p0 $0x1082;
	s9 =	sld [smem:$0x3F97]  }
0x2f: {  	lr =	sadd.s32 s0, s3;
	s0 =	sld [smem:$0x3F8E]  }
0x30: {  	s3 =	sld [smem:$0x3F91]  }
0x31: {  	[smem:$0x3F9A] =	sst s10  }
0x32: {  	s10 =	sld [smem:$0x3F98];
	_ =	sdelay $0x3  }
0x33: {  	p0 =	seq.s32 s10, $0x1;
	s10 =	sld [smem:$0x3F9A];
	_ =	sdelay $0x3  }
0x34: {  	[smem:$0x3F9A] =	sst s10  }
0x35: {  	s10 =	sld [smem:$0x3F99];
	_ =	sdelay $0x3  }
0x36: {  	p1 =	seq.s32 s10, $0x1;
	s10 =	sld [smem:$0x3F9A];
	_ =	sdelay $0x3  }
0x37: {  	[smem:$0x3F9A] =	sst s10  }
0x38: {  	s10 =	sld [smem:$0x3F9B]  }
0x39: {  	_ = 	snop;
	(pc) =	sbr.ind lr, $3  }
0x3a: {  	_ = 	snop  }
0x3b: {  	_ = 	snop  }
0x3c: {  	p2 =	seq.s32 s10, $0x1;
	s10 =	sld [smem:$0x3F9A]  }
0x3d: {  	_ =	shalt  }
0x3e: {  	_ =	shalt  }
0x3f: {  	_ =	shalt  }
0x40: {  	_ =	shalt  }
0x41: {  	_ =	shalt  }
0x42: {  	_ =	shalt  }
0x43: {  	_ =	shalt  }
0x44: {  	_ =	shalt  }
0x45: {  	_ =	shalt  }
0x46: {  	_ =	shalt  }
0x47: {  	_ =	shalt  }
0x48: {  	_ =	shalt  }
0x49: {  	_ =	shalt  }
0x4a: {  	_ =	shalt  }
0x4b: {  	_ =	shalt  }
0x4c: {  	_ =	shalt  }
0x4d: {  	_ =	shalt  }
0x4e: {  	_ =	shalt  }
0x4f: {  	_ =	shalt  }
0x50: {  	_ =	shalt  }
0x51: {  	_ =	shalt  }
0x52: {  	_ =	shalt  }
0x53: {  	_ =	shalt  }
0x54: {  	_ =	shalt  }
0x55: {  	_ =	shalt  }
0x56: {  	_ =	shalt  }
0x57: {  	_ =	shalt  }
0x58: {  	_ =	shalt  }
0x59: {  	_ =	shalt  }
0x5a: {  	_ =	shalt  }
0x5b: {  	_ =	shalt  }
0x5c: {  	_ =	shalt  }
0x5d: {  	_ =	shalt  }
0x5e: {  	_ =	shalt  }
0x5f: {  	_ =	shalt  }
0x60: {  	_ =	shalt  }
0x61: {  	_ =	shalt  }
0x62: {  	_ =	shalt  }
0x63: {  	_ =	shalt  }
0x64: {  	_ =	shalt  }
0x65: {  	_ =	shalt  }
0x66: {  	_ =	shalt  }
0x67: {  	_ =	shalt  }
0x68: {  	_ =	shalt  }
0x69: {  	_ =	shalt  }
0x6a: {  	_ =	shalt  }
0x6b: {  	_ =	shalt  }
0x6c: {  	_ =	shalt  }
0x6d: {  	_ =	shalt  }
0x6e: {  	_ =	shalt  }
0x6f: {  	_ =	shalt  }
0x70: {  	_ =	shalt  }
0x71: {  	_ =	shalt  }
0x72: {  	_ =	shalt  }
0x73: {  	_ =	shalt  }
0x74: {  	_ =	shalt  }
0x75: {  	_ =	shalt  }
0x76: {  	_ =	shalt  }
0x77: {  	_ =	shalt  }
0x78: {  	_ =	shalt  }
0x79: {  	_ =	shalt  }
0x7a: {  	_ =	shalt  }
0x7b: {  	_ =	shalt  }
0x7c: {  	_ =	shalt  }
0x7d: {  	_ =	shalt  }
0x7e: {  	_ =	shalt  }
0x7f: {  	_ =	shalt  }
0x80: {  	_ =	shalt  }
0x81: {  	_ =	shalt  }
0x82: {  	_ =	shalt  }
0x83: {  	_ =	shalt  }
0x84: {  	_ =	shalt  }
0x85: {  	_ =	shalt  }
0x86: {  	_ =	shalt  }
0x87: {  	_ =	shalt  }
.Lfunc_end0:
.L_simem_size_0:
called_computation.3_lowered:
.L_overlay_start_0:
0x88: {  	s2 =	sld [smem:$0x3FD9]  }
0x89: {  	s3 =	sld [smem:$0x3FFE];
	_ =	sdelay $0x1  }
0x8a: {  	s1 =	srdreg.scid  }
0x8b: {  	s0 =	sand.u32 $0x1, s1  }
0x8c: {  	s16 =	sshll.u32 s0, $0xA;
	s2 =	sadd.s32 s3, s2  }
0x8d: {  	s2 =	sadd.s32 s2, s16  }
0x8e: {  	[smem:$0x3FA6] =	sst s2  }
0x8f: {  	_ = 	snop  }
0x90: {  	(tm) =	ssettm $0x1  }
0x91: {  	s17 =	sld [smem:$0x3FFB];
	_ =	sdelay $0x3  }
0x92: {  	_ =	strace s17  }
0x93: {  	s2 =	sld [smem:$0x3FFC];
	_ =	sdelay $0x3  }
0x94: {  	_ =	strace s2  }
0x95: {  	s2 =	sld [smem:$0x3FFD];
	_ =	sdelay $0x3  }
0x96: {  	_ =	strace s2  }
0x97: {  	_ =	strace $0x8FFFFFFF  }
0x98: {  	s18 =	sld [smem:$0x3FDB];
	_ =	sdelay $0x1  }
0x99: {  	s19 =	simm.s32 $_scs_section_size  }
0x9a: {  	s4 =	simm.s32 $_size__tile_overlayer_lowered;
	s5 =	simm.s32 $_tile_overlayer_lowered  }
0x9b: {  	s22 =	simm.s32 $0x1BFF;
	s21 =	sshll.u32 s5, $0x1;
	s2 =	sadd.s32 s19, s18  }
0x9c: {  	s6 =	simm.s32 $0x0;
	s20 =	sshll.u32 s4, $0x1;
	s4 =	sadd.s32 s21, s2  }
0x9d: {  	[timem:s6], [sflag:s22] =	dma.local [hbm:s4], s20  }
0x9e: {  	_ =	swait.ge [sflag:s22], s20  }
0x9f: {  	s3 =	ssub.s32 $0x0, s20;
	[sflag:s22] =	ssyncset.done $0x0  }
0xa0: {  	[sflag:s22] =	ssyncadd.s32 s3;
	_ =	sdelay $0x1  }
0xa1: {  	s23 =	simm.s32 $0x1B8B  }
0xa2: {  	_ =	swait.ge [sflag:s23], $0x1  }
0xa3: {  	[sflag:s23] =	ssyncset.done $0x0  }
0xa4: {  	s25 =	simm.s32 $0x1B8E;
	s24 =	sld [smem:$0x3FFE];
	[sflag:s23] =	ssyncadd.s32 $0xFFFFFFFF  }
0xa5: {  	s26 =	simm.s32 $execute0_lowered;
	[smem:$0x3FD2] =	sst s25  }
0xa6: {  	s4 =	sshll.u32 s26, $0x1;
	_ =	strace $0x8000004F;
	[dreg:$0x1] =	wrdreg $0xFFFFFFFF  }
0xa7: {  	s28 =	simm.s32 $_size_execute0_lowered;
	s2 =	sadd.s32 s2, s4;
	[dreg:$0x0] =	wrdreg $0x0  }
0xa8: {  	s4 =	sshll.u32 s28, $0x1;
	[dreg:$0x2] =	wrdreg s2  }
0xa9: {  	[dreg:$0x3] =	wrdreg s4  }
0xaa: {  	[dreg:$0x4] =	wrdreg $0xC0  }
0xab: {  	_ =	task [dreg:s6], $0x5FFFF  }
0xac: {  	[dreg:$0x1] =	wrdreg $0xFFFFFFFF  }
0xad: {  	[dreg:$0x0] =	wrdreg $0x60  }
0xae: {  	[dreg:$0x2] =	wrdreg s24  }
0xaf: {  	[dreg:$0x3] =	wrdreg $0x9  }
0xb0: {  	_ =	task.clear_ibuf [dreg:s6], $0x4FFFF;
	_ =	strace $0x9000004F  }
0xb1: {  	s29 =	simm.s32 $0x9;
	_ =	strace $0x80000051  }
0xb2: {  	_ =	swait.ge [sflag:s29], $0x1  }
0xb3: {  	[sflag:s29] =	ssyncadd.s32 $0xFFFFFFFF  }
0xb4: {  	_ =	strace $0x90000051  }
0xb5: {  	_ =	sfence  }
0xb6: {  	s30 =	sld [smem:$0x0];
	_ =	sdelay $0x2  }
0xb7: {  	s31 =	sshll.u32 s1, $0xD;
	s1 =	sshrl.u32 s1, $0x2  }
0xb8: {  	s3 =	sand.u32 $0x4000, s31;
	s1 =	sadd.s32 s1, s30  }
0xb9: {  	s0 =	sor.u32 s3, s0;
	s1 =	sshll.u32 s1, $0x11  }
0xba: {  	s0 =	sor.u32 s1, s0  }
0xbb: {  	s0 =	sadd.s32 $0x8F2B, s0  }
0xbc: {  	[sflag:s0] =	ssyncadd.remote.s32 $0x1  }
0xbd: {  	_ =	sfence.sel $0xFFFF  }
0xbe: {  	[dreg:$0x0] =	wrdreg $0xFFFFFFFF;
	(pc) =	sbr.abs _section_cstart, $3  }
0xbf: {  	[dreg:$0x1] =	wrdreg $0xFFFFFFFF  }
0xc0: {  	_ =	task.clear_ibuf [dreg:s6], $0x2FFFF;
	_ =	strace $0x9FFFFFFF  }
0xc1: {  	(tm) =	ssettm $0x7FFFFFFF  }
tec
execute0_lowered:
.L_overlay_start_1:
0x0: {  	(tag) =	ssettag $0x1  }
0x1: {  	s4 =	rddreg [dreg:$0x0]  }
0x2: {  	s0 =	rddreg [dreg:$0x1]  }
0x3: {  	s3 =	srdreg.scid;
	s1 =	stileid.u32;
	s2 =	simm.s32 $0x0  }
0x4: {  	s11 =	simm.s32 $0x190;
	s12 =	simm.s32 $0x4F00;
	s13 =	simm.s32 $0x11700  }
0x5: {  	s14 =	simm.s32 $0x0;
	s5 =	sand.u32 $0x1, s3;
	s26 =	sshll.u32 s1, $0x1  }
0x6: {  	[smem:$0x7FF] =	sst s2;
	s7 =	smul.u32 $0x4E200, s1;
	s3 =	sor.u32 s5, s26  }
0x7: {  	_ =	strace $0x80000050;
	s8 =	ssub.s32 $0x2, s5;
	s10 =	smul.u32 $0x27100, s5  }
0x8: {  	s6 =	smul.u32 $0x2710, s3;
	s9 =	sshrl.u32 s8, $0x1;
	s29 =	sadd.s32 s7, s4  }
0x9: {  	s3 =	sadd.s32 $0x1CA00, s4;
	s30 =	ssub.s32 s8, s9;
	s31 =	sadd.s32 s10, s29  }
0xa: {  	s9 =	simm.s32 $0x2780;
	s10 =	simm.s32 $0x1;
	s6 =	sshrl.u32 s6, $0x3  }
0xb: {  	s7 =	sadd.s32 $0x43C00, s31;
	s8 =	sadd.s32 $0x525C00, s31;
	s28 =	sadd.s32 s6, s4  }
0xc: {  	s6 =	smax.u32 s30, $0x1;
	s4 =	sadd.s32 $0x12C00, s28;
	s5 =	sadd.s32 $0x8E00, s28  }
.LBB2_1:
0xd: {  	[tilespmem:s2], [sflag:$0x1] =	stream.linear.gather [hbm4b:s4+s2], $0x2710, $0x38;
	[tilespmem:$0x1DF00] =	vst v63  }
0xe: {  	_ = 	snop  }
0xf: {  	[tilespmem:s9], [sflag:$0x1] =	stream.linear.gather [hbm4b:s5+s2], $0x2710, $0x38;
	[tilespmem:$0x1DF00] =	vst v63  }
0x10: {  	_ =	swait.ge [sflag:s10], $0x2710  }
0x11: {  	[sflag:s10] =	ssyncset.done $0x0  }
0x12: {  	[sflag:s10] =	ssyncadd.s32 $0xFFFFD8F0  }
0x13: {  	_ =	swait.ge [sflag:s10], $0x2710  }
0x14: {  	[sflag:s10] =	ssyncset.done $0x0  }
0x15: {  	s15 =	simm.s32 $0x0;
	[sflag:s10] =	ssyncadd.s32 $0xFFFFD8F0  }
0x16: {  	[tilespmem:s12], [sflag:$0x1] =	stream.indirect.gather [hbm4b:s3+s11], $0x80, s15, s11, $0xb8;
	[tilespmem:$0x1DF00] =	vst v63  }
0x17: {  	s31 =	simm.s32 $0x2780  }
0x18: {  	[tilespmem:s13], [sflag:$0x1] =	stream.indirect.gather [hbm4b:s3+s11], $0x80, s31, s11, $0xb8;
	[tilespmem:$0x1DF00] =	vst v63  }
0x19: {  	_ =	swait.ge [sflag:s10], $0xC800  }
0x1a: {  	[sflag:s10] =	ssyncset.done $0x0  }
0x1b: {  	[sflag:s10] =	ssyncadd.s32 $0xFFFF3800  }
0x1c: {  	_ =	swait.ge [sflag:s10], $0xC800  }
0x1d: {  	[sflag:s10] =	ssyncset.done $0x0  }
0x1e: {  	[sflag:s10] =	ssyncadd.s32 $0xFFFF3800  }
0x1f: {  	[hbm4b:s7+s2] =	stream.linear.scatter [tilespmem:s12], [sflag:$0x1], $0xC800, $0x38;
	[tilespmem:$0x1DF00] =	vst v63  }
0x20: {  	_ = 	snop  }
0x21: {  	[hbm4b:s8+s2] =	stream.linear.scatter [tilespmem:s13], [sflag:$0x1], $0xC800, $0x38;
	[tilespmem:$0x1DF00] =	vst v63  }
0x22: {  	_ =	swait.ge [sflag:s10], $0xC800  }
0x23: {  	[sflag:s10] =	ssyncset.done $0x0  }
0x24: {  	[sflag:s10] =	ssyncadd.s32 $0xFFFF3800  }
0x25: {  	s17 =	simm.s32 $0x640;
	s18 =	simm.s32 $0xC80;
	_ =	swait.ge [sflag:s10], $0xC800  }
0x26: {  	s16 =	sadd.s32 $0x1900, s8;
	s15 =	sadd.s32 $0x1900, s7;
	[sflag:s10] =	ssyncset.done $0x0  }
.LBB2_2:
0x27: {  	s19 =	sshra.s32 s17, $0x2  }
0x28: {  	[sflag:s10] =	ssyncadd.s32 $0xFFFF3800;
	s17 =	smov.u32 s18;
	s20 =	sadd.s32 $0x640, s18  }
0x29: {  	[tilespmem:s12], [sflag:$0x1] =	stream.indirect.gather [hbm4b:s3+s11], $0x80, s19, s11, $0xb8;
	[tilespmem:$0x1DF00] =	vst v63  }
0x2a: {  	p0 =	sne.s32 s18, $0x9600;
	s18 =	sadd.s32 $0x2780, s19  }
0x2b: {  	[tilespmem:s13], [sflag:$0x1] =	stream.indirect.gather [hbm4b:s3+s11], $0x80, s18, s11, $0xb8;
	[tilespmem:$0x1DF00] =	vst v63  }
0x2c: {  	_ =	swait.ge [sflag:s10], $0xC800  }
0x2d: {  	[sflag:s10] =	ssyncset.done $0x0  }
0x2e: {  	[sflag:s10] =	ssyncadd.s32 $0xFFFF3800  }
0x2f: {  	_ =	swait.ge [sflag:s10], $0xC800  }
0x30: {  	[sflag:s10] =	ssyncset.done $0x0  }
0x31: {  	[sflag:s10] =	ssyncadd.s32 $0xFFFF3800  }
0x32: {  	[hbm4b:s15+s2] =	stream.linear.scatter [tilespmem:s12], [sflag:$0x1], $0xC800, $0x38;
	[tilespmem:$0x1DF00] =	vst v63  }
0x33: {  	_ = 	snop  }
0x34: {  	[hbm4b:s16+s2] =	stream.linear.scatter [tilespmem:s13], [sflag:$0x1], $0xC800, $0x38;
	[tilespmem:$0x1DF00] =	vst v63  }
.Ltmp0:
0x35: {  	_ =	swait.ge [sflag:s10], $0xC800;
	(pc) =	sbr.rel @p0 .LBB2_2-.Ltmp0, $4  }
0x36: {  	[sflag:s10] =	ssyncset.done $0x0  }
0x37: {  	[sflag:s10] =	ssyncadd.s32 $0xFFFF3800  }
0x38: {  	s18 =	smov.u32 s20;
	_ =	swait.ge [sflag:s10], $0xC800  }
0x39: {  	s15 =	sadd.s32 $0x1900, s15;
	s16 =	sadd.s32 $0x1900, s16;
	[sflag:s10] =	ssyncset.done $0x0  }
0x3a: {  	s17 =	sshra.s32 s17, $0x2;
	[sflag:s10] =	ssyncadd.s32 $0xFFFF3800  }
0x3b: {  	[tilespmem:s12], [sflag:$0x1] =	stream.indirect.gather [hbm4b:s3+s11], $0x80, s17, s11, $0xb8;
	[tilespmem:$0x1DF00] =	vst v63  }
0x3c: {  	s17 =	sadd.s32 $0x2780, s17  }
0x3d: {  	[tilespmem:s13], [sflag:$0x1] =	stream.indirect.gather [hbm4b:s3+s11], $0x80, s17, s11, $0xb8;
	[tilespmem:$0x1DF00] =	vst v63  }
0x3e: {  	_ =	swait.ge [sflag:s10], $0xC800  }
0x3f: {  	[sflag:s10] =	ssyncset.done $0x0  }
0x40: {  	[sflag:s10] =	ssyncadd.s32 $0xFFFF3800  }
0x41: {  	_ =	swait.ge [sflag:s10], $0xC800  }
0x42: {  	[sflag:s10] =	ssyncset.done $0x0  }
0x43: {  	[sflag:s10] =	ssyncadd.s32 $0xFFFF3800  }
0x44: {  	[hbm4b:s15+s2] =	stream.linear.scatter [tilespmem:s12], [sflag:$0x1], $0xC800, $0x38;
	[tilespmem:$0x1DF00] =	vst v63  }
0x45: {  	s14 =	sadd.s32 $0x1, s14  }
0x46: {  	[hbm4b:s16+s2] =	stream.linear.scatter [tilespmem:s13], [sflag:$0x1], $0xC800, $0x38;
	[tilespmem:$0x1DF00] =	vst v63  }
0x47: {  	p0 =	sne.s32 s14, s6;
	_ =	swait.ge [sflag:s10], $0xC800  }
.Ltmp1:
0x48: {  	[sflag:s10] =	ssyncset.done $0x0;
	(pc) =	sbr.rel @p0 .LBB2_1-.Ltmp1, $4  }
0x49: {  	[sflag:s10] =	ssyncadd.s32 $0xFFFF3800  }
0x4a: {  	_ =	swait.ge [sflag:s10], $0xC800  }
0x4b: {  	[sflag:s10] =	ssyncset.done $0x0  }
0x4c: {  	[sflag:s10] =	ssyncadd.s32 $0xFFFF3800  }
0x4d: {  	_ =	sfence.sel $0x180000  }
0x4e: {  	[bflag:$0x0] =	sbarrier.arrive $0xFFFF  }
0x4f: {  	p0 =	sne.s32 s1, $0x0;
	_ =	strace $0x90000050  }
0x50: {  	s0 =	sadd.s32 @!p0 $0x100000, s0;
	[bflag:$0x2] =	sbarrier.arrive $0xFFFF  }
0x51: {  	[sflag:s0] =	ssyncadd.tile.s32 @!p0 $0x1;
	_ =	shalt  }
.Lfunc_end2:
_tile_overlayer_lowered:
.L_overlay_start_2:
0x52: {  	(tag) =	ssettag $0x2  }
0x53: {  	s0 =	rddreg [dreg:$0x0];
	s2 =	stileid.u32  }
0x54: {  	s1 =	rddreg [dreg:$0x1];
	p0 =	sne.s32 s2, $0x0  }
0x55: {  	s3 =	rddreg [dreg:$0x2];
	[bflag:$0x3] =	sbarrier.arrive $0xFFFF;
	s2 =	simm.s32 @!p0 $0x1C02  }
0x56: {  	[timem:s3], [sflag:s2] =	dma.local @!p0 [hbm:s0], s1  }
0x57: {  	s0 =	simm.s32 @!p0 $0x2  }
0x58: {  	_ =	swait.ge @!p0 [sflag:s0], s1  }
0x59: {  	s1 =	ssub.s32 @!p0 $0x0, s1;
	[sflag:s0] =	ssyncset.done @!p0 $0x0  }
0x5a: {  	[sflag:s0] =	ssyncadd.s32 @!p0 s1  }
0x5b: {  	[bflag:$0x3] =	sbarrier.arrive $0xFFFF  }
0x5c: {  	_ =	shalt  }

// kernel: kernel.32.cloned.1.call-start
scs
__scs_entry_jumppad:
0x0: {  	(pc) =	sbr.rel $0x88, $3  }
0x1: {  	(tag) =	ssettag $0x0;
	lr =	simm.s32 $0x1  }
0x2: {  	[smem:$0x3F7F] =	sst lr;
	_ =	strace $0xD0000000  }
0x3: {  	_ = 	snop  }
0x4: {  	_ = 	snop  }
0x5: {  	_ = 	snop  }
0x6: {  	_ = 	snop  }
0x7: {  	_ = 	snop  }
__scs_overlays_trampoline_lowered:
0x8: {  	[smem:$0x3F8E] =	sst s0  }
0x9: {  	[smem:$0x3F8F] =	sst s1  }
0xa: {  	[smem:$0x3F90] =	sst s2  }
0xb: {  	[smem:$0x3F91] =	sst s3  }
0xc: {  	[smem:$0x3F92] =	sst s4  }
0xd: {  	[smem:$0x3F93] =	sst s5  }
0xe: {  	[smem:$0x3F94] =	sst s6  }
0xf: {  	[smem:$0x3F95] =	sst s7  }
0x10: {  	[smem:$0x3F96] =	sst s8  }
0x11: {  	[smem:$0x3F97] =	sst s9;
	s0 =	simm.s32 @!p0 $0x0  }
0x12: {  	s1 =	sld [smem:$0x3F7D];
	s0 =	simm.s32 @p0 $0x1  }
0x13: {  	[smem:$0x3F98] =	sst s0;
	s0 =	simm.s32 @!p1 $0x0  }
0x14: {  	s2 =	sld [smem:$0x3F7C];
	s0 =	simm.s32 @p1 $0x1  }
0x15: {  	[smem:$0x3F99] =	sst s0;
	s0 =	simm.s32 @!p2 $0x0  }
0x16: {  	s3 =	sld [smem:$0x3FDB];
	s0 =	simm.s32 @p2 $0x1  }
0x17: {  	s4 =	simm.s32 $0x1BF5;
	[smem:$0x3F9B] =	sst s0  }
0x18: {  	s0 =	sld [smem:$0x3F7E];
	_ =	swait.ge [sflag:s4], $0x0  }
0x19: {  	s7 =	sld [smem:$0x3F7F]  }
0x1a: {  	s8 =	sadd.s32 $0xFFFFE003, lr  }
0x1b: {  	s9 =	sadd.s32 $0xFFFFFEF7, lr;
	s5 =	simm.s32 $0xFFFFFFFF;
	p2 =	slt.u32 s8, $0xFFFFF086  }
0x1c: {  	p1 =	slt.u32 s9, $0xF7A;
	s5 =	simm.s32 @!p2 $0x0  }
0x1d: {  	s5 =	simm.s32 @p1 $0x1;
	p0 =	seq.s32 s7, s2  }
0x1e: {  	s7 =	smul.u32 @!p0 $0xF7A, s2;
	p2 =	seq.s32 @!p0 s5, $0x0  }
0x1f: {  	s9 =	smul.u32 $0xF7A, s1;
	s8 =	simm.s32 @!p0 $0x1BF5;
	p2 =	por !p2, p0  }
0x20: {  	[sflag:s8] =	ssyncset.s32 @!p0 $0xFFFFF086;
	s6 =	sadd.s32 @!p0 s3, s7;
	s7 =	simm.s32 @!p0 $0x108  }
0x21: {  	s3 =	sadd.s32 s3, s9;
	s6 =	sadd.s32 @!p0 $0x88, s6;
	s7 =	simm.s32 @p2 $0x1082  }
0x22: {  	[simem:s7], [sflag:s8] =	dma.local @!p0 [hbm:s6], $0xF7A  }
0x23: {  	s9 =	sor.u32 $0xD0000000, s2;
	s6 =	simm.s32 $0x108;
	_ =	swait.ge @!p0 [sflag:s8], $0x0  }
0x24: {  	s3 =	sadd.s32 $0x88, s3;
	s6 =	simm.s32 @!p1 $0x1082;
	[sflag:s4] =	ssyncset.s32 $0xFFFFF086  }
0x25: {  	[simem:s6], [sflag:s4] =	dma.local [hbm:s3], $0xF7A  }
0x26: {  	[smem:$0x3F7F] =	sst s1;
	(tag) =	ssettag s2;
	_ =	strace s9  }
0x27: {  	s1 =	sld [smem:$0x3F8F]  }
0x28: {  	s2 =	sld [smem:$0x3F90]  }
0x29: {  	s4 =	sld [smem:$0x3F92]  }
0x2a: {  	p0 =	seq.s32 s5, $0x0;
	s5 =	sld [smem:$0x3F93]  }
0x2b: {  	s6 =	sld [smem:$0x3F94]  }
0x2c: {  	s7 =	sld [smem:$0x3F95]  }
0x2d: {  	s3 =	simm.s32 $0x108;
	s8 =	sld [smem:$0x3F96]  }
0x2e: {  	s3 =	simm.s32 @!p0 $0x1082;
	s9 =	sld [smem:$0x3F97]  }
0x2f: {  	lr =	sadd.s32 s0, s3;
	s0 =	sld [smem:$0x3F8E]  }
0x30: {  	s3 =	sld [smem:$0x3F91]  }
0x31: {  	[smem:$0x3F9A] =	sst s10  }
0x32: {  	s10 =	sld [smem:$0x3F98];
	_ =	sdelay $0x3  }
0x33: {  	p0 =	seq.s32 s10, $0x1;
	s10 =	sld [smem:$0x3F9A];
	_ =	sdelay $0x3  }
0x34: {  	[smem:$0x3F9A] =	sst s10  }
0x35: {  	s10 =	sld [smem:$0x3F99];
	_ =	sdelay $0x3  }
0x36: {  	p1 =	seq.s32 s10, $0x1;
	s10 =	sld [smem:$0x3F9A];
	_ =	sdelay $0x3  }
0x37: {  	[smem:$0x3F9A] =	sst s10  }
0x38: {  	s10 =	sld [smem:$0x3F9B]  }
0x39: {  	_ = 	snop;
	(pc) =	sbr.ind lr, $3  }
0x3a: {  	_ = 	snop  }
0x3b: {  	_ = 	snop  }
0x3c: {  	p2 =	seq.s32 s10, $0x1;
	s10 =	sld [smem:$0x3F9A]  }
0x3d: {  	_ =	shalt  }
0x3e: {  	_ =	shalt  }
0x3f: {  	_ =	shalt  }
0x40: {  	_ =	shalt  }
0x41: {  	_ =	shalt  }
0x42: {  	_ =	shalt  }
0x43: {  	_ =	shalt  }
0x44: {  	_ =	shalt  }
0x45: {  	_ =	shalt  }
0x46: {  	_ =	shalt  }
0x47: {  	_ =	shalt  }
0x48: {  	_ =	shalt  }
0x49: {  	_ =	shalt  }
0x4a: {  	_ =	shalt  }
0x4b: {  	_ =	shalt  }
0x4c: {  	_ =	shalt  }
0x4d: {  	_ =	shalt  }
0x4e: {  	_ =	shalt  }
0x4f: {  	_ =	shalt  }
0x50: {  	_ =	shalt  }
0x51: {  	_ =	shalt  }
0x52: {  	_ =	shalt  }
0x53: {  	_ =	shalt  }
0x54: {  	_ =	shalt  }
0x55: {  	_ =	shalt  }
0x56: {  	_ =	shalt  }
0x57: {  	_ =	shalt  }
0x58: {  	_ =	shalt  }
0x59: {  	_ =	shalt  }
0x5a: {  	_ =	shalt  }
0x5b: {  	_ =	shalt  }
0x5c: {  	_ =	shalt  }
0x5d: {  	_ =	shalt  }
0x5e: {  	_ =	shalt  }
0x5f: {  	_ =	shalt  }
0x60: {  	_ =	shalt  }
0x61: {  	_ =	shalt  }
0x62: {  	_ =	shalt  }
0x63: {  	_ =	shalt  }
0x64: {  	_ =	shalt  }
0x65: {  	_ =	shalt  }
0x66: {  	_ =	shalt  }
0x67: {  	_ =	shalt  }
0x68: {  	_ =	shalt  }
0x69: {  	_ =	shalt  }
0x6a: {  	_ =	shalt  }
0x6b: {  	_ =	shalt  }
0x6c: {  	_ =	shalt  }
0x6d: {  	_ =	shalt  }
0x6e: {  	_ =	shalt  }
0x6f: {  	_ =	shalt  }
0x70: {  	_ =	shalt  }
0x71: {  	_ =	shalt  }
0x72: {  	_ =	shalt  }
0x73: {  	_ =	shalt  }
0x74: {  	_ =	shalt  }
0x75: {  	_ =	shalt  }
0x76: {  	_ =	shalt  }
0x77: {  	_ =	shalt  }
0x78: {  	_ =	shalt  }
0x79: {  	_ =	shalt  }
0x7a: {  	_ =	shalt  }
0x7b: {  	_ =	shalt  }
0x7c: {  	_ =	shalt  }
0x7d: {  	_ =	shalt  }
0x7e: {  	_ =	shalt  }
0x7f: {  	_ =	shalt  }
0x80: {  	_ =	shalt  }
0x81: {  	_ =	shalt  }
0x82: {  	_ =	shalt  }
0x83: {  	_ =	shalt  }
0x84: {  	_ =	shalt  }
0x85: {  	_ =	shalt  }
0x86: {  	_ =	shalt  }
0x87: {  	_ =	shalt  }
.Lfunc_end0:
.L_simem_size_0:
called_computation.4_lowered:
.L_overlay_start_0:
0x88: {  	s2 =	sld [smem:$0x3FD9]  }
0x89: {  	s3 =	sld [smem:$0x3FFE];
	_ =	sdelay $0x1  }
0x8a: {  	s1 =	srdreg.scid  }
0x8b: {  	s0 =	sand.u32 $0x1, s1  }
0x8c: {  	s16 =	sshll.u32 s0, $0xA;
	s2 =	sadd.s32 s3, s2  }
0x8d: {  	s2 =	sadd.s32 s2, s16  }
0x8e: {  	[smem:$0x3FA6] =	sst s2  }
0x8f: {  	_ = 	snop  }
0x90: {  	(tm) =	ssettm $0x1  }
0x91: {  	s17 =	sld [smem:$0x3FFB];
	_ =	sdelay $0x3  }
0x92: {  	_ =	strace s17  }
0x93: {  	s2 =	sld [smem:$0x3FFC];
	_ =	sdelay $0x3  }
0x94: {  	_ =	strace s2  }
0x95: {  	s2 =	sld [smem:$0x3FFD];
	_ =	sdelay $0x3  }
0x96: {  	_ =	strace s2  }
0x97: {  	_ =	strace $0x8FFFFFFF  }
0x98: {  	s18 =	sld [smem:$0x3FDB];
	_ =	sdelay $0x1  }
0x99: {  	s19 =	simm.s32 $_scs_section_size  }
0x9a: {  	s4 =	simm.s32 $_size__tile_overlayer_lowered;
	s5 =	simm.s32 $_tile_overlayer_lowered  }
0x9b: {  	s22 =	simm.s32 $0x1BFF;
	s21 =	sshll.u32 s5, $0x1;
	s2 =	sadd.s32 s19, s18  }
0x9c: {  	s6 =	simm.s32 $0x0;
	s20 =	sshll.u32 s4, $0x1;
	s4 =	sadd.s32 s21, s2  }
0x9d: {  	[timem:s6], [sflag:s22] =	dma.local [hbm:s4], s20  }
0x9e: {  	_ =	swait.ge [sflag:s22], s20  }
0x9f: {  	s3 =	ssub.s32 $0x0, s20;
	[sflag:s22] =	ssyncset.done $0x0  }
0xa0: {  	[sflag:s22] =	ssyncadd.s32 s3;
	_ =	sdelay $0x1  }
0xa1: {  	s23 =	simm.s32 $0x1B8B  }
0xa2: {  	_ =	swait.ge [sflag:s23], $0x1  }
0xa3: {  	[sflag:s23] =	ssyncset.done $0x0  }
0xa4: {  	s25 =	simm.s32 $0x1B8E;
	s24 =	sld [smem:$0x3FFE];
	[sflag:s23] =	ssyncadd.s32 $0xFFFFFFFF  }
0xa5: {  	s26 =	simm.s32 $execute0_lowered;
	[smem:$0x3FD2] =	sst s25  }
0xa6: {  	s4 =	sshll.u32 s26, $0x1;
	_ =	strace $0x80000052;
	[dreg:$0x1] =	wrdreg $0xFFFFFFFF  }
0xa7: {  	s28 =	simm.s32 $_size_execute0_lowered;
	s2 =	sadd.s32 s2, s4;
	[dreg:$0x0] =	wrdreg $0x0  }
0xa8: {  	s4 =	sshll.u32 s28, $0x1;
	[dreg:$0x2] =	wrdreg s2  }
0xa9: {  	[dreg:$0x3] =	wrdreg s4  }
0xaa: {  	[dreg:$0x4] =	wrdreg $0xC0  }
0xab: {  	_ =	task [dreg:s6], $0x5FFFF  }
0xac: {  	[dreg:$0x1] =	wrdreg $0xFFFFFFFF  }
0xad: {  	[dreg:$0x0] =	wrdreg $0x60  }
0xae: {  	[dreg:$0x2] =	wrdreg s24  }
0xaf: {  	[dreg:$0x3] =	wrdreg $0x9  }
0xb0: {  	_ =	task.clear_ibuf [dreg:s6], $0x4FFFF;
	_ =	strace $0x90000052  }
0xb1: {  	s29 =	simm.s32 $0x9;
	_ =	strace $0x80000054  }
0xb2: {  	_ =	swait.ge [sflag:s29], $0x1  }
0xb3: {  	[sflag:s29] =	ssyncadd.s32 $0xFFFFFFFF  }
0xb4: {  	_ =	strace $0x90000054  }
0xb5: {  	_ =	sfence  }
0xb6: {  	s30 =	sld [smem:$0x0];
	_ =	sdelay $0x2  }
0xb7: {  	s31 =	sshll.u32 s1, $0xD;
	s1 =	sshrl.u32 s1, $0x2  }
0xb8: {  	s3 =	sand.u32 $0x4000, s31;
	s1 =	sadd.s32 s1, s30  }
0xb9: {  	s0 =	sor.u32 s3, s0;
	s1 =	sshll.u32 s1, $0x11  }
0xba: {  	s0 =	sor.u32 s1, s0  }
0xbb: {  	s0 =	sadd.s32 $0x8F2B, s0  }
0xbc: {  	[sflag:s0] =	ssyncadd.remote.s32 $0x1  }
0xbd: {  	_ =	sfence.sel $0xFFFF  }
0xbe: {  	[dreg:$0x0] =	wrdreg $0xFFFFFFFF;
	(pc) =	sbr.abs _section_cstart, $3  }
0xbf: {  	[dreg:$0x1] =	wrdreg $0xFFFFFFFF  }
0xc0: {  	_ =	task.clear_ibuf [dreg:s6], $0x2FFFF;
	_ =	strace $0x9FFFFFFF  }
0xc1: {  	(tm) =	ssettm $0x7FFFFFFF  }
tec
execute0_lowered:
.L_overlay_start_1:
0x0: {  	(tag) =	ssettag $0x1  }
0x1: {  	s5 =	rddreg [dreg:$0x0]  }
0x2: {  	s0 =	rddreg [dreg:$0x1]  }
0x3: {  	s3 =	srdreg.scid;
	s1 =	stileid.u32  }
0x4: {  	s2 =	simm.s32 $0x0;
	s10 =	simm.s32 $0x2;
	s11 =	simm.s32 $0x1  }
0x5: {  	s12 =	simm.s32 $0x200;
	s13 =	simm.s32 $0x400;
	s14 =	simm.s32 $0x10480  }
0x6: {  	s15 =	simm.s32 $0x0;
	s4 =	sand.u32 $0x1, s3;
	s30 =	sshll.u32 s1, $0x1  }
0x7: {  	[smem:$0x7FF] =	sst s2;
	s3 =	sadd.s32 $0xA07C00, s5;
	s6 =	sor.u32 s4, s30  }
.Ltmp0:
0x8: {  	_ =	strace $0x80000053;
	s9 =	ssub.s32 $0x2, s4;
	(pc) =	sbr.rel .LBB2_1-.Ltmp0, $4  }
0x9: {  	s4 =	sadd.s32 $0xB42600, s5;
	s7 =	sshll.u32 s6, $0x1;
	s8 =	smul.u32 $0xA00, s6  }
0xa: {  	v0 =	vimm.f32 $0.0e+00;
	s31 =	sshrl.u32 s9, $0x1;
	s6 =	smul.u32 $0x4EA00, s6;
	s7 =	sadd.s32 s7, s5  }
0xb: {  	v1 =	vlaneseq.u32;
	v2 =	vimm.s32 $0xFFFD8F00;
	v3 =	vimm.s32 $0x0;
	s9 =	ssub.s32 s9, s31;
	s8 =	sadd.s32 s8, s5;
	s5 =	sadd.s32 $0xB42400, s7  }
0xc: {  	v4 =	vor.u32 $0x10, v1;
	v5 =	vor.u32 $0x20, v1;
	v6 =	vor.u32 $0x30, v1;
	s7 =	sadd.s32 $0x1CA00, s8;
	s8 =	smax.u32 s9, $0x1;
	s9 =	simm.s32 $0x10400  }
.LBB2_14:
0xd: {  	s15 =	sadd.s32 $0x1, s15  }
0xe: {  	p0 =	sne.s32 s15, s8  }
.Ltmp1:
0xf: {  	_ = 	snop;
	(pc) =	sbr.rel @!p0 .LBB2_15-.Ltmp1, $4  }
0x10: {  	[hbm4b:s7+s2] =	stream.linear.scatter [tilespmem:s14], [sflag:$0x2], $0x5000, $0x38;
	[tilespmem:$0x15480] =	vst v63  }
0x11: {  	_ =	swait.ge [sflag:s10], $0x5000  }
0x12: {  	[sflag:s10] =	ssyncset.done $0x0  }
0x13: {  	[sflag:s10] =	ssyncadd.s32 $0xFFFFB000  }
.LBB2_1:
0x14: {  	s16 =	simm.s32 $0x0;
	s17 =	simm.s32 $0x200  }
.LBB2_2:
0x15: {  	p0 =	sne.s32 s17, $0x13E00;
	[tilespmem:s16+$0x104F0] =	vst v0  }
0x16: {  	[tilespmem:s16+$0x10480] =	vst v0  }
0x17: {  	[tilespmem:s16+$0x10490] =	vst v0  }
.Ltmp2:
0x18: {  	[tilespmem:s16+$0x104A0] =	vst v0;
	(pc) =	sbr.rel @p0 .LBB2_2-.Ltmp2, $4  }
0x19: {  	[tilespmem:s16+$0x104B0] =	vst v0  }
0x1a: {  	[tilespmem:s16+$0x104C0] =	vst v0  }
0x1b: {  	[tilespmem:s16+$0x104D0] =	vst v0  }
0x1c: {  	[tilespmem:s16+$0x104E0] =	vst v0;
	s16 =	sshra.s32 s17, $0x2;
	s17 =	sadd.s32 $0x200, s17  }
0x1d: {  	[tilespmem:s16+$0x104F0] =	vst v0  }
0x1e: {  	[tilespmem:s16+$0x10480] =	vst v0  }
0x1f: {  	[tilespmem:s16+$0x10490] =	vst v0  }
0x20: {  	[tilespmem:s16+$0x104A0] =	vst v0  }
0x21: {  	[tilespmem:s16+$0x104B0] =	vst v0  }
0x22: {  	[tilespmem:s16+$0x104C0] =	vst v0  }
0x23: {  	[tilespmem:s16+$0x104D0] =	vst v0  }
0x24: {  	[tilespmem:s16+$0x104E0] =	vst v0  }
0x25: {  	[tilespmem:s9], [sflag:$0x2] =	stream.linear.gather [hbm4b:s5+s2], $0x10, $0x38;
	[tilespmem:$0x15480] =	vst v63  }
0x26: {  	_ =	swait.ge [sflag:s10], $0x10  }
0x27: {  	[sflag:s10] =	ssyncset.done $0x0  }
0x28: {  	[sflag:s10] =	ssyncadd.s32 $0xFFFFFFF0  }
0x29: {  	v7 =	vld [tilespmem:$0x10400];
	_ =	sdelay $0x4  }
0x2a: {  	(v2sf) =	vpush v7, $0x0;
	_ =	sdelay $0xe  }
0x2b: {  	s16 =	spop (v2sf)  }
0x2c: {  	s17 =	sadd.s32 $0x1FF, s16  }
0x2d: {  	s18 =	sand.u32 $0x1FF, s17  }
0x2e: {  	s31 =	sshra.s32 s17, $0x1F;
	p1 =	slt.s32 s17, $0x1;
	p0 =	sne.s32 s18, $0x0  }
0x2f: {  	s18 =	sshrl.u32 s31, $0x17;
	p0 =	por !p1, !p0  }
0x30: {  	s17 =	sadd.s32 s18, s17;
	s18 =	simm.s32 $0x1;
	p0 =	por !p0, !p0  }
0x31: {  	s17 =	sshra.s32 s17, $0x9;
	s18 =	simm.s32 @!p0 $0x0  }
0x32: {  	s17 =	ssub.s32 s17, s18  }
0x33: {  	p0 =	slt.s32 s17, $0x1  }
.Ltmp3:
0x34: {  	_ = 	snop;
	(pc) =	sbr.rel @p0 .LBB2_14-.Ltmp3, $1  }
0x35: {  	_ =	sdelay $0x3  }
.Ltmp4:
0x36: {  	(pc) =	sbr.rel .LBB2_5-.Ltmp4, $3  }
0x37: {  	_ =	sdelay $0x1  }
0x38: {  	s18 =	simm.s32 $0x0  }
0x39: {  	v7 =	vbroadcast v7, $0x0;
	s19 =	simm.s32 $0x0;
	s20 =	smov.u32 s16;
	s21 =	simm.s32 $0x0  }
.LBB2_9:
0x3a: {  	_ = 	snop  }
.LBB2_12:
0x3b: {  	_ =	sdelay $0x2  }
0x3c: {  	v10 =	vmax.f32 @p0 v11, v10  }
0x3d: {  	[tilespmem:v9+s14+$0x0] =	vst.idx.msk @p0 $0xffff, v10  }
0x3e: {  	v9 =	vld.idx.msk [tilespmem:v8+s2+$0x0], $0xffff;
	_ =	sdelay $0x4  }
0x3f: {  	v58 =	vshll.u32 v9, $0x6;
	vm0 =	vgt.s32 v9, $0x4E1FFFF  }
0x40: {  	v8 =	vshll.u32 v8, $0x7;
	v9 =	vsel vm0, $0x40, v3;
	v10 =	vand.u32 $0x7FC0, v58  }
0x41: {  	v8 =	vor.u32 v8, v9;
	v59 =	vor.u32 v1, v10  }
0x42: {  	v60 =	vor.u32 v1, v8;
	_ =	sdelay $0x3  }
0x43: {  	v12 =	vld.idx.msk [tilespmem:v59+s14+$0x0], $0xffff  }
0x44: {  	v11 =	vld.idx.msk [tilespmem:v60+s13+$0x0], $0xffff;
	_ =	sdelay $0x1  }
0x45: {  	v13 =	vor.u32 v4, v8  }
0x46: {  	v14 =	vor.u32 v4, v10;
	_ =	sdelay $0x1  }
0x47: {  	v11 =	vmax.f32 v12, v11  }
0x48: {  	[tilespmem:v59+s14+$0x0] =	vst.idx.msk $0xffff, v11  }
0x49: {  	v9 =	vld.idx.msk [tilespmem:v13+s13+$0x0], $0xffff  }
0x4a: {  	v11 =	vld.idx.msk [tilespmem:v14+s14+$0x0], $0xffff;
	_ =	sdelay $0x1  }
0x4b: {  	v61 =	vor.u32 v5, v8  }
0x4c: {  	v62 =	vor.u32 v5, v10;
	_ =	sdelay $0x1  }
0x4d: {  	v9 =	vmax.f32 v11, v9  }
0x4e: {  	[tilespmem:v14+s14+$0x0] =	vst.idx.msk $0xffff, v9  }
0x4f: {  	v9 =	vld.idx.msk [tilespmem:v61+s13+$0x0], $0xffff  }
0x50: {  	v63 =	vld.idx.msk [tilespmem:v62+s14+$0x0], $0xffff;
	_ =	sdelay $0x1  }
0x51: {  	v8 =	vor.u32 v6, v8  }
0x52: {  	v10 =	vor.u32 v6, v10;
	_ =	sdelay $0x1  }
0x53: {  	v9 =	vmax.f32 v63, v9  }
0x54: {  	[tilespmem:v62+s14+$0x0] =	vst.idx.msk $0xffff, v9  }
0x55: {  	v8 =	vld.idx.msk [tilespmem:v8+s13+$0x0], $0xffff  }
0x56: {  	v9 =	vld.idx.msk [tilespmem:v10+s14+$0x0], $0xffff;
	_ =	sdelay $0x4  }
0x57: {  	v8 =	vmax.f32 v9, v8  }
0x58: {  	[tilespmem:v10+s14+$0x0] =	vst.idx.msk $0xffff, v8  }
.LBB2_13:
0x59: {  	s21 =	sadd.s32 $0x1, s21  }
0x5a: {  	p0 =	sne.s32 s21, s17  }
.Ltmp5:
0x5b: {  	_ = 	snop;
	(pc) =	sbr.rel @!p0 .LBB2_14-.Ltmp5, $2  }
0x5c: {  	_ =	sdelay $0x2  }
0x5d: {  	s20 =	sadd.s32 $0xFFFFFE00, s20;
	s19 =	sadd.s32 $0x200, s19  }
.LBB2_5:
0x5e: {  	s23 =	sshll.u32 s21, $0x9  }
0x5f: {  	s22 =	sadd.s32 s6, s23  }
0x60: {  	s22 =	sshrl.u32 s22, $0x3  }
0x61: {  	s22 =	sadd.s32 s3, s22  }
0x62: {  	[tilespmem:s18], [sflag:$0x2] =	stream.linear.gather [hbm4b:s22+s18], $0x200, $0x38;
	[tilespmem:$0x15480] =	vst v63  }
0x63: {  	_ =	swait.ge [sflag:s10], $0x200  }
0x64: {  	[sflag:s10] =	ssyncset.done $0x0  }
0x65: {  	s25 =	simm.s32 $0x0;
	[sflag:s10] =	ssyncadd.s32 $0xFFFFFE00  }
0x66: {  	v8 =	vld [tilespmem:s25+$0x0];
	_ =	sdelay $0x4  }
0x67: {  	v8 =	vshra.s32 v8, $0x9  }
0x68: {  	vm0 =	vlt.s32 v8, $0x27100  }
0x69: {  	v9 =	vor.u32 s19, v1;
	s24 =	simm.s32 $0x10;
	v10 =	vsel vm0, $0x0, v2  }
0x6a: {  	vm15 =	vlt.s32 v9, v7;
	v9 =	vadd.s32 v8, v10;
	v8 =	vld [tilespmem:s24+$0x0];
	_ =	sdelay $0x1  }
0x6b: {  	p0 =	sgt.s32 s20, $0x1;
	s22 =	smov.u32 s20  }
0x6c: {  	s22 =	simm.s32 @!p0 $0x1;
	v9 =	vnsel vm15, $0x0, v9  }
0x6d: {  	s26 =	simm.s32 $0x80;
	s22 =	smin.u32 s22, $0x200;
	[tilespmem:s25+$0x200] =	vst v9;
	s25 =	smov.u32 s19  }
.LBB2_6:
0x6e: {  	s28 =	sshra.s32 s26, $0x2;
	p0 =	sne.s32 s26, $0x7C0;
	s26 =	sadd.s32 $0x40, s26;
	v9 =	vshra.s32 v8, $0x9  }
.Ltmp6:
0x6f: {  	s25 =	sadd.s32 $0x10, s25;
	v8 =	vld [tilespmem:s28+$0x0];
	vm0 =	vlt.s32 v9, $0x27100;
	(pc) =	sbr.rel @p0 .LBB2_6-.Ltmp6, $4  }
0x70: {  	v10 =	vor.u32 s25, v1;
	v11 =	vsel vm0, $0x0, v2  }
0x71: {  	vm0 =	vlt.s32 v10, v7;
	v9 =	vadd.s32 v9, v11  }
0x72: {  	v9 =	vnsel vm0, $0x0, v9  }
0x73: {  	[tilespmem:s24+$0x200] =	vst v9;
	s24 =	smov.u32 s28  }
0x74: {  	v8 =	vshra.s32 v8, $0x9  }
0x75: {  	s25 =	sadd.s32 $0x10, s25;
	vm0 =	vlt.s32 v8, $0x27100  }
0x76: {  	v9 =	vor.u32 s25, v1;
	v10 =	vsel vm0, $0x0, v2  }
0x77: {  	s23 =	ssub.s32 s16, s23;
	vm15 =	vlt.s32 v9, v7;
	v8 =	vadd.s32 v8, v10  }
0x78: {  	p0 =	slt.s32 s23, $0x1;
	v8 =	vnsel vm15, $0x0, v8  }
.Ltmp7:
0x79: {  	[tilespmem:s24+$0x200] =	vst v8;
	(pc) =	sbr.rel @p0 .LBB2_13-.Ltmp7, $4  }
0x7a: {  	[tilespmem:s13], [sflag:$0x1] =	stream.indirect.gather [hbm4b:s4+s12], $0x80, s12, s12, $0xb8;
	[tilespmem:$0x15480] =	vst v63  }
0x7b: {  	_ =	swait.ge [sflag:s11], $0x10000  }
0x7c: {  	[sflag:s11] =	ssyncset.done $0x0  }
0x7d: {  	s23 =	simm.s32 $0x0;
	[sflag:s11] =	ssyncadd.s32 $0xFFFF0000  }
0x7e: {  	p1 =	sne.s32 s22, $0x1  }
.Ltmp8:
0x7f: {  	_ = 	snop;
	(pc) =	sbr.rel @!p1 .LBB2_9-.Ltmp8, $2  }
0x80: {  	_ =	sdelay $0x2  }
0x81: {  	s24 =	simm.s32 $0x1;
	v8 =	vmov s23;
	p0 =	por $0x0, $0x0  }
0x82: {  	_ =	sdelay $0x3  }
0x83: {  	v9 =	vld.idx.msk [tilespmem:v8+s2+$0x0], $0xffff;
	_ =	sdelay $0x4  }
0x84: {  	v10 =	vshll.u32 v9, $0x6;
	vm0 =	vgt.s32 v9, $0x4E1FFFF  }
0x85: {  	v8 =	vshll.u32 v8, $0x7;
	v9 =	vsel vm0, $0x40, v3;
	v10 =	vand.u32 $0x7FC0, v10  }
0x86: {  	v8 =	vor.u32 v8, v9;
	v9 =	vor.u32 v1, v10  }
0x87: {  	v11 =	vor.u32 v1, v8;
	_ =	sdelay $0x3  }
0x88: {  	v12 =	vld.idx.msk [tilespmem:v9+s14+$0x0], $0xffff  }
0x89: {  	v11 =	vld.idx.msk [tilespmem:v11+s13+$0x0], $0xffff;
	_ =	sdelay $0x1  }
0x8a: {  	v13 =	vor.u32 v4, v8  }
0x8b: {  	v14 =	vor.u32 v4, v10;
	_ =	sdelay $0x1  }
0x8c: {  	v11 =	vmax.f32 v12, v11  }
0x8d: {  	[tilespmem:v9+s14+$0x0] =	vst.idx.msk $0xffff, v11  }
0x8e: {  	v9 =	vld.idx.msk [tilespmem:v13+s13+$0x0], $0xffff  }
0x8f: {  	v11 =	vld.idx.msk [tilespmem:v14+s14+$0x0], $0xffff;
	_ =	sdelay $0x1  }
0x90: {  	v61 =	vor.u32 v5, v8  }
0x91: {  	v62 =	vor.u32 v5, v10;
	_ =	sdelay $0x1  }
0x92: {  	v9 =	vmax.f32 v11, v9  }
0x93: {  	[tilespmem:v14+s14+$0x0] =	vst.idx.msk $0xffff, v9  }
0x94: {  	v11 =	vld.idx.msk [tilespmem:v61+s13+$0x0], $0xffff  }
0x95: {  	v63 =	vld.idx.msk [tilespmem:v62+s14+$0x0], $0xffff;
	_ =	sdelay $0x1  }
0x96: {  	v8 =	vor.u32 v6, v8  }
0x97: {  	v9 =	vor.u32 v6, v10  }
0x98: {  	p1 =	sne.s32 s22, $0x2  }
.Ltmp9:
0x99: {  	v10 =	vmax.f32 v63, v11;
	(pc) =	sbr.rel @!p1 .LBB2_12-.Ltmp9, $4  }
0x9a: {  	[tilespmem:v62+s14+$0x0] =	vst.idx.msk $0xffff, v10  }
0x9b: {  	v10 =	vld.idx.msk [tilespmem:v8+s13+$0x0], $0xffff  }
0x9c: {  	v11 =	vld.idx.msk [tilespmem:v9+s14+$0x0], $0xffff  }
0x9d: {  	s23 =	simm.s32 $0x2;
	p0 =	por $0x1, $0x1;
	v8 =	vmov s24  }
.LBB2_11:
0x9e: {  	s24 =	smov.u32 s23;
	s23 =	sadd.s32 $0x1, s23  }
0x9f: {  	p1 =	sne.s32 s22, s23;
	_ =	sdelay $0x1  }
0xa0: {  	v10 =	vmax.f32 v11, v10  }
0xa1: {  	[tilespmem:v9+s14+$0x0] =	vst.idx.msk $0xffff, v10  }
0xa2: {  	v9 =	vld.idx.msk [tilespmem:v8+s2+$0x0], $0xffff;
	_ =	sdelay $0x5  }
0xa3: {  	v10 =	vshll.u32 v9, $0x6;
	vm0 =	vgt.s32 v9, $0x4E1FFFF  }
0xa4: {  	v8 =	vshll.u32 v8, $0x7;
	v9 =	vsel vm0, $0x40, v3;
	v10 =	vand.u32 $0x7FC0, v10  }
0xa5: {  	v8 =	vor.u32 v8, v9;
	v9 =	vor.u32 v1, v10  }
0xa6: {  	v11 =	vor.u32 v1, v8;
	_ =	sdelay $0x3  }
0xa7: {  	v12 =	vld.idx.msk [tilespmem:v9+s14+$0x0], $0xffff  }
0xa8: {  	v11 =	vld.idx.msk [tilespmem:v11+s13+$0x0], $0xffff;
	_ =	sdelay $0x2  }
0xa9: {  	v13 =	vor.u32 v4, v8  }
0xaa: {  	v14 =	vor.u32 v4, v10;
	_ =	sdelay $0x1  }
0xab: {  	v11 =	vmax.f32 v12, v11  }
0xac: {  	[tilespmem:v9+s14+$0x0] =	vst.idx.msk $0xffff, v11  }
0xad: {  	v9 =	vld.idx.msk [tilespmem:v13+s13+$0x0], $0xffff  }
0xae: {  	v11 =	vld.idx.msk [tilespmem:v14+s14+$0x0], $0xffff;
	_ =	sdelay $0x2  }
0xaf: {  	v12 =	vor.u32 v5, v8  }
0xb0: {  	v13 =	vor.u32 v5, v10;
	_ =	sdelay $0x1  }
0xb1: {  	v9 =	vmax.f32 v11, v9  }
0xb2: {  	[tilespmem:v14+s14+$0x0] =	vst.idx.msk $0xffff, v9  }
0xb3: {  	v11 =	vld.idx.msk [tilespmem:v12+s13+$0x0], $0xffff  }
0xb4: {  	v12 =	vld.idx.msk [tilespmem:v13+s14+$0x0], $0xffff;
	_ =	sdelay $0x2  }
0xb5: {  	v8 =	vor.u32 v6, v8;
	v9 =	vor.u32 v6, v10;
	_ =	sdelay $0x2  }
0xb6: {  	v10 =	vmax.f32 v12, v11  }
.Ltmp10:
0xb7: {  	[tilespmem:v13+s14+$0x0] =	vst.idx.msk $0xffff, v10;
	(pc) =	sbr.rel @p1 .LBB2_11-.Ltmp10, $3  }
0xb8: {  	v10 =	vld.idx.msk [tilespmem:v8+s13+$0x0], $0xffff  }
0xb9: {  	v11 =	vld.idx.msk [tilespmem:v9+s14+$0x0], $0xffff;
	_ =	sdelay $0x1  }
0xba: {  	v8 =	vmov s24  }
.Ltmp11:
0xbb: {  	_ = 	snop;
	(pc) =	sbr.rel .LBB2_12-.Ltmp11, $1  }
0xbc: {  	_ =	sdelay $0x3  }
.LBB2_15:
0xbd: {  	_ =	sfence.sel $0x180000  }
0xbe: {  	[bflag:$0x0] =	sbarrier.arrive $0xFFFF  }
0xbf: {  	p0 =	sne.s32 s1, $0x0;
	_ =	strace $0x90000053  }
0xc0: {  	s0 =	sadd.s32 @!p0 $0x100000, s0;
	[bflag:$0x2] =	sbarrier.arrive $0xFFFF  }
0xc1: {  	[sflag:s0] =	ssyncadd.tile.s32 @!p0 $0x1;
	_ =	shalt  }
.Lfunc_end2:
_tile_overlayer_lowered:
.L_overlay_start_2:
0xc2: {  	(tag) =	ssettag $0x2  }
0xc3: {  	s0 =	rddreg [dreg:$0x0];
	s2 =	stileid.u32  }
0xc4: {  	s1 =	rddreg [dreg:$0x1];
	p0 =	sne.s32 s2, $0x0  }
0xc5: {  	s3 =	rddreg [dreg:$0x2];
	[bflag:$0x3] =	sbarrier.arrive $0xFFFF;
	s2 =	simm.s32 @!p0 $0x1C02  }
0xc6: {  	[timem:s3], [sflag:s2] =	dma.local @!p0 [hbm:s0], s1  }
0xc7: {  	s0 =	simm.s32 @!p0 $0x2  }
0xc8: {  	_ =	swait.ge @!p0 [sflag:s0], s1  }
0xc9: {  	s1 =	ssub.s32 @!p0 $0x0, s1;
	[sflag:s0] =	ssyncset.done @!p0 $0x0  }
0xca: {  	[sflag:s0] =	ssyncadd.s32 @!p0 s1  }
0xcb: {  	[bflag:$0x3] =	sbarrier.arrive $0xFFFF  }
0xcc: {  	_ =	shalt  }

// kernel: kernel.35.cloned.1.call-start
scs
__scs_entry_jumppad:
0x0: {  	(pc) =	sbr.rel $0x88, $3  }
0x1: {  	(tag) =	ssettag $0x0;
	lr =	simm.s32 $0x1  }
0x2: {  	[smem:$0x3F7F] =	sst lr;
	_ =	strace $0xD0000000  }
0x3: {  	_ = 	snop  }
0x4: {  	_ = 	snop  }
0x5: {  	_ = 	snop  }
0x6: {  	_ = 	snop  }
0x7: {  	_ = 	snop  }
__scs_overlays_trampoline_lowered:
0x8: {  	[smem:$0x3F8E] =	sst s0  }
0x9: {  	[smem:$0x3F8F] =	sst s1  }
0xa: {  	[smem:$0x3F90] =	sst s2  }
0xb: {  	[smem:$0x3F91] =	sst s3  }
0xc: {  	[smem:$0x3F92] =	sst s4  }
0xd: {  	[smem:$0x3F93] =	sst s5  }
0xe: {  	[smem:$0x3F94] =	sst s6  }
0xf: {  	[smem:$0x3F95] =	sst s7  }
0x10: {  	[smem:$0x3F96] =	sst s8  }
0x11: {  	[smem:$0x3F97] =	sst s9;
	s0 =	simm.s32 @!p0 $0x0  }
0x12: {  	s1 =	sld [smem:$0x3F7D];
	s0 =	simm.s32 @p0 $0x1  }
0x13: {  	[smem:$0x3F98] =	sst s0;
	s0 =	simm.s32 @!p1 $0x0  }
0x14: {  	s2 =	sld [smem:$0x3F7C];
	s0 =	simm.s32 @p1 $0x1  }
0x15: {  	[smem:$0x3F99] =	sst s0;
	s0 =	simm.s32 @!p2 $0x0  }
0x16: {  	s3 =	sld [smem:$0x3FDB];
	s0 =	simm.s32 @p2 $0x1  }
0x17: {  	s4 =	simm.s32 $0x1BF5;
	[smem:$0x3F9B] =	sst s0  }
0x18: {  	s0 =	sld [smem:$0x3F7E];
	_ =	swait.ge [sflag:s4], $0x0  }
0x19: {  	s7 =	sld [smem:$0x3F7F]  }
0x1a: {  	s8 =	sadd.s32 $0xFFFFE003, lr  }
0x1b: {  	s9 =	sadd.s32 $0xFFFFFEF7, lr;
	s5 =	simm.s32 $0xFFFFFFFF;
	p2 =	slt.u32 s8, $0xFFFFF086  }
0x1c: {  	p1 =	slt.u32 s9, $0xF7A;
	s5 =	simm.s32 @!p2 $0x0  }
0x1d: {  	s5 =	simm.s32 @p1 $0x1;
	p0 =	seq.s32 s7, s2  }
0x1e: {  	s7 =	smul.u32 @!p0 $0xF7A, s2;
	p2 =	seq.s32 @!p0 s5, $0x0  }
0x1f: {  	s9 =	smul.u32 $0xF7A, s1;
	s8 =	simm.s32 @!p0 $0x1BF5;
	p2 =	por !p2, p0  }
0x20: {  	[sflag:s8] =	ssyncset.s32 @!p0 $0xFFFFF086;
	s6 =	sadd.s32 @!p0 s3, s7;
	s7 =	simm.s32 @!p0 $0x108  }
0x21: {  	s3 =	sadd.s32 s3, s9;
	s6 =	sadd.s32 @!p0 $0x88, s6;
	s7 =	simm.s32 @p2 $0x1082  }
0x22: {  	[simem:s7], [sflag:s8] =	dma.local @!p0 [hbm:s6], $0xF7A  }
0x23: {  	s9 =	sor.u32 $0xD0000000, s2;
	s6 =	simm.s32 $0x108;
	_ =	swait.ge @!p0 [sflag:s8], $0x0  }
0x24: {  	s3 =	sadd.s32 $0x88, s3;
	s6 =	simm.s32 @!p1 $0x1082;
	[sflag:s4] =	ssyncset.s32 $0xFFFFF086  }
0x25: {  	[simem:s6], [sflag:s4] =	dma.local [hbm:s3], $0xF7A  }
0x26: {  	[smem:$0x3F7F] =	sst s1;
	(tag) =	ssettag s2;
	_ =	strace s9  }
0x27: {  	s1 =	sld [smem:$0x3F8F]  }
0x28: {  	s2 =	sld [smem:$0x3F90]  }
0x29: {  	s4 =	sld [smem:$0x3F92]  }
0x2a: {  	p0 =	seq.s32 s5, $0x0;
	s5 =	sld [smem:$0x3F93]  }
0x2b: {  	s6 =	sld [smem:$0x3F94]  }
0x2c: {  	s7 =	sld [smem:$0x3F95]  }
0x2d: {  	s3 =	simm.s32 $0x108;
	s8 =	sld [smem:$0x3F96]  }
0x2e: {  	s3 =	simm.s32 @!p0 $0x1082;
	s9 =	sld [smem:$0x3F97]  }
0x2f: {  	lr =	sadd.s32 s0, s3;
	s0 =	sld [smem:$0x3F8E]  }
0x30: {  	s3 =	sld [smem:$0x3F91]  }
0x31: {  	[smem:$0x3F9A] =	sst s10  }
0x32: {  	s10 =	sld [smem:$0x3F98];
	_ =	sdelay $0x3  }
0x33: {  	p0 =	seq.s32 s10, $0x1;
	s10 =	sld [smem:$0x3F9A];
	_ =	sdelay $0x3  }
0x34: {  	[smem:$0x3F9A] =	sst s10  }
0x35: {  	s10 =	sld [smem:$0x3F99];
	_ =	sdelay $0x3  }
0x36: {  	p1 =	seq.s32 s10, $0x1;
	s10 =	sld [smem:$0x3F9A];
	_ =	sdelay $0x3  }
0x37: {  	[smem:$0x3F9A] =	sst s10  }
0x38: {  	s10 =	sld [smem:$0x3F9B]  }
0x39: {  	_ = 	snop;
	(pc) =	sbr.ind lr, $3  }
0x3a: {  	_ = 	snop  }
0x3b: {  	_ = 	snop  }
0x3c: {  	p2 =	seq.s32 s10, $0x1;
	s10 =	sld [smem:$0x3F9A]  }
0x3d: {  	_ =	shalt  }
0x3e: {  	_ =	shalt  }
0x3f: {  	_ =	shalt  }
0x40: {  	_ =	shalt  }
0x41: {  	_ =	shalt  }
0x42: {  	_ =	shalt  }
0x43: {  	_ =	shalt  }
0x44: {  	_ =	shalt  }
0x45: {  	_ =	shalt  }
0x46: {  	_ =	shalt  }
0x47: {  	_ =	shalt  }
0x48: {  	_ =	shalt  }
0x49: {  	_ =	shalt  }
0x4a: {  	_ =	shalt  }
0x4b: {  	_ =	shalt  }
0x4c: {  	_ =	shalt  }
0x4d: {  	_ =	shalt  }
0x4e: {  	_ =	shalt  }
0x4f: {  	_ =	shalt  }
0x50: {  	_ =	shalt  }
0x51: {  	_ =	shalt  }
0x52: {  	_ =	shalt  }
0x53: {  	_ =	shalt  }
0x54: {  	_ =	shalt  }
0x55: {  	_ =	shalt  }
0x56: {  	_ =	shalt  }
0x57: {  	_ =	shalt  }
0x58: {  	_ =	shalt  }
0x59: {  	_ =	shalt  }
0x5a: {  	_ =	shalt  }
0x5b: {  	_ =	shalt  }
0x5c: {  	_ =	shalt  }
0x5d: {  	_ =	shalt  }
0x5e: {  	_ =	shalt  }
0x5f: {  	_ =	shalt  }
0x60: {  	_ =	shalt  }
0x61: {  	_ =	shalt  }
0x62: {  	_ =	shalt  }
0x63: {  	_ =	shalt  }
0x64: {  	_ =	shalt  }
0x65: {  	_ =	shalt  }
0x66: {  	_ =	shalt  }
0x67: {  	_ =	shalt  }
0x68: {  	_ =	shalt  }
0x69: {  	_ =	shalt  }
0x6a: {  	_ =	shalt  }
0x6b: {  	_ =	shalt  }
0x6c: {  	_ =	shalt  }
0x6d: {  	_ =	shalt  }
0x6e: {  	_ =	shalt  }
0x6f: {  	_ =	shalt  }
0x70: {  	_ =	shalt  }
0x71: {  	_ =	shalt  }
0x72: {  	_ =	shalt  }
0x73: {  	_ =	shalt  }
0x74: {  	_ =	shalt  }
0x75: {  	_ =	shalt  }
0x76: {  	_ =	shalt  }
0x77: {  	_ =	shalt  }
0x78: {  	_ =	shalt  }
0x79: {  	_ =	shalt  }
0x7a: {  	_ =	shalt  }
0x7b: {  	_ =	shalt  }
0x7c: {  	_ =	shalt  }
0x7d: {  	_ =	shalt  }
0x7e: {  	_ =	shalt  }
0x7f: {  	_ =	shalt  }
0x80: {  	_ =	shalt  }
0x81: {  	_ =	shalt  }
0x82: {  	_ =	shalt  }
0x83: {  	_ =	shalt  }
0x84: {  	_ =	shalt  }
0x85: {  	_ =	shalt  }
0x86: {  	_ =	shalt  }
0x87: {  	_ =	shalt  }
.Lfunc_end0:
.L_simem_size_0:
called_computation.5_lowered:
.L_overlay_start_0:
0x88: {  	s2 =	sld [smem:$0x3FD9]  }
0x89: {  	s3 =	sld [smem:$0x3FFE];
	_ =	sdelay $0x1  }
0x8a: {  	s1 =	srdreg.scid  }
0x8b: {  	s0 =	sand.u32 $0x1, s1  }
0x8c: {  	s16 =	sshll.u32 s0, $0xA;
	s2 =	sadd.s32 s3, s2  }
0x8d: {  	s2 =	sadd.s32 s2, s16  }
0x8e: {  	[smem:$0x3FA6] =	sst s2  }
0x8f: {  	_ = 	snop  }
0x90: {  	(tm) =	ssettm $0x1  }
0x91: {  	s17 =	sld [smem:$0x3FFB];
	_ =	sdelay $0x3  }
0x92: {  	_ =	strace s17  }
0x93: {  	s2 =	sld [smem:$0x3FFC];
	_ =	sdelay $0x3  }
0x94: {  	_ =	strace s2  }
0x95: {  	s2 =	sld [smem:$0x3FFD];
	_ =	sdelay $0x3  }
0x96: {  	_ =	strace s2  }
0x97: {  	_ =	strace $0x8FFFFFFF  }
0x98: {  	s18 =	sld [smem:$0x3FDB];
	_ =	sdelay $0x1  }
0x99: {  	s19 =	simm.s32 $_scs_section_size  }
0x9a: {  	s4 =	simm.s32 $_size__tile_overlayer_lowered;
	s5 =	simm.s32 $_tile_overlayer_lowered  }
0x9b: {  	s22 =	simm.s32 $0x1BFF;
	s21 =	sshll.u32 s5, $0x1;
	s2 =	sadd.s32 s19, s18  }
0x9c: {  	s6 =	simm.s32 $0x0;
	s20 =	sshll.u32 s4, $0x1;
	s4 =	sadd.s32 s21, s2  }
0x9d: {  	[timem:s6], [sflag:s22] =	dma.local [hbm:s4], s20  }
0x9e: {  	_ =	swait.ge [sflag:s22], s20  }
0x9f: {  	s3 =	ssub.s32 $0x0, s20;
	[sflag:s22] =	ssyncset.done $0x0  }
0xa0: {  	[sflag:s22] =	ssyncadd.s32 s3;
	_ =	sdelay $0x1  }
0xa1: {  	s23 =	simm.s32 $0x1B8B  }
0xa2: {  	_ =	swait.ge [sflag:s23], $0x1  }
0xa3: {  	[sflag:s23] =	ssyncset.done $0x0  }
0xa4: {  	s25 =	simm.s32 $0x1B8E;
	s24 =	sld [smem:$0x3FFE];
	[sflag:s23] =	ssyncadd.s32 $0xFFFFFFFF  }
0xa5: {  	s26 =	simm.s32 $execute0_lowered;
	[smem:$0x3FD2] =	sst s25  }
0xa6: {  	s4 =	sshll.u32 s26, $0x1;
	_ =	strace $0x80000055;
	[dreg:$0x1] =	wrdreg $0xFFFFFFFF  }
0xa7: {  	s28 =	simm.s32 $_size_execute0_lowered;
	s2 =	sadd.s32 s2, s4;
	[dreg:$0x0] =	wrdreg $0x0  }
0xa8: {  	s4 =	sshll.u32 s28, $0x1;
	[dreg:$0x2] =	wrdreg s2  }
0xa9: {  	[dreg:$0x3] =	wrdreg s4  }
0xaa: {  	[dreg:$0x4] =	wrdreg $0xC0  }
0xab: {  	_ =	task [dreg:s6], $0x5FFFF  }
0xac: {  	[dreg:$0x1] =	wrdreg $0xFFFFFFFF  }
0xad: {  	[dreg:$0x0] =	wrdreg $0x60  }
0xae: {  	[dreg:$0x2] =	wrdreg s24  }
0xaf: {  	[dreg:$0x3] =	wrdreg $0x9  }
0xb0: {  	_ =	task.clear_ibuf [dreg:s6], $0x4FFFF;
	_ =	strace $0x90000055  }
0xb1: {  	s29 =	simm.s32 $0x9;
	_ =	strace $0x80000057  }
0xb2: {  	_ =	swait.ge [sflag:s29], $0x1  }
0xb3: {  	[sflag:s29] =	ssyncadd.s32 $0xFFFFFFFF  }
0xb4: {  	_ =	strace $0x90000057  }
0xb5: {  	_ =	sfence  }
0xb6: {  	s30 =	sld [smem:$0x0];
	_ =	sdelay $0x2  }
0xb7: {  	s31 =	sshll.u32 s1, $0xD;
	s1 =	sshrl.u32 s1, $0x2  }
0xb8: {  	s3 =	sand.u32 $0x4000, s31;
	s1 =	sadd.s32 s1, s30  }
0xb9: {  	s0 =	sor.u32 s3, s0;
	s1 =	sshll.u32 s1, $0x11  }
0xba: {  	s0 =	sor.u32 s1, s0  }
0xbb: {  	s0 =	sadd.s32 $0x8F2B, s0  }
0xbc: {  	[sflag:s0] =	ssyncadd.remote.s32 $0x1  }
0xbd: {  	_ =	sfence.sel $0xFFFF  }
0xbe: {  	[dreg:$0x0] =	wrdreg $0xFFFFFFFF;
	(pc) =	sbr.abs _section_cstart, $3  }
0xbf: {  	[dreg:$0x1] =	wrdreg $0xFFFFFFFF  }
0xc0: {  	_ =	task.clear_ibuf [dreg:s6], $0x2FFFF;
	_ =	strace $0x9FFFFFFF  }
0xc1: {  	(tm) =	ssettm $0x7FFFFFFF  }
tec
execute0_lowered:
.L_overlay_start_1:
0x0: {  	(tag) =	ssettag $0x1  }
0x1: {  	s4 =	rddreg [dreg:$0x0]  }
0x2: {  	s0 =	rddreg [dreg:$0x1]  }
0x3: {  	s3 =	srdreg.scid;
	s1 =	stileid.u32;
	s2 =	simm.s32 $0x0  }
0x4: {  	s11 =	simm.s32 $0x190;
	s12 =	simm.s32 $0x4F00;
	s13 =	simm.s32 $0x11700  }
0x5: {  	s14 =	simm.s32 $0x0;
	s5 =	sand.u32 $0x1, s3;
	s26 =	sshll.u32 s1, $0x1  }
0x6: {  	[smem:$0x7FF] =	sst s2;
	s7 =	smul.u32 $0x4E200, s1;
	s3 =	sor.u32 s5, s26  }
0x7: {  	_ =	strace $0x80000056;
	s8 =	ssub.s32 $0x2, s5;
	s10 =	smul.u32 $0x27100, s5  }
0x8: {  	s6 =	smul.u32 $0x2710, s3;
	s9 =	sshrl.u32 s8, $0x1;
	s29 =	sadd.s32 s7, s4  }
0x9: {  	s3 =	sadd.s32 $0x1CA00, s4;
	s30 =	ssub.s32 s8, s9;
	s31 =	sadd.s32 s10, s29  }
0xa: {  	s9 =	simm.s32 $0x2780;
	s10 =	simm.s32 $0x1;
	s6 =	sshrl.u32 s6, $0x3  }
0xb: {  	s7 =	sadd.s32 $0x43C00, s31;
	s8 =	sadd.s32 $0x525C00, s31;
	s28 =	sadd.s32 s6, s4  }
0xc: {  	s6 =	smax.u32 s30, $0x1;
	s4 =	sadd.s32 $0x12C00, s28;
	s5 =	sadd.s32 $0x8E00, s28  }
.LBB2_1:
0xd: {  	[tilespmem:s2], [sflag:$0x1] =	stream.linear.gather [hbm4b:s4+s2], $0x2710, $0x38;
	[tilespmem:$0x1DF00] =	vst v63  }
0xe: {  	_ = 	snop  }
0xf: {  	[tilespmem:s9], [sflag:$0x1] =	stream.linear.gather [hbm4b:s5+s2], $0x2710, $0x38;
	[tilespmem:$0x1DF00] =	vst v63  }
0x10: {  	_ =	swait.ge [sflag:s10], $0x2710  }
0x11: {  	[sflag:s10] =	ssyncset.done $0x0  }
0x12: {  	[sflag:s10] =	ssyncadd.s32 $0xFFFFD8F0  }
0x13: {  	_ =	swait.ge [sflag:s10], $0x2710  }
0x14: {  	[sflag:s10] =	ssyncset.done $0x0  }
0x15: {  	s15 =	simm.s32 $0x0;
	[sflag:s10] =	ssyncadd.s32 $0xFFFFD8F0  }
0x16: {  	[tilespmem:s12], [sflag:$0x1] =	stream.indirect.gather [hbm4b:s3+s11], $0x80, s15, s11, $0xb8;
	[tilespmem:$0x1DF00] =	vst v63  }
0x17: {  	s31 =	simm.s32 $0x2780  }
0x18: {  	[tilespmem:s13], [sflag:$0x1] =	stream.indirect.gather [hbm4b:s3+s11], $0x80, s31, s11, $0xb8;
	[tilespmem:$0x1DF00] =	vst v63  }
0x19: {  	_ =	swait.ge [sflag:s10], $0xC800  }
0x1a: {  	[sflag:s10] =	ssyncset.done $0x0  }
0x1b: {  	[sflag:s10] =	ssyncadd.s32 $0xFFFF3800  }
0x1c: {  	_ =	swait.ge [sflag:s10], $0xC800  }
0x1d: {  	[sflag:s10] =	ssyncset.done $0x0  }
0x1e: {  	[sflag:s10] =	ssyncadd.s32 $0xFFFF3800  }
0x1f: {  	[hbm4b:s7+s2] =	stream.linear.scatter [tilespmem:s12], [sflag:$0x1], $0xC800, $0x38;
	[tilespmem:$0x1DF00] =	vst v63  }
0x20: {  	_ = 	snop  }
0x21: {  	[hbm4b:s8+s2] =	stream.linear.scatter [tilespmem:s13], [sflag:$0x1], $0xC800, $0x38;
	[tilespmem:$0x1DF00] =	vst v63  }
0x22: {  	_ =	swait.ge [sflag:s10], $0xC800  }
0x23: {  	[sflag:s10] =	ssyncset.done $0x0  }
0x24: {  	[sflag:s10] =	ssyncadd.s32 $0xFFFF3800  }
0x25: {  	s17 =	simm.s32 $0x640;
	s18 =	simm.s32 $0xC80;
	_ =	swait.ge [sflag:s10], $0xC800  }
0x26: {  	s16 =	sadd.s32 $0x1900, s8;
	s15 =	sadd.s32 $0x1900, s7;
	[sflag:s10] =	ssyncset.done $0x0  }
.LBB2_2:
0x27: {  	s19 =	sshra.s32 s17, $0x2  }
0x28: {  	[sflag:s10] =	ssyncadd.s32 $0xFFFF3800;
	s17 =	smov.u32 s18;
	s20 =	sadd.s32 $0x640, s18  }
0x29: {  	[tilespmem:s12], [sflag:$0x1] =	stream.indirect.gather [hbm4b:s3+s11], $0x80, s19, s11, $0xb8;
	[tilespmem:$0x1DF00] =	vst v63  }
0x2a: {  	p0 =	sne.s32 s18, $0x9600;
	s18 =	sadd.s32 $0x2780, s19  }
0x2b: {  	[tilespmem:s13], [sflag:$0x1] =	stream.indirect.gather [hbm4b:s3+s11], $0x80, s18, s11, $0xb8;
	[tilespmem:$0x1DF00] =	vst v63  }
0x2c: {  	_ =	swait.ge [sflag:s10], $0xC800  }
0x2d: {  	[sflag:s10] =	ssyncset.done $0x0  }
0x2e: {  	[sflag:s10] =	ssyncadd.s32 $0xFFFF3800  }
0x2f: {  	_ =	swait.ge [sflag:s10], $0xC800  }
0x30: {  	[sflag:s10] =	ssyncset.done $0x0  }
0x31: {  	[sflag:s10] =	ssyncadd.s32 $0xFFFF3800  }
0x32: {  	[hbm4b:s15+s2] =	stream.linear.scatter [tilespmem:s12], [sflag:$0x1], $0xC800, $0x38;
	[tilespmem:$0x1DF00] =	vst v63  }
0x33: {  	_ = 	snop  }
0x34: {  	[hbm4b:s16+s2] =	stream.linear.scatter [tilespmem:s13], [sflag:$0x1], $0xC800, $0x38;
	[tilespmem:$0x1DF00] =	vst v63  }
.Ltmp0:
0x35: {  	_ =	swait.ge [sflag:s10], $0xC800;
	(pc) =	sbr.rel @p0 .LBB2_2-.Ltmp0, $4  }
0x36: {  	[sflag:s10] =	ssyncset.done $0x0  }
0x37: {  	[sflag:s10] =	ssyncadd.s32 $0xFFFF3800  }
0x38: {  	s18 =	smov.u32 s20;
	_ =	swait.ge [sflag:s10], $0xC800  }
0x39: {  	s15 =	sadd.s32 $0x1900, s15;
	s16 =	sadd.s32 $0x1900, s16;
	[sflag:s10] =	ssyncset.done $0x0  }
0x3a: {  	s17 =	sshra.s32 s17, $0x2;
	[sflag:s10] =	ssyncadd.s32 $0xFFFF3800  }
0x3b: {  	[tilespmem:s12], [sflag:$0x1] =	stream.indirect.gather [hbm4b:s3+s11], $0x80, s17, s11, $0xb8;
	[tilespmem:$0x1DF00] =	vst v63  }
0x3c: {  	s17 =	sadd.s32 $0x2780, s17  }
0x3d: {  	[tilespmem:s13], [sflag:$0x1] =	stream.indirect.gather [hbm4b:s3+s11], $0x80, s17, s11, $0xb8;
	[tilespmem:$0x1DF00] =	vst v63  }
0x3e: {  	_ =	swait.ge [sflag:s10], $0xC800  }
0x3f: {  	[sflag:s10] =	ssyncset.done $0x0  }
0x40: {  	[sflag:s10] =	ssyncadd.s32 $0xFFFF3800  }
0x41: {  	_ =	swait.ge [sflag:s10], $0xC800  }
0x42: {  	[sflag:s10] =	ssyncset.done $0x0  }
0x43: {  	[sflag:s10] =	ssyncadd.s32 $0xFFFF3800  }
0x44: {  	[hbm4b:s15+s2] =	stream.linear.scatter [tilespmem:s12], [sflag:$0x1], $0xC800, $0x38;
	[tilespmem:$0x1DF00] =	vst v63  }
0x45: {  	s14 =	sadd.s32 $0x1, s14  }
0x46: {  	[hbm4b:s16+s2] =	stream.linear.scatter [tilespmem:s13], [sflag:$0x1], $0xC800, $0x38;
	[tilespmem:$0x1DF00] =	vst v63  }
0x47: {  	p0 =	sne.s32 s14, s6;
	_ =	swait.ge [sflag:s10], $0xC800  }
.Ltmp1:
0x48: {  	[sflag:s10] =	ssyncset.done $0x0;
	(pc) =	sbr.rel @p0 .LBB2_1-.Ltmp1, $4  }
0x49: {  	[sflag:s10] =	ssyncadd.s32 $0xFFFF3800  }
0x4a: {  	_ =	swait.ge [sflag:s10], $0xC800  }
0x4b: {  	[sflag:s10] =	ssyncset.done $0x0  }
0x4c: {  	[sflag:s10] =	ssyncadd.s32 $0xFFFF3800  }
0x4d: {  	_ =	sfence.sel $0x180000  }
0x4e: {  	[bflag:$0x0] =	sbarrier.arrive $0xFFFF  }
0x4f: {  	p0 =	sne.s32 s1, $0x0;
	_ =	strace $0x90000056  }
0x50: {  	s0 =	sadd.s32 @!p0 $0x100000, s0;
	[bflag:$0x2] =	sbarrier.arrive $0xFFFF  }
0x51: {  	[sflag:s0] =	ssyncadd.tile.s32 @!p0 $0x1;
	_ =	shalt  }
.Lfunc_end2:
_tile_overlayer_lowered:
.L_overlay_start_2:
0x52: {  	(tag) =	ssettag $0x2  }
0x53: {  	s0 =	rddreg [dreg:$0x0];
	s2 =	stileid.u32  }
0x54: {  	s1 =	rddreg [dreg:$0x1];
	p0 =	sne.s32 s2, $0x0  }
0x55: {  	s3 =	rddreg [dreg:$0x2];
	[bflag:$0x3] =	sbarrier.arrive $0xFFFF;
	s2 =	simm.s32 @!p0 $0x1C02  }
0x56: {  	[timem:s3], [sflag:s2] =	dma.local @!p0 [hbm:s0], s1  }
0x57: {  	s0 =	simm.s32 @!p0 $0x2  }
0x58: {  	_ =	swait.ge @!p0 [sflag:s0], s1  }
0x59: {  	s1 =	ssub.s32 @!p0 $0x0, s1;
	[sflag:s0] =	ssyncset.done @!p0 $0x0  }
0x5a: {  	[sflag:s0] =	ssyncadd.s32 @!p0 s1  }
0x5b: {  	[bflag:$0x3] =	sbarrier.arrive $0xFFFF  }
0x5c: {  	_ =	shalt  }

// kernel: kernel.38.cloned.1.call-start
scs
__scs_entry_jumppad:
0x0: {  	(pc) =	sbr.rel $0x88, $3  }
0x1: {  	(tag) =	ssettag $0x0;
	lr =	simm.s32 $0x1  }
0x2: {  	[smem:$0x3F7F] =	sst lr;
	_ =	strace $0xD0000000  }
0x3: {  	_ = 	snop  }
0x4: {  	_ = 	snop  }
0x5: {  	_ = 	snop  }
0x6: {  	_ = 	snop  }
0x7: {  	_ = 	snop  }
__scs_overlays_trampoline_lowered:
0x8: {  	[smem:$0x3F8E] =	sst s0  }
0x9: {  	[smem:$0x3F8F] =	sst s1  }
0xa: {  	[smem:$0x3F90] =	sst s2  }
0xb: {  	[smem:$0x3F91] =	sst s3  }
0xc: {  	[smem:$0x3F92] =	sst s4  }
0xd: {  	[smem:$0x3F93] =	sst s5  }
0xe: {  	[smem:$0x3F94] =	sst s6  }
0xf: {  	[smem:$0x3F95] =	sst s7  }
0x10: {  	[smem:$0x3F96] =	sst s8  }
0x11: {  	[smem:$0x3F97] =	sst s9;
	s0 =	simm.s32 @!p0 $0x0  }
0x12: {  	s1 =	sld [smem:$0x3F7D];
	s0 =	simm.s32 @p0 $0x1  }
0x13: {  	[smem:$0x3F98] =	sst s0;
	s0 =	simm.s32 @!p1 $0x0  }
0x14: {  	s2 =	sld [smem:$0x3F7C];
	s0 =	simm.s32 @p1 $0x1  }
0x15: {  	[smem:$0x3F99] =	sst s0;
	s0 =	simm.s32 @!p2 $0x0  }
0x16: {  	s3 =	sld [smem:$0x3FDB];
	s0 =	simm.s32 @p2 $0x1  }
0x17: {  	s4 =	simm.s32 $0x1BF5;
	[smem:$0x3F9B] =	sst s0  }
0x18: {  	s0 =	sld [smem:$0x3F7E];
	_ =	swait.ge [sflag:s4], $0x0  }
0x19: {  	s7 =	sld [smem:$0x3F7F]  }
0x1a: {  	s8 =	sadd.s32 $0xFFFFE003, lr  }
0x1b: {  	s9 =	sadd.s32 $0xFFFFFEF7, lr;
	s5 =	simm.s32 $0xFFFFFFFF;
	p2 =	slt.u32 s8, $0xFFFFF086  }
0x1c: {  	p1 =	slt.u32 s9, $0xF7A;
	s5 =	simm.s32 @!p2 $0x0  }
0x1d: {  	s5 =	simm.s32 @p1 $0x1;
	p0 =	seq.s32 s7, s2  }
0x1e: {  	s7 =	smul.u32 @!p0 $0xF7A, s2;
	p2 =	seq.s32 @!p0 s5, $0x0  }
0x1f: {  	s9 =	smul.u32 $0xF7A, s1;
	s8 =	simm.s32 @!p0 $0x1BF5;
	p2 =	por !p2, p0  }
0x20: {  	[sflag:s8] =	ssyncset.s32 @!p0 $0xFFFFF086;
	s6 =	sadd.s32 @!p0 s3, s7;
	s7 =	simm.s32 @!p0 $0x108  }
0x21: {  	s3 =	sadd.s32 s3, s9;
	s6 =	sadd.s32 @!p0 $0x88, s6;
	s7 =	simm.s32 @p2 $0x1082  }
0x22: {  	[simem:s7], [sflag:s8] =	dma.local @!p0 [hbm:s6], $0xF7A  }
0x23: {  	s9 =	sor.u32 $0xD0000000, s2;
	s6 =	simm.s32 $0x108;
	_ =	swait.ge @!p0 [sflag:s8], $0x0  }
0x24: {  	s3 =	sadd.s32 $0x88, s3;
	s6 =	simm.s32 @!p1 $0x1082;
	[sflag:s4] =	ssyncset.s32 $0xFFFFF086  }
0x25: {  	[simem:s6], [sflag:s4] =	dma.local [hbm:s3], $0xF7A  }
0x26: {  	[smem:$0x3F7F] =	sst s1;
	(tag) =	ssettag s2;
	_ =	strace s9  }
0x27: {  	s1 =	sld [smem:$0x3F8F]  }
0x28: {  	s2 =	sld [smem:$0x3F90]  }
0x29: {  	s4 =	sld [smem:$0x3F92]  }
0x2a: {  	p0 =	seq.s32 s5, $0x0;
	s5 =	sld [smem:$0x3F93]  }
0x2b: {  	s6 =	sld [smem:$0x3F94]  }
0x2c: {  	s7 =	sld [smem:$0x3F95]  }
0x2d: {  	s3 =	simm.s32 $0x108;
	s8 =	sld [smem:$0x3F96]  }
0x2e: {  	s3 =	simm.s32 @!p0 $0x1082;
	s9 =	sld [smem:$0x3F97]  }
0x2f: {  	lr =	sadd.s32 s0, s3;
	s0 =	sld [smem:$0x3F8E]  }
0x30: {  	s3 =	sld [smem:$0x3F91]  }
0x31: {  	[smem:$0x3F9A] =	sst s10  }
0x32: {  	s10 =	sld [smem:$0x3F98];
	_ =	sdelay $0x3  }
0x33: {  	p0 =	seq.s32 s10, $0x1;
	s10 =	sld [smem:$0x3F9A];
	_ =	sdelay $0x3  }
0x34: {  	[smem:$0x3F9A] =	sst s10  }
0x35: {  	s10 =	sld [smem:$0x3F99];
	_ =	sdelay $0x3  }
0x36: {  	p1 =	seq.s32 s10, $0x1;
	s10 =	sld [smem:$0x3F9A];
	_ =	sdelay $0x3  }
0x37: {  	[smem:$0x3F9A] =	sst s10  }
0x38: {  	s10 =	sld [smem:$0x3F9B]  }
0x39: {  	_ = 	snop;
	(pc) =	sbr.ind lr, $3  }
0x3a: {  	_ = 	snop  }
0x3b: {  	_ = 	snop  }
0x3c: {  	p2 =	seq.s32 s10, $0x1;
	s10 =	sld [smem:$0x3F9A]  }
0x3d: {  	_ =	shalt  }
0x3e: {  	_ =	shalt  }
0x3f: {  	_ =	shalt  }
0x40: {  	_ =	shalt  }
0x41: {  	_ =	shalt  }
0x42: {  	_ =	shalt  }
0x43: {  	_ =	shalt  }
0x44: {  	_ =	shalt  }
0x45: {  	_ =	shalt  }
0x46: {  	_ =	shalt  }
0x47: {  	_ =	shalt  }
0x48: {  	_ =	shalt  }
0x49: {  	_ =	shalt  }
0x4a: {  	_ =	shalt  }
0x4b: {  	_ =	shalt  }
0x4c: {  	_ =	shalt  }
0x4d: {  	_ =	shalt  }
0x4e: {  	_ =	shalt  }
0x4f: {  	_ =	shalt  }
0x50: {  	_ =	shalt  }
0x51: {  	_ =	shalt  }
0x52: {  	_ =	shalt  }
0x53: {  	_ =	shalt  }
0x54: {  	_ =	shalt  }
0x55: {  	_ =	shalt  }
0x56: {  	_ =	shalt  }
0x57: {  	_ =	shalt  }
0x58: {  	_ =	shalt  }
0x59: {  	_ =	shalt  }
0x5a: {  	_ =	shalt  }
0x5b: {  	_ =	shalt  }
0x5c: {  	_ =	shalt  }
0x5d: {  	_ =	shalt  }
0x5e: {  	_ =	shalt  }
0x5f: {  	_ =	shalt  }
0x60: {  	_ =	shalt  }
0x61: {  	_ =	shalt  }
0x62: {  	_ =	shalt  }
0x63: {  	_ =	shalt  }
0x64: {  	_ =	shalt  }
0x65: {  	_ =	shalt  }
0x66: {  	_ =	shalt  }
0x67: {  	_ =	shalt  }
0x68: {  	_ =	shalt  }
0x69: {  	_ =	shalt  }
0x6a: {  	_ =	shalt  }
0x6b: {  	_ =	shalt  }
0x6c: {  	_ =	shalt  }
0x6d: {  	_ =	shalt  }
0x6e: {  	_ =	shalt  }
0x6f: {  	_ =	shalt  }
0x70: {  	_ =	shalt  }
0x71: {  	_ =	shalt  }
0x72: {  	_ =	shalt  }
0x73: {  	_ =	shalt  }
0x74: {  	_ =	shalt  }
0x75: {  	_ =	shalt  }
0x76: {  	_ =	shalt  }
0x77: {  	_ =	shalt  }
0x78: {  	_ =	shalt  }
0x79: {  	_ =	shalt  }
0x7a: {  	_ =	shalt  }
0x7b: {  	_ =	shalt  }
0x7c: {  	_ =	shalt  }
0x7d: {  	_ =	shalt  }
0x7e: {  	_ =	shalt  }
0x7f: {  	_ =	shalt  }
0x80: {  	_ =	shalt  }
0x81: {  	_ =	shalt  }
0x82: {  	_ =	shalt  }
0x83: {  	_ =	shalt  }
0x84: {  	_ =	shalt  }
0x85: {  	_ =	shalt  }
0x86: {  	_ =	shalt  }
0x87: {  	_ =	shalt  }
.Lfunc_end0:
.L_simem_size_0:
called_computation.6_lowered:
.L_overlay_start_0:
0x88: {  	s2 =	sld [smem:$0x3FD9]  }
0x89: {  	s3 =	sld [smem:$0x3FFE];
	_ =	sdelay $0x1  }
0x8a: {  	s1 =	srdreg.scid  }
0x8b: {  	s0 =	sand.u32 $0x1, s1  }
0x8c: {  	s16 =	sshll.u32 s0, $0xA;
	s2 =	sadd.s32 s3, s2  }
0x8d: {  	s2 =	sadd.s32 s2, s16  }
0x8e: {  	[smem:$0x3FA6] =	sst s2  }
0x8f: {  	_ = 	snop  }
0x90: {  	(tm) =	ssettm $0x1  }
0x91: {  	s17 =	sld [smem:$0x3FFB];
	_ =	sdelay $0x3  }
0x92: {  	_ =	strace s17  }
0x93: {  	s2 =	sld [smem:$0x3FFC];
	_ =	sdelay $0x3  }
0x94: {  	_ =	strace s2  }
0x95: {  	s2 =	sld [smem:$0x3FFD];
	_ =	sdelay $0x3  }
0x96: {  	_ =	strace s2  }
0x97: {  	_ =	strace $0x8FFFFFFF  }
0x98: {  	s18 =	sld [smem:$0x3FDB];
	_ =	sdelay $0x1  }
0x99: {  	s19 =	simm.s32 $_scs_section_size  }
0x9a: {  	s4 =	simm.s32 $_size__tile_overlayer_lowered;
	s5 =	simm.s32 $_tile_overlayer_lowered  }
0x9b: {  	s22 =	simm.s32 $0x1BFF;
	s21 =	sshll.u32 s5, $0x1;
	s2 =	sadd.s32 s19, s18  }
0x9c: {  	s6 =	simm.s32 $0x0;
	s20 =	sshll.u32 s4, $0x1;
	s4 =	sadd.s32 s21, s2  }
0x9d: {  	[timem:s6], [sflag:s22] =	dma.local [hbm:s4], s20  }
0x9e: {  	_ =	swait.ge [sflag:s22], s20  }
0x9f: {  	s3 =	ssub.s32 $0x0, s20;
	[sflag:s22] =	ssyncset.done $0x0  }
0xa0: {  	[sflag:s22] =	ssyncadd.s32 s3;
	_ =	sdelay $0x1  }
0xa1: {  	s23 =	simm.s32 $0x1B8B  }
0xa2: {  	_ =	swait.ge [sflag:s23], $0x1  }
0xa3: {  	[sflag:s23] =	ssyncset.done $0x0  }
0xa4: {  	s25 =	simm.s32 $0x1B8E;
	s24 =	sld [smem:$0x3FFE];
	[sflag:s23] =	ssyncadd.s32 $0xFFFFFFFF  }
0xa5: {  	s26 =	simm.s32 $execute0_lowered;
	[smem:$0x3FD2] =	sst s25  }
0xa6: {  	s4 =	sshll.u32 s26, $0x1;
	_ =	strace $0x80000058;
	[dreg:$0x1] =	wrdreg $0xFFFFFFFF  }
0xa7: {  	s28 =	simm.s32 $_size_execute0_lowered;
	s2 =	sadd.s32 s2, s4;
	[dreg:$0x0] =	wrdreg $0x0  }
0xa8: {  	s4 =	sshll.u32 s28, $0x1;
	[dreg:$0x2] =	wrdreg s2  }
0xa9: {  	[dreg:$0x3] =	wrdreg s4  }
0xaa: {  	[dreg:$0x4] =	wrdreg $0xC0  }
0xab: {  	_ =	task [dreg:s6], $0x5FFFF  }
0xac: {  	[dreg:$0x1] =	wrdreg $0xFFFFFFFF  }
0xad: {  	[dreg:$0x0] =	wrdreg $0x60  }
0xae: {  	[dreg:$0x2] =	wrdreg s24  }
0xaf: {  	[dreg:$0x3] =	wrdreg $0x9  }
0xb0: {  	_ =	task.clear_ibuf [dreg:s6], $0x4FFFF;
	_ =	strace $0x90000058  }
0xb1: {  	s29 =	simm.s32 $0x9;
	_ =	strace $0x8000005A  }
0xb2: {  	_ =	swait.ge [sflag:s29], $0x1  }
0xb3: {  	[sflag:s29] =	ssyncadd.s32 $0xFFFFFFFF  }
0xb4: {  	_ =	strace $0x9000005A  }
0xb5: {  	_ =	sfence  }
0xb6: {  	s30 =	sld [smem:$0x0];
	_ =	sdelay $0x2  }
0xb7: {  	s31 =	sshll.u32 s1, $0xD;
	s1 =	sshrl.u32 s1, $0x2  }
0xb8: {  	s3 =	sand.u32 $0x4000, s31;
	s1 =	sadd.s32 s1, s30  }
0xb9: {  	s0 =	sor.u32 s3, s0;
	s1 =	sshll.u32 s1, $0x11  }
0xba: {  	s0 =	sor.u32 s1, s0  }
0xbb: {  	s0 =	sadd.s32 $0x8F2B, s0  }
0xbc: {  	[sflag:s0] =	ssyncadd.remote.s32 $0x1  }
0xbd: {  	_ =	sfence.sel $0xFFFF  }
0xbe: {  	[dreg:$0x0] =	wrdreg $0xFFFFFFFF;
	(pc) =	sbr.abs _section_cstart, $3  }
0xbf: {  	[dreg:$0x1] =	wrdreg $0xFFFFFFFF  }
0xc0: {  	_ =	task.clear_ibuf [dreg:s6], $0x2FFFF;
	_ =	strace $0x9FFFFFFF  }
0xc1: {  	(tm) =	ssettm $0x7FFFFFFF  }
tec
execute0_lowered:
.L_overlay_start_1:
0x0: {  	(tag) =	ssettag $0x1  }
0x1: {  	s5 =	rddreg [dreg:$0x0]  }
0x2: {  	s0 =	rddreg [dreg:$0x1]  }
0x3: {  	s3 =	srdreg.scid;
	s1 =	stileid.u32  }
0x4: {  	s2 =	simm.s32 $0x0;
	s10 =	simm.s32 $0x2;
	s11 =	simm.s32 $0x1  }
0x5: {  	s12 =	simm.s32 $0x200;
	s13 =	simm.s32 $0x400;
	s14 =	simm.s32 $0x10480  }
0x6: {  	s15 =	simm.s32 $0x0;
	s4 =	sand.u32 $0x1, s3;
	s30 =	sshll.u32 s1, $0x1  }
0x7: {  	[smem:$0x7FF] =	sst s2;
	s3 =	sadd.s32 $0xA07C00, s5;
	s6 =	sor.u32 s4, s30  }
.Ltmp0:
0x8: {  	_ =	strace $0x80000059;
	s9 =	ssub.s32 $0x2, s4;
	(pc) =	sbr.rel .LBB2_1-.Ltmp0, $4  }
0x9: {  	s4 =	sadd.s32 $0xB42600, s5;
	s7 =	sshll.u32 s6, $0x1;
	s8 =	smul.u32 $0xA00, s6  }
0xa: {  	v0 =	vimm.f32 $0.0e+00;
	s31 =	sshrl.u32 s9, $0x1;
	s6 =	smul.u32 $0x4EA00, s6;
	s7 =	sadd.s32 s7, s5  }
0xb: {  	v1 =	vlaneseq.u32;
	v2 =	vimm.s32 $0xFFFD8F00;
	v3 =	vimm.s32 $0x0;
	s9 =	ssub.s32 s9, s31;
	s8 =	sadd.s32 s8, s5;
	s5 =	sadd.s32 $0xB42400, s7  }
0xc: {  	v4 =	vor.u32 $0x10, v1;
	v5 =	vor.u32 $0x20, v1;
	v6 =	vor.u32 $0x30, v1;
	s7 =	sadd.s32 $0x8E00, s8;
	s8 =	smax.u32 s9, $0x1;
	s9 =	simm.s32 $0x10400  }
.LBB2_14:
0xd: {  	s15 =	sadd.s32 $0x1, s15  }
0xe: {  	p0 =	sne.s32 s15, s8  }
.Ltmp1:
0xf: {  	_ = 	snop;
	(pc) =	sbr.rel @!p0 .LBB2_15-.Ltmp1, $4  }
0x10: {  	[hbm4b:s7+s2] =	stream.linear.scatter [tilespmem:s14], [sflag:$0x2], $0x5000, $0x38;
	[tilespmem:$0x15480] =	vst v63  }
0x11: {  	_ =	swait.ge [sflag:s10], $0x5000  }
0x12: {  	[sflag:s10] =	ssyncset.done $0x0  }
0x13: {  	[sflag:s10] =	ssyncadd.s32 $0xFFFFB000  }
.LBB2_1:
0x14: {  	s16 =	simm.s32 $0x0;
	s17 =	simm.s32 $0x200  }
.LBB2_2:
0x15: {  	p0 =	sne.s32 s17, $0x13E00;
	[tilespmem:s16+$0x104F0] =	vst v0  }
0x16: {  	[tilespmem:s16+$0x10480] =	vst v0  }
0x17: {  	[tilespmem:s16+$0x10490] =	vst v0  }
.Ltmp2:
0x18: {  	[tilespmem:s16+$0x104A0] =	vst v0;
	(pc) =	sbr.rel @p0 .LBB2_2-.Ltmp2, $4  }
0x19: {  	[tilespmem:s16+$0x104B0] =	vst v0  }
0x1a: {  	[tilespmem:s16+$0x104C0] =	vst v0  }
0x1b: {  	[tilespmem:s16+$0x104D0] =	vst v0  }
0x1c: {  	[tilespmem:s16+$0x104E0] =	vst v0;
	s16 =	sshra.s32 s17, $0x2;
	s17 =	sadd.s32 $0x200, s17  }
0x1d: {  	[tilespmem:s16+$0x104F0] =	vst v0  }
0x1e: {  	[tilespmem:s16+$0x10480] =	vst v0  }
0x1f: {  	[tilespmem:s16+$0x10490] =	vst v0  }
0x20: {  	[tilespmem:s16+$0x104A0] =	vst v0  }
0x21: {  	[tilespmem:s16+$0x104B0] =	vst v0  }
0x22: {  	[tilespmem:s16+$0x104C0] =	vst v0  }
0x23: {  	[tilespmem:s16+$0x104D0] =	vst v0  }
0x24: {  	[tilespmem:s16+$0x104E0] =	vst v0  }
0x25: {  	[tilespmem:s9], [sflag:$0x2] =	stream.linear.gather [hbm4b:s5+s2], $0x10, $0x38;
	[tilespmem:$0x15480] =	vst v63  }
0x26: {  	_ =	swait.ge [sflag:s10], $0x10  }
0x27: {  	[sflag:s10] =	ssyncset.done $0x0  }
0x28: {  	[sflag:s10] =	ssyncadd.s32 $0xFFFFFFF0  }
0x29: {  	v7 =	vld [tilespmem:$0x10400];
	_ =	sdelay $0x4  }
0x2a: {  	(v2sf) =	vpush v7, $0x0;
	_ =	sdelay $0xe  }
0x2b: {  	s16 =	spop (v2sf)  }
0x2c: {  	s17 =	sadd.s32 $0x1FF, s16  }
0x2d: {  	s18 =	sand.u32 $0x1FF, s17  }
0x2e: {  	s31 =	sshra.s32 s17, $0x1F;
	p1 =	slt.s32 s17, $0x1;
	p0 =	sne.s32 s18, $0x0  }
0x2f: {  	s18 =	sshrl.u32 s31, $0x17;
	p0 =	por !p1, !p0  }
0x30: {  	s17 =	sadd.s32 s18, s17;
	s18 =	simm.s32 $0x1;
	p0 =	por !p0, !p0  }
0x31: {  	s17 =	sshra.s32 s17, $0x9;
	s18 =	simm.s32 @!p0 $0x0  }
0x32: {  	s17 =	ssub.s32 s17, s18  }
0x33: {  	p0 =	slt.s32 s17, $0x1  }
.Ltmp3:
0x34: {  	_ = 	snop;
	(pc) =	sbr.rel @p0 .LBB2_14-.Ltmp3, $1  }
0x35: {  	_ =	sdelay $0x3  }
.Ltmp4:
0x36: {  	(pc) =	sbr.rel .LBB2_5-.Ltmp4, $3  }
0x37: {  	_ =	sdelay $0x1  }
0x38: {  	s18 =	simm.s32 $0x0  }
0x39: {  	v7 =	vbroadcast v7, $0x0;
	s19 =	simm.s32 $0x0;
	s20 =	smov.u32 s16;
	s21 =	simm.s32 $0x0  }
.LBB2_9:
0x3a: {  	_ = 	snop  }
.LBB2_12:
0x3b: {  	_ =	sdelay $0x2  }
0x3c: {  	v10 =	vmax.f32 @p0 v11, v10  }
0x3d: {  	[tilespmem:v9+s14+$0x0] =	vst.idx.msk @p0 $0xffff, v10  }
0x3e: {  	v9 =	vld.idx.msk [tilespmem:v8+s2+$0x0], $0xffff;
	_ =	sdelay $0x4  }
0x3f: {  	v58 =	vshll.u32 v9, $0x6;
	vm0 =	vgt.s32 v9, $0x4E1FFFF  }
0x40: {  	v8 =	vshll.u32 v8, $0x7;
	v9 =	vsel vm0, $0x40, v3;
	v10 =	vand.u32 $0x7FC0, v58  }
0x41: {  	v8 =	vor.u32 v8, v9;
	v59 =	vor.u32 v1, v10  }
0x42: {  	v60 =	vor.u32 v1, v8;
	_ =	sdelay $0x3  }
0x43: {  	v12 =	vld.idx.msk [tilespmem:v59+s14+$0x0], $0xffff  }
0x44: {  	v11 =	vld.idx.msk [tilespmem:v60+s13+$0x0], $0xffff;
	_ =	sdelay $0x1  }
0x45: {  	v13 =	vor.u32 v4, v8  }
0x46: {  	v14 =	vor.u32 v4, v10;
	_ =	sdelay $0x1  }
0x47: {  	v11 =	vmax.f32 v12, v11  }
0x48: {  	[tilespmem:v59+s14+$0x0] =	vst.idx.msk $0xffff, v11  }
0x49: {  	v9 =	vld.idx.msk [tilespmem:v13+s13+$0x0], $0xffff  }
0x4a: {  	v11 =	vld.idx.msk [tilespmem:v14+s14+$0x0], $0xffff;
	_ =	sdelay $0x1  }
0x4b: {  	v61 =	vor.u32 v5, v8  }
0x4c: {  	v62 =	vor.u32 v5, v10;
	_ =	sdelay $0x1  }
0x4d: {  	v9 =	vmax.f32 v11, v9  }
0x4e: {  	[tilespmem:v14+s14+$0x0] =	vst.idx.msk $0xffff, v9  }
0x4f: {  	v9 =	vld.idx.msk [tilespmem:v61+s13+$0x0], $0xffff  }
0x50: {  	v63 =	vld.idx.msk [tilespmem:v62+s14+$0x0], $0xffff;
	_ =	sdelay $0x1  }
0x51: {  	v8 =	vor.u32 v6, v8  }
0x52: {  	v10 =	vor.u32 v6, v10;
	_ =	sdelay $0x1  }
0x53: {  	v9 =	vmax.f32 v63, v9  }
0x54: {  	[tilespmem:v62+s14+$0x0] =	vst.idx.msk $0xffff, v9  }
0x55: {  	v8 =	vld.idx.msk [tilespmem:v8+s13+$0x0], $0xffff  }
0x56: {  	v9 =	vld.idx.msk [tilespmem:v10+s14+$0x0], $0xffff;
	_ =	sdelay $0x4  }
0x57: {  	v8 =	vmax.f32 v9, v8  }
0x58: {  	[tilespmem:v10+s14+$0x0] =	vst.idx.msk $0xffff, v8  }
.LBB2_13:
0x59: {  	s21 =	sadd.s32 $0x1, s21  }
0x5a: {  	p0 =	sne.s32 s21, s17  }
.Ltmp5:
0x5b: {  	_ = 	snop;
	(pc) =	sbr.rel @!p0 .LBB2_14-.Ltmp5, $2  }
0x5c: {  	_ =	sdelay $0x2  }
0x5d: {  	s20 =	sadd.s32 $0xFFFFFE00, s20;
	s19 =	sadd.s32 $0x200, s19  }
.LBB2_5:
0x5e: {  	s23 =	sshll.u32 s21, $0x9  }
0x5f: {  	s22 =	sadd.s32 s6, s23  }
0x60: {  	s22 =	sshrl.u32 s22, $0x3  }
0x61: {  	s22 =	sadd.s32 s3, s22  }
0x62: {  	[tilespmem:s18], [sflag:$0x2] =	stream.linear.gather [hbm4b:s22+s18], $0x200, $0x38;
	[tilespmem:$0x15480] =	vst v63  }
0x63: {  	_ =	swait.ge [sflag:s10], $0x200  }
0x64: {  	[sflag:s10] =	ssyncset.done $0x0  }
0x65: {  	s25 =	simm.s32 $0x0;
	[sflag:s10] =	ssyncadd.s32 $0xFFFFFE00  }
0x66: {  	v8 =	vld [tilespmem:s25+$0x0];
	_ =	sdelay $0x4  }
0x67: {  	v8 =	vshra.s32 v8, $0x9  }
0x68: {  	vm0 =	vlt.s32 v8, $0x27100  }
0x69: {  	v9 =	vor.u32 s19, v1;
	s24 =	simm.s32 $0x10;
	v10 =	vsel vm0, $0x0, v2  }
0x6a: {  	vm15 =	vlt.s32 v9, v7;
	v9 =	vadd.s32 v8, v10;
	v8 =	vld [tilespmem:s24+$0x0];
	_ =	sdelay $0x1  }
0x6b: {  	p0 =	sgt.s32 s20, $0x1;
	s22 =	smov.u32 s20  }
0x6c: {  	s22 =	simm.s32 @!p0 $0x1;
	v9 =	vnsel vm15, $0x0, v9  }
0x6d: {  	s26 =	simm.s32 $0x80;
	s22 =	smin.u32 s22, $0x200;
	[tilespmem:s25+$0x200] =	vst v9;
	s25 =	smov.u32 s19  }
.LBB2_6:
0x6e: {  	s28 =	sshra.s32 s26, $0x2;
	p0 =	sne.s32 s26, $0x7C0;
	s26 =	sadd.s32 $0x40, s26;
	v9 =	vshra.s32 v8, $0x9  }
.Ltmp6:
0x6f: {  	s25 =	sadd.s32 $0x10, s25;
	v8 =	vld [tilespmem:s28+$0x0];
	vm0 =	vlt.s32 v9, $0x27100;
	(pc) =	sbr.rel @p0 .LBB2_6-.Ltmp6, $4  }
0x70: {  	v10 =	vor.u32 s25, v1;
	v11 =	vsel vm0, $0x0, v2  }
0x71: {  	vm0 =	vlt.s32 v10, v7;
	v9 =	vadd.s32 v9, v11  }
0x72: {  	v9 =	vnsel vm0, $0x0, v9  }
0x73: {  	[tilespmem:s24+$0x200] =	vst v9;
	s24 =	smov.u32 s28  }
0x74: {  	v8 =	vshra.s32 v8, $0x9  }
0x75: {  	s25 =	sadd.s32 $0x10, s25;
	vm0 =	vlt.s32 v8, $0x27100  }
0x76: {  	v9 =	vor.u32 s25, v1;
	v10 =	vsel vm0, $0x0, v2  }
0x77: {  	s23 =	ssub.s32 s16, s23;
	vm15 =	vlt.s32 v9, v7;
	v8 =	vadd.s32 v8, v10  }
0x78: {  	p0 =	slt.s32 s23, $0x1;
	v8 =	vnsel vm15, $0x0, v8  }
.Ltmp7:
0x79: {  	[tilespmem:s24+$0x200] =	vst v8;
	(pc) =	sbr.rel @p0 .LBB2_13-.Ltmp7, $4  }
0x7a: {  	[tilespmem:s13], [sflag:$0x1] =	stream.indirect.gather [hbm4b:s4+s12], $0x80, s12, s12, $0xb8;
	[tilespmem:$0x15480] =	vst v63  }
0x7b: {  	_ =	swait.ge [sflag:s11], $0x10000  }
0x7c: {  	[sflag:s11] =	ssyncset.done $0x0  }
0x7d: {  	s23 =	simm.s32 $0x0;
	[sflag:s11] =	ssyncadd.s32 $0xFFFF0000  }
0x7e: {  	p1 =	sne.s32 s22, $0x1  }
.Ltmp8:
0x7f: {  	_ = 	snop;
	(pc) =	sbr.rel @!p1 .LBB2_9-.Ltmp8, $2  }
0x80: {  	_ =	sdelay $0x2  }
0x81: {  	s24 =	simm.s32 $0x1;
	v8 =	vmov s23;
	p0 =	por $0x0, $0x0  }
0x82: {  	_ =	sdelay $0x3  }
0x83: {  	v9 =	vld.idx.msk [tilespmem:v8+s2+$0x0], $0xffff;
	_ =	sdelay $0x4  }
0x84: {  	v10 =	vshll.u32 v9, $0x6;
	vm0 =	vgt.s32 v9, $0x4E1FFFF  }
0x85: {  	v8 =	vshll.u32 v8, $0x7;
	v9 =	vsel vm0, $0x40, v3;
	v10 =	vand.u32 $0x7FC0, v10  }
0x86: {  	v8 =	vor.u32 v8, v9;
	v9 =	vor.u32 v1, v10  }
0x87: {  	v11 =	vor.u32 v1, v8;
	_ =	sdelay $0x3  }
0x88: {  	v12 =	vld.idx.msk [tilespmem:v9+s14+$0x0], $0xffff  }
0x89: {  	v11 =	vld.idx.msk [tilespmem:v11+s13+$0x0], $0xffff;
	_ =	sdelay $0x1  }
0x8a: {  	v13 =	vor.u32 v4, v8  }
0x8b: {  	v14 =	vor.u32 v4, v10;
	_ =	sdelay $0x1  }
0x8c: {  	v11 =	vmax.f32 v12, v11  }
0x8d: {  	[tilespmem:v9+s14+$0x0] =	vst.idx.msk $0xffff, v11  }
0x8e: {  	v9 =	vld.idx.msk [tilespmem:v13+s13+$0x0], $0xffff  }
0x8f: {  	v11 =	vld.idx.msk [tilespmem:v14+s14+$0x0], $0xffff;
	_ =	sdelay $0x1  }
0x90: {  	v61 =	vor.u32 v5, v8  }
0x91: {  	v62 =	vor.u32 v5, v10;
	_ =	sdelay $0x1  }
0x92: {  	v9 =	vmax.f32 v11, v9  }
0x93: {  	[tilespmem:v14+s14+$0x0] =	vst.idx.msk $0xffff, v9  }
0x94: {  	v11 =	vld.idx.msk [tilespmem:v61+s13+$0x0], $0xffff  }
0x95: {  	v63 =	vld.idx.msk [tilespmem:v62+s14+$0x0], $0xffff;
	_ =	sdelay $0x1  }
0x96: {  	v8 =	vor.u32 v6, v8  }
0x97: {  	v9 =	vor.u32 v6, v10  }
0x98: {  	p1 =	sne.s32 s22, $0x2  }
.Ltmp9:
0x99: {  	v10 =	vmax.f32 v63, v11;
	(pc) =	sbr.rel @!p1 .LBB2_12-.Ltmp9, $4  }
0x9a: {  	[tilespmem:v62+s14+$0x0] =	vst.idx.msk $0xffff, v10  }
0x9b: {  	v10 =	vld.idx.msk [tilespmem:v8+s13+$0x0], $0xffff  }
0x9c: {  	v11 =	vld.idx.msk [tilespmem:v9+s14+$0x0], $0xffff  }
0x9d: {  	s23 =	simm.s32 $0x2;
	p0 =	por $0x1, $0x1;
	v8 =	vmov s24  }
.LBB2_11:
0x9e: {  	s24 =	smov.u32 s23;
	s23 =	sadd.s32 $0x1, s23  }
0x9f: {  	p1 =	sne.s32 s22, s23;
	_ =	sdelay $0x1  }
0xa0: {  	v10 =	vmax.f32 v11, v10  }
0xa1: {  	[tilespmem:v9+s14+$0x0] =	vst.idx.msk $0xffff, v10  }
0xa2: {  	v9 =	vld.idx.msk [tilespmem:v8+s2+$0x0], $0xffff;
	_ =	sdelay $0x5  }
0xa3: {  	v10 =	vshll.u32 v9, $0x6;
	vm0 =	vgt.s32 v9, $0x4E1FFFF  }
0xa4: {  	v8 =	vshll.u32 v8, $0x7;
	v9 =	vsel vm0, $0x40, v3;
	v10 =	vand.u32 $0x7FC0, v10  }
0xa5: {  	v8 =	vor.u32 v8, v9;
	v9 =	vor.u32 v1, v10  }
0xa6: {  	v11 =	vor.u32 v1, v8;
	_ =	sdelay $0x3  }
0xa7: {  	v12 =	vld.idx.msk [tilespmem:v9+s14+$0x0], $0xffff  }
0xa8: {  	v11 =	vld.idx.msk [tilespmem:v11+s13+$0x0], $0xffff;
	_ =	sdelay $0x2  }
0xa9: {  	v13 =	vor.u32 v4, v8  }
0xaa: {  	v14 =	vor.u32 v4, v10;
	_ =	sdelay $0x1  }
0xab: {  	v11 =	vmax.f32 v12, v11  }
0xac: {  	[tilespmem:v9+s14+$0x0] =	vst.idx.msk $0xffff, v11  }
0xad: {  	v9 =	vld.idx.msk [tilespmem:v13+s13+$0x0], $0xffff  }
0xae: {  	v11 =	vld.idx.msk [tilespmem:v14+s14+$0x0], $0xffff;
	_ =	sdelay $0x2  }
0xaf: {  	v12 =	vor.u32 v5, v8  }
0xb0: {  	v13 =	vor.u32 v5, v10;
	_ =	sdelay $0x1  }
0xb1: {  	v9 =	vmax.f32 v11, v9  }
0xb2: {  	[tilespmem:v14+s14+$0x0] =	vst.idx.msk $0xffff, v9  }
0xb3: {  	v11 =	vld.idx.msk [tilespmem:v12+s13+$0x0], $0xffff  }
0xb4: {  	v12 =	vld.idx.msk [tilespmem:v13+s14+$0x0], $0xffff;
	_ =	sdelay $0x2  }
0xb5: {  	v8 =	vor.u32 v6, v8;
	v9 =	vor.u32 v6, v10;
	_ =	sdelay $0x2  }
0xb6: {  	v10 =	vmax.f32 v12, v11  }
.Ltmp10:
0xb7: {  	[tilespmem:v13+s14+$0x0] =	vst.idx.msk $0xffff, v10;
	(pc) =	sbr.rel @p1 .LBB2_11-.Ltmp10, $3  }
0xb8: {  	v10 =	vld.idx.msk [tilespmem:v8+s13+$0x0], $0xffff  }
0xb9: {  	v11 =	vld.idx.msk [tilespmem:v9+s14+$0x0], $0xffff;
	_ =	sdelay $0x1  }
0xba: {  	v8 =	vmov s24  }
.Ltmp11:
0xbb: {  	_ = 	snop;
	(pc) =	sbr.rel .LBB2_12-.Ltmp11, $1  }
0xbc: {  	_ =	sdelay $0x3  }
.LBB2_15:
0xbd: {  	_ =	sfence.sel $0x180000  }
0xbe: {  	[bflag:$0x0] =	sbarrier.arrive $0xFFFF  }
0xbf: {  	p0 =	sne.s32 s1, $0x0;
	_ =	strace $0x90000059  }
0xc0: {  	s0 =	sadd.s32 @!p0 $0x100000, s0;
	[bflag:$0x2] =	sbarrier.arrive $0xFFFF  }
0xc1: {  	[sflag:s0] =	ssyncadd.tile.s32 @!p0 $0x1;
	_ =	shalt  }
.Lfunc_end2:
_tile_overlayer_lowered:
.L_overlay_start_2:
0xc2: {  	(tag) =	ssettag $0x2  }
0xc3: {  	s0 =	rddreg [dreg:$0x0];
	s2 =	stileid.u32  }
0xc4: {  	s1 =	rddreg [dreg:$0x1];
	p0 =	sne.s32 s2, $0x0  }
0xc5: {  	s3 =	rddreg [dreg:$0x2];
	[bflag:$0x3] =	sbarrier.arrive $0xFFFF;
	s2 =	simm.s32 @!p0 $0x1C02  }
0xc6: {  	[timem:s3], [sflag:s2] =	dma.local @!p0 [hbm:s0], s1  }
0xc7: {  	s0 =	simm.s32 @!p0 $0x2  }
0xc8: {  	_ =	swait.ge @!p0 [sflag:s0], s1  }
0xc9: {  	s1 =	ssub.s32 @!p0 $0x0, s1;
	[sflag:s0] =	ssyncset.done @!p0 $0x0  }
0xca: {  	[sflag:s0] =	ssyncadd.s32 @!p0 s1  }
0xcb: {  	[bflag:$0x3] =	sbarrier.arrive $0xFFFF  }
0xcc: {  	_ =	shalt  }

</sc_bundles>
